<compile_context>
chip_gen: v7x
topology: tpu7x:2x2x1
jax: 0.10.2.dev20260603
libtpu: 0.0.44.dev20260713+nightly
codegen_flags: <defaults>
</compile_context>

<pallas_src>
import functools

import jax
import jax.numpy as jnp
from jax import lax
from jax.experimental import pallas as pl
from jax.experimental.pallas import tpu as pltpu
from jax.experimental.pallas import tpu_sc as plsc

N = 10000
E = 320000
D = 128

NP = 10240
NC = 2
NS = 16
NW = NC * NS
EPW = E // NW
BB = 80
NBATCH = EPW // BB
ROWS_PER_TILE = NP // NS
DW = 136


PR = 1024


def _proj_body(h_ref, w_ref, al_ref, ar_ref, feat_ref, el_ref, er_ref):
    f = lax.dot_general(h_ref[...], w_ref[...], (((1,), (1,)), ((), ())),
                        preferred_element_type=jnp.float32)
    feat_ref[...] = jnp.concatenate(
        [f, jnp.zeros((PR, DW - D), jnp.float32)], axis=1)
    dn = (((1,), (1,)), ((), ()))
    el_ref[...] = lax.dot_general(al_ref[...], f, dn)[None]
    er_ref[...] = lax.dot_general(ar_ref[...], f, dn)[None]


def _projection(h, w, al, ar):
    grid = NP // PR
    return pl.pallas_call(
        _proj_body,
        grid=(grid,),
        in_specs=[
            pl.BlockSpec((PR, D), lambda i: (i, 0)),
            pl.BlockSpec((D, D), lambda i: (0, 0)),
            pl.BlockSpec((1, D), lambda i: (0, 0)),
            pl.BlockSpec((1, D), lambda i: (0, 0)),
        ],
        out_specs=[
            pl.BlockSpec((PR, DW), lambda i: (i, 0)),
            pl.BlockSpec((1, 1, PR), lambda i: (i, 0, 0)),
            pl.BlockSpec((1, 1, PR), lambda i: (i, 0, 0)),
        ],
        out_shape=[
            jax.ShapeDtypeStruct((NP, DW), jnp.float32),
            jax.ShapeDtypeStruct((grid, 1, PR), jnp.float32),
            jax.ShapeDtypeStruct((grid, 1, PR), jnp.float32),
        ],
    )(h, w, al, ar)


def _sc_body(feat_hbm, el_hbm, er_hbm, edge_hbm,
             acc_hbm,
             el_v, er_v,
             srcb0, srcb1, dstb0, dstb1, sdst0, sdst1, exb0, exb1,
             rows0, rows1, acc_sh,
             sem_i0, sem_i1, sem_r0, sem_r1, sem_s0, sem_s1,
             sem_h0, sem_h1):
    c = lax.axis_index("c")
    s = lax.axis_index("s")
    wid = c * NS + s
    ebase = wid * EPW

    srcb = (srcb0, srcb1)
    dstb = (dstb0, dstb1)
    sdst = (sdst0, sdst1)
    exb = (exb0, exb1)
    rows = (rows0, rows1)
    sem_i = (sem_i0, sem_i1)
    sem_r = (sem_r0, sem_r1)
    sem_s = (sem_s0, sem_s1)
    sem_h = (sem_h0, sem_h1)

    pltpu.async_copy(edge_hbm.at[0, pl.ds(ebase, BB)], srcb0, sem_i0)
    pltpu.async_copy(edge_hbm.at[1, pl.ds(ebase, BB)], dstb0, sem_i0)
    pltpu.async_copy(edge_hbm.at[0, pl.ds(ebase + BB, BB)], srcb1, sem_i1)
    pltpu.async_copy(edge_hbm.at[1, pl.ds(ebase + BB, BB)], dstb1, sem_i1)

    pltpu.async_copy(el_hbm, el_v, sem_r0)
    pltpu.async_copy(er_hbm, er_v, sem_r1)

    _ZERO16 = jnp.zeros((16,), jnp.float32)

    def _zero_row(j, _):
        for k in range(8):
            rows0[j, pl.ds(k * 16, 16)] = _ZERO16
        rows0[j, pl.ds(DW - 16, 16)] = _ZERO16
        return 0
    lax.fori_loop(0, BB, _zero_row, 0)

    stripe0 = s * ROWS_PER_TILE
    for q in range(ROWS_PER_TILE // BB):
        pltpu.async_copy(rows0, acc_sh.at[pl.ds(stripe0 + q * BB, BB)], sem_s0)
    for q in range(ROWS_PER_TILE // BB):
        pltpu.make_async_copy(
            rows0, acc_sh.at[pl.ds(stripe0 + q * BB, BB)], sem_s0).wait()
    pltpu.make_async_copy(el_hbm, el_v, sem_r0).wait()
    pltpu.make_async_copy(er_hbm, er_v, sem_r1).wait()
    plsc.subcore_barrier()

    def start_idx(b, p):
        eb = ebase + b * BB
        pltpu.async_copy(edge_hbm.at[0, pl.ds(eb, BB)], srcb[p], sem_i[p])
        pltpu.async_copy(edge_hbm.at[1, pl.ds(eb, BB)], dstb[p], sem_i[p])

    def wait_idx(p):
        pltpu.make_async_copy(
            edge_hbm.at[0, pl.ds(0, BB)], srcb[p], sem_i[p]).wait()
        pltpu.make_async_copy(
            edge_hbm.at[1, pl.ds(0, BB)], dstb[p], sem_i[p]).wait()

    def compute_ex(p):
        for t in range(BB // 16):
            off = t * 16
            didx = dstb[p][pl.ds(off, 16)]
            e = (plsc.load_gather(el_v, [srcb[p][pl.ds(off, 16)]])
                 + plsc.load_gather(er_v, [didx]))
            e = jnp.where(e >= 0.0, e, 0.2 * e)
            exb[p][pl.ds(off, 16)] = jnp.exp(e)
            sdst[p][pl.ds(off, 16)] = didx

    HB = BB // 2

    def start_gather(p):
        pltpu.async_copy(feat_hbm.at[srcb[p].at[pl.ds(0, HB)]],
                         rows[p].at[pl.ds(0, HB)], sem_r[p])
        pltpu.async_copy(feat_hbm.at[srcb[p].at[pl.ds(HB, HB)]],
                         rows[p].at[pl.ds(HB, HB)], sem_h[p])

    def wait_ghalf(p, h):
        sem = sem_r[p] if h == 0 else sem_h[p]
        pltpu.make_async_copy(feat_hbm.at[srcb[p].at[pl.ds(h * HB, HB)]],
                              rows[p].at[pl.ds(h * HB, HB)], sem).wait()

    def scale_half(p, h):
        def _scale(g, _):
            j = h * HB + g * 2
            w0 = plsc.load_gather(exb[p], [jnp.full((16,), j, jnp.int32)])
            w1 = plsc.load_gather(exb[p], [jnp.full((16,), j + 1, jnp.int32)])
            for k in range(8):
                sl = pl.ds(k * 16, 16)
                rows[p][j, sl] = rows[p][j, sl] * w0
            for k in range(8):
                sl = pl.ds(k * 16, 16)
                rows[p][j + 1, sl] = rows[p][j + 1, sl] * w1
            return 0
        lax.fori_loop(0, HB // 2, _scale, 0)

    def write_cols(p):
        lane = lax.iota(jnp.int32, 16)
        col = jnp.full((16,), D, jnp.int32)
        for t in range(BB // 16):
            ex = exb[p][pl.ds(t * 16, 16)]
            plsc.store_scatter(rows[p], [lane + t * 16, col], ex)

    def start_scatter(p):
        pltpu.async_copy(rows[p], acc_sh.at[sdst[p]], sem_s[p], add=True)

    def wait_scatter(p):
        pltpu.make_async_copy(rows[p], acc_sh.at[sdst[p]], sem_s[p]).wait()

    def pipe_iter(b, cur, do_next, do_nextidx, do_waitsc):
        oth = 1 - cur
        wait_ghalf(cur, 0)
        if do_nextidx:
            start_idx(b + 2, cur)
        if do_next:
            wait_idx(oth)
            if do_waitsc:
                wait_scatter(oth)
            start_gather(oth)
            compute_ex(oth)
        scale_half(cur, 0)
        wait_ghalf(cur, 1)
        scale_half(cur, 1)
        write_cols(cur)
        start_scatter(cur)

    wait_idx(0)
    start_gather(0)
    compute_ex(0)
    pipe_iter(jnp.int32(0), 0, True, True, False)

    def _pair(g, _):
        b = 2 * g + 1
        pipe_iter(b, 1, True, True, True)
        pipe_iter(b + 1, 0, True, True, True)
        return 0
    lax.fori_loop(0, (NBATCH - 3) // 2, _pair, 0)

    pipe_iter(jnp.int32(NBATCH - 2), 1, True, False, True)
    pipe_iter(jnp.int32(NBATCH - 1), 0, False, False, False)
    wait_scatter(1)
    wait_scatter(0)

    plsc.subcore_barrier()

    for q in range(ROWS_PER_TILE // BB):
        p = q & 1
        r0 = stripe0 + q * BB
        if q >= 2:
            pltpu.make_async_copy(
                rows[p], acc_hbm.at[c, pl.ds(r0 - 2 * BB, BB)], sem_r[p]).wait()
        pltpu.sync_copy(acc_sh.at[pl.ds(r0, BB)], rows[p])
        pltpu.async_copy(rows[p], acc_hbm.at[c, pl.ds(r0, BB)], sem_r[p])
    for q in range(ROWS_PER_TILE // BB - 2, ROWS_PER_TILE // BB):
        p = q & 1
        r0 = stripe0 + q * BB
        pltpu.make_async_copy(
            rows[p], acc_hbm.at[c, pl.ds(r0, BB)], sem_r[p]).wait()


def _sc_edge(feat, el, er, edge_index):
    mesh = plsc.VectorSubcoreMesh(
        core_axis_name="c", subcore_axis_name="s",
        num_cores=NC, num_subcores=NS)
    kern = functools.partial(
        pl.kernel,
        out_type=[
            jax.ShapeDtypeStruct((NC, NP, DW), jnp.float32),
        ],
        mesh=mesh,
        compiler_params=pltpu.CompilerParams(
            needs_layout_passes=False, use_tc_tiling_on_sc=False),
        scratch_types=(
            [pltpu.VMEM((NP,), jnp.float32)] * 2
            + [pltpu.VMEM((BB,), jnp.int32)] * 6
            + [pltpu.VMEM((BB,), jnp.float32)] * 2
            + [pltpu.VMEM((BB, DW), jnp.float32)] * 2
            + [pltpu.VMEM_SHARED((NP, DW), jnp.float32)]
            + [pltpu.SemaphoreType.DMA] * 8
        ),
    )(_sc_body)
    return kern(feat, el, er, edge_index)


MR = 1000


def _merge_body(acc_ref, bias_ref, out_ref):
    a = acc_ref[0] + acc_ref[1]
    num = a[:, :D]
    den = a[:, D:D + 1]
    recip = jnp.where(den > 0.0, 1.0 / den, 0.0)
    out_ref[...] = num * recip + bias_ref[...]


def _merge(acc, bias2):
    return pl.pallas_call(
        _merge_body,
        grid=(N // MR,),
        in_specs=[
            pl.BlockSpec((NC, MR, DW), lambda i: (0, i, 0)),
            pl.BlockSpec((1, D), lambda i: (0, 0)),
        ],
        out_specs=pl.BlockSpec((MR, D), lambda i: (i, 0)),
        out_shape=jax.ShapeDtypeStruct((N, D), jnp.float32),
    )(acc, bias2)


def kernel(h, edge_index, W, attn_l, attn_r, bias):
    feat, el3, er3 = _projection(h, W, attn_l, attn_r)
    el = el3.reshape(NP)
    er = er3.reshape(NP)

    (acc,) = _sc_edge(feat, el, er, edge_index)

    return _merge(acc, bias.reshape(1, D))

# --- scband reference (transcript-rebuilt; emitter-appended) ---
"""Pipeline reference for scband-gatlayer-58402965291024 (READ-ONLY COPY).

The authoritative reference and input builder live on the scoring server;
editing this copy changes nothing except your own understanding.
"""

import jax, jax.numpy as jnp
import numpy as np

N = 10000
E = 320000
D_IN = 128
D_OUT = 128
H = 1


def setup_inputs(seed: int = 0) -> dict:
    key = jax.random.key(seed)
    k1, k2, k3, k4, k5 = jax.random.split(key, 5)
    h = jax.random.normal(k1, (N, D_IN), dtype=jnp.float32)
    edge_index = jax.random.randint(k2, (2, E), 0, N, dtype=jnp.int32)
    W = jax.random.normal(k3, (H * D_OUT, D_IN), dtype=jnp.float32) * 0.1
    attn_l = jax.random.normal(k4, (H, D_OUT), dtype=jnp.float32) * 0.1
    attn_r = jax.random.normal(k5, (H, D_OUT), dtype=jnp.float32) * 0.1
    bias = jnp.zeros((H * D_OUT,), dtype=jnp.float32)
    return {"h": h, "edge_index": edge_index, "W": W, "attn_l": attn_l, "attn_r": attn_r, "bias": bias}


def reference(h, edge_index, W, attn_l, attn_r, bias):
    # DGL GATConv forward (allow_zero_in_degree=True), then squeeze(1)
    src = edge_index[0]
    dst = edge_index[1]
    # linear projection: [N, H, D_OUT]
    feat = (h @ W.T).reshape(N, H, D_OUT)
    # attention logits per node
    el = jnp.sum(feat * attn_l[None, :, :], axis=-1)  # [N, H]
    er = jnp.sum(feat * attn_r[None, :, :], axis=-1)  # [N, H]
    # per-edge raw attention (gather)
    e = jax.nn.leaky_relu(el[src] + er[dst], negative_slope=0.2)  # [E, H]
    # edge softmax over incoming edges of each dst node
    m = jax.ops.segment_max(e, dst, num_segments=N)  # [N, H]
    m = jnp.where(jnp.isfinite(m), m, 0.0)
    ex = jnp.exp(e - m[dst])  # [E, H]
    denom = jax.ops.segment_sum(ex, dst, num_segments=N)  # [N, H]
    alpha = ex / denom[dst]  # [E, H]
    # weighted message aggregation (gather src feats, scatter-add to dst)
    msg = alpha[:, :, None] * feat[src]  # [E, H, D_OUT]
    out = jax.ops.segment_sum(msg, dst, num_segments=N)  # [N, H, D_OUT]
    out = out + bias.reshape(1, H, D_OUT)
    return jnp.squeeze(out, axis=1)  # [N, D_OUT]

if __name__ == "__main__":
    import jax
    _d = setup_inputs()
    print(jax.jit(kernel)(*tuple(_d.values())))

</pallas_src>

<mosaic_0001>
#map = affine_map<(d0, d1) -> (0, 0)>
#map1 = affine_map<(d0, d1) -> (0)>
#map2 = affine_map<(d0, d1) -> (0, 0, 0)>
module attributes {stable_mosaic.version = 14 : i64} {
  func.func @_sc_body(%arg0: i32, %arg1: i32, %arg2: memref<10240x136xf32, #tpu.memory_space<hbm>>, %arg3: memref<10240xf32, #tpu.memory_space<hbm>>, %arg4: memref<10240xf32, #tpu.memory_space<hbm>>, %arg5: memref<2x320000xi32, #tpu.memory_space<hbm>>, %arg6: memref<2x10240x136xf32, #tpu.memory_space<hbm>>, %arg7: memref<10240xf32, #tpu.memory_space<vmem>>, %arg8: memref<10240xf32, #tpu.memory_space<vmem>>, %arg9: memref<80xi32, #tpu.memory_space<vmem>>, %arg10: memref<80xi32, #tpu.memory_space<vmem>>, %arg11: memref<80xi32, #tpu.memory_space<vmem>>, %arg12: memref<80xi32, #tpu.memory_space<vmem>>, %arg13: memref<80xi32, #tpu.memory_space<vmem>>, %arg14: memref<80xi32, #tpu.memory_space<vmem>>, %arg15: memref<80xf32, #tpu.memory_space<vmem>>, %arg16: memref<80xf32, #tpu.memory_space<vmem>>, %arg17: memref<80x136xf32, #tpu.memory_space<vmem>>, %arg18: memref<80x136xf32, #tpu.memory_space<vmem>>, %arg19: memref<10240x136xf32, #tpu.memory_space<vmem_shared>>, %arg20: memref<!tpu.dma_semaphore, #tpu.memory_space<semaphore_mem>>, %arg21: memref<!tpu.dma_semaphore, #tpu.memory_space<semaphore_mem>>, %arg22: memref<!tpu.dma_semaphore, #tpu.memory_space<semaphore_mem>>, %arg23: memref<!tpu.dma_semaphore, #tpu.memory_space<semaphore_mem>>, %arg24: memref<!tpu.dma_semaphore, #tpu.memory_space<semaphore_mem>>, %arg25: memref<!tpu.dma_semaphore, #tpu.memory_space<semaphore_mem>>, %arg26: memref<!tpu.dma_semaphore, #tpu.memory_space<semaphore_mem>>, %arg27: memref<!tpu.dma_semaphore, #tpu.memory_space<semaphore_mem>>) attributes {dimension_semantics = [#tpu.dimension_semantics<core_parallel>, #tpu.dimension_semantics<subcore_parallel>], iteration_bounds = array<i64: 2, 16>, scalar_prefetch = 0 : i64, scratch_operands = 21 : i64, tpu.core_type = #tpu.core_type<sc_vector_subcore>, window_params = [{transform_indices = #map}, {transform_indices = #map1}, {transform_indices = #map1}, {transform_indices = #map}, {transform_indices = #map2}]} {
    %mul3A = arith.constant 16 : i32
    %mul3A_0 = arith.muli %arg0, %mul3A : i32
    %add3A = arith.addi %mul3A_0, %arg1 : i32
    %mul3A_1 = arith.constant 10000 : i32
    %mul3A_2 = arith.muli %add3A, %mul3A_1 : i32
    %dma_start3A = arith.constant 0 : i32
    %dma_start3A_3 = tpu.memref_slice %arg5[%dma_start3A, %mul3A_2] : memref<2x320000xi32, #tpu.memory_space<hbm>> -> memref<1x80xi32, #tpu.memory_space<hbm>>
    %dma_start3A_4 = tpu.memref_squeeze %dma_start3A_3 : memref<1x80xi32, #tpu.memory_space<hbm>> -> memref<80xi32, #tpu.memory_space<hbm>>
    %dma_start3A_5 = tpu.memref_slice %arg5[%dma_start3A, %mul3A_2] : memref<2x320000xi32, #tpu.memory_space<hbm>> -> memref<1x80xi32, #tpu.memory_space<hbm>>
    %dma_start3A_6 = tpu.memref_squeeze %dma_start3A_5 : memref<1x80xi32, #tpu.memory_space<hbm>> -> memref<80xi32, #tpu.memory_space<hbm>>
    tpu.enqueue_dma source(%dma_start3A_6 : memref<80xi32, #tpu.memory_space<hbm>>) target(%arg9 : memref<80xi32, #tpu.memory_space<vmem>>) target_semaphore(%arg20 : memref<!tpu.dma_semaphore, #tpu.memory_space<semaphore_mem>>)
    %dma_start3A_7 = arith.constant 1 : i32
    %dma_start3A_8 = tpu.memref_slice %arg5[%dma_start3A_7, %mul3A_2] : memref<2x320000xi32, #tpu.memory_space<hbm>> -> memref<1x80xi32, #tpu.memory_space<hbm>>
    %dma_start3A_9 = tpu.memref_squeeze %dma_start3A_8 : memref<1x80xi32, #tpu.memory_space<hbm>> -> memref<80xi32, #tpu.memory_space<hbm>>
    %dma_start3A_10 = tpu.memref_slice %arg5[%dma_start3A_7, %mul3A_2] : memref<2x320000xi32, #tpu.memory_space<hbm>> -> memref<1x80xi32, #tpu.memory_space<hbm>>
    %dma_start3A_11 = tpu.memref_squeeze %dma_start3A_10 : memref<1x80xi32, #tpu.memory_space<hbm>> -> memref<80xi32, #tpu.memory_space<hbm>>
    tpu.enqueue_dma source(%dma_start3A_11 : memref<80xi32, #tpu.memory_space<hbm>>) target(%arg11 : memref<80xi32, #tpu.memory_space<vmem>>) target_semaphore(%arg20 : memref<!tpu.dma_semaphore, #tpu.memory_space<semaphore_mem>>)
    %add3A_12 = arith.constant 80 : i32
    %add3A_13 = arith.addi %mul3A_2, %add3A_12 : i32
    %dma_start3A_14 = arith.constant 0 : i32
    %dma_start3A_15 = tpu.memref_slice %arg5[%dma_start3A_14, %add3A_13] : memref<2x320000xi32, #tpu.memory_space<hbm>> -> memref<1x80xi32, #tpu.memory_space<hbm>>
    %dma_start3A_16 = tpu.memref_squeeze %dma_start3A_15 : memref<1x80xi32, #tpu.memory_space<hbm>> -> memref<80xi32, #tpu.memory_space<hbm>>
    %dma_start3A_17 = tpu.memref_slice %arg5[%dma_start3A_14, %add3A_13] : memref<2x320000xi32, #tpu.memory_space<hbm>> -> memref<1x80xi32, #tpu.memory_space<hbm>>
    %dma_start3A_18 = tpu.memref_squeeze %dma_start3A_17 : memref<1x80xi32, #tpu.memory_space<hbm>> -> memref<80xi32, #tpu.memory_space<hbm>>
    tpu.enqueue_dma source(%dma_start3A_18 : memref<80xi32, #tpu.memory_space<hbm>>) target(%arg10 : memref<80xi32, #tpu.memory_space<vmem>>) target_semaphore(%arg21 : memref<!tpu.dma_semaphore, #tpu.memory_space<semaphore_mem>>)
    %add3A_19 = arith.constant 80 : i32
    %add3A_20 = arith.addi %mul3A_2, %add3A_19 : i32
    %dma_start3A_21 = arith.constant 1 : i32
    %dma_start3A_22 = tpu.memref_slice %arg5[%dma_start3A_21, %add3A_20] : memref<2x320000xi32, #tpu.memory_space<hbm>> -> memref<1x80xi32, #tpu.memory_space<hbm>>
    %dma_start3A_23 = tpu.memref_squeeze %dma_start3A_22 : memref<1x80xi32, #tpu.memory_space<hbm>> -> memref<80xi32, #tpu.memory_space<hbm>>
    %dma_start3A_24 = tpu.memref_slice %arg5[%dma_start3A_21, %add3A_20] : memref<2x320000xi32, #tpu.memory_space<hbm>> -> memref<1x80xi32, #tpu.memory_space<hbm>>
    %dma_start3A_25 = tpu.memref_squeeze %dma_start3A_24 : memref<1x80xi32, #tpu.memory_space<hbm>> -> memref<80xi32, #tpu.memory_space<hbm>>
    tpu.enqueue_dma source(%dma_start3A_25 : memref<80xi32, #tpu.memory_space<hbm>>) target(%arg12 : memref<80xi32, #tpu.memory_space<vmem>>) target_semaphore(%arg21 : memref<!tpu.dma_semaphore, #tpu.memory_space<semaphore_mem>>)
    tpu.enqueue_dma source(%arg3 : memref<10240xf32, #tpu.memory_space<hbm>>) target(%arg7 : memref<10240xf32, #tpu.memory_space<vmem>>) target_semaphore(%arg22 : memref<!tpu.dma_semaphore, #tpu.memory_space<semaphore_mem>>)
    tpu.enqueue_dma source(%arg4 : memref<10240xf32, #tpu.memory_space<hbm>>) target(%arg8 : memref<10240xf32, #tpu.memory_space<vmem>>) target_semaphore(%arg23 : memref<!tpu.dma_semaphore, #tpu.memory_space<semaphore_mem>>)
    %broadcast_in_dim3A = arith.constant 0.000000e+00 : f32
    %broadcast_in_dim3A_26 = vector.broadcast %broadcast_in_dim3A : f32 to vector<16xf32>
    %scan3A = arith.constant 0 : i32
    %scan3A_27 = arith.constant 0 : i32
    %scan3A_28 = arith.constant 80 : i32
    %scan3A_29 = arith.addi %scan3A_27, %scan3A_28 : i32
    %scan3A_30 = arith.constant 1 : i32
    %scan3A_31 = scf.for %scan3A_841 = %scan3A_27 to %scan3A_29 step %scan3A_30 iter_args(%scan3A_842 = %scan3A) -> (i32)  : i32 {
      %swap3A_843 = arith.index_cast %scan3A_841 : i32 to index
      %swap3A_844 = arith.constant 0 : index
      %swap3A_845 = tpu.vector_load %arg17[%swap3A_843, %swap3A_844] {strides = array<i32>} : memref<80x136xf32, #tpu.memory_space<vmem>>, vector<16xf32>,
      tpu.vector_store %arg17[%swap3A_843, %swap3A_844], %broadcast_in_dim3A_26 {strides = array<i32>} : memref<80x136xf32, #tpu.memory_space<vmem>>, vector<16xf32>,
      %swap3A_846 = arith.index_cast %scan3A_841 : i32 to index
      %swap3A_847 = arith.constant 16 : index
      %swap3A_848 = tpu.vector_load %arg17[%swap3A_846, %swap3A_847] {strides = array<i32>} : memref<80x136xf32, #tpu.memory_space<vmem>>, vector<16xf32>,
      tpu.vector_store %arg17[%swap3A_846, %swap3A_847], %broadcast_in_dim3A_26 {strides = array<i32>} : memref<80x136xf32, #tpu.memory_space<vmem>>, vector<16xf32>,
      %swap3A_849 = arith.index_cast %scan3A_841 : i32 to index
      %swap3A_850 = arith.constant 32 : index
      %swap3A_851 = tpu.vector_load %arg17[%swap3A_849, %swap3A_850] {strides = array<i32>} : memref<80x136xf32, #tpu.memory_space<vmem>>, vector<16xf32>,
      tpu.vector_store %arg17[%swap3A_849, %swap3A_850], %broadcast_in_dim3A_26 {strides = array<i32>} : memref<80x136xf32, #tpu.memory_space<vmem>>, vector<16xf32>,
      %swap3A_852 = arith.index_cast %scan3A_841 : i32 to index
      %swap3A_853 = arith.constant 48 : index
      %swap3A_854 = tpu.vector_load %arg17[%swap3A_852, %swap3A_853] {strides = array<i32>} : memref<80x136xf32, #tpu.memory_space<vmem>>, vector<16xf32>,
      tpu.vector_store %arg17[%swap3A_852, %swap3A_853], %broadcast_in_dim3A_26 {strides = array<i32>} : memref<80x136xf32, #tpu.memory_space<vmem>>, vector<16xf32>,
      %swap3A_855 = arith.index_cast %scan3A_841 : i32 to index
      %swap3A_856 = arith.constant 64 : index
      %swap3A_857 = tpu.vector_load %arg17[%swap3A_855, %swap3A_856] {strides = array<i32>} : memref<80x136xf32, #tpu.memory_space<vmem>>, vector<16xf32>,
      tpu.vector_store %arg17[%swap3A_855, %swap3A_856], %broadcast_in_dim3A_26 {strides = array<i32>} : memref<80x136xf32, #tpu.memory_space<vmem>>, vector<16xf32>,
      %swap3A_858 = arith.index_cast %scan3A_841 : i32 to index
      %swap3A_859 = arith.constant 80 : index
      %swap3A_860 = tpu.vector_load %arg17[%swap3A_858, %swap3A_859] {strides = array<i32>} : memref<80x136xf32, #tpu.memory_space<vmem>>, vector<16xf32>,
      tpu.vector_store %arg17[%swap3A_858, %swap3A_859], %broadcast_in_dim3A_26 {strides = array<i32>} : memref<80x136xf32, #tpu.memory_space<vmem>>, vector<16xf32>,
      %swap3A_861 = arith.index_cast %scan3A_841 : i32 to index
      %swap3A_862 = arith.constant 96 : index
      %swap3A_863 = tpu.vector_load %arg17[%swap3A_861, %swap3A_862] {strides = array<i32>} : memref<80x136xf32, #tpu.memory_space<vmem>>, vector<16xf32>,
      tpu.vector_store %arg17[%swap3A_861, %swap3A_862], %broadcast_in_dim3A_26 {strides = array<i32>} : memref<80x136xf32, #tpu.memory_space<vmem>>, vector<16xf32>,
      %swap3A_864 = arith.index_cast %scan3A_841 : i32 to index
      %swap3A_865 = arith.constant 112 : index
      %swap3A_866 = tpu.vector_load %arg17[%swap3A_864, %swap3A_865] {strides = array<i32>} : memref<80x136xf32, #tpu.memory_space<vmem>>, vector<16xf32>,
      tpu.vector_store %arg17[%swap3A_864, %swap3A_865], %broadcast_in_dim3A_26 {strides = array<i32>} : memref<80x136xf32, #tpu.memory_space<vmem>>, vector<16xf32>,
      %swap3A_867 = arith.index_cast %scan3A_841 : i32 to index
      %swap3A_868 = arith.constant 120 : index
      %swap3A_869 = tpu.vector_load %arg17[%swap3A_867, %swap3A_868] {strides = array<i32>} : memref<80x136xf32, #tpu.memory_space<vmem>>, vector<16xf32>,
      tpu.vector_store %arg17[%swap3A_867, %swap3A_868], %broadcast_in_dim3A_26 {strides = array<i32>} : memref<80x136xf32, #tpu.memory_space<vmem>>, vector<16xf32>,
      %scan3A_870 = arith.constant 0 : i32
      scf.yield %scan3A_870 : i32
    }
    %scan3A_32 = arith.constant 80 : i32
    %mul3A_33 = arith.constant 640 : i32
    %mul3A_34 = arith.muli %arg1, %mul3A_33 : i32
    %add3A_35 = arith.constant 0 : i32
    %add3A_36 = arith.addi %mul3A_34, %add3A_35 : i32
    %dma_start3A_37 = arith.constant 0 : i32
    %dma_start3A_38 = tpu.memref_slice %arg19[%add3A_36, %dma_start3A_37] : memref<10240x136xf32, #tpu.memory_space<vmem_shared>> -> memref<80x136xf32, #tpu.memory_space<vmem_shared>>
    %dma_start3A_39 = arith.constant 0 : i32
    %dma_start3A_40 = tpu.memref_slice %arg19[%add3A_36, %dma_start3A_39] : memref<10240x136xf32, #tpu.memory_space<vmem_shared>> -> memref<80x136xf32, #tpu.memory_space<vmem_shared>>
    tpu.enqueue_dma source(%arg17 : memref<80x136xf32, #tpu.memory_space<vmem>>) target(%dma_start3A_40 : memref<80x136xf32, #tpu.memory_space<vmem_shared>>) target_semaphore(%arg24 : memref<!tpu.dma_semaphore, #tpu.memory_space<semaphore_mem>>)
    %add3A_41 = arith.constant 80 : i32
    %add3A_42 = arith.addi %mul3A_34, %add3A_41 : i32
    %dma_start3A_43 = arith.constant 0 : i32
    %dma_start3A_44 = tpu.memref_slice %arg19[%add3A_42, %dma_start3A_43] : memref<10240x136xf32, #tpu.memory_space<vmem_shared>> -> memref<80x136xf32, #tpu.memory_space<vmem_shared>>
    %dma_start3A_45 = arith.constant 0 : i32
    %dma_start3A_46 = tpu.memref_slice %arg19[%add3A_42, %dma_start3A_45] : memref<10240x136xf32, #tpu.memory_space<vmem_shared>> -> memref<80x136xf32, #tpu.memory_space<vmem_shared>>
    tpu.enqueue_dma source(%arg17 : memref<80x136xf32, #tpu.memory_space<vmem>>) target(%dma_start3A_46 : memref<80x136xf32, #tpu.memory_space<vmem_shared>>) target_semaphore(%arg24 : memref<!tpu.dma_semaphore, #tpu.memory_space<semaphore_mem>>)
    %add3A_47 = arith.constant 160 : i32
    %add3A_48 = arith.addi %mul3A_34, %add3A_47 : i32
    %dma_start3A_49 = arith.constant 0 : i32
    %dma_start3A_50 = tpu.memref_slice %arg19[%add3A_48, %dma_start3A_49] : memref<10240x136xf32, #tpu.memory_space<vmem_shared>> -> memref<80x136xf32, #tpu.memory_space<vmem_shared>>
    %dma_start3A_51 = arith.constant 0 : i32
    %dma_start3A_52 = tpu.memref_slice %arg19[%add3A_48, %dma_start3A_51] : memref<10240x136xf32, #tpu.memory_space<vmem_shared>> -> memref<80x136xf32, #tpu.memory_space<vmem_shared>>
    tpu.enqueue_dma source(%arg17 : memref<80x136xf32, #tpu.memory_space<vmem>>) target(%dma_start3A_52 : memref<80x136xf32, #tpu.memory_space<vmem_shared>>) target_semaphore(%arg24 : memref<!tpu.dma_semaphore, #tpu.memory_space<semaphore_mem>>)
    %add3A_53 = arith.constant 240 : i32
    %add3A_54 = arith.addi %mul3A_34, %add3A_53 : i32
    %dma_start3A_55 = arith.constant 0 : i32
    %dma_start3A_56 = tpu.memref_slice %arg19[%add3A_54, %dma_start3A_55] : memref<10240x136xf32, #tpu.memory_space<vmem_shared>> -> memref<80x136xf32, #tpu.memory_space<vmem_shared>>
    %dma_start3A_57 = arith.constant 0 : i32
    %dma_start3A_58 = tpu.memref_slice %arg19[%add3A_54, %dma_start3A_57] : memref<10240x136xf32, #tpu.memory_space<vmem_shared>> -> memref<80x136xf32, #tpu.memory_space<vmem_shared>>
    tpu.enqueue_dma source(%arg17 : memref<80x136xf32, #tpu.memory_space<vmem>>) target(%dma_start3A_58 : memref<80x136xf32, #tpu.memory_space<vmem_shared>>) target_semaphore(%arg24 : memref<!tpu.dma_semaphore, #tpu.memory_space<semaphore_mem>>)
    %add3A_59 = arith.constant 320 : i32
    %add3A_60 = arith.addi %mul3A_34, %add3A_59 : i32
    %dma_start3A_61 = arith.constant 0 : i32
    %dma_start3A_62 = tpu.memref_slice %arg19[%add3A_60, %dma_start3A_61] : memref<10240x136xf32, #tpu.memory_space<vmem_shared>> -> memref<80x136xf32, #tpu.memory_space<vmem_shared>>
    %dma_start3A_63 = arith.constant 0 : i32
    %dma_start3A_64 = tpu.memref_slice %arg19[%add3A_60, %dma_start3A_63] : memref<10240x136xf32, #tpu.memory_space<vmem_shared>> -> memref<80x136xf32, #tpu.memory_space<vmem_shared>>
    tpu.enqueue_dma source(%arg17 : memref<80x136xf32, #tpu.memory_space<vmem>>) target(%dma_start3A_64 : memref<80x136xf32, #tpu.memory_space<vmem_shared>>) target_semaphore(%arg24 : memref<!tpu.dma_semaphore, #tpu.memory_space<semaphore_mem>>)
    %add3A_65 = arith.constant 400 : i32
    %add3A_66 = arith.addi %mul3A_34, %add3A_65 : i32
    %dma_start3A_67 = arith.constant 0 : i32
    %dma_start3A_68 = tpu.memref_slice %arg19[%add3A_66, %dma_start3A_67] : memref<10240x136xf32, #tpu.memory_space<vmem_shared>> -> memref<80x136xf32, #tpu.memory_space<vmem_shared>>
    %dma_start3A_69 = arith.constant 0 : i32
    %dma_start3A_70 = tpu.memref_slice %arg19[%add3A_66, %dma_start3A_69] : memref<10240x136xf32, #tpu.memory_space<vmem_shared>> -> memref<80x136xf32, #tpu.memory_space<vmem_shared>>
    tpu.enqueue_dma source(%arg17 : memref<80x136xf32, #tpu.memory_space<vmem>>) target(%dma_start3A_70 : memref<80x136xf32, #tpu.memory_space<vmem_shared>>) target_semaphore(%arg24 : memref<!tpu.dma_semaphore, #tpu.memory_space<semaphore_mem>>)
    %add3A_71 = arith.constant 480 : i32
    %add3A_72 = arith.addi %mul3A_34, %add3A_71 : i32
    %dma_start3A_73 = arith.constant 0 : i32
    %dma_start3A_74 = tpu.memref_slice %arg19[%add3A_72, %dma_start3A_73] : memref<10240x136xf32, #tpu.memory_space<vmem_shared>> -> memref<80x136xf32, #tpu.memory_space<vmem_shared>>
    %dma_start3A_75 = arith.constant 0 : i32
    %dma_start3A_76 = tpu.memref_slice %arg19[%add3A_72, %dma_start3A_75] : memref<10240x136xf32, #tpu.memory_space<vmem_shared>> -> memref<80x136xf32, #tpu.memory_space<vmem_shared>>
    tpu.enqueue_dma source(%arg17 : memref<80x136xf32, #tpu.memory_space<vmem>>) target(%dma_start3A_76 : memref<80x136xf32, #tpu.memory_space<vmem_shared>>) target_semaphore(%arg24 : memref<!tpu.dma_semaphore, #tpu.memory_space<semaphore_mem>>)
    %add3A_77 = arith.constant 560 : i32
    %add3A_78 = arith.addi %mul3A_34, %add3A_77 : i32
    %dma_start3A_79 = arith.constant 0 : i32
    %dma_start3A_80 = tpu.memref_slice %arg19[%add3A_78, %dma_start3A_79] : memref<10240x136xf32, #tpu.memory_space<vmem_shared>> -> memref<80x136xf32, #tpu.memory_space<vmem_shared>>
    %dma_start3A_81 = arith.constant 0 : i32
    %dma_start3A_82 = tpu.memref_slice %arg19[%add3A_78, %dma_start3A_81] : memref<10240x136xf32, #tpu.memory_space<vmem_shared>> -> memref<80x136xf32, #tpu.memory_space<vmem_shared>>
    tpu.enqueue_dma source(%arg17 : memref<80x136xf32, #tpu.memory_space<vmem>>) target(%dma_start3A_82 : memref<80x136xf32, #tpu.memory_space<vmem_shared>>) target_semaphore(%arg24 : memref<!tpu.dma_semaphore, #tpu.memory_space<semaphore_mem>>)
    %add3A_83 = arith.constant 0 : i32
    %add3A_84 = arith.addi %mul3A_34, %add3A_83 : i32
    %dma_wait3A = arith.constant 0 : i32
    %dma_wait3A_85 = tpu.memref_slice %arg19[%add3A_84, %dma_wait3A] : memref<10240x136xf32, #tpu.memory_space<vmem_shared>> -> memref<80x136xf32, #tpu.memory_space<vmem_shared>>
    %dma_wait3A_86 = arith.constant 0 : i32
    %dma_wait3A_87 = tpu.memref_slice %arg19[%add3A_84, %dma_wait3A_86] : memref<10240x136xf32, #tpu.memory_space<vmem_shared>> -> memref<80x136xf32, #tpu.memory_space<vmem_shared>>
    tpu.wait_dma2 semaphore(%arg24 : memref<!tpu.dma_semaphore, #tpu.memory_space<semaphore_mem>>) src(%arg17 : memref<80x136xf32, #tpu.memory_space<vmem>>) dst(%dma_wait3A_87 : memref<80x136xf32, #tpu.memory_space<vmem_shared>>)
    %add3A_88 = arith.constant 80 : i32
    %add3A_89 = arith.addi %mul3A_34, %add3A_88 : i32
    %dma_wait3A_90 = arith.constant 0 : i32
    %dma_wait3A_91 = tpu.memref_slice %arg19[%add3A_89, %dma_wait3A_90] : memref<10240x136xf32, #tpu.memory_space<vmem_shared>> -> memref<80x136xf32, #tpu.memory_space<vmem_shared>>
    %dma_wait3A_92 = arith.constant 0 : i32
    %dma_wait3A_93 = tpu.memref_slice %arg19[%add3A_89, %dma_wait3A_92] : memref<10240x136xf32, #tpu.memory_space<vmem_shared>> -> memref<80x136xf32, #tpu.memory_space<vmem_shared>>
    tpu.wait_dma2 semaphore(%arg24 : memref<!tpu.dma_semaphore, #tpu.memory_space<semaphore_mem>>) src(%arg17 : memref<80x136xf32, #tpu.memory_space<vmem>>) dst(%dma_wait3A_93 : memref<80x136xf32, #tpu.memory_space<vmem_shared>>)
    %add3A_94 = arith.constant 160 : i32
    %add3A_95 = arith.addi %mul3A_34, %add3A_94 : i32
    %dma_wait3A_96 = arith.constant 0 : i32
    %dma_wait3A_97 = tpu.memref_slice %arg19[%add3A_95, %dma_wait3A_96] : memref<10240x136xf32, #tpu.memory_space<vmem_shared>> -> memref<80x136xf32, #tpu.memory_space<vmem_shared>>
    %dma_wait3A_98 = arith.constant 0 : i32
    %dma_wait3A_99 = tpu.memref_slice %arg19[%add3A_95, %dma_wait3A_98] : memref<10240x136xf32, #tpu.memory_space<vmem_shared>> -> memref<80x136xf32, #tpu.memory_space<vmem_shared>>
    tpu.wait_dma2 semaphore(%arg24 : memref<!tpu.dma_semaphore, #tpu.memory_space<semaphore_mem>>) src(%arg17 : memref<80x136xf32, #tpu.memory_space<vmem>>) dst(%dma_wait3A_99 : memref<80x136xf32, #tpu.memory_space<vmem_shared>>)
    %add3A_100 = arith.constant 240 : i32
    %add3A_101 = arith.addi %mul3A_34, %add3A_100 : i32
    %dma_wait3A_102 = arith.constant 0 : i32
    %dma_wait3A_103 = tpu.memref_slice %arg19[%add3A_101, %dma_wait3A_102] : memref<10240x136xf32, #tpu.memory_space<vmem_shared>> -> memref<80x136xf32, #tpu.memory_space<vmem_shared>>
    %dma_wait3A_104 = arith.constant 0 : i32
    %dma_wait3A_105 = tpu.memref_slice %arg19[%add3A_101, %dma_wait3A_104] : memref<10240x136xf32, #tpu.memory_space<vmem_shared>> -> memref<80x136xf32, #tpu.memory_space<vmem_shared>>
    tpu.wait_dma2 semaphore(%arg24 : memref<!tpu.dma_semaphore, #tpu.memory_space<semaphore_mem>>) src(%arg17 : memref<80x136xf32, #tpu.memory_space<vmem>>) dst(%dma_wait3A_105 : memref<80x136xf32, #tpu.memory_space<vmem_shared>>)
    %add3A_106 = arith.constant 320 : i32
    %add3A_107 = arith.addi %mul3A_34, %add3A_106 : i32
    %dma_wait3A_108 = arith.constant 0 : i32
    %dma_wait3A_109 = tpu.memref_slice %arg19[%add3A_107, %dma_wait3A_108] : memref<10240x136xf32, #tpu.memory_space<vmem_shared>> -> memref<80x136xf32, #tpu.memory_space<vmem_shared>>
    %dma_wait3A_110 = arith.constant 0 : i32
    %dma_wait3A_111 = tpu.memref_slice %arg19[%add3A_107, %dma_wait3A_110] : memref<10240x136xf32, #tpu.memory_space<vmem_shared>> -> memref<80x136xf32, #tpu.memory_space<vmem_shared>>
    tpu.wait_dma2 semaphore(%arg24 : memref<!tpu.dma_semaphore, #tpu.memory_space<semaphore_mem>>) src(%arg17 : memref<80x136xf32, #tpu.memory_space<vmem>>) dst(%dma_wait3A_111 : memref<80x136xf32, #tpu.memory_space<vmem_shared>>)
    %add3A_112 = arith.constant 400 : i32
    %add3A_113 = arith.addi %mul3A_34, %add3A_112 : i32
    %dma_wait3A_114 = arith.constant 0 : i32
    %dma_wait3A_115 = tpu.memref_slice %arg19[%add3A_113, %dma_wait3A_114] : memref<10240x136xf32, #tpu.memory_space<vmem_shared>> -> memref<80x136xf32, #tpu.memory_space<vmem_shared>>
    %dma_wait3A_116 = arith.constant 0 : i32
    %dma_wait3A_117 = tpu.memref_slice %arg19[%add3A_113, %dma_wait3A_116] : memref<10240x136xf32, #tpu.memory_space<vmem_shared>> -> memref<80x136xf32, #tpu.memory_space<vmem_shared>>
    tpu.wait_dma2 semaphore(%arg24 : memref<!tpu.dma_semaphore, #tpu.memory_space<semaphore_mem>>) src(%arg17 : memref<80x136xf32, #tpu.memory_space<vmem>>) dst(%dma_wait3A_117 : memref<80x136xf32, #tpu.memory_space<vmem_shared>>)
    %add3A_118 = arith.constant 480 : i32
    %add3A_119 = arith.addi %mul3A_34, %add3A_118 : i32
    %dma_wait3A_120 = arith.constant 0 : i32
    %dma_wait3A_121 = tpu.memref_slice %arg19[%add3A_119, %dma_wait3A_120] : memref<10240x136xf32, #tpu.memory_space<vmem_shared>> -> memref<80x136xf32, #tpu.memory_space<vmem_shared>>
    %dma_wait3A_122 = arith.constant 0 : i32
    %dma_wait3A_123 = tpu.memref_slice %arg19[%add3A_119, %dma_wait3A_122] : memref<10240x136xf32, #tpu.memory_space<vmem_shared>> -> memref<80x136xf32, #tpu.memory_space<vmem_shared>>
    tpu.wait_dma2 semaphore(%arg24 : memref<!tpu.dma_semaphore, #tpu.memory_space<semaphore_mem>>) src(%arg17 : memref<80x136xf32, #tpu.memory_space<vmem>>) dst(%dma_wait3A_123 : memref<80x136xf32, #tpu.memory_space<vmem_shared>>)
    %add3A_124 = arith.constant 560 : i32
    %add3A_125 = arith.addi %mul3A_34, %add3A_124 : i32
    %dma_wait3A_126 = arith.constant 0 : i32
    %dma_wait3A_127 = tpu.memref_slice %arg19[%add3A_125, %dma_wait3A_126] : memref<10240x136xf32, #tpu.memory_space<vmem_shared>> -> memref<80x136xf32, #tpu.memory_space<vmem_shared>>
    %dma_wait3A_128 = arith.constant 0 : i32
    %dma_wait3A_129 = tpu.memref_slice %arg19[%add3A_125, %dma_wait3A_128] : memref<10240x136xf32, #tpu.memory_space<vmem_shared>> -> memref<80x136xf32, #tpu.memory_space<vmem_shared>>
    tpu.wait_dma2 semaphore(%arg24 : memref<!tpu.dma_semaphore, #tpu.memory_space<semaphore_mem>>) src(%arg17 : memref<80x136xf32, #tpu.memory_space<vmem>>) dst(%dma_wait3A_129 : memref<80x136xf32, #tpu.memory_space<vmem_shared>>)
    tpu.wait_dma2 semaphore(%arg22 : memref<!tpu.dma_semaphore, #tpu.memory_space<semaphore_mem>>) src(%arg3 : memref<10240xf32, #tpu.memory_space<hbm>>) dst(%arg7 : memref<10240xf32, #tpu.memory_space<vmem>>)
    tpu.wait_dma2 semaphore(%arg23 : memref<!tpu.dma_semaphore, #tpu.memory_space<semaphore_mem>>) src(%arg4 : memref<10240xf32, #tpu.memory_space<hbm>>) dst(%arg8 : memref<10240xf32, #tpu.memory_space<vmem>>)
    %barrier3A = arith.constant 0 : index
    tpu.barrier barrier_id(%barrier3A)
    %dma_wait3A_130 = arith.constant 0 : i32
    %dma_wait3A_131 = arith.constant 0 : i32
    %dma_wait3A_132 = tpu.memref_slice %arg5[%dma_wait3A_130, %dma_wait3A_131] : memref<2x320000xi32, #tpu.memory_space<hbm>> -> memref<1x80xi32, #tpu.memory_space<hbm>>
    %dma_wait3A_133 = tpu.memref_squeeze %dma_wait3A_132 : memref<1x80xi32, #tpu.memory_space<hbm>> -> memref<80xi32, #tpu.memory_space<hbm>>
    %dma_wait3A_134 = arith.constant 0 : i32
    %dma_wait3A_135 = tpu.memref_slice %arg5[%dma_wait3A_130, %dma_wait3A_134] : memref<2x320000xi32, #tpu.memory_space<hbm>> -> memref<1x80xi32, #tpu.memory_space<hbm>>
    %dma_wait3A_136 = tpu.memref_squeeze %dma_wait3A_135 : memref<1x80xi32, #tpu.memory_space<hbm>> -> memref<80xi32, #tpu.memory_space<hbm>>
    tpu.wait_dma2 semaphore(%arg20 : memref<!tpu.dma_semaphore, #tpu.memory_space<semaphore_mem>>) src(%dma_wait3A_136 : memref<80xi32, #tpu.memory_space<hbm>>) dst(%arg9 : memref<80xi32, #tpu.memory_space<vmem>>)
    %dma_wait3A_137 = arith.constant 1 : i32
    %dma_wait3A_138 = arith.constant 0 : i32
    %dma_wait3A_139 = tpu.memref_slice %arg5[%dma_wait3A_137, %dma_wait3A_138] : memref<2x320000xi32, #tpu.memory_space<hbm>> -> memref<1x80xi32, #tpu.memory_space<hbm>>
    %dma_wait3A_140 = tpu.memref_squeeze %dma_wait3A_139 : memref<1x80xi32, #tpu.memory_space<hbm>> -> memref<80xi32, #tpu.memory_space<hbm>>
    %dma_wait3A_141 = arith.constant 0 : i32
    %dma_wait3A_142 = tpu.memref_slice %arg5[%dma_wait3A_137, %dma_wait3A_141] : memref<2x320000xi32, #tpu.memory_space<hbm>> -> memref<1x80xi32, #tpu.memory_space<hbm>>
    %dma_wait3A_143 = tpu.memref_squeeze %dma_wait3A_142 : memref<1x80xi32, #tpu.memory_space<hbm>> -> memref<80xi32, #tpu.memory_space<hbm>>
    tpu.wait_dma2 semaphore(%arg20 : memref<!tpu.dma_semaphore, #tpu.memory_space<semaphore_mem>>) src(%dma_wait3A_143 : memref<80xi32, #tpu.memory_space<hbm>>) dst(%arg11 : memref<80xi32, #tpu.memory_space<vmem>>)
    %dma_start3A_144 = arith.constant 0 : i32
    %dma_start3A_145 = arith.constant 0 : i32
    %dma_start3A_146 = tpu.memref_slice %arg17[%dma_start3A_144, %dma_start3A_145] : memref<80x136xf32, #tpu.memory_space<vmem>> -> memref<40x136xf32, #tpu.memory_space<vmem>>
    %dma_start3A_147 = arith.constant 0 : i32
    %dma_start3A_148 = tpu.memref_slice %arg9[%dma_start3A_147] : memref<80xi32, #tpu.memory_space<vmem>> -> memref<40xi32, #tpu.memory_space<vmem>>
    %dma_start3A_149 = arith.constant 0 : i32
    %dma_start3A_150 = arith.constant 0 : i32
    %dma_start3A_151 = tpu.memref_slice %arg2[%dma_start3A_149, %dma_start3A_150] : memref<10240x136xf32, #tpu.memory_space<hbm>> -> memref<10240x136xf32, #tpu.memory_space<hbm>>
    tpu.enqueue_indirect_dma source(%dma_start3A_151 : memref<10240x136xf32, #tpu.memory_space<hbm>>) target(%dma_start3A_146 : memref<40x136xf32, #tpu.memory_space<vmem>>) offsets(%dma_start3A_148 : memref<40xi32, #tpu.memory_space<vmem>>) semaphore(%arg22 : memref<!tpu.dma_semaphore, #tpu.memory_space<semaphore_mem>>)
    %dma_start3A_152 = arith.constant 40 : i32
    %dma_start3A_153 = arith.constant 0 : i32
    %dma_start3A_154 = tpu.memref_slice %arg17[%dma_start3A_152, %dma_start3A_153] : memref<80x136xf32, #tpu.memory_space<vmem>> -> memref<40x136xf32, #tpu.memory_space<vmem>>
    %dma_start3A_155 = arith.constant 40 : i32
    %dma_start3A_156 = tpu.memref_slice %arg9[%dma_start3A_155] : memref<80xi32, #tpu.memory_space<vmem>> -> memref<40xi32, #tpu.memory_space<vmem>>
    %dma_start3A_157 = arith.constant 0 : i32
    %dma_start3A_158 = arith.constant 0 : i32
    %dma_start3A_159 = tpu.memref_slice %arg2[%dma_start3A_157, %dma_start3A_158] : memref<10240x136xf32, #tpu.memory_space<hbm>> -> memref<10240x136xf32, #tpu.memory_space<hbm>>
    tpu.enqueue_indirect_dma source(%dma_start3A_159 : memref<10240x136xf32, #tpu.memory_space<hbm>>) target(%dma_start3A_154 : memref<40x136xf32, #tpu.memory_space<vmem>>) offsets(%dma_start3A_156 : memref<40xi32, #tpu.memory_space<vmem>>) semaphore(%arg26 : memref<!tpu.dma_semaphore, #tpu.memory_space<semaphore_mem>>)
    %get3A = arith.constant 0 : index
    %get3A_160 = tpu.vector_load %arg11[%get3A] {strides = array<i32>} : memref<80xi32, #tpu.memory_space<vmem>>, vector<16xi32>,
    %get3A_161 = arith.constant 0 : index
    %get3A_162 = tpu.vector_load %arg9[%get3A_161] {strides = array<i32>} : memref<80xi32, #tpu.memory_space<vmem>>, vector<16xi32>,
    %gather3A = tpu.vector_load_idx %arg7[%get3A_162] : memref<10240xf32, #tpu.memory_space<vmem>>[vector<16xi32>], vector<16xf32>,
    %gather3A_163 = tpu.vector_load_idx %arg8[%get3A_160] : memref<10240xf32, #tpu.memory_space<vmem>>[vector<16xi32>], vector<16xf32>,
    %add3A_164 = arith.addf %gather3A, %gather3A_163 : vector<16xf32>
    %ge3A = arith.constant 0.000000e+00 : f32
    %ge3A_165 = vector.broadcast %ge3A : f32 to vector<16xf32>
    %ge3A_166 = arith.cmpf oge, %add3A_164, %ge3A_165 : vector<16xf32>
    %mul3A_167 = arith.constant 2.000000e-01 : f32
    %mul3A_168 = vector.broadcast %mul3A_167 : f32 to vector<16xf32>
    %mul3A_169 = arith.mulf %mul3A_168, %add3A_164 : vector<16xf32>
    %select_n3A = arith.select %ge3A_166, %add3A_164, %mul3A_169 : vector<16xi1>, vector<16xf32>
    %exp3A = math.exp %select_n3A : vector<16xf32>
    %swap3A = arith.constant 0 : index
    %swap3A_170 = tpu.vector_load %arg15[%swap3A] {strides = array<i32>} : memref<80xf32, #tpu.memory_space<vmem>>, vector<16xf32>,
    tpu.vector_store %arg15[%swap3A], %exp3A {strides = array<i32>} : memref<80xf32, #tpu.memory_space<vmem>>, vector<16xf32>,
    %swap3A_171 = arith.constant 0 : index
    %swap3A_172 = tpu.vector_load %arg13[%swap3A_171] {strides = array<i32>} : memref<80xi32, #tpu.memory_space<vmem>>, vector<16xi32>,
    tpu.vector_store %arg13[%swap3A_171], %get3A_160 {strides = array<i32>} : memref<80xi32, #tpu.memory_space<vmem>>, vector<16xi32>,
    %get3A_173 = arith.constant 16 : index
    %get3A_174 = tpu.vector_load %arg11[%get3A_173] {strides = array<i32>} : memref<80xi32, #tpu.memory_space<vmem>>, vector<16xi32>,
    %get3A_175 = arith.constant 16 : index
    %get3A_176 = tpu.vector_load %arg9[%get3A_175] {strides = array<i32>} : memref<80xi32, #tpu.memory_space<vmem>>, vector<16xi32>,
    %gather3A_177 = tpu.vector_load_idx %arg7[%get3A_176] : memref<10240xf32, #tpu.memory_space<vmem>>[vector<16xi32>], vector<16xf32>,
    %gather3A_178 = tpu.vector_load_idx %arg8[%get3A_174] : memref<10240xf32, #tpu.memory_space<vmem>>[vector<16xi32>], vector<16xf32>,
    %add3A_179 = arith.addf %gather3A_177, %gather3A_178 : vector<16xf32>
    %ge3A_180 = arith.constant 0.000000e+00 : f32
    %ge3A_181 = vector.broadcast %ge3A_180 : f32 to vector<16xf32>
    %ge3A_182 = arith.cmpf oge, %add3A_179, %ge3A_181 : vector<16xf32>
    %mul3A_183 = arith.constant 2.000000e-01 : f32
    %mul3A_184 = vector.broadcast %mul3A_183 : f32 to vector<16xf32>
    %mul3A_185 = arith.mulf %mul3A_184, %add3A_179 : vector<16xf32>
    %select_n3A_186 = arith.select %ge3A_182, %add3A_179, %mul3A_185 : vector<16xi1>, vector<16xf32>
    %exp3A_187 = math.exp %select_n3A_186 : vector<16xf32>
    %swap3A_188 = arith.constant 16 : index
    %swap3A_189 = tpu.vector_load %arg15[%swap3A_188] {strides = array<i32>} : memref<80xf32, #tpu.memory_space<vmem>>, vector<16xf32>,
    tpu.vector_store %arg15[%swap3A_188], %exp3A_187 {strides = array<i32>} : memref<80xf32, #tpu.memory_space<vmem>>, vector<16xf32>,
    %swap3A_190 = arith.constant 16 : index
    %swap3A_191 = tpu.vector_load %arg13[%swap3A_190] {strides = array<i32>} : memref<80xi32, #tpu.memory_space<vmem>>, vector<16xi32>,
    tpu.vector_store %arg13[%swap3A_190], %get3A_174 {strides = array<i32>} : memref<80xi32, #tpu.memory_space<vmem>>, vector<16xi32>,
    %get3A_192 = arith.constant 32 : index
    %get3A_193 = tpu.vector_load %arg11[%get3A_192] {strides = array<i32>} : memref<80xi32, #tpu.memory_space<vmem>>, vector<16xi32>,
    %get3A_194 = arith.constant 32 : index
    %get3A_195 = tpu.vector_load %arg9[%get3A_194] {strides = array<i32>} : memref<80xi32, #tpu.memory_space<vmem>>, vector<16xi32>,
    %gather3A_196 = tpu.vector_load_idx %arg7[%get3A_195] : memref<10240xf32, #tpu.memory_space<vmem>>[vector<16xi32>], vector<16xf32>,
    %gather3A_197 = tpu.vector_load_idx %arg8[%get3A_193] : memref<10240xf32, #tpu.memory_space<vmem>>[vector<16xi32>], vector<16xf32>,
    %add3A_198 = arith.addf %gather3A_196, %gather3A_197 : vector<16xf32>
    %ge3A_199 = arith.constant 0.000000e+00 : f32
    %ge3A_200 = vector.broadcast %ge3A_199 : f32 to vector<16xf32>
    %ge3A_201 = arith.cmpf oge, %add3A_198, %ge3A_200 : vector<16xf32>
    %mul3A_202 = arith.constant 2.000000e-01 : f32
    %mul3A_203 = vector.broadcast %mul3A_202 : f32 to vector<16xf32>
    %mul3A_204 = arith.mulf %mul3A_203, %add3A_198 : vector<16xf32>
    %select_n3A_205 = arith.select %ge3A_201, %add3A_198, %mul3A_204 : vector<16xi1>, vector<16xf32>
    %exp3A_206 = math.exp %select_n3A_205 : vector<16xf32>
    %swap3A_207 = arith.constant 32 : index
    %swap3A_208 = tpu.vector_load %arg15[%swap3A_207] {strides = array<i32>} : memref<80xf32, #tpu.memory_space<vmem>>, vector<16xf32>,
    tpu.vector_store %arg15[%swap3A_207], %exp3A_206 {strides = array<i32>} : memref<80xf32, #tpu.memory_space<vmem>>, vector<16xf32>,
    %swap3A_209 = arith.constant 32 : index
    %swap3A_210 = tpu.vector_load %arg13[%swap3A_209] {strides = array<i32>} : memref<80xi32, #tpu.memory_space<vmem>>, vector<16xi32>,
    tpu.vector_store %arg13[%swap3A_209], %get3A_193 {strides = array<i32>} : memref<80xi32, #tpu.memory_space<vmem>>, vector<16xi32>,
    %get3A_211 = arith.constant 48 : index
    %get3A_212 = tpu.vector_load %arg11[%get3A_211] {strides = array<i32>} : memref<80xi32, #tpu.memory_space<vmem>>, vector<16xi32>,
    %get3A_213 = arith.constant 48 : index
    %get3A_214 = tpu.vector_load %arg9[%get3A_213] {strides = array<i32>} : memref<80xi32, #tpu.memory_space<vmem>>, vector<16xi32>,
    %gather3A_215 = tpu.vector_load_idx %arg7[%get3A_214] : memref<10240xf32, #tpu.memory_space<vmem>>[vector<16xi32>], vector<16xf32>,
    %gather3A_216 = tpu.vector_load_idx %arg8[%get3A_212] : memref<10240xf32, #tpu.memory_space<vmem>>[vector<16xi32>], vector<16xf32>,
    %add3A_217 = arith.addf %gather3A_215, %gather3A_216 : vector<16xf32>
    %ge3A_218 = arith.constant 0.000000e+00 : f32
    %ge3A_219 = vector.broadcast %ge3A_218 : f32 to vector<16xf32>
    %ge3A_220 = arith.cmpf oge, %add3A_217, %ge3A_219 : vector<16xf32>
    %mul3A_221 = arith.constant 2.000000e-01 : f32
    %mul3A_222 = vector.broadcast %mul3A_221 : f32 to vector<16xf32>
    %mul3A_223 = arith.mulf %mul3A_222, %add3A_217 : vector<16xf32>
    %select_n3A_224 = arith.select %ge3A_220, %add3A_217, %mul3A_223 : vector<16xi1>, vector<16xf32>
    %exp3A_225 = math.exp %select_n3A_224 : vector<16xf32>
    %swap3A_226 = arith.constant 48 : index
    %swap3A_227 = tpu.vector_load %arg15[%swap3A_226] {strides = array<i32>} : memref<80xf32, #tpu.memory_space<vmem>>, vector<16xf32>,
    tpu.vector_store %arg15[%swap3A_226], %exp3A_225 {strides = array<i32>} : memref<80xf32, #tpu.memory_space<vmem>>, vector<16xf32>,
    %swap3A_228 = arith.constant 48 : index
    %swap3A_229 = tpu.vector_load %arg13[%swap3A_228] {strides = array<i32>} : memref<80xi32, #tpu.memory_space<vmem>>, vector<16xi32>,
    tpu.vector_store %arg13[%swap3A_228], %get3A_212 {strides = array<i32>} : memref<80xi32, #tpu.memory_space<vmem>>, vector<16xi32>,
    %get3A_230 = arith.constant 64 : index
    %get3A_231 = tpu.vector_load %arg11[%get3A_230] {strides = array<i32>} : memref<80xi32, #tpu.memory_space<vmem>>, vector<16xi32>,
    %get3A_232 = arith.constant 64 : index
    %get3A_233 = tpu.vector_load %arg9[%get3A_232] {strides = array<i32>} : memref<80xi32, #tpu.memory_space<vmem>>, vector<16xi32>,
    %gather3A_234 = tpu.vector_load_idx %arg7[%get3A_233] : memref<10240xf32, #tpu.memory_space<vmem>>[vector<16xi32>], vector<16xf32>,
    %gather3A_235 = tpu.vector_load_idx %arg8[%get3A_231] : memref<10240xf32, #tpu.memory_space<vmem>>[vector<16xi32>], vector<16xf32>,
    %add3A_236 = arith.addf %gather3A_234, %gather3A_235 : vector<16xf32>
    %ge3A_237 = arith.constant 0.000000e+00 : f32
    %ge3A_238 = vector.broadcast %ge3A_237 : f32 to vector<16xf32>
    %ge3A_239 = arith.cmpf oge, %add3A_236, %ge3A_238 : vector<16xf32>
    %mul3A_240 = arith.constant 2.000000e-01 : f32
    %mul3A_241 = vector.broadcast %mul3A_240 : f32 to vector<16xf32>
    %mul3A_242 = arith.mulf %mul3A_241, %add3A_236 : vector<16xf32>
    %select_n3A_243 = arith.select %ge3A_239, %add3A_236, %mul3A_242 : vector<16xi1>, vector<16xf32>
    %exp3A_244 = math.exp %select_n3A_243 : vector<16xf32>
    %swap3A_245 = arith.constant 64 : index
    %swap3A_246 = tpu.vector_load %arg15[%swap3A_245] {strides = array<i32>} : memref<80xf32, #tpu.memory_space<vmem>>, vector<16xf32>,
    tpu.vector_store %arg15[%swap3A_245], %exp3A_244 {strides = array<i32>} : memref<80xf32, #tpu.memory_space<vmem>>, vector<16xf32>,
    %swap3A_247 = arith.constant 64 : index
    %swap3A_248 = tpu.vector_load %arg13[%swap3A_247] {strides = array<i32>} : memref<80xi32, #tpu.memory_space<vmem>>, vector<16xi32>,
    tpu.vector_store %arg13[%swap3A_247], %get3A_231 {strides = array<i32>} : memref<80xi32, #tpu.memory_space<vmem>>, vector<16xi32>,
    %dma_wait3A_249 = arith.constant 0 : i32
    %dma_wait3A_250 = arith.constant 0 : i32
    %dma_wait3A_251 = tpu.memref_slice %arg17[%dma_wait3A_249, %dma_wait3A_250] : memref<80x136xf32, #tpu.memory_space<vmem>> -> memref<40x136xf32, #tpu.memory_space<vmem>>
    %dma_wait3A_252 = arith.constant 0 : i32
    %dma_wait3A_253 = tpu.memref_slice %arg9[%dma_wait3A_252] : memref<80xi32, #tpu.memory_space<vmem>> -> memref<40xi32, #tpu.memory_space<vmem>>
    %dma_wait3A_254 = arith.constant 0 : i32
    %dma_wait3A_255 = arith.constant 0 : i32
    %dma_wait3A_256 = tpu.memref_slice %arg2[%dma_wait3A_254, %dma_wait3A_255] : memref<10240x136xf32, #tpu.memory_space<hbm>> -> memref<10240x136xf32, #tpu.memory_space<hbm>>
    tpu.wait_indirect_dma semaphore(%arg22 : memref<!tpu.dma_semaphore, #tpu.memory_space<semaphore_mem>>) src(%dma_wait3A_256 : memref<10240x136xf32, #tpu.memory_space<hbm>>) dst(%dma_wait3A_251 : memref<40x136xf32, #tpu.memory_space<vmem>>)
    %add3A_257 = arith.constant 0 : i32
    %add3A_258 = arith.constant 2 : i32
    %add3A_259 = arith.addi %add3A_257, %add3A_258 : i32
    %mul3A_260 = arith.constant 80 : i32
    %mul3A_261 = arith.muli %add3A_259, %mul3A_260 : i32
    %add3A_262 = arith.addi %mul3A_2, %mul3A_261 : i32
    %dma_start3A_263 = arith.constant 0 : i32
    %dma_start3A_264 = tpu.memref_slice %arg5[%dma_start3A_263, %add3A_262] : memref<2x320000xi32, #tpu.memory_space<hbm>> -> memref<1x80xi32, #tpu.memory_space<hbm>>
    %dma_start3A_265 = tpu.memref_squeeze %dma_start3A_264 : memref<1x80xi32, #tpu.memory_space<hbm>> -> memref<80xi32, #tpu.memory_space<hbm>>
    %dma_start3A_266 = tpu.memref_slice %arg5[%dma_start3A_263, %add3A_262] : memref<2x320000xi32, #tpu.memory_space<hbm>> -> memref<1x80xi32, #tpu.memory_space<hbm>>
    %dma_start3A_267 = tpu.memref_squeeze %dma_start3A_266 : memref<1x80xi32, #tpu.memory_space<hbm>> -> memref<80xi32, #tpu.memory_space<hbm>>
    tpu.enqueue_dma source(%dma_start3A_267 : memref<80xi32, #tpu.memory_space<hbm>>) target(%arg9 : memref<80xi32, #tpu.memory_space<vmem>>) target_semaphore(%arg20 : memref<!tpu.dma_semaphore, #tpu.memory_space<semaphore_mem>>)
    %dma_start3A_268 = arith.constant 1 : i32
    %dma_start3A_269 = tpu.memref_slice %arg5[%dma_start3A_268, %add3A_262] : memref<2x320000xi32, #tpu.memory_space<hbm>> -> memref<1x80xi32, #tpu.memory_space<hbm>>
    %dma_start3A_270 = tpu.memref_squeeze %dma_start3A_269 : memref<1x80xi32, #tpu.memory_space<hbm>> -> memref<80xi32, #tpu.memory_space<hbm>>
    %dma_start3A_271 = tpu.memref_slice %arg5[%dma_start3A_268, %add3A_262] : memref<2x320000xi32, #tpu.memory_space<hbm>> -> memref<1x80xi32, #tpu.memory_space<hbm>>
    %dma_start3A_272 = tpu.memref_squeeze %dma_start3A_271 : memref<1x80xi32, #tpu.memory_space<hbm>> -> memref<80xi32, #tpu.memory_space<hbm>>
    tpu.enqueue_dma source(%dma_start3A_272 : memref<80xi32, #tpu.memory_space<hbm>>) target(%arg11 : memref<80xi32, #tpu.memory_space<vmem>>) target_semaphore(%arg20 : memref<!tpu.dma_semaphore, #tpu.memory_space<semaphore_mem>>)
    %dma_wait3A_273 = arith.constant 0 : i32
    %dma_wait3A_274 = arith.constant 0 : i32
    %dma_wait3A_275 = tpu.memref_slice %arg5[%dma_wait3A_273, %dma_wait3A_274] : memref<2x320000xi32, #tpu.memory_space<hbm>> -> memref<1x80xi32, #tpu.memory_space<hbm>>
    %dma_wait3A_276 = tpu.memref_squeeze %dma_wait3A_275 : memref<1x80xi32, #tpu.memory_space<hbm>> -> memref<80xi32, #tpu.memory_space<hbm>>
    %dma_wait3A_277 = arith.constant 0 : i32
    %dma_wait3A_278 = tpu.memref_slice %arg5[%dma_wait3A_273, %dma_wait3A_277] : memref<2x320000xi32, #tpu.memory_space<hbm>> -> memref<1x80xi32, #tpu.memory_space<hbm>>
    %dma_wait3A_279 = tpu.memref_squeeze %dma_wait3A_278 : memref<1x80xi32, #tpu.memory_space<hbm>> -> memref<80xi32, #tpu.memory_space<hbm>>
    tpu.wait_dma2 semaphore(%arg21 : memref<!tpu.dma_semaphore, #tpu.memory_space<semaphore_mem>>) src(%dma_wait3A_279 : memref<80xi32, #tpu.memory_space<hbm>>) dst(%arg10 : memref<80xi32, #tpu.memory_space<vmem>>)
    %dma_wait3A_280 = arith.constant 1 : i32
    %dma_wait3A_281 = arith.constant 0 : i32
    %dma_wait3A_282 = tpu.memref_slice %arg5[%dma_wait3A_280, %dma_wait3A_281] : memref<2x320000xi32, #tpu.memory_space<hbm>> -> memref<1x80xi32, #tpu.memory_space<hbm>>
    %dma_wait3A_283 = tpu.memref_squeeze %dma_wait3A_282 : memref<1x80xi32, #tpu.memory_space<hbm>> -> memref<80xi32, #tpu.memory_space<hbm>>
    %dma_wait3A_284 = arith.constant 0 : i32
    %dma_wait3A_285 = tpu.memref_slice %arg5[%dma_wait3A_280, %dma_wait3A_284] : memref<2x320000xi32, #tpu.memory_space<hbm>> -> memref<1x80xi32, #tpu.memory_space<hbm>>
    %dma_wait3A_286 = tpu.memref_squeeze %dma_wait3A_285 : memref<1x80xi32, #tpu.memory_space<hbm>> -> memref<80xi32, #tpu.memory_space<hbm>>
    tpu.wait_dma2 semaphore(%arg21 : memref<!tpu.dma_semaphore, #tpu.memory_space<semaphore_mem>>) src(%dma_wait3A_286 : memref<80xi32, #tpu.memory_space<hbm>>) dst(%arg12 : memref<80xi32, #tpu.memory_space<vmem>>)
    %dma_start3A_287 = arith.constant 0 : i32
    %dma_start3A_288 = arith.constant 0 : i32
    %dma_start3A_289 = tpu.memref_slice %arg18[%dma_start3A_287, %dma_start3A_288] : memref<80x136xf32, #tpu.memory_space<vmem>> -> memref<40x136xf32, #tpu.memory_space<vmem>>
    %dma_start3A_290 = arith.constant 0 : i32
    %dma_start3A_291 = tpu.memref_slice %arg10[%dma_start3A_290] : memref<80xi32, #tpu.memory_space<vmem>> -> memref<40xi32, #tpu.memory_space<vmem>>
    %dma_start3A_292 = arith.constant 0 : i32
    %dma_start3A_293 = arith.constant 0 : i32
    %dma_start3A_294 = tpu.memref_slice %arg2[%dma_start3A_292, %dma_start3A_293] : memref<10240x136xf32, #tpu.memory_space<hbm>> -> memref<10240x136xf32, #tpu.memory_space<hbm>>
    tpu.enqueue_indirect_dma source(%dma_start3A_294 : memref<10240x136xf32, #tpu.memory_space<hbm>>) target(%dma_start3A_289 : memref<40x136xf32, #tpu.memory_space<vmem>>) offsets(%dma_start3A_291 : memref<40xi32, #tpu.memory_space<vmem>>) semaphore(%arg23 : memref<!tpu.dma_semaphore, #tpu.memory_space<semaphore_mem>>)
    %dma_start3A_295 = arith.constant 40 : i32
    %dma_start3A_296 = arith.constant 0 : i32
    %dma_start3A_297 = tpu.memref_slice %arg18[%dma_start3A_295, %dma_start3A_296] : memref<80x136xf32, #tpu.memory_space<vmem>> -> memref<40x136xf32, #tpu.memory_space<vmem>>
    %dma_start3A_298 = arith.constant 40 : i32
    %dma_start3A_299 = tpu.memref_slice %arg10[%dma_start3A_298] : memref<80xi32, #tpu.memory_space<vmem>> -> memref<40xi32, #tpu.memory_space<vmem>>
    %dma_start3A_300 = arith.constant 0 : i32
    %dma_start3A_301 = arith.constant 0 : i32
    %dma_start3A_302 = tpu.memref_slice %arg2[%dma_start3A_300, %dma_start3A_301] : memref<10240x136xf32, #tpu.memory_space<hbm>> -> memref<10240x136xf32, #tpu.memory_space<hbm>>
    tpu.enqueue_indirect_dma source(%dma_start3A_302 : memref<10240x136xf32, #tpu.memory_space<hbm>>) target(%dma_start3A_297 : memref<40x136xf32, #tpu.memory_space<vmem>>) offsets(%dma_start3A_299 : memref<40xi32, #tpu.memory_space<vmem>>) semaphore(%arg27 : memref<!tpu.dma_semaphore, #tpu.memory_space<semaphore_mem>>)
    %get3A_303 = arith.constant 0 : index
    %get3A_304 = tpu.vector_load %arg12[%get3A_303] {strides = array<i32>} : memref<80xi32, #tpu.memory_space<vmem>>, vector<16xi32>,
    %get3A_305 = arith.constant 0 : index
    %get3A_306 = tpu.vector_load %arg10[%get3A_305] {strides = array<i32>} : memref<80xi32, #tpu.memory_space<vmem>>, vector<16xi32>,
    %gather3A_307 = tpu.vector_load_idx %arg7[%get3A_306] : memref<10240xf32, #tpu.memory_space<vmem>>[vector<16xi32>], vector<16xf32>,
    %gather3A_308 = tpu.vector_load_idx %arg8[%get3A_304] : memref<10240xf32, #tpu.memory_space<vmem>>[vector<16xi32>], vector<16xf32>,
    %add3A_309 = arith.addf %gather3A_307, %gather3A_308 : vector<16xf32>
    %ge3A_310 = arith.constant 0.000000e+00 : f32
    %ge3A_311 = vector.broadcast %ge3A_310 : f32 to vector<16xf32>
    %ge3A_312 = arith.cmpf oge, %add3A_309, %ge3A_311 : vector<16xf32>
    %mul3A_313 = arith.constant 2.000000e-01 : f32
    %mul3A_314 = vector.broadcast %mul3A_313 : f32 to vector<16xf32>
    %mul3A_315 = arith.mulf %mul3A_314, %add3A_309 : vector<16xf32>
    %select_n3A_316 = arith.select %ge3A_312, %add3A_309, %mul3A_315 : vector<16xi1>, vector<16xf32>
    %exp3A_317 = math.exp %select_n3A_316 : vector<16xf32>
    %swap3A_318 = arith.constant 0 : index
    %swap3A_319 = tpu.vector_load %arg16[%swap3A_318] {strides = array<i32>} : memref<80xf32, #tpu.memory_space<vmem>>, vector<16xf32>,
    tpu.vector_store %arg16[%swap3A_318], %exp3A_317 {strides = array<i32>} : memref<80xf32, #tpu.memory_space<vmem>>, vector<16xf32>,
    %swap3A_320 = arith.constant 0 : index
    %swap3A_321 = tpu.vector_load %arg14[%swap3A_320] {strides = array<i32>} : memref<80xi32, #tpu.memory_space<vmem>>, vector<16xi32>,
    tpu.vector_store %arg14[%swap3A_320], %get3A_304 {strides = array<i32>} : memref<80xi32, #tpu.memory_space<vmem>>, vector<16xi32>,
    %get3A_322 = arith.constant 16 : index
    %get3A_323 = tpu.vector_load %arg12[%get3A_322] {strides = array<i32>} : memref<80xi32, #tpu.memory_space<vmem>>, vector<16xi32>,
    %get3A_324 = arith.constant 16 : index
    %get3A_325 = tpu.vector_load %arg10[%get3A_324] {strides = array<i32>} : memref<80xi32, #tpu.memory_space<vmem>>, vector<16xi32>,
    %gather3A_326 = tpu.vector_load_idx %arg7[%get3A_325] : memref<10240xf32, #tpu.memory_space<vmem>>[vector<16xi32>], vector<16xf32>,
    %gather3A_327 = tpu.vector_load_idx %arg8[%get3A_323] : memref<10240xf32, #tpu.memory_space<vmem>>[vector<16xi32>], vector<16xf32>,
    %add3A_328 = arith.addf %gather3A_326, %gather3A_327 : vector<16xf32>
    %ge3A_329 = arith.constant 0.000000e+00 : f32
    %ge3A_330 = vector.broadcast %ge3A_329 : f32 to vector<16xf32>
    %ge3A_331 = arith.cmpf oge, %add3A_328, %ge3A_330 : vector<16xf32>
    %mul3A_332 = arith.constant 2.000000e-01 : f32
    %mul3A_333 = vector.broadcast %mul3A_332 : f32 to vector<16xf32>
    %mul3A_334 = arith.mulf %mul3A_333, %add3A_328 : vector<16xf32>
    %select_n3A_335 = arith.select %ge3A_331, %add3A_328, %mul3A_334 : vector<16xi1>, vector<16xf32>
    %exp3A_336 = math.exp %select_n3A_335 : vector<16xf32>
    %swap3A_337 = arith.constant 16 : index
    %swap3A_338 = tpu.vector_load %arg16[%swap3A_337] {strides = array<i32>} : memref<80xf32, #tpu.memory_space<vmem>>, vector<16xf32>,
    tpu.vector_store %arg16[%swap3A_337], %exp3A_336 {strides = array<i32>} : memref<80xf32, #tpu.memory_space<vmem>>, vector<16xf32>,
    %swap3A_339 = arith.constant 16 : index
    %swap3A_340 = tpu.vector_load %arg14[%swap3A_339] {strides = array<i32>} : memref<80xi32, #tpu.memory_space<vmem>>, vector<16xi32>,
    tpu.vector_store %arg14[%swap3A_339], %get3A_323 {strides = array<i32>} : memref<80xi32, #tpu.memory_space<vmem>>, vector<16xi32>,
    %get3A_341 = arith.constant 32 : index
    %get3A_342 = tpu.vector_load %arg12[%get3A_341] {strides = array<i32>} : memref<80xi32, #tpu.memory_space<vmem>>, vector<16xi32>,
    %get3A_343 = arith.constant 32 : index
    %get3A_344 = tpu.vector_load %arg10[%get3A_343] {strides = array<i32>} : memref<80xi32, #tpu.memory_space<vmem>>, vector<16xi32>,
    %gather3A_345 = tpu.vector_load_idx %arg7[%get3A_344] : memref<10240xf32, #tpu.memory_space<vmem>>[vector<16xi32>], vector<16xf32>,
    %gather3A_346 = tpu.vector_load_idx %arg8[%get3A_342] : memref<10240xf32, #tpu.memory_space<vmem>>[vector<16xi32>], vector<16xf32>,
    %add3A_347 = arith.addf %gather3A_345, %gather3A_346 : vector<16xf32>
    %ge3A_348 = arith.constant 0.000000e+00 : f32
    %ge3A_349 = vector.broadcast %ge3A_348 : f32 to vector<16xf32>
    %ge3A_350 = arith.cmpf oge, %add3A_347, %ge3A_349 : vector<16xf32>
    %mul3A_351 = arith.constant 2.000000e-01 : f32
    %mul3A_352 = vector.broadcast %mul3A_351 : f32 to vector<16xf32>
    %mul3A_353 = arith.mulf %mul3A_352, %add3A_347 : vector<16xf32>
    %select_n3A_354 = arith.select %ge3A_350, %add3A_347, %mul3A_353 : vector<16xi1>, vector<16xf32>
    %exp3A_355 = math.exp %select_n3A_354 : vector<16xf32>
    %swap3A_356 = arith.constant 32 : index
    %swap3A_357 = tpu.vector_load %arg16[%swap3A_356] {strides = array<i32>} : memref<80xf32, #tpu.memory_space<vmem>>, vector<16xf32>,
    tpu.vector_store %arg16[%swap3A_356], %exp3A_355 {strides = array<i32>} : memref<80xf32, #tpu.memory_space<vmem>>, vector<16xf32>,
    %swap3A_358 = arith.constant 32 : index
    %swap3A_359 = tpu.vector_load %arg14[%swap3A_358] {strides = array<i32>} : memref<80xi32, #tpu.memory_space<vmem>>, vector<16xi32>,
    tpu.vector_store %arg14[%swap3A_358], %get3A_342 {strides = array<i32>} : memref<80xi32, #tpu.memory_space<vmem>>, vector<16xi32>,
    %get3A_360 = arith.constant 48 : index
    %get3A_361 = tpu.vector_load %arg12[%get3A_360] {strides = array<i32>} : memref<80xi32, #tpu.memory_space<vmem>>, vector<16xi32>,
    %get3A_362 = arith.constant 48 : index
    %get3A_363 = tpu.vector_load %arg10[%get3A_362] {strides = array<i32>} : memref<80xi32, #tpu.memory_space<vmem>>, vector<16xi32>,
    %gather3A_364 = tpu.vector_load_idx %arg7[%get3A_363] : memref<10240xf32, #tpu.memory_space<vmem>>[vector<16xi32>], vector<16xf32>,
    %gather3A_365 = tpu.vector_load_idx %arg8[%get3A_361] : memref<10240xf32, #tpu.memory_space<vmem>>[vector<16xi32>], vector<16xf32>,
    %add3A_366 = arith.addf %gather3A_364, %gather3A_365 : vector<16xf32>
    %ge3A_367 = arith.constant 0.000000e+00 : f32
    %ge3A_368 = vector.broadcast %ge3A_367 : f32 to vector<16xf32>
    %ge3A_369 = arith.cmpf oge, %add3A_366, %ge3A_368 : vector<16xf32>
    %mul3A_370 = arith.constant 2.000000e-01 : f32
    %mul3A_371 = vector.broadcast %mul3A_370 : f32 to vector<16xf32>
    %mul3A_372 = arith.mulf %mul3A_371, %add3A_366 : vector<16xf32>
    %select_n3A_373 = arith.select %ge3A_369, %add3A_366, %mul3A_372 : vector<16xi1>, vector<16xf32>
    %exp3A_374 = math.exp %select_n3A_373 : vector<16xf32>
    %swap3A_375 = arith.constant 48 : index
    %swap3A_376 = tpu.vector_load %arg16[%swap3A_375] {strides = array<i32>} : memref<80xf32, #tpu.memory_space<vmem>>, vector<16xf32>,
    tpu.vector_store %arg16[%swap3A_375], %exp3A_374 {strides = array<i32>} : memref<80xf32, #tpu.memory_space<vmem>>, vector<16xf32>,
    %swap3A_377 = arith.constant 48 : index
    %swap3A_378 = tpu.vector_load %arg14[%swap3A_377] {strides = array<i32>} : memref<80xi32, #tpu.memory_space<vmem>>, vector<16xi32>,
    tpu.vector_store %arg14[%swap3A_377], %get3A_361 {strides = array<i32>} : memref<80xi32, #tpu.memory_space<vmem>>, vector<16xi32>,
    %get3A_379 = arith.constant 64 : index
    %get3A_380 = tpu.vector_load %arg12[%get3A_379] {strides = array<i32>} : memref<80xi32, #tpu.memory_space<vmem>>, vector<16xi32>,
    %get3A_381 = arith.constant 64 : index
    %get3A_382 = tpu.vector_load %arg10[%get3A_381] {strides = array<i32>} : memref<80xi32, #tpu.memory_space<vmem>>, vector<16xi32>,
    %gather3A_383 = tpu.vector_load_idx %arg7[%get3A_382] : memref<10240xf32, #tpu.memory_space<vmem>>[vector<16xi32>], vector<16xf32>,
    %gather3A_384 = tpu.vector_load_idx %arg8[%get3A_380] : memref<10240xf32, #tpu.memory_space<vmem>>[vector<16xi32>], vector<16xf32>,
    %add3A_385 = arith.addf %gather3A_383, %gather3A_384 : vector<16xf32>
    %ge3A_386 = arith.constant 0.000000e+00 : f32
    %ge3A_387 = vector.broadcast %ge3A_386 : f32 to vector<16xf32>
    %ge3A_388 = arith.cmpf oge, %add3A_385, %ge3A_387 : vector<16xf32>
    %mul3A_389 = arith.constant 2.000000e-01 : f32
    %mul3A_390 = vector.broadcast %mul3A_389 : f32 to vector<16xf32>
    %mul3A_391 = arith.mulf %mul3A_390, %add3A_385 : vector<16xf32>
    %select_n3A_392 = arith.select %ge3A_388, %add3A_385, %mul3A_391 : vector<16xi1>, vector<16xf32>
    %exp3A_393 = math.exp %select_n3A_392 : vector<16xf32>
    %swap3A_394 = arith.constant 64 : index
    %swap3A_395 = tpu.vector_load %arg16[%swap3A_394] {strides = array<i32>} : memref<80xf32, #tpu.memory_space<vmem>>, vector<16xf32>,
    tpu.vector_store %arg16[%swap3A_394], %exp3A_393 {strides = array<i32>} : memref<80xf32, #tpu.memory_space<vmem>>, vector<16xf32>,
    %swap3A_396 = arith.constant 64 : index
    %swap3A_397 = tpu.vector_load %arg14[%swap3A_396] {strides = array<i32>} : memref<80xi32, #tpu.memory_space<vmem>>, vector<16xi32>,
    tpu.vector_store %arg14[%swap3A_396], %get3A_380 {strides = array<i32>} : memref<80xi32, #tpu.memory_space<vmem>>, vector<16xi32>,
    %scan3A_398 = arith.constant 0 : i32
    %scan3A_399 = arith.constant 0 : i32
    %scan3A_400 = arith.constant 20 : i32
    %scan3A_401 = arith.addi %scan3A_399, %scan3A_400 : i32
    %scan3A_402 = arith.constant 1 : i32
    %scan3A_403 = scf.for %scan3A_841 = %scan3A_399 to %scan3A_401 step %scan3A_402 iter_args(%scan3A_842 = %scan3A_398) -> (i32)  : i32 {
      %mul3A_843 = arith.constant 2 : i32
      %mul3A_844 = arith.muli %scan3A_841, %mul3A_843 : i32
      %add3A_845 = arith.constant 0 : i32
      %add3A_846 = arith.addi %add3A_845, %mul3A_844 : i32
      %broadcast_in_dim3A_847 = vector.broadcast %add3A_846 : i32 to vector<16xi32>
      %gather3A_848 = tpu.vector_load_idx %arg15[%broadcast_in_dim3A_847] : memref<80xf32, #tpu.memory_space<vmem>>[vector<16xi32>], vector<16xf32>,
      %add3A_849 = arith.constant 1 : i32
      %add3A_850 = arith.addi %add3A_846, %add3A_849 : i32
      %broadcast_in_dim3A_851 = vector.broadcast %add3A_850 : i32 to vector<16xi32>
      %gather3A_852 = tpu.vector_load_idx %arg15[%broadcast_in_dim3A_851] : memref<80xf32, #tpu.memory_space<vmem>>[vector<16xi32>], vector<16xf32>,
      %get3A_853 = arith.index_cast %add3A_846 : i32 to index
      %get3A_854 = arith.constant 0 : index
      %get3A_855 = tpu.vector_load %arg17[%get3A_853, %get3A_854] {strides = array<i32>} : memref<80x136xf32, #tpu.memory_space<vmem>>, vector<16xf32>,
      %mul3A_856 = arith.mulf %get3A_855, %gather3A_848 : vector<16xf32>
      %swap3A_857 = arith.index_cast %add3A_846 : i32 to index
      %swap3A_858 = arith.constant 0 : index
      %swap3A_859 = tpu.vector_load %arg17[%swap3A_857, %swap3A_858] {strides = array<i32>} : memref<80x136xf32, #tpu.memory_space<vmem>>, vector<16xf32>,
      tpu.vector_store %arg17[%swap3A_857, %swap3A_858], %mul3A_856 {strides = array<i32>} : memref<80x136xf32, #tpu.memory_space<vmem>>, vector<16xf32>,
      %get3A_860 = arith.index_cast %add3A_846 : i32 to index
      %get3A_861 = arith.constant 16 : index
      %get3A_862 = tpu.vector_load %arg17[%get3A_860, %get3A_861] {strides = array<i32>} : memref<80x136xf32, #tpu.memory_space<vmem>>, vector<16xf32>,
      %mul3A_863 = arith.mulf %get3A_862, %gather3A_848 : vector<16xf32>
      %swap3A_864 = arith.index_cast %add3A_846 : i32 to index
      %swap3A_865 = arith.constant 16 : index
      %swap3A_866 = tpu.vector_load %arg17[%swap3A_864, %swap3A_865] {strides = array<i32>} : memref<80x136xf32, #tpu.memory_space<vmem>>, vector<16xf32>,
      tpu.vector_store %arg17[%swap3A_864, %swap3A_865], %mul3A_863 {strides = array<i32>} : memref<80x136xf32, #tpu.memory_space<vmem>>, vector<16xf32>,
      %get3A_867 = arith.index_cast %add3A_846 : i32 to index
      %get3A_868 = arith.constant 32 : index
      %get3A_869 = tpu.vector_load %arg17[%get3A_867, %get3A_868] {strides = array<i32>} : memref<80x136xf32, #tpu.memory_space<vmem>>, vector<16xf32>,
      %mul3A_870 = arith.mulf %get3A_869, %gather3A_848 : vector<16xf32>
      %swap3A_871 = arith.index_cast %add3A_846 : i32 to index
      %swap3A_872 = arith.constant 32 : index
      %swap3A_873 = tpu.vector_load %arg17[%swap3A_871, %swap3A_872] {strides = array<i32>} : memref<80x136xf32, #tpu.memory_space<vmem>>, vector<16xf32>,
      tpu.vector_store %arg17[%swap3A_871, %swap3A_872], %mul3A_870 {strides = array<i32>} : memref<80x136xf32, #tpu.memory_space<vmem>>, vector<16xf32>,
      %get3A_874 = arith.index_cast %add3A_846 : i32 to index
      %get3A_875 = arith.constant 48 : index
      %get3A_876 = tpu.vector_load %arg17[%get3A_874, %get3A_875] {strides = array<i32>} : memref<80x136xf32, #tpu.memory_space<vmem>>, vector<16xf32>,
      %mul3A_877 = arith.mulf %get3A_876, %gather3A_848 : vector<16xf32>
      %swap3A_878 = arith.index_cast %add3A_846 : i32 to index
      %swap3A_879 = arith.constant 48 : index
      %swap3A_880 = tpu.vector_load %arg17[%swap3A_878, %swap3A_879] {strides = array<i32>} : memref<80x136xf32, #tpu.memory_space<vmem>>, vector<16xf32>,
      tpu.vector_store %arg17[%swap3A_878, %swap3A_879], %mul3A_877 {strides = array<i32>} : memref<80x136xf32, #tpu.memory_space<vmem>>, vector<16xf32>,
      %get3A_881 = arith.index_cast %add3A_846 : i32 to index
      %get3A_882 = arith.constant 64 : index
      %get3A_883 = tpu.vector_load %arg17[%get3A_881, %get3A_882] {strides = array<i32>} : memref<80x136xf32, #tpu.memory_space<vmem>>, vector<16xf32>,
      %mul3A_884 = arith.mulf %get3A_883, %gather3A_848 : vector<16xf32>
      %swap3A_885 = arith.index_cast %add3A_846 : i32 to index
      %swap3A_886 = arith.constant 64 : index
      %swap3A_887 = tpu.vector_load %arg17[%swap3A_885, %swap3A_886] {strides = array<i32>} : memref<80x136xf32, #tpu.memory_space<vmem>>, vector<16xf32>,
      tpu.vector_store %arg17[%swap3A_885, %swap3A_886], %mul3A_884 {strides = array<i32>} : memref<80x136xf32, #tpu.memory_space<vmem>>, vector<16xf32>,
      %get3A_888 = arith.index_cast %add3A_846 : i32 to index
      %get3A_889 = arith.constant 80 : index
      %get3A_890 = tpu.vector_load %arg17[%get3A_888, %get3A_889] {strides = array<i32>} : memref<80x136xf32, #tpu.memory_space<vmem>>, vector<16xf32>,
      %mul3A_891 = arith.mulf %get3A_890, %gather3A_848 : vector<16xf32>
      %swap3A_892 = arith.index_cast %add3A_846 : i32 to index
      %swap3A_893 = arith.constant 80 : index
      %swap3A_894 = tpu.vector_load %arg17[%swap3A_892, %swap3A_893] {strides = array<i32>} : memref<80x136xf32, #tpu.memory_space<vmem>>, vector<16xf32>,
      tpu.vector_store %arg17[%swap3A_892, %swap3A_893], %mul3A_891 {strides = array<i32>} : memref<80x136xf32, #tpu.memory_space<vmem>>, vector<16xf32>,
      %get3A_895 = arith.index_cast %add3A_846 : i32 to index
      %get3A_896 = arith.constant 96 : index
      %get3A_897 = tpu.vector_load %arg17[%get3A_895, %get3A_896] {strides = array<i32>} : memref<80x136xf32, #tpu.memory_space<vmem>>, vector<16xf32>,
      %mul3A_898 = arith.mulf %get3A_897, %gather3A_848 : vector<16xf32>
      %swap3A_899 = arith.index_cast %add3A_846 : i32 to index
      %swap3A_900 = arith.constant 96 : index
      %swap3A_901 = tpu.vector_load %arg17[%swap3A_899, %swap3A_900] {strides = array<i32>} : memref<80x136xf32, #tpu.memory_space<vmem>>, vector<16xf32>,
      tpu.vector_store %arg17[%swap3A_899, %swap3A_900], %mul3A_898 {strides = array<i32>} : memref<80x136xf32, #tpu.memory_space<vmem>>, vector<16xf32>,
      %get3A_902 = arith.index_cast %add3A_846 : i32 to index
      %get3A_903 = arith.constant 112 : index
      %get3A_904 = tpu.vector_load %arg17[%get3A_902, %get3A_903] {strides = array<i32>} : memref<80x136xf32, #tpu.memory_space<vmem>>, vector<16xf32>,
      %mul3A_905 = arith.mulf %get3A_904, %gather3A_848 : vector<16xf32>
      %swap3A_906 = arith.index_cast %add3A_846 : i32 to index
      %swap3A_907 = arith.constant 112 : index
      %swap3A_908 = tpu.vector_load %arg17[%swap3A_906, %swap3A_907] {strides = array<i32>} : memref<80x136xf32, #tpu.memory_space<vmem>>, vector<16xf32>,
      tpu.vector_store %arg17[%swap3A_906, %swap3A_907], %mul3A_905 {strides = array<i32>} : memref<80x136xf32, #tpu.memory_space<vmem>>, vector<16xf32>,
      %add3A_909 = arith.constant 1 : i32
      %add3A_910 = arith.addi %add3A_846, %add3A_909 : i32
      %get3A_911 = arith.index_cast %add3A_910 : i32 to index
      %get3A_912 = arith.constant 0 : index
      %get3A_913 = tpu.vector_load %arg17[%get3A_911, %get3A_912] {strides = array<i32>} : memref<80x136xf32, #tpu.memory_space<vmem>>, vector<16xf32>,
      %mul3A_914 = arith.mulf %get3A_913, %gather3A_852 : vector<16xf32>
      %add3A_915 = arith.constant 1 : i32
      %add3A_916 = arith.addi %add3A_846, %add3A_915 : i32
      %swap3A_917 = arith.index_cast %add3A_916 : i32 to index
      %swap3A_918 = arith.constant 0 : index
      %swap3A_919 = tpu.vector_load %arg17[%swap3A_917, %swap3A_918] {strides = array<i32>} : memref<80x136xf32, #tpu.memory_space<vmem>>, vector<16xf32>,
      tpu.vector_store %arg17[%swap3A_917, %swap3A_918], %mul3A_914 {strides = array<i32>} : memref<80x136xf32, #tpu.memory_space<vmem>>, vector<16xf32>,
      %add3A_920 = arith.constant 1 : i32
      %add3A_921 = arith.addi %add3A_846, %add3A_920 : i32
      %get3A_922 = arith.index_cast %add3A_921 : i32 to index
      %get3A_923 = arith.constant 16 : index
      %get3A_924 = tpu.vector_load %arg17[%get3A_922, %get3A_923] {strides = array<i32>} : memref<80x136xf32, #tpu.memory_space<vmem>>, vector<16xf32>,
      %mul3A_925 = arith.mulf %get3A_924, %gather3A_852 : vector<16xf32>
      %add3A_926 = arith.constant 1 : i32
      %add3A_927 = arith.addi %add3A_846, %add3A_926 : i32
      %swap3A_928 = arith.index_cast %add3A_927 : i32 to index
      %swap3A_929 = arith.constant 16 : index
      %swap3A_930 = tpu.vector_load %arg17[%swap3A_928, %swap3A_929] {strides = array<i32>} : memref<80x136xf32, #tpu.memory_space<vmem>>, vector<16xf32>,
      tpu.vector_store %arg17[%swap3A_928, %swap3A_929], %mul3A_925 {strides = array<i32>} : memref<80x136xf32, #tpu.memory_space<vmem>>, vector<16xf32>,
      %add3A_931 = arith.constant 1 : i32
      %add3A_932 = arith.addi %add3A_846, %add3A_931 : i32
      %get3A_933 = arith.index_cast %add3A_932 : i32 to index
      %get3A_934 = arith.constant 32 : index
      %get3A_935 = tpu.vector_load %arg17[%get3A_933, %get3A_934] {strides = array<i32>} : memref<80x136xf32, #tpu.memory_space<vmem>>, vector<16xf32>,
      %mul3A_936 = arith.mulf %get3A_935, %gather3A_852 : vector<16xf32>
      %add3A_937 = arith.constant 1 : i32
      %add3A_938 = arith.addi %add3A_846, %add3A_937 : i32
      %swap3A_939 = arith.index_cast %add3A_938 : i32 to index
      %swap3A_940 = arith.constant 32 : index
      %swap3A_941 = tpu.vector_load %arg17[%swap3A_939, %swap3A_940] {strides = array<i32>} : memref<80x136xf32, #tpu.memory_space<vmem>>, vector<16xf32>,
      tpu.vector_store %arg17[%swap3A_939, %swap3A_940], %mul3A_936 {strides = array<i32>} : memref<80x136xf32, #tpu.memory_space<vmem>>, vector<16xf32>,
      %add3A_942 = arith.constant 1 : i32
      %add3A_943 = arith.addi %add3A_846, %add3A_942 : i32
      %get3A_944 = arith.index_cast %add3A_943 : i32 to index
      %get3A_945 = arith.constant 48 : index
      %get3A_946 = tpu.vector_load %arg17[%get3A_944, %get3A_945] {strides = array<i32>} : memref<80x136xf32, #tpu.memory_space<vmem>>, vector<16xf32>,
      %mul3A_947 = arith.mulf %get3A_946, %gather3A_852 : vector<16xf32>
      %add3A_948 = arith.constant 1 : i32
      %add3A_949 = arith.addi %add3A_846, %add3A_948 : i32
      %swap3A_950 = arith.index_cast %add3A_949 : i32 to index
      %swap3A_951 = arith.constant 48 : index
      %swap3A_952 = tpu.vector_load %arg17[%swap3A_950, %swap3A_951] {strides = array<i32>} : memref<80x136xf32, #tpu.memory_space<vmem>>, vector<16xf32>,
      tpu.vector_store %arg17[%swap3A_950, %swap3A_951], %mul3A_947 {strides = array<i32>} : memref<80x136xf32, #tpu.memory_space<vmem>>, vector<16xf32>,
      %add3A_953 = arith.constant 1 : i32
      %add3A_954 = arith.addi %add3A_846, %add3A_953 : i32
      %get3A_955 = arith.index_cast %add3A_954 : i32 to index
      %get3A_956 = arith.constant 64 : index
      %get3A_957 = tpu.vector_load %arg17[%get3A_955, %get3A_956] {strides = array<i32>} : memref<80x136xf32, #tpu.memory_space<vmem>>, vector<16xf32>,
      %mul3A_958 = arith.mulf %get3A_957, %gather3A_852 : vector<16xf32>
      %add3A_959 = arith.constant 1 : i32
      %add3A_960 = arith.addi %add3A_846, %add3A_959 : i32
      %swap3A_961 = arith.index_cast %add3A_960 : i32 to index
      %swap3A_962 = arith.constant 64 : index
      %swap3A_963 = tpu.vector_load %arg17[%swap3A_961, %swap3A_962] {strides = array<i32>} : memref<80x136xf32, #tpu.memory_space<vmem>>, vector<16xf32>,
      tpu.vector_store %arg17[%swap3A_961, %swap3A_962], %mul3A_958 {strides = array<i32>} : memref<80x136xf32, #tpu.memory_space<vmem>>, vector<16xf32>,
      %add3A_964 = arith.constant 1 : i32
      %add3A_965 = arith.addi %add3A_846, %add3A_964 : i32
      %get3A_966 = arith.index_cast %add3A_965 : i32 to index
      %get3A_967 = arith.constant 80 : index
      %get3A_968 = tpu.vector_load %arg17[%get3A_966, %get3A_967] {strides = array<i32>} : memref<80x136xf32, #tpu.memory_space<vmem>>, vector<16xf32>,
      %mul3A_969 = arith.mulf %get3A_968, %gather3A_852 : vector<16xf32>
      %add3A_970 = arith.constant 1 : i32
      %add3A_971 = arith.addi %add3A_846, %add3A_970 : i32
      %swap3A_972 = arith.index_cast %add3A_971 : i32 to index
      %swap3A_973 = arith.constant 80 : index
      %swap3A_974 = tpu.vector_load %arg17[%swap3A_972, %swap3A_973] {strides = array<i32>} : memref<80x136xf32, #tpu.memory_space<vmem>>, vector<16xf32>,
      tpu.vector_store %arg17[%swap3A_972, %swap3A_973], %mul3A_969 {strides = array<i32>} : memref<80x136xf32, #tpu.memory_space<vmem>>, vector<16xf32>,
      %add3A_975 = arith.constant 1 : i32
      %add3A_976 = arith.addi %add3A_846, %add3A_975 : i32
      %get3A_977 = arith.index_cast %add3A_976 : i32 to index
      %get3A_978 = arith.constant 96 : index
      %get3A_979 = tpu.vector_load %arg17[%get3A_977, %get3A_978] {strides = array<i32>} : memref<80x136xf32, #tpu.memory_space<vmem>>, vector<16xf32>,
      %mul3A_980 = arith.mulf %get3A_979, %gather3A_852 : vector<16xf32>
      %add3A_981 = arith.constant 1 : i32
      %add3A_982 = arith.addi %add3A_846, %add3A_981 : i32
      %swap3A_983 = arith.index_cast %add3A_982 : i32 to index
      %swap3A_984 = arith.constant 96 : index
      %swap3A_985 = tpu.vector_load %arg17[%swap3A_983, %swap3A_984] {strides = array<i32>} : memref<80x136xf32, #tpu.memory_space<vmem>>, vector<16xf32>,
      tpu.vector_store %arg17[%swap3A_983, %swap3A_984], %mul3A_980 {strides = array<i32>} : memref<80x136xf32, #tpu.memory_space<vmem>>, vector<16xf32>,
      %add3A_986 = arith.constant 1 : i32
      %add3A_987 = arith.addi %add3A_846, %add3A_986 : i32
      %get3A_988 = arith.index_cast %add3A_987 : i32 to index
      %get3A_989 = arith.constant 112 : index
      %get3A_990 = tpu.vector_load %arg17[%get3A_988, %get3A_989] {strides = array<i32>} : memref<80x136xf32, #tpu.memory_space<vmem>>, vector<16xf32>,
      %mul3A_991 = arith.mulf %get3A_990, %gather3A_852 : vector<16xf32>
      %add3A_992 = arith.constant 1 : i32
      %add3A_993 = arith.addi %add3A_846, %add3A_992 : i32
      %swap3A_994 = arith.index_cast %add3A_993 : i32 to index
      %swap3A_995 = arith.constant 112 : index
      %swap3A_996 = tpu.vector_load %arg17[%swap3A_994, %swap3A_995] {strides = array<i32>} : memref<80x136xf32, #tpu.memory_space<vmem>>, vector<16xf32>,
      tpu.vector_store %arg17[%swap3A_994, %swap3A_995], %mul3A_991 {strides = array<i32>} : memref<80x136xf32, #tpu.memory_space<vmem>>, vector<16xf32>,
      %scan3A_997 = arith.constant 0 : i32
      scf.yield %scan3A_997 : i32
    }
    %scan3A_404 = arith.constant 20 : i32
    %dma_wait3A_405 = arith.constant 40 : i32
    %dma_wait3A_406 = arith.constant 0 : i32
    %dma_wait3A_407 = tpu.memref_slice %arg17[%dma_wait3A_405, %dma_wait3A_406] : memref<80x136xf32, #tpu.memory_space<vmem>> -> memref<40x136xf32, #tpu.memory_space<vmem>>
    %dma_wait3A_408 = arith.constant 40 : i32
    %dma_wait3A_409 = tpu.memref_slice %arg9[%dma_wait3A_408] : memref<80xi32, #tpu.memory_space<vmem>> -> memref<40xi32, #tpu.memory_space<vmem>>
    %dma_wait3A_410 = arith.constant 0 : i32
    %dma_wait3A_411 = arith.constant 0 : i32
    %dma_wait3A_412 = tpu.memref_slice %arg2[%dma_wait3A_410, %dma_wait3A_411] : memref<10240x136xf32, #tpu.memory_space<hbm>> -> memref<10240x136xf32, #tpu.memory_space<hbm>>
    tpu.wait_indirect_dma semaphore(%arg26 : memref<!tpu.dma_semaphore, #tpu.memory_space<semaphore_mem>>) src(%dma_wait3A_412 : memref<10240x136xf32, #tpu.memory_space<hbm>>) dst(%dma_wait3A_407 : memref<40x136xf32, #tpu.memory_space<vmem>>)
    %scan3A_413 = arith.constant 0 : i32
    %scan3A_414 = arith.constant 0 : i32
    %scan3A_415 = arith.constant 20 : i32
    %scan3A_416 = arith.addi %scan3A_414, %scan3A_415 : i32
    %scan3A_417 = arith.constant 1 : i32
    %scan3A_418 = scf.for %scan3A_841 = %scan3A_414 to %scan3A_416 step %scan3A_417 iter_args(%scan3A_842 = %scan3A_413) -> (i32)  : i32 {
      %mul3A_843 = arith.constant 2 : i32
      %mul3A_844 = arith.muli %scan3A_841, %mul3A_843 : i32
      %add3A_845 = arith.constant 40 : i32
      %add3A_846 = arith.addi %add3A_845, %mul3A_844 : i32
      %broadcast_in_dim3A_847 = vector.broadcast %add3A_846 : i32 to vector<16xi32>
      %gather3A_848 = tpu.vector_load_idx %arg15[%broadcast_in_dim3A_847] : memref<80xf32, #tpu.memory_space<vmem>>[vector<16xi32>], vector<16xf32>,
      %add3A_849 = arith.constant 1 : i32
      %add3A_850 = arith.addi %add3A_846, %add3A_849 : i32
      %broadcast_in_dim3A_851 = vector.broadcast %add3A_850 : i32 to vector<16xi32>
      %gather3A_852 = tpu.vector_load_idx %arg15[%broadcast_in_dim3A_851] : memref<80xf32, #tpu.memory_space<vmem>>[vector<16xi32>], vector<16xf32>,
      %get3A_853 = arith.index_cast %add3A_846 : i32 to index
      %get3A_854 = arith.constant 0 : index
      %get3A_855 = tpu.vector_load %arg17[%get3A_853, %get3A_854] {strides = array<i32>} : memref<80x136xf32, #tpu.memory_space<vmem>>, vector<16xf32>,
      %mul3A_856 = arith.mulf %get3A_855, %gather3A_848 : vector<16xf32>
      %swap3A_857 = arith.index_cast %add3A_846 : i32 to index
      %swap3A_858 = arith.constant 0 : index
      %swap3A_859 = tpu.vector_load %arg17[%swap3A_857, %swap3A_858] {strides = array<i32>} : memref<80x136xf32, #tpu.memory_space<vmem>>, vector<16xf32>,
      tpu.vector_store %arg17[%swap3A_857, %swap3A_858], %mul3A_856 {strides = array<i32>} : memref<80x136xf32, #tpu.memory_space<vmem>>, vector<16xf32>,
      %get3A_860 = arith.index_cast %add3A_846 : i32 to index
      %get3A_861 = arith.constant 16 : index
      %get3A_862 = tpu.vector_load %arg17[%get3A_860, %get3A_861] {strides = array<i32>} : memref<80x136xf32, #tpu.memory_space<vmem>>, vector<16xf32>,
      %mul3A_863 = arith.mulf %get3A_862, %gather3A_848 : vector<16xf32>
      %swap3A_864 = arith.index_cast %add3A_846 : i32 to index
      %swap3A_865 = arith.constant 16 : index
      %swap3A_866 = tpu.vector_load %arg17[%swap3A_864, %swap3A_865] {strides = array<i32>} : memref<80x136xf32, #tpu.memory_space<vmem>>, vector<16xf32>,
      tpu.vector_store %arg17[%swap3A_864, %swap3A_865], %mul3A_863 {strides = array<i32>} : memref<80x136xf32, #tpu.memory_space<vmem>>, vector<16xf32>,
      %get3A_867 = arith.index_cast %add3A_846 : i32 to index
      %get3A_868 = arith.constant 32 : index
      %get3A_869 = tpu.vector_load %arg17[%get3A_867, %get3A_868] {strides = array<i32>} : memref<80x136xf32, #tpu.memory_space<vmem>>, vector<16xf32>,
      %mul3A_870 = arith.mulf %get3A_869, %gather3A_848 : vector<16xf32>
      %swap3A_871 = arith.index_cast %add3A_846 : i32 to index
      %swap3A_872 = arith.constant 32 : index
      %swap3A_873 = tpu.vector_load %arg17[%swap3A_871, %swap3A_872] {strides = array<i32>} : memref<80x136xf32, #tpu.memory_space<vmem>>, vector<16xf32>,
      tpu.vector_store %arg17[%swap3A_871, %swap3A_872], %mul3A_870 {strides = array<i32>} : memref<80x136xf32, #tpu.memory_space<vmem>>, vector<16xf32>,
      %get3A_874 = arith.index_cast %add3A_846 : i32 to index
      %get3A_875 = arith.constant 48 : index
      %get3A_876 = tpu.vector_load %arg17[%get3A_874, %get3A_875] {strides = array<i32>} : memref<80x136xf32, #tpu.memory_space<vmem>>, vector<16xf32>,
      %mul3A_877 = arith.mulf %get3A_876, %gather3A_848 : vector<16xf32>
      %swap3A_878 = arith.index_cast %add3A_846 : i32 to index
      %swap3A_879 = arith.constant 48 : index
      %swap3A_880 = tpu.vector_load %arg17[%swap3A_878, %swap3A_879] {strides = array<i32>} : memref<80x136xf32, #tpu.memory_space<vmem>>, vector<16xf32>,
      tpu.vector_store %arg17[%swap3A_878, %swap3A_879], %mul3A_877 {strides = array<i32>} : memref<80x136xf32, #tpu.memory_space<vmem>>, vector<16xf32>,
      %get3A_881 = arith.index_cast %add3A_846 : i32 to index
      %get3A_882 = arith.constant 64 : index
      %get3A_883 = tpu.vector_load %arg17[%get3A_881, %get3A_882] {strides = array<i32>} : memref<80x136xf32, #tpu.memory_space<vmem>>, vector<16xf32>,
      %mul3A_884 = arith.mulf %get3A_883, %gather3A_848 : vector<16xf32>
      %swap3A_885 = arith.index_cast %add3A_846 : i32 to index
      %swap3A_886 = arith.constant 64 : index
      %swap3A_887 = tpu.vector_load %arg17[%swap3A_885, %swap3A_886] {strides = array<i32>} : memref<80x136xf32, #tpu.memory_space<vmem>>, vector<16xf32>,
      tpu.vector_store %arg17[%swap3A_885, %swap3A_886], %mul3A_884 {strides = array<i32>} : memref<80x136xf32, #tpu.memory_space<vmem>>, vector<16xf32>,
      %get3A_888 = arith.index_cast %add3A_846 : i32 to index
      %get3A_889 = arith.constant 80 : index
      %get3A_890 = tpu.vector_load %arg17[%get3A_888, %get3A_889] {strides = array<i32>} : memref<80x136xf32, #tpu.memory_space<vmem>>, vector<16xf32>,
      %mul3A_891 = arith.mulf %get3A_890, %gather3A_848 : vector<16xf32>
      %swap3A_892 = arith.index_cast %add3A_846 : i32 to index
      %swap3A_893 = arith.constant 80 : index
      %swap3A_894 = tpu.vector_load %arg17[%swap3A_892, %swap3A_893] {strides = array<i32>} : memref<80x136xf32, #tpu.memory_space<vmem>>, vector<16xf32>,
      tpu.vector_store %arg17[%swap3A_892, %swap3A_893], %mul3A_891 {strides = array<i32>} : memref<80x136xf32, #tpu.memory_space<vmem>>, vector<16xf32>,
      %get3A_895 = arith.index_cast %add3A_846 : i32 to index
      %get3A_896 = arith.constant 96 : index
      %get3A_897 = tpu.vector_load %arg17[%get3A_895, %get3A_896] {strides = array<i32>} : memref<80x136xf32, #tpu.memory_space<vmem>>, vector<16xf32>,
      %mul3A_898 = arith.mulf %get3A_897, %gather3A_848 : vector<16xf32>
      %swap3A_899 = arith.index_cast %add3A_846 : i32 to index
      %swap3A_900 = arith.constant 96 : index
      %swap3A_901 = tpu.vector_load %arg17[%swap3A_899, %swap3A_900] {strides = array<i32>} : memref<80x136xf32, #tpu.memory_space<vmem>>, vector<16xf32>,
      tpu.vector_store %arg17[%swap3A_899, %swap3A_900], %mul3A_898 {strides = array<i32>} : memref<80x136xf32, #tpu.memory_space<vmem>>, vector<16xf32>,
      %get3A_902 = arith.index_cast %add3A_846 : i32 to index
      %get3A_903 = arith.constant 112 : index
      %get3A_904 = tpu.vector_load %arg17[%get3A_902, %get3A_903] {strides = array<i32>} : memref<80x136xf32, #tpu.memory_space<vmem>>, vector<16xf32>,
      %mul3A_905 = arith.mulf %get3A_904, %gather3A_848 : vector<16xf32>
      %swap3A_906 = arith.index_cast %add3A_846 : i32 to index
      %swap3A_907 = arith.constant 112 : index
      %swap3A_908 = tpu.vector_load %arg17[%swap3A_906, %swap3A_907] {strides = array<i32>} : memref<80x136xf32, #tpu.memory_space<vmem>>, vector<16xf32>,
      tpu.vector_store %arg17[%swap3A_906, %swap3A_907], %mul3A_905 {strides = array<i32>} : memref<80x136xf32, #tpu.memory_space<vmem>>, vector<16xf32>,
      %add3A_909 = arith.constant 1 : i32
      %add3A_910 = arith.addi %add3A_846, %add3A_909 : i32
      %get3A_911 = arith.index_cast %add3A_910 : i32 to index
      %get3A_912 = arith.constant 0 : index
      %get3A_913 = tpu.vector_load %arg17[%get3A_911, %get3A_912] {strides = array<i32>} : memref<80x136xf32, #tpu.memory_space<vmem>>, vector<16xf32>,
      %mul3A_914 = arith.mulf %get3A_913, %gather3A_852 : vector<16xf32>
      %add3A_915 = arith.constant 1 : i32
      %add3A_916 = arith.addi %add3A_846, %add3A_915 : i32
      %swap3A_917 = arith.index_cast %add3A_916 : i32 to index
      %swap3A_918 = arith.constant 0 : index
      %swap3A_919 = tpu.vector_load %arg17[%swap3A_917, %swap3A_918] {strides = array<i32>} : memref<80x136xf32, #tpu.memory_space<vmem>>, vector<16xf32>,
      tpu.vector_store %arg17[%swap3A_917, %swap3A_918], %mul3A_914 {strides = array<i32>} : memref<80x136xf32, #tpu.memory_space<vmem>>, vector<16xf32>,
      %add3A_920 = arith.constant 1 : i32
      %add3A_921 = arith.addi %add3A_846, %add3A_920 : i32
      %get3A_922 = arith.index_cast %add3A_921 : i32 to index
      %get3A_923 = arith.constant 16 : index
      %get3A_924 = tpu.vector_load %arg17[%get3A_922, %get3A_923] {strides = array<i32>} : memref<80x136xf32, #tpu.memory_space<vmem>>, vector<16xf32>,
      %mul3A_925 = arith.mulf %get3A_924, %gather3A_852 : vector<16xf32>
      %add3A_926 = arith.constant 1 : i32
      %add3A_927 = arith.addi %add3A_846, %add3A_926 : i32
      %swap3A_928 = arith.index_cast %add3A_927 : i32 to index
      %swap3A_929 = arith.constant 16 : index
      %swap3A_930 = tpu.vector_load %arg17[%swap3A_928, %swap3A_929] {strides = array<i32>} : memref<80x136xf32, #tpu.memory_space<vmem>>, vector<16xf32>,
      tpu.vector_store %arg17[%swap3A_928, %swap3A_929], %mul3A_925 {strides = array<i32>} : memref<80x136xf32, #tpu.memory_space<vmem>>, vector<16xf32>,
      %add3A_931 = arith.constant 1 : i32
      %add3A_932 = arith.addi %add3A_846, %add3A_931 : i32
      %get3A_933 = arith.index_cast %add3A_932 : i32 to index
      %get3A_934 = arith.constant 32 : index
      %get3A_935 = tpu.vector_load %arg17[%get3A_933, %get3A_934] {strides = array<i32>} : memref<80x136xf32, #tpu.memory_space<vmem>>, vector<16xf32>,
      %mul3A_936 = arith.mulf %get3A_935, %gather3A_852 : vector<16xf32>
      %add3A_937 = arith.constant 1 : i32
      %add3A_938 = arith.addi %add3A_846, %add3A_937 : i32
      %swap3A_939 = arith.index_cast %add3A_938 : i32 to index
      %swap3A_940 = arith.constant 32 : index
      %swap3A_941 = tpu.vector_load %arg17[%swap3A_939, %swap3A_940] {strides = array<i32>} : memref<80x136xf32, #tpu.memory_space<vmem>>, vector<16xf32>,
      tpu.vector_store %arg17[%swap3A_939, %swap3A_940], %mul3A_936 {strides = array<i32>} : memref<80x136xf32, #tpu.memory_space<vmem>>, vector<16xf32>,
      %add3A_942 = arith.constant 1 : i32
      %add3A_943 = arith.addi %add3A_846, %add3A_942 : i32
      %get3A_944 = arith.index_cast %add3A_943 : i32 to index
      %get3A_945 = arith.constant 48 : index
      %get3A_946 = tpu.vector_load %arg17[%get3A_944, %get3A_945] {strides = array<i32>} : memref<80x136xf32, #tpu.memory_space<vmem>>, vector<16xf32>,
      %mul3A_947 = arith.mulf %get3A_946, %gather3A_852 : vector<16xf32>
      %add3A_948 = arith.constant 1 : i32
      %add3A_949 = arith.addi %add3A_846, %add3A_948 : i32
      %swap3A_950 = arith.index_cast %add3A_949 : i32 to index
      %swap3A_951 = arith.constant 48 : index
      %swap3A_952 = tpu.vector_load %arg17[%swap3A_950, %swap3A_951] {strides = array<i32>} : memref<80x136xf32, #tpu.memory_space<vmem>>, vector<16xf32>,
      tpu.vector_store %arg17[%swap3A_950, %swap3A_951], %mul3A_947 {strides = array<i32>} : memref<80x136xf32, #tpu.memory_space<vmem>>, vector<16xf32>,
      %add3A_953 = arith.constant 1 : i32
      %add3A_954 = arith.addi %add3A_846, %add3A_953 : i32
      %get3A_955 = arith.index_cast %add3A_954 : i32 to index
      %get3A_956 = arith.constant 64 : index
      %get3A_957 = tpu.vector_load %arg17[%get3A_955, %get3A_956] {strides = array<i32>} : memref<80x136xf32, #tpu.memory_space<vmem>>, vector<16xf32>,
      %mul3A_958 = arith.mulf %get3A_957, %gather3A_852 : vector<16xf32>
      %add3A_959 = arith.constant 1 : i32
      %add3A_960 = arith.addi %add3A_846, %add3A_959 : i32
      %swap3A_961 = arith.index_cast %add3A_960 : i32 to index
      %swap3A_962 = arith.constant 64 : index
      %swap3A_963 = tpu.vector_load %arg17[%swap3A_961, %swap3A_962] {strides = array<i32>} : memref<80x136xf32, #tpu.memory_space<vmem>>, vector<16xf32>,
      tpu.vector_store %arg17[%swap3A_961, %swap3A_962], %mul3A_958 {strides = array<i32>} : memref<80x136xf32, #tpu.memory_space<vmem>>, vector<16xf32>,
      %add3A_964 = arith.constant 1 : i32
      %add3A_965 = arith.addi %add3A_846, %add3A_964 : i32
      %get3A_966 = arith.index_cast %add3A_965 : i32 to index
      %get3A_967 = arith.constant 80 : index
      %get3A_968 = tpu.vector_load %arg17[%get3A_966, %get3A_967] {strides = array<i32>} : memref<80x136xf32, #tpu.memory_space<vmem>>, vector<16xf32>,
      %mul3A_969 = arith.mulf %get3A_968, %gather3A_852 : vector<16xf32>
      %add3A_970 = arith.constant 1 : i32
      %add3A_971 = arith.addi %add3A_846, %add3A_970 : i32
      %swap3A_972 = arith.index_cast %add3A_971 : i32 to index
      %swap3A_973 = arith.constant 80 : index
      %swap3A_974 = tpu.vector_load %arg17[%swap3A_972, %swap3A_973] {strides = array<i32>} : memref<80x136xf32, #tpu.memory_space<vmem>>, vector<16xf32>,
      tpu.vector_store %arg17[%swap3A_972, %swap3A_973], %mul3A_969 {strides = array<i32>} : memref<80x136xf32, #tpu.memory_space<vmem>>, vector<16xf32>,
      %add3A_975 = arith.constant 1 : i32
      %add3A_976 = arith.addi %add3A_846, %add3A_975 : i32
      %get3A_977 = arith.index_cast %add3A_976 : i32 to index
      %get3A_978 = arith.constant 96 : index
      %get3A_979 = tpu.vector_load %arg17[%get3A_977, %get3A_978] {strides = array<i32>} : memref<80x136xf32, #tpu.memory_space<vmem>>, vector<16xf32>,
      %mul3A_980 = arith.mulf %get3A_979, %gather3A_852 : vector<16xf32>
      %add3A_981 = arith.constant 1 : i32
      %add3A_982 = arith.addi %add3A_846, %add3A_981 : i32
      %swap3A_983 = arith.index_cast %add3A_982 : i32 to index
      %swap3A_984 = arith.constant 96 : index
      %swap3A_985 = tpu.vector_load %arg17[%swap3A_983, %swap3A_984] {strides = array<i32>} : memref<80x136xf32, #tpu.memory_space<vmem>>, vector<16xf32>,
      tpu.vector_store %arg17[%swap3A_983, %swap3A_984], %mul3A_980 {strides = array<i32>} : memref<80x136xf32, #tpu.memory_space<vmem>>, vector<16xf32>,
      %add3A_986 = arith.constant 1 : i32
      %add3A_987 = arith.addi %add3A_846, %add3A_986 : i32
      %get3A_988 = arith.index_cast %add3A_987 : i32 to index
      %get3A_989 = arith.constant 112 : index
      %get3A_990 = tpu.vector_load %arg17[%get3A_988, %get3A_989] {strides = array<i32>} : memref<80x136xf32, #tpu.memory_space<vmem>>, vector<16xf32>,
      %mul3A_991 = arith.mulf %get3A_990, %gather3A_852 : vector<16xf32>
      %add3A_992 = arith.constant 1 : i32
      %add3A_993 = arith.addi %add3A_846, %add3A_992 : i32
      %swap3A_994 = arith.index_cast %add3A_993 : i32 to index
      %swap3A_995 = arith.constant 112 : index
      %swap3A_996 = tpu.vector_load %arg17[%swap3A_994, %swap3A_995] {strides = array<i32>} : memref<80x136xf32, #tpu.memory_space<vmem>>, vector<16xf32>,
      tpu.vector_store %arg17[%swap3A_994, %swap3A_995], %mul3A_991 {strides = array<i32>} : memref<80x136xf32, #tpu.memory_space<vmem>>, vector<16xf32>,
      %scan3A_997 = arith.constant 0 : i32
      scf.yield %scan3A_997 : i32
    }
    %scan3A_419 = arith.constant 20 : i32
    %iota3A = tpu.iota {dimensions = array<i32: 0>} : vector<16xi32>
    %broadcast_in_dim3A_420 = arith.constant 128 : i32
    %broadcast_in_dim3A_421 = vector.broadcast %broadcast_in_dim3A_420 : i32 to vector<16xi32>
    %get3A_422 = arith.constant 0 : index
    %get3A_423 = tpu.vector_load %arg15[%get3A_422] {strides = array<i32>} : memref<80xf32, #tpu.memory_space<vmem>>, vector<16xf32>,
    %add3A_424 = arith.constant 0 : i32
    %add3A_425 = vector.broadcast %add3A_424 : i32 to vector<16xi32>
    %add3A_426 = arith.addi %iota3A, %add3A_425 : vector<16xi32>
    tpu.vector_store_idx %arg17[%add3A_426, %broadcast_in_dim3A_421], %get3A_423 : memref<80x136xf32, #tpu.memory_space<vmem>>[vector<16xi32>, vector<16xi32>], vector<16xf32>,
    %get3A_427 = arith.constant 16 : index
    %get3A_428 = tpu.vector_load %arg15[%get3A_427] {strides = array<i32>} : memref<80xf32, #tpu.memory_space<vmem>>, vector<16xf32>,
    %add3A_429 = arith.constant 16 : i32
    %add3A_430 = vector.broadcast %add3A_429 : i32 to vector<16xi32>
    %add3A_431 = arith.addi %iota3A, %add3A_430 : vector<16xi32>
    tpu.vector_store_idx %arg17[%add3A_431, %broadcast_in_dim3A_421], %get3A_428 : memref<80x136xf32, #tpu.memory_space<vmem>>[vector<16xi32>, vector<16xi32>], vector<16xf32>,
    %get3A_432 = arith.constant 32 : index
    %get3A_433 = tpu.vector_load %arg15[%get3A_432] {strides = array<i32>} : memref<80xf32, #tpu.memory_space<vmem>>, vector<16xf32>,
    %add3A_434 = arith.constant 32 : i32
    %add3A_435 = vector.broadcast %add3A_434 : i32 to vector<16xi32>
    %add3A_436 = arith.addi %iota3A, %add3A_435 : vector<16xi32>
    tpu.vector_store_idx %arg17[%add3A_436, %broadcast_in_dim3A_421], %get3A_433 : memref<80x136xf32, #tpu.memory_space<vmem>>[vector<16xi32>, vector<16xi32>], vector<16xf32>,
    %get3A_437 = arith.constant 48 : index
    %get3A_438 = tpu.vector_load %arg15[%get3A_437] {strides = array<i32>} : memref<80xf32, #tpu.memory_space<vmem>>, vector<16xf32>,
    %add3A_439 = arith.constant 48 : i32
    %add3A_440 = vector.broadcast %add3A_439 : i32 to vector<16xi32>
    %add3A_441 = arith.addi %iota3A, %add3A_440 : vector<16xi32>
    tpu.vector_store_idx %arg17[%add3A_441, %broadcast_in_dim3A_421], %get3A_438 : memref<80x136xf32, #tpu.memory_space<vmem>>[vector<16xi32>, vector<16xi32>], vector<16xf32>,
    %get3A_442 = arith.constant 64 : index
    %get3A_443 = tpu.vector_load %arg15[%get3A_442] {strides = array<i32>} : memref<80xf32, #tpu.memory_space<vmem>>, vector<16xf32>,
    %add3A_444 = arith.constant 64 : i32
    %add3A_445 = vector.broadcast %add3A_444 : i32 to vector<16xi32>
    %add3A_446 = arith.addi %iota3A, %add3A_445 : vector<16xi32>
    tpu.vector_store_idx %arg17[%add3A_446, %broadcast_in_dim3A_421], %get3A_443 : memref<80x136xf32, #tpu.memory_space<vmem>>[vector<16xi32>, vector<16xi32>], vector<16xf32>,
    %dma_start3A_447 = arith.constant 0 : i32
    %dma_start3A_448 = arith.constant 0 : i32
    %dma_start3A_449 = tpu.memref_slice %arg19[%dma_start3A_447, %dma_start3A_448] : memref<10240x136xf32, #tpu.memory_space<vmem_shared>> -> memref<10240x136xf32, #tpu.memory_space<vmem_shared>>
    tpu.enqueue_indirect_dma source(%arg17 : memref<80x136xf32, #tpu.memory_space<vmem>>) target(%dma_start3A_449 : memref<10240x136xf32, #tpu.memory_space<vmem_shared>>) offsets(%arg13 : memref<80xi32, #tpu.memory_space<vmem>>) semaphore(%arg24 : memref<!tpu.dma_semaphore, #tpu.memory_space<semaphore_mem>>) {add = true}
    %scan3A_450 = arith.constant 0 : i32
    %scan3A_451 = arith.constant 0 : i32
    %scan3A_452 = arith.constant 61 : i32
    %scan3A_453 = arith.addi %scan3A_451, %scan3A_452 : i32
    %scan3A_454 = arith.constant 1 : i32
    %scan3A_455 = scf.for %scan3A_841 = %scan3A_451 to %scan3A_453 step %scan3A_454 iter_args(%scan3A_842 = %scan3A_450) -> (i32)  : i32 {
      %mul3A_843 = arith.constant 2 : i32
      %mul3A_844 = arith.muli %mul3A_843, %scan3A_841 : i32
      %add3A_845 = arith.constant 1 : i32
      %add3A_846 = arith.addi %mul3A_844, %add3A_845 : i32
      %dma_wait3A_847 = arith.constant 0 : i32
      %dma_wait3A_848 = arith.constant 0 : i32
      %dma_wait3A_849 = tpu.memref_slice %arg18[%dma_wait3A_847, %dma_wait3A_848] : memref<80x136xf32, #tpu.memory_space<vmem>> -> memref<40x136xf32, #tpu.memory_space<vmem>>
      %dma_wait3A_850 = arith.constant 0 : i32
      %dma_wait3A_851 = tpu.memref_slice %arg10[%dma_wait3A_850] : memref<80xi32, #tpu.memory_space<vmem>> -> memref<40xi32, #tpu.memory_space<vmem>>
      %dma_wait3A_852 = arith.constant 0 : i32
      %dma_wait3A_853 = arith.constant 0 : i32
      %dma_wait3A_854 = tpu.memref_slice %arg2[%dma_wait3A_852, %dma_wait3A_853] : memref<10240x136xf32, #tpu.memory_space<hbm>> -> memref<10240x136xf32, #tpu.memory_space<hbm>>
      tpu.wait_indirect_dma semaphore(%arg23 : memref<!tpu.dma_semaphore, #tpu.memory_space<semaphore_mem>>) src(%dma_wait3A_854 : memref<10240x136xf32, #tpu.memory_space<hbm>>) dst(%dma_wait3A_849 : memref<40x136xf32, #tpu.memory_space<vmem>>)
      %add3A_855 = arith.constant 2 : i32
      %add3A_856 = arith.addi %add3A_846, %add3A_855 : i32
      %mul3A_857 = arith.constant 80 : i32
      %mul3A_858 = arith.muli %add3A_856, %mul3A_857 : i32
      %add3A_859 = arith.addi %mul3A_2, %mul3A_858 : i32
      %dma_start3A_860 = arith.constant 0 : i32
      %dma_start3A_861 = tpu.memref_slice %arg5[%dma_start3A_860, %add3A_859] : memref<2x320000xi32, #tpu.memory_space<hbm>> -> memref<1x80xi32, #tpu.memory_space<hbm>>
      %dma_start3A_862 = tpu.memref_squeeze %dma_start3A_861 : memref<1x80xi32, #tpu.memory_space<hbm>> -> memref<80xi32, #tpu.memory_space<hbm>>
      %dma_start3A_863 = tpu.memref_slice %arg5[%dma_start3A_860, %add3A_859] : memref<2x320000xi32, #tpu.memory_space<hbm>> -> memref<1x80xi32, #tpu.memory_space<hbm>>
      %dma_start3A_864 = tpu.memref_squeeze %dma_start3A_863 : memref<1x80xi32, #tpu.memory_space<hbm>> -> memref<80xi32, #tpu.memory_space<hbm>>
      tpu.enqueue_dma source(%dma_start3A_864 : memref<80xi32, #tpu.memory_space<hbm>>) target(%arg10 : memref<80xi32, #tpu.memory_space<vmem>>) target_semaphore(%arg21 : memref<!tpu.dma_semaphore, #tpu.memory_space<semaphore_mem>>)
      %dma_start3A_865 = arith.constant 1 : i32
      %dma_start3A_866 = tpu.memref_slice %arg5[%dma_start3A_865, %add3A_859] : memref<2x320000xi32, #tpu.memory_space<hbm>> -> memref<1x80xi32, #tpu.memory_space<hbm>>
      %dma_start3A_867 = tpu.memref_squeeze %dma_start3A_866 : memref<1x80xi32, #tpu.memory_space<hbm>> -> memref<80xi32, #tpu.memory_space<hbm>>
      %dma_start3A_868 = tpu.memref_slice %arg5[%dma_start3A_865, %add3A_859] : memref<2x320000xi32, #tpu.memory_space<hbm>> -> memref<1x80xi32, #tpu.memory_space<hbm>>
      %dma_start3A_869 = tpu.memref_squeeze %dma_start3A_868 : memref<1x80xi32, #tpu.memory_space<hbm>> -> memref<80xi32, #tpu.memory_space<hbm>>
      tpu.enqueue_dma source(%dma_start3A_869 : memref<80xi32, #tpu.memory_space<hbm>>) target(%arg12 : memref<80xi32, #tpu.memory_space<vmem>>) target_semaphore(%arg21 : memref<!tpu.dma_semaphore, #tpu.memory_space<semaphore_mem>>)
      %dma_wait3A_870 = arith.constant 0 : i32
      %dma_wait3A_871 = arith.constant 0 : i32
      %dma_wait3A_872 = tpu.memref_slice %arg5[%dma_wait3A_870, %dma_wait3A_871] : memref<2x320000xi32, #tpu.memory_space<hbm>> -> memref<1x80xi32, #tpu.memory_space<hbm>>
      %dma_wait3A_873 = tpu.memref_squeeze %dma_wait3A_872 : memref<1x80xi32, #tpu.memory_space<hbm>> -> memref<80xi32, #tpu.memory_space<hbm>>
      %dma_wait3A_874 = arith.constant 0 : i32
      %dma_wait3A_875 = tpu.memref_slice %arg5[%dma_wait3A_870, %dma_wait3A_874] : memref<2x320000xi32, #tpu.memory_space<hbm>> -> memref<1x80xi32, #tpu.memory_space<hbm>>
      %dma_wait3A_876 = tpu.memref_squeeze %dma_wait3A_875 : memref<1x80xi32, #tpu.memory_space<hbm>> -> memref<80xi32, #tpu.memory_space<hbm>>
      tpu.wait_dma2 semaphore(%arg20 : memref<!tpu.dma_semaphore, #tpu.memory_space<semaphore_mem>>) src(%dma_wait3A_876 : memref<80xi32, #tpu.memory_space<hbm>>) dst(%arg9 : memref<80xi32, #tpu.memory_space<vmem>>)
      %dma_wait3A_877 = arith.constant 1 : i32
      %dma_wait3A_878 = arith.constant 0 : i32
      %dma_wait3A_879 = tpu.memref_slice %arg5[%dma_wait3A_877, %dma_wait3A_878] : memref<2x320000xi32, #tpu.memory_space<hbm>> -> memref<1x80xi32, #tpu.memory_space<hbm>>
      %dma_wait3A_880 = tpu.memref_squeeze %dma_wait3A_879 : memref<1x80xi32, #tpu.memory_space<hbm>> -> memref<80xi32, #tpu.memory_space<hbm>>
      %dma_wait3A_881 = arith.constant 0 : i32
      %dma_wait3A_882 = tpu.memref_slice %arg5[%dma_wait3A_877, %dma_wait3A_881] : memref<2x320000xi32, #tpu.memory_space<hbm>> -> memref<1x80xi32, #tpu.memory_space<hbm>>
      %dma_wait3A_883 = tpu.memref_squeeze %dma_wait3A_882 : memref<1x80xi32, #tpu.memory_space<hbm>> -> memref<80xi32, #tpu.memory_space<hbm>>
      tpu.wait_dma2 semaphore(%arg20 : memref<!tpu.dma_semaphore, #tpu.memory_space<semaphore_mem>>) src(%dma_wait3A_883 : memref<80xi32, #tpu.memory_space<hbm>>) dst(%arg11 : memref<80xi32, #tpu.memory_space<vmem>>)
      %dma_wait3A_884 = arith.constant 0 : i32
      %dma_wait3A_885 = arith.constant 0 : i32
      %dma_wait3A_886 = tpu.memref_slice %arg19[%dma_wait3A_884, %dma_wait3A_885] : memref<10240x136xf32, #tpu.memory_space<vmem_shared>> -> memref<10240x136xf32, #tpu.memory_space<vmem_shared>>
      tpu.wait_indirect_dma semaphore(%arg24 : memref<!tpu.dma_semaphore, #tpu.memory_space<semaphore_mem>>) src(%arg17 : memref<80x136xf32, #tpu.memory_space<vmem>>) dst(%dma_wait3A_886 : memref<10240x136xf32, #tpu.memory_space<vmem_shared>>)
      %dma_start3A_887 = arith.constant 0 : i32
      %dma_start3A_888 = arith.constant 0 : i32
      %dma_start3A_889 = tpu.memref_slice %arg17[%dma_start3A_887, %dma_start3A_888] : memref<80x136xf32, #tpu.memory_space<vmem>> -> memref<40x136xf32, #tpu.memory_space<vmem>>
      %dma_start3A_890 = arith.constant 0 : i32
      %dma_start3A_891 = tpu.memref_slice %arg9[%dma_start3A_890] : memref<80xi32, #tpu.memory_space<vmem>> -> memref<40xi32, #tpu.memory_space<vmem>>
      %dma_start3A_892 = arith.constant 0 : i32
      %dma_start3A_893 = arith.constant 0 : i32
      %dma_start3A_894 = tpu.memref_slice %arg2[%dma_start3A_892, %dma_start3A_893] : memref<10240x136xf32, #tpu.memory_space<hbm>> -> memref<10240x136xf32, #tpu.memory_space<hbm>>
      tpu.enqueue_indirect_dma source(%dma_start3A_894 : memref<10240x136xf32, #tpu.memory_space<hbm>>) target(%dma_start3A_889 : memref<40x136xf32, #tpu.memory_space<vmem>>) offsets(%dma_start3A_891 : memref<40xi32, #tpu.memory_space<vmem>>) semaphore(%arg22 : memref<!tpu.dma_semaphore, #tpu.memory_space<semaphore_mem>>)
      %dma_start3A_895 = arith.constant 40 : i32
      %dma_start3A_896 = arith.constant 0 : i32
      %dma_start3A_897 = tpu.memref_slice %arg17[%dma_start3A_895, %dma_start3A_896] : memref<80x136xf32, #tpu.memory_space<vmem>> -> memref<40x136xf32, #tpu.memory_space<vmem>>
      %dma_start3A_898 = arith.constant 40 : i32
      %dma_start3A_899 = tpu.memref_slice %arg9[%dma_start3A_898] : memref<80xi32, #tpu.memory_space<vmem>> -> memref<40xi32, #tpu.memory_space<vmem>>
      %dma_start3A_900 = arith.constant 0 : i32
      %dma_start3A_901 = arith.constant 0 : i32
      %dma_start3A_902 = tpu.memref_slice %arg2[%dma_start3A_900, %dma_start3A_901] : memref<10240x136xf32, #tpu.memory_space<hbm>> -> memref<10240x136xf32, #tpu.memory_space<hbm>>
      tpu.enqueue_indirect_dma source(%dma_start3A_902 : memref<10240x136xf32, #tpu.memory_space<hbm>>) target(%dma_start3A_897 : memref<40x136xf32, #tpu.memory_space<vmem>>) offsets(%dma_start3A_899 : memref<40xi32, #tpu.memory_space<vmem>>) semaphore(%arg26 : memref<!tpu.dma_semaphore, #tpu.memory_space<semaphore_mem>>)
      %get3A_903 = arith.constant 0 : index
      %get3A_904 = tpu.vector_load %arg11[%get3A_903] {strides = array<i32>} : memref<80xi32, #tpu.memory_space<vmem>>, vector<16xi32>,
      %get3A_905 = arith.constant 0 : index
      %get3A_906 = tpu.vector_load %arg9[%get3A_905] {strides = array<i32>} : memref<80xi32, #tpu.memory_space<vmem>>, vector<16xi32>,
      %gather3A_907 = tpu.vector_load_idx %arg7[%get3A_906] : memref<10240xf32, #tpu.memory_space<vmem>>[vector<16xi32>], vector<16xf32>,
      %gather3A_908 = tpu.vector_load_idx %arg8[%get3A_904] : memref<10240xf32, #tpu.memory_space<vmem>>[vector<16xi32>], vector<16xf32>,
      %add3A_909 = arith.addf %gather3A_907, %gather3A_908 : vector<16xf32>
      %ge3A_910 = arith.constant 0.000000e+00 : f32
      %ge3A_911 = vector.broadcast %ge3A_910 : f32 to vector<16xf32>
      %ge3A_912 = arith.cmpf oge, %add3A_909, %ge3A_911 : vector<16xf32>
      %mul3A_913 = arith.constant 2.000000e-01 : f32
      %mul3A_914 = vector.broadcast %mul3A_913 : f32 to vector<16xf32>
      %mul3A_915 = arith.mulf %mul3A_914, %add3A_909 : vector<16xf32>
      %select_n3A_916 = arith.select %ge3A_912, %add3A_909, %mul3A_915 : vector<16xi1>, vector<16xf32>
      %exp3A_917 = math.exp %select_n3A_916 : vector<16xf32>
      %swap3A_918 = arith.constant 0 : index
      %swap3A_919 = tpu.vector_load %arg15[%swap3A_918] {strides = array<i32>} : memref<80xf32, #tpu.memory_space<vmem>>, vector<16xf32>,
      tpu.vector_store %arg15[%swap3A_918], %exp3A_917 {strides = array<i32>} : memref<80xf32, #tpu.memory_space<vmem>>, vector<16xf32>,
      %swap3A_920 = arith.constant 0 : index
      %swap3A_921 = tpu.vector_load %arg13[%swap3A_920] {strides = array<i32>} : memref<80xi32, #tpu.memory_space<vmem>>, vector<16xi32>,
      tpu.vector_store %arg13[%swap3A_920], %get3A_904 {strides = array<i32>} : memref<80xi32, #tpu.memory_space<vmem>>, vector<16xi32>,
      %get3A_922 = arith.constant 16 : index
      %get3A_923 = tpu.vector_load %arg11[%get3A_922] {strides = array<i32>} : memref<80xi32, #tpu.memory_space<vmem>>, vector<16xi32>,
      %get3A_924 = arith.constant 16 : index
      %get3A_925 = tpu.vector_load %arg9[%get3A_924] {strides = array<i32>} : memref<80xi32, #tpu.memory_space<vmem>>, vector<16xi32>,
      %gather3A_926 = tpu.vector_load_idx %arg7[%get3A_925] : memref<10240xf32, #tpu.memory_space<vmem>>[vector<16xi32>], vector<16xf32>,
      %gather3A_927 = tpu.vector_load_idx %arg8[%get3A_923] : memref<10240xf32, #tpu.memory_space<vmem>>[vector<16xi32>], vector<16xf32>,
      %add3A_928 = arith.addf %gather3A_926, %gather3A_927 : vector<16xf32>
      %ge3A_929 = arith.constant 0.000000e+00 : f32
      %ge3A_930 = vector.broadcast %ge3A_929 : f32 to vector<16xf32>
      %ge3A_931 = arith.cmpf oge, %add3A_928, %ge3A_930 : vector<16xf32>
      %mul3A_932 = arith.constant 2.000000e-01 : f32
      %mul3A_933 = vector.broadcast %mul3A_932 : f32 to vector<16xf32>
      %mul3A_934 = arith.mulf %mul3A_933, %add3A_928 : vector<16xf32>
      %select_n3A_935 = arith.select %ge3A_931, %add3A_928, %mul3A_934 : vector<16xi1>, vector<16xf32>
      %exp3A_936 = math.exp %select_n3A_935 : vector<16xf32>
      %swap3A_937 = arith.constant 16 : index
      %swap3A_938 = tpu.vector_load %arg15[%swap3A_937] {strides = array<i32>} : memref<80xf32, #tpu.memory_space<vmem>>, vector<16xf32>,
      tpu.vector_store %arg15[%swap3A_937], %exp3A_936 {strides = array<i32>} : memref<80xf32, #tpu.memory_space<vmem>>, vector<16xf32>,
      %swap3A_939 = arith.constant 16 : index
      %swap3A_940 = tpu.vector_load %arg13[%swap3A_939] {strides = array<i32>} : memref<80xi32, #tpu.memory_space<vmem>>, vector<16xi32>,
      tpu.vector_store %arg13[%swap3A_939], %get3A_923 {strides = array<i32>} : memref<80xi32, #tpu.memory_space<vmem>>, vector<16xi32>,
      %get3A_941 = arith.constant 32 : index
      %get3A_942 = tpu.vector_load %arg11[%get3A_941] {strides = array<i32>} : memref<80xi32, #tpu.memory_space<vmem>>, vector<16xi32>,
      %get3A_943 = arith.constant 32 : index
      %get3A_944 = tpu.vector_load %arg9[%get3A_943] {strides = array<i32>} : memref<80xi32, #tpu.memory_space<vmem>>, vector<16xi32>,
      %gather3A_945 = tpu.vector_load_idx %arg7[%get3A_944] : memref<10240xf32, #tpu.memory_space<vmem>>[vector<16xi32>], vector<16xf32>,
      %gather3A_946 = tpu.vector_load_idx %arg8[%get3A_942] : memref<10240xf32, #tpu.memory_space<vmem>>[vector<16xi32>], vector<16xf32>,
      %add3A_947 = arith.addf %gather3A_945, %gather3A_946 : vector<16xf32>
      %ge3A_948 = arith.constant 0.000000e+00 : f32
      %ge3A_949 = vector.broadcast %ge3A_948 : f32 to vector<16xf32>
      %ge3A_950 = arith.cmpf oge, %add3A_947, %ge3A_949 : vector<16xf32>
      %mul3A_951 = arith.constant 2.000000e-01 : f32
      %mul3A_952 = vector.broadcast %mul3A_951 : f32 to vector<16xf32>
      %mul3A_953 = arith.mulf %mul3A_952, %add3A_947 : vector<16xf32>
      %select_n3A_954 = arith.select %ge3A_950, %add3A_947, %mul3A_953 : vector<16xi1>, vector<16xf32>
      %exp3A_955 = math.exp %select_n3A_954 : vector<16xf32>
      %swap3A_956 = arith.constant 32 : index
      %swap3A_957 = tpu.vector_load %arg15[%swap3A_956] {strides = array<i32>} : memref<80xf32, #tpu.memory_space<vmem>>, vector<16xf32>,
      tpu.vector_store %arg15[%swap3A_956], %exp3A_955 {strides = array<i32>} : memref<80xf32, #tpu.memory_space<vmem>>, vector<16xf32>,
      %swap3A_958 = arith.constant 32 : index
      %swap3A_959 = tpu.vector_load %arg13[%swap3A_958] {strides = array<i32>} : memref<80xi32, #tpu.memory_space<vmem>>, vector<16xi32>,
      tpu.vector_store %arg13[%swap3A_958], %get3A_942 {strides = array<i32>} : memref<80xi32, #tpu.memory_space<vmem>>, vector<16xi32>,
      %get3A_960 = arith.constant 48 : index
      %get3A_961 = tpu.vector_load %arg11[%get3A_960] {strides = array<i32>} : memref<80xi32, #tpu.memory_space<vmem>>, vector<16xi32>,
      %get3A_962 = arith.constant 48 : index
      %get3A_963 = tpu.vector_load %arg9[%get3A_962] {strides = array<i32>} : memref<80xi32, #tpu.memory_space<vmem>>, vector<16xi32>,
      %gather3A_964 = tpu.vector_load_idx %arg7[%get3A_963] : memref<10240xf32, #tpu.memory_space<vmem>>[vector<16xi32>], vector<16xf32>,
      %gather3A_965 = tpu.vector_load_idx %arg8[%get3A_961] : memref<10240xf32, #tpu.memory_space<vmem>>[vector<16xi32>], vector<16xf32>,
      %add3A_966 = arith.addf %gather3A_964, %gather3A_965 : vector<16xf32>
      %ge3A_967 = arith.constant 0.000000e+00 : f32
      %ge3A_968 = vector.broadcast %ge3A_967 : f32 to vector<16xf32>
      %ge3A_969 = arith.cmpf oge, %add3A_966, %ge3A_968 : vector<16xf32>
      %mul3A_970 = arith.constant 2.000000e-01 : f32
      %mul3A_971 = vector.broadcast %mul3A_970 : f32 to vector<16xf32>
      %mul3A_972 = arith.mulf %mul3A_971, %add3A_966 : vector<16xf32>
      %select_n3A_973 = arith.select %ge3A_969, %add3A_966, %mul3A_972 : vector<16xi1>, vector<16xf32>
      %exp3A_974 = math.exp %select_n3A_973 : vector<16xf32>
      %swap3A_975 = arith.constant 48 : index
      %swap3A_976 = tpu.vector_load %arg15[%swap3A_975] {strides = array<i32>} : memref<80xf32, #tpu.memory_space<vmem>>, vector<16xf32>,
      tpu.vector_store %arg15[%swap3A_975], %exp3A_974 {strides = array<i32>} : memref<80xf32, #tpu.memory_space<vmem>>, vector<16xf32>,
      %swap3A_977 = arith.constant 48 : index
      %swap3A_978 = tpu.vector_load %arg13[%swap3A_977] {strides = array<i32>} : memref<80xi32, #tpu.memory_space<vmem>>, vector<16xi32>,
      tpu.vector_store %arg13[%swap3A_977], %get3A_961 {strides = array<i32>} : memref<80xi32, #tpu.memory_space<vmem>>, vector<16xi32>,
      %get3A_979 = arith.constant 64 : index
      %get3A_980 = tpu.vector_load %arg11[%get3A_979] {strides = array<i32>} : memref<80xi32, #tpu.memory_space<vmem>>, vector<16xi32>,
      %get3A_981 = arith.constant 64 : index
      %get3A_982 = tpu.vector_load %arg9[%get3A_981] {strides = array<i32>} : memref<80xi32, #tpu.memory_space<vmem>>, vector<16xi32>,
      %gather3A_983 = tpu.vector_load_idx %arg7[%get3A_982] : memref<10240xf32, #tpu.memory_space<vmem>>[vector<16xi32>], vector<16xf32>,
      %gather3A_984 = tpu.vector_load_idx %arg8[%get3A_980] : memref<10240xf32, #tpu.memory_space<vmem>>[vector<16xi32>], vector<16xf32>,
      %add3A_985 = arith.addf %gather3A_983, %gather3A_984 : vector<16xf32>
      %ge3A_986 = arith.constant 0.000000e+00 : f32
      %ge3A_987 = vector.broadcast %ge3A_986 : f32 to vector<16xf32>
      %ge3A_988 = arith.cmpf oge, %add3A_985, %ge3A_987 : vector<16xf32>
      %mul3A_989 = arith.constant 2.000000e-01 : f32
      %mul3A_990 = vector.broadcast %mul3A_989 : f32 to vector<16xf32>
      %mul3A_991 = arith.mulf %mul3A_990, %add3A_985 : vector<16xf32>
      %select_n3A_992 = arith.select %ge3A_988, %add3A_985, %mul3A_991 : vector<16xi1>, vector<16xf32>
      %exp3A_993 = math.exp %select_n3A_992 : vector<16xf32>
      %swap3A_994 = arith.constant 64 : index
      %swap3A_995 = tpu.vector_load %arg15[%swap3A_994] {strides = array<i32>} : memref<80xf32, #tpu.memory_space<vmem>>, vector<16xf32>,
      tpu.vector_store %arg15[%swap3A_994], %exp3A_993 {strides = array<i32>} : memref<80xf32, #tpu.memory_space<vmem>>, vector<16xf32>,
      %swap3A_996 = arith.constant 64 : index
      %swap3A_997 = tpu.vector_load %arg13[%swap3A_996] {strides = array<i32>} : memref<80xi32, #tpu.memory_space<vmem>>, vector<16xi32>,
      tpu.vector_store %arg13[%swap3A_996], %get3A_980 {strides = array<i32>} : memref<80xi32, #tpu.memory_space<vmem>>, vector<16xi32>,
      %scan3A_998 = arith.constant 0 : i32
      %scan3A_999 = arith.constant 0 : i32
      %scan3A_1000 = arith.constant 20 : i32
      %scan3A_1001 = arith.addi %scan3A_999, %scan3A_1000 : i32
      %scan3A_1002 = arith.constant 1 : i32
      %scan3A_1003 = scf.for %scan3A_1258 = %scan3A_999 to %scan3A_1001 step %scan3A_1002 iter_args(%scan3A_1259 = %scan3A_998) -> (i32)  : i32 {
        %mul3A_1260 = arith.constant 2 : i32
        %mul3A_1261 = arith.muli %scan3A_1258, %mul3A_1260 : i32
        %add3A_1262 = arith.constant 0 : i32
        %add3A_1263 = arith.addi %add3A_1262, %mul3A_1261 : i32
        %broadcast_in_dim3A_1264 = vector.broadcast %add3A_1263 : i32 to vector<16xi32>
        %gather3A_1265 = tpu.vector_load_idx %arg16[%broadcast_in_dim3A_1264] : memref<80xf32, #tpu.memory_space<vmem>>[vector<16xi32>], vector<16xf32>,
        %add3A_1266 = arith.constant 1 : i32
        %add3A_1267 = arith.addi %add3A_1263, %add3A_1266 : i32
        %broadcast_in_dim3A_1268 = vector.broadcast %add3A_1267 : i32 to vector<16xi32>
        %gather3A_1269 = tpu.vector_load_idx %arg16[%broadcast_in_dim3A_1268] : memref<80xf32, #tpu.memory_space<vmem>>[vector<16xi32>], vector<16xf32>,
        %get3A_1270 = arith.index_cast %add3A_1263 : i32 to index
        %get3A_1271 = arith.constant 0 : index
        %get3A_1272 = tpu.vector_load %arg18[%get3A_1270, %get3A_1271] {strides = array<i32>} : memref<80x136xf32, #tpu.memory_space<vmem>>, vector<16xf32>,
        %mul3A_1273 = arith.mulf %get3A_1272, %gather3A_1265 : vector<16xf32>
        %swap3A_1274 = arith.index_cast %add3A_1263 : i32 to index
        %swap3A_1275 = arith.constant 0 : index
        %swap3A_1276 = tpu.vector_load %arg18[%swap3A_1274, %swap3A_1275] {strides = array<i32>} : memref<80x136xf32, #tpu.memory_space<vmem>>, vector<16xf32>,
        tpu.vector_store %arg18[%swap3A_1274, %swap3A_1275], %mul3A_1273 {strides = array<i32>} : memref<80x136xf32, #tpu.memory_space<vmem>>, vector<16xf32>,
        %get3A_1277 = arith.index_cast %add3A_1263 : i32 to index
        %get3A_1278 = arith.constant 16 : index
        %get3A_1279 = tpu.vector_load %arg18[%get3A_1277, %get3A_1278] {strides = array<i32>} : memref<80x136xf32, #tpu.memory_space<vmem>>, vector<16xf32>,
        %mul3A_1280 = arith.mulf %get3A_1279, %gather3A_1265 : vector<16xf32>
        %swap3A_1281 = arith.index_cast %add3A_1263 : i32 to index
        %swap3A_1282 = arith.constant 16 : index
        %swap3A_1283 = tpu.vector_load %arg18[%swap3A_1281, %swap3A_1282] {strides = array<i32>} : memref<80x136xf32, #tpu.memory_space<vmem>>, vector<16xf32>,
        tpu.vector_store %arg18[%swap3A_1281, %swap3A_1282], %mul3A_1280 {strides = array<i32>} : memref<80x136xf32, #tpu.memory_space<vmem>>, vector<16xf32>,
        %get3A_1284 = arith.index_cast %add3A_1263 : i32 to index
        %get3A_1285 = arith.constant 32 : index
        %get3A_1286 = tpu.vector_load %arg18[%get3A_1284, %get3A_1285] {strides = array<i32>} : memref<80x136xf32, #tpu.memory_space<vmem>>, vector<16xf32>,
        %mul3A_1287 = arith.mulf %get3A_1286, %gather3A_1265 : vector<16xf32>
        %swap3A_1288 = arith.index_cast %add3A_1263 : i32 to index
        %swap3A_1289 = arith.constant 32 : index
        %swap3A_1290 = tpu.vector_load %arg18[%swap3A_1288, %swap3A_1289] {strides = array<i32>} : memref<80x136xf32, #tpu.memory_space<vmem>>, vector<16xf32>,
        tpu.vector_store %arg18[%swap3A_1288, %swap3A_1289], %mul3A_1287 {strides = array<i32>} : memref<80x136xf32, #tpu.memory_space<vmem>>, vector<16xf32>,
        %get3A_1291 = arith.index_cast %add3A_1263 : i32 to index
        %get3A_1292 = arith.constant 48 : index
        %get3A_1293 = tpu.vector_load %arg18[%get3A_1291, %get3A_1292] {strides = array<i32>} : memref<80x136xf32, #tpu.memory_space<vmem>>, vector<16xf32>,
        %mul3A_1294 = arith.mulf %get3A_1293, %gather3A_1265 : vector<16xf32>
        %swap3A_1295 = arith.index_cast %add3A_1263 : i32 to index
        %swap3A_1296 = arith.constant 48 : index
        %swap3A_1297 = tpu.vector_load %arg18[%swap3A_1295, %swap3A_1296] {strides = array<i32>} : memref<80x136xf32, #tpu.memory_space<vmem>>, vector<16xf32>,
        tpu.vector_store %arg18[%swap3A_1295, %swap3A_1296], %mul3A_1294 {strides = array<i32>} : memref<80x136xf32, #tpu.memory_space<vmem>>, vector<16xf32>,
        %get3A_1298 = arith.index_cast %add3A_1263 : i32 to index
        %get3A_1299 = arith.constant 64 : index
        %get3A_1300 = tpu.vector_load %arg18[%get3A_1298, %get3A_1299] {strides = array<i32>} : memref<80x136xf32, #tpu.memory_space<vmem>>, vector<16xf32>,
        %mul3A_1301 = arith.mulf %get3A_1300, %gather3A_1265 : vector<16xf32>
        %swap3A_1302 = arith.index_cast %add3A_1263 : i32 to index
        %swap3A_1303 = arith.constant 64 : index
        %swap3A_1304 = tpu.vector_load %arg18[%swap3A_1302, %swap3A_1303] {strides = array<i32>} : memref<80x136xf32, #tpu.memory_space<vmem>>, vector<16xf32>,
        tpu.vector_store %arg18[%swap3A_1302, %swap3A_1303], %mul3A_1301 {strides = array<i32>} : memref<80x136xf32, #tpu.memory_space<vmem>>, vector<16xf32>,
        %get3A_1305 = arith.index_cast %add3A_1263 : i32 to index
        %get3A_1306 = arith.constant 80 : index
        %get3A_1307 = tpu.vector_load %arg18[%get3A_1305, %get3A_1306] {strides = array<i32>} : memref<80x136xf32, #tpu.memory_space<vmem>>, vector<16xf32>,
        %mul3A_1308 = arith.mulf %get3A_1307, %gather3A_1265 : vector<16xf32>
        %swap3A_1309 = arith.index_cast %add3A_1263 : i32 to index
        %swap3A_1310 = arith.constant 80 : index
        %swap3A_1311 = tpu.vector_load %arg18[%swap3A_1309, %swap3A_1310] {strides = array<i32>} : memref<80x136xf32, #tpu.memory_space<vmem>>, vector<16xf32>,
        tpu.vector_store %arg18[%swap3A_1309, %swap3A_1310], %mul3A_1308 {strides = array<i32>} : memref<80x136xf32, #tpu.memory_space<vmem>>, vector<16xf32>,
        %get3A_1312 = arith.index_cast %add3A_1263 : i32 to index
        %get3A_1313 = arith.constant 96 : index
        %get3A_1314 = tpu.vector_load %arg18[%get3A_1312, %get3A_1313] {strides = array<i32>} : memref<80x136xf32, #tpu.memory_space<vmem>>, vector<16xf32>,
        %mul3A_1315 = arith.mulf %get3A_1314, %gather3A_1265 : vector<16xf32>
        %swap3A_1316 = arith.index_cast %add3A_1263 : i32 to index
        %swap3A_1317 = arith.constant 96 : index
        %swap3A_1318 = tpu.vector_load %arg18[%swap3A_1316, %swap3A_1317] {strides = array<i32>} : memref<80x136xf32, #tpu.memory_space<vmem>>, vector<16xf32>,
        tpu.vector_store %arg18[%swap3A_1316, %swap3A_1317], %mul3A_1315 {strides = array<i32>} : memref<80x136xf32, #tpu.memory_space<vmem>>, vector<16xf32>,
        %get3A_1319 = arith.index_cast %add3A_1263 : i32 to index
        %get3A_1320 = arith.constant 112 : index
        %get3A_1321 = tpu.vector_load %arg18[%get3A_1319, %get3A_1320] {strides = array<i32>} : memref<80x136xf32, #tpu.memory_space<vmem>>, vector<16xf32>,
        %mul3A_1322 = arith.mulf %get3A_1321, %gather3A_1265 : vector<16xf32>
        %swap3A_1323 = arith.index_cast %add3A_1263 : i32 to index
        %swap3A_1324 = arith.constant 112 : index
        %swap3A_1325 = tpu.vector_load %arg18[%swap3A_1323, %swap3A_1324] {strides = array<i32>} : memref<80x136xf32, #tpu.memory_space<vmem>>, vector<16xf32>,
        tpu.vector_store %arg18[%swap3A_1323, %swap3A_1324], %mul3A_1322 {strides = array<i32>} : memref<80x136xf32, #tpu.memory_space<vmem>>, vector<16xf32>,
        %add3A_1326 = arith.constant 1 : i32
        %add3A_1327 = arith.addi %add3A_1263, %add3A_1326 : i32
        %get3A_1328 = arith.index_cast %add3A_1327 : i32 to index
        %get3A_1329 = arith.constant 0 : index
        %get3A_1330 = tpu.vector_load %arg18[%get3A_1328, %get3A_1329] {strides = array<i32>} : memref<80x136xf32, #tpu.memory_space<vmem>>, vector<16xf32>,
        %mul3A_1331 = arith.mulf %get3A_1330, %gather3A_1269 : vector<16xf32>
        %add3A_1332 = arith.constant 1 : i32
        %add3A_1333 = arith.addi %add3A_1263, %add3A_1332 : i32
        %swap3A_1334 = arith.index_cast %add3A_1333 : i32 to index
        %swap3A_1335 = arith.constant 0 : index
        %swap3A_1336 = tpu.vector_load %arg18[%swap3A_1334, %swap3A_1335] {strides = array<i32>} : memref<80x136xf32, #tpu.memory_space<vmem>>, vector<16xf32>,
        tpu.vector_store %arg18[%swap3A_1334, %swap3A_1335], %mul3A_1331 {strides = array<i32>} : memref<80x136xf32, #tpu.memory_space<vmem>>, vector<16xf32>,
        %add3A_1337 = arith.constant 1 : i32
        %add3A_1338 = arith.addi %add3A_1263, %add3A_1337 : i32
        %get3A_1339 = arith.index_cast %add3A_1338 : i32 to index
        %get3A_1340 = arith.constant 16 : index
        %get3A_1341 = tpu.vector_load %arg18[%get3A_1339, %get3A_1340] {strides = array<i32>} : memref<80x136xf32, #tpu.memory_space<vmem>>, vector<16xf32>,
        %mul3A_1342 = arith.mulf %get3A_1341, %gather3A_1269 : vector<16xf32>
        %add3A_1343 = arith.constant 1 : i32
        %add3A_1344 = arith.addi %add3A_1263, %add3A_1343 : i32
        %swap3A_1345 = arith.index_cast %add3A_1344 : i32 to index
        %swap3A_1346 = arith.constant 16 : index
        %swap3A_1347 = tpu.vector_load %arg18[%swap3A_1345, %swap3A_1346] {strides = array<i32>} : memref<80x136xf32, #tpu.memory_space<vmem>>, vector<16xf32>,
        tpu.vector_store %arg18[%swap3A_1345, %swap3A_1346], %mul3A_1342 {strides = array<i32>} : memref<80x136xf32, #tpu.memory_space<vmem>>, vector<16xf32>,
        %add3A_1348 = arith.constant 1 : i32
        %add3A_1349 = arith.addi %add3A_1263, %add3A_1348 : i32
        %get3A_1350 = arith.index_cast %add3A_1349 : i32 to index
        %get3A_1351 = arith.constant 32 : index
        %get3A_1352 = tpu.vector_load %arg18[%get3A_1350, %get3A_1351] {strides = array<i32>} : memref<80x136xf32, #tpu.memory_space<vmem>>, vector<16xf32>,
        %mul3A_1353 = arith.mulf %get3A_1352, %gather3A_1269 : vector<16xf32>
        %add3A_1354 = arith.constant 1 : i32
        %add3A_1355 = arith.addi %add3A_1263, %add3A_1354 : i32
        %swap3A_1356 = arith.index_cast %add3A_1355 : i32 to index
        %swap3A_1357 = arith.constant 32 : index
        %swap3A_1358 = tpu.vector_load %arg18[%swap3A_1356, %swap3A_1357] {strides = array<i32>} : memref<80x136xf32, #tpu.memory_space<vmem>>, vector<16xf32>,
        tpu.vector_store %arg18[%swap3A_1356, %swap3A_1357], %mul3A_1353 {strides = array<i32>} : memref<80x136xf32, #tpu.memory_space<vmem>>, vector<16xf32>,
        %add3A_1359 = arith.constant 1 : i32
        %add3A_1360 = arith.addi %add3A_1263, %add3A_1359 : i32
        %get3A_1361 = arith.index_cast %add3A_1360 : i32 to index
        %get3A_1362 = arith.constant 48 : index
        %get3A_1363 = tpu.vector_load %arg18[%get3A_1361, %get3A_1362] {strides = array<i32>} : memref<80x136xf32, #tpu.memory_space<vmem>>, vector<16xf32>,
        %mul3A_1364 = arith.mulf %get3A_1363, %gather3A_1269 : vector<16xf32>
        %add3A_1365 = arith.constant 1 : i32
        %add3A_1366 = arith.addi %add3A_1263, %add3A_1365 : i32
        %swap3A_1367 = arith.index_cast %add3A_1366 : i32 to index
        %swap3A_1368 = arith.constant 48 : index
        %swap3A_1369 = tpu.vector_load %arg18[%swap3A_1367, %swap3A_1368] {strides = array<i32>} : memref<80x136xf32, #tpu.memory_space<vmem>>, vector<16xf32>,
        tpu.vector_store %arg18[%swap3A_1367, %swap3A_1368], %mul3A_1364 {strides = array<i32>} : memref<80x136xf32, #tpu.memory_space<vmem>>, vector<16xf32>,
        %add3A_1370 = arith.constant 1 : i32
        %add3A_1371 = arith.addi %add3A_1263, %add3A_1370 : i32
        %get3A_1372 = arith.index_cast %add3A_1371 : i32 to index
        %get3A_1373 = arith.constant 64 : index
        %get3A_1374 = tpu.vector_load %arg18[%get3A_1372, %get3A_1373] {strides = array<i32>} : memref<80x136xf32, #tpu.memory_space<vmem>>, vector<16xf32>,
        %mul3A_1375 = arith.mulf %get3A_1374, %gather3A_1269 : vector<16xf32>
        %add3A_1376 = arith.constant 1 : i32
        %add3A_1377 = arith.addi %add3A_1263, %add3A_1376 : i32
        %swap3A_1378 = arith.index_cast %add3A_1377 : i32 to index
        %swap3A_1379 = arith.constant 64 : index
        %swap3A_1380 = tpu.vector_load %arg18[%swap3A_1378, %swap3A_1379] {strides = array<i32>} : memref<80x136xf32, #tpu.memory_space<vmem>>, vector<16xf32>,
        tpu.vector_store %arg18[%swap3A_1378, %swap3A_1379], %mul3A_1375 {strides = array<i32>} : memref<80x136xf32, #tpu.memory_space<vmem>>, vector<16xf32>,
        %add3A_1381 = arith.constant 1 : i32
        %add3A_1382 = arith.addi %add3A_1263, %add3A_1381 : i32
        %get3A_1383 = arith.index_cast %add3A_1382 : i32 to index
        %get3A_1384 = arith.constant 80 : index
        %get3A_1385 = tpu.vector_load %arg18[%get3A_1383, %get3A_1384] {strides = array<i32>} : memref<80x136xf32, #tpu.memory_space<vmem>>, vector<16xf32>,
        %mul3A_1386 = arith.mulf %get3A_1385, %gather3A_1269 : vector<16xf32>
        %add3A_1387 = arith.constant 1 : i32
        %add3A_1388 = arith.addi %add3A_1263, %add3A_1387 : i32
        %swap3A_1389 = arith.index_cast %add3A_1388 : i32 to index
        %swap3A_1390 = arith.constant 80 : index
        %swap3A_1391 = tpu.vector_load %arg18[%swap3A_1389, %swap3A_1390] {strides = array<i32>} : memref<80x136xf32, #tpu.memory_space<vmem>>, vector<16xf32>,
        tpu.vector_store %arg18[%swap3A_1389, %swap3A_1390], %mul3A_1386 {strides = array<i32>} : memref<80x136xf32, #tpu.memory_space<vmem>>, vector<16xf32>,
        %add3A_1392 = arith.constant 1 : i32
        %add3A_1393 = arith.addi %add3A_1263, %add3A_1392 : i32
        %get3A_1394 = arith.index_cast %add3A_1393 : i32 to index
        %get3A_1395 = arith.constant 96 : index
        %get3A_1396 = tpu.vector_load %arg18[%get3A_1394, %get3A_1395] {strides = array<i32>} : memref<80x136xf32, #tpu.memory_space<vmem>>, vector<16xf32>,
        %mul3A_1397 = arith.mulf %get3A_1396, %gather3A_1269 : vector<16xf32>
        %add3A_1398 = arith.constant 1 : i32
        %add3A_1399 = arith.addi %add3A_1263, %add3A_1398 : i32
        %swap3A_1400 = arith.index_cast %add3A_1399 : i32 to index
        %swap3A_1401 = arith.constant 96 : index
        %swap3A_1402 = tpu.vector_load %arg18[%swap3A_1400, %swap3A_1401] {strides = array<i32>} : memref<80x136xf32, #tpu.memory_space<vmem>>, vector<16xf32>,
        tpu.vector_store %arg18[%swap3A_1400, %swap3A_1401], %mul3A_1397 {strides = array<i32>} : memref<80x136xf32, #tpu.memory_space<vmem>>, vector<16xf32>,
        %add3A_1403 = arith.constant 1 : i32
        %add3A_1404 = arith.addi %add3A_1263, %add3A_1403 : i32
        %get3A_1405 = arith.index_cast %add3A_1404 : i32 to index
        %get3A_1406 = arith.constant 112 : index
        %get3A_1407 = tpu.vector_load %arg18[%get3A_1405, %get3A_1406] {strides = array<i32>} : memref<80x136xf32, #tpu.memory_space<vmem>>, vector<16xf32>,
        %mul3A_1408 = arith.mulf %get3A_1407, %gather3A_1269 : vector<16xf32>
        %add3A_1409 = arith.constant 1 : i32
        %add3A_1410 = arith.addi %add3A_1263, %add3A_1409 : i32
        %swap3A_1411 = arith.index_cast %add3A_1410 : i32 to index
        %swap3A_1412 = arith.constant 112 : index
        %swap3A_1413 = tpu.vector_load %arg18[%swap3A_1411, %swap3A_1412] {strides = array<i32>} : memref<80x136xf32, #tpu.memory_space<vmem>>, vector<16xf32>,
        tpu.vector_store %arg18[%swap3A_1411, %swap3A_1412], %mul3A_1408 {strides = array<i32>} : memref<80x136xf32, #tpu.memory_space<vmem>>, vector<16xf32>,
        %scan3A_1414 = arith.constant 0 : i32
        scf.yield %scan3A_1414 : i32
      }
      %scan3A_1004 = arith.constant 20 : i32
      %dma_wait3A_1005 = arith.constant 40 : i32
      %dma_wait3A_1006 = arith.constant 0 : i32
      %dma_wait3A_1007 = tpu.memref_slice %arg18[%dma_wait3A_1005, %dma_wait3A_1006] : memref<80x136xf32, #tpu.memory_space<vmem>> -> memref<40x136xf32, #tpu.memory_space<vmem>>
      %dma_wait3A_1008 = arith.constant 40 : i32
      %dma_wait3A_1009 = tpu.memref_slice %arg10[%dma_wait3A_1008] : memref<80xi32, #tpu.memory_space<vmem>> -> memref<40xi32, #tpu.memory_space<vmem>>
      %dma_wait3A_1010 = arith.constant 0 : i32
      %dma_wait3A_1011 = arith.constant 0 : i32
      %dma_wait3A_1012 = tpu.memref_slice %arg2[%dma_wait3A_1010, %dma_wait3A_1011] : memref<10240x136xf32, #tpu.memory_space<hbm>> -> memref<10240x136xf32, #tpu.memory_space<hbm>>
      tpu.wait_indirect_dma semaphore(%arg27 : memref<!tpu.dma_semaphore, #tpu.memory_space<semaphore_mem>>) src(%dma_wait3A_1012 : memref<10240x136xf32, #tpu.memory_space<hbm>>) dst(%dma_wait3A_1007 : memref<40x136xf32, #tpu.memory_space<vmem>>)
      %scan3A_1013 = arith.constant 0 : i32
      %scan3A_1014 = arith.constant 0 : i32
      %scan3A_1015 = arith.constant 20 : i32
      %scan3A_1016 = arith.addi %scan3A_1014, %scan3A_1015 : i32
      %scan3A_1017 = arith.constant 1 : i32
      %scan3A_1018 = scf.for %scan3A_1258 = %scan3A_1014 to %scan3A_1016 step %scan3A_1017 iter_args(%scan3A_1259 = %scan3A_1013) -> (i32)  : i32 {
        %mul3A_1260 = arith.constant 2 : i32
        %mul3A_1261 = arith.muli %scan3A_1258, %mul3A_1260 : i32
        %add3A_1262 = arith.constant 40 : i32
        %add3A_1263 = arith.addi %add3A_1262, %mul3A_1261 : i32
        %broadcast_in_dim3A_1264 = vector.broadcast %add3A_1263 : i32 to vector<16xi32>
        %gather3A_1265 = tpu.vector_load_idx %arg16[%broadcast_in_dim3A_1264] : memref<80xf32, #tpu.memory_space<vmem>>[vector<16xi32>], vector<16xf32>,
        %add3A_1266 = arith.constant 1 : i32
        %add3A_1267 = arith.addi %add3A_1263, %add3A_1266 : i32
        %broadcast_in_dim3A_1268 = vector.broadcast %add3A_1267 : i32 to vector<16xi32>
        %gather3A_1269 = tpu.vector_load_idx %arg16[%broadcast_in_dim3A_1268] : memref<80xf32, #tpu.memory_space<vmem>>[vector<16xi32>], vector<16xf32>,
        %get3A_1270 = arith.index_cast %add3A_1263 : i32 to index
        %get3A_1271 = arith.constant 0 : index
        %get3A_1272 = tpu.vector_load %arg18[%get3A_1270, %get3A_1271] {strides = array<i32>} : memref<80x136xf32, #tpu.memory_space<vmem>>, vector<16xf32>,
        %mul3A_1273 = arith.mulf %get3A_1272, %gather3A_1265 : vector<16xf32>
        %swap3A_1274 = arith.index_cast %add3A_1263 : i32 to index
        %swap3A_1275 = arith.constant 0 : index
        %swap3A_1276 = tpu.vector_load %arg18[%swap3A_1274, %swap3A_1275] {strides = array<i32>} : memref<80x136xf32, #tpu.memory_space<vmem>>, vector<16xf32>,
        tpu.vector_store %arg18[%swap3A_1274, %swap3A_1275], %mul3A_1273 {strides = array<i32>} : memref<80x136xf32, #tpu.memory_space<vmem>>, vector<16xf32>,
        %get3A_1277 = arith.index_cast %add3A_1263 : i32 to index
        %get3A_1278 = arith.constant 16 : index
        %get3A_1279 = tpu.vector_load %arg18[%get3A_1277, %get3A_1278] {strides = array<i32>} : memref<80x136xf32, #tpu.memory_space<vmem>>, vector<16xf32>,
        %mul3A_1280 = arith.mulf %get3A_1279, %gather3A_1265 : vector<16xf32>
        %swap3A_1281 = arith.index_cast %add3A_1263 : i32 to index
        %swap3A_1282 = arith.constant 16 : index
        %swap3A_1283 = tpu.vector_load %arg18[%swap3A_1281, %swap3A_1282] {strides = array<i32>} : memref<80x136xf32, #tpu.memory_space<vmem>>, vector<16xf32>,
        tpu.vector_store %arg18[%swap3A_1281, %swap3A_1282], %mul3A_1280 {strides = array<i32>} : memref<80x136xf32, #tpu.memory_space<vmem>>, vector<16xf32>,
        %get3A_1284 = arith.index_cast %add3A_1263 : i32 to index
        %get3A_1285 = arith.constant 32 : index
        %get3A_1286 = tpu.vector_load %arg18[%get3A_1284, %get3A_1285] {strides = array<i32>} : memref<80x136xf32, #tpu.memory_space<vmem>>, vector<16xf32>,
        %mul3A_1287 = arith.mulf %get3A_1286, %gather3A_1265 : vector<16xf32>
        %swap3A_1288 = arith.index_cast %add3A_1263 : i32 to index
        %swap3A_1289 = arith.constant 32 : index
        %swap3A_1290 = tpu.vector_load %arg18[%swap3A_1288, %swap3A_1289] {strides = array<i32>} : memref<80x136xf32, #tpu.memory_space<vmem>>, vector<16xf32>,
        tpu.vector_store %arg18[%swap3A_1288, %swap3A_1289], %mul3A_1287 {strides = array<i32>} : memref<80x136xf32, #tpu.memory_space<vmem>>, vector<16xf32>,
        %get3A_1291 = arith.index_cast %add3A_1263 : i32 to index
        %get3A_1292 = arith.constant 48 : index
        %get3A_1293 = tpu.vector_load %arg18[%get3A_1291, %get3A_1292] {strides = array<i32>} : memref<80x136xf32, #tpu.memory_space<vmem>>, vector<16xf32>,
        %mul3A_1294 = arith.mulf %get3A_1293, %gather3A_1265 : vector<16xf32>
        %swap3A_1295 = arith.index_cast %add3A_1263 : i32 to index
        %swap3A_1296 = arith.constant 48 : index
        %swap3A_1297 = tpu.vector_load %arg18[%swap3A_1295, %swap3A_1296] {strides = array<i32>} : memref<80x136xf32, #tpu.memory_space<vmem>>, vector<16xf32>,
        tpu.vector_store %arg18[%swap3A_1295, %swap3A_1296], %mul3A_1294 {strides = array<i32>} : memref<80x136xf32, #tpu.memory_space<vmem>>, vector<16xf32>,
        %get3A_1298 = arith.index_cast %add3A_1263 : i32 to index
        %get3A_1299 = arith.constant 64 : index
        %get3A_1300 = tpu.vector_load %arg18[%get3A_1298, %get3A_1299] {strides = array<i32>} : memref<80x136xf32, #tpu.memory_space<vmem>>, vector<16xf32>,
        %mul3A_1301 = arith.mulf %get3A_1300, %gather3A_1265 : vector<16xf32>
        %swap3A_1302 = arith.index_cast %add3A_1263 : i32 to index
        %swap3A_1303 = arith.constant 64 : index
        %swap3A_1304 = tpu.vector_load %arg18[%swap3A_1302, %swap3A_1303] {strides = array<i32>} : memref<80x136xf32, #tpu.memory_space<vmem>>, vector<16xf32>,
        tpu.vector_store %arg18[%swap3A_1302, %swap3A_1303], %mul3A_1301 {strides = array<i32>} : memref<80x136xf32, #tpu.memory_space<vmem>>, vector<16xf32>,
        %get3A_1305 = arith.index_cast %add3A_1263 : i32 to index
        %get3A_1306 = arith.constant 80 : index
        %get3A_1307 = tpu.vector_load %arg18[%get3A_1305, %get3A_1306] {strides = array<i32>} : memref<80x136xf32, #tpu.memory_space<vmem>>, vector<16xf32>,
        %mul3A_1308 = arith.mulf %get3A_1307, %gather3A_1265 : vector<16xf32>
        %swap3A_1309 = arith.index_cast %add3A_1263 : i32 to index
        %swap3A_1310 = arith.constant 80 : index
        %swap3A_1311 = tpu.vector_load %arg18[%swap3A_1309, %swap3A_1310] {strides = array<i32>} : memref<80x136xf32, #tpu.memory_space<vmem>>, vector<16xf32>,
        tpu.vector_store %arg18[%swap3A_1309, %swap3A_1310], %mul3A_1308 {strides = array<i32>} : memref<80x136xf32, #tpu.memory_space<vmem>>, vector<16xf32>,
        %get3A_1312 = arith.index_cast %add3A_1263 : i32 to index
        %get3A_1313 = arith.constant 96 : index
        %get3A_1314 = tpu.vector_load %arg18[%get3A_1312, %get3A_1313] {strides = array<i32>} : memref<80x136xf32, #tpu.memory_space<vmem>>, vector<16xf32>,
        %mul3A_1315 = arith.mulf %get3A_1314, %gather3A_1265 : vector<16xf32>
        %swap3A_1316 = arith.index_cast %add3A_1263 : i32 to index
        %swap3A_1317 = arith.constant 96 : index
        %swap3A_1318 = tpu.vector_load %arg18[%swap3A_1316, %swap3A_1317] {strides = array<i32>} : memref<80x136xf32, #tpu.memory_space<vmem>>, vector<16xf32>,
        tpu.vector_store %arg18[%swap3A_1316, %swap3A_1317], %mul3A_1315 {strides = array<i32>} : memref<80x136xf32, #tpu.memory_space<vmem>>, vector<16xf32>,
        %get3A_1319 = arith.index_cast %add3A_1263 : i32 to index
        %get3A_1320 = arith.constant 112 : index
        %get3A_1321 = tpu.vector_load %arg18[%get3A_1319, %get3A_1320] {strides = array<i32>} : memref<80x136xf32, #tpu.memory_space<vmem>>, vector<16xf32>,
        %mul3A_1322 = arith.mulf %get3A_1321, %gather3A_1265 : vector<16xf32>
        %swap3A_1323 = arith.index_cast %add3A_1263 : i32 to index
        %swap3A_1324 = arith.constant 112 : index
        %swap3A_1325 = tpu.vector_load %arg18[%swap3A_1323, %swap3A_1324] {strides = array<i32>} : memref<80x136xf32, #tpu.memory_space<vmem>>, vector<16xf32>,
        tpu.vector_store %arg18[%swap3A_1323, %swap3A_1324], %mul3A_1322 {strides = array<i32>} : memref<80x136xf32, #tpu.memory_space<vmem>>, vector<16xf32>,
        %add3A_1326 = arith.constant 1 : i32
        %add3A_1327 = arith.addi %add3A_1263, %add3A_1326 : i32
        %get3A_1328 = arith.index_cast %add3A_1327 : i32 to index
        %get3A_1329 = arith.constant 0 : index
        %get3A_1330 = tpu.vector_load %arg18[%get3A_1328, %get3A_1329] {strides = array<i32>} : memref<80x136xf32, #tpu.memory_space<vmem>>, vector<16xf32>,
        %mul3A_1331 = arith.mulf %get3A_1330, %gather3A_1269 : vector<16xf32>
        %add3A_1332 = arith.constant 1 : i32
        %add3A_1333 = arith.addi %add3A_1263, %add3A_1332 : i32
        %swap3A_1334 = arith.index_cast %add3A_1333 : i32 to index
        %swap3A_1335 = arith.constant 0 : index
        %swap3A_1336 = tpu.vector_load %arg18[%swap3A_1334, %swap3A_1335] {strides = array<i32>} : memref<80x136xf32, #tpu.memory_space<vmem>>, vector<16xf32>,
        tpu.vector_store %arg18[%swap3A_1334, %swap3A_1335], %mul3A_1331 {strides = array<i32>} : memref<80x136xf32, #tpu.memory_space<vmem>>, vector<16xf32>,
        %add3A_1337 = arith.constant 1 : i32
        %add3A_1338 = arith.addi %add3A_1263, %add3A_1337 : i32
        %get3A_1339 = arith.index_cast %add3A_1338 : i32 to index
        %get3A_1340 = arith.constant 16 : index
        %get3A_1341 = tpu.vector_load %arg18[%get3A_1339, %get3A_1340] {strides = array<i32>} : memref<80x136xf32, #tpu.memory_space<vmem>>, vector<16xf32>,
        %mul3A_1342 = arith.mulf %get3A_1341, %gather3A_1269 : vector<16xf32>
        %add3A_1343 = arith.constant 1 : i32
        %add3A_1344 = arith.addi %add3A_1263, %add3A_1343 : i32
        %swap3A_1345 = arith.index_cast %add3A_1344 : i32 to index
        %swap3A_1346 = arith.constant 16 : index
        %swap3A_1347 = tpu.vector_load %arg18[%swap3A_1345, %swap3A_1346] {strides = array<i32>} : memref<80x136xf32, #tpu.memory_space<vmem>>, vector<16xf32>,
        tpu.vector_store %arg18[%swap3A_1345, %swap3A_1346], %mul3A_1342 {strides = array<i32>} : memref<80x136xf32, #tpu.memory_space<vmem>>, vector<16xf32>,
        %add3A_1348 = arith.constant 1 : i32
        %add3A_1349 = arith.addi %add3A_1263, %add3A_1348 : i32
        %get3A_1350 = arith.index_cast %add3A_1349 : i32 to index
        %get3A_1351 = arith.constant 32 : index
        %get3A_1352 = tpu.vector_load %arg18[%get3A_1350, %get3A_1351] {strides = array<i32>} : memref<80x136xf32, #tpu.memory_space<vmem>>, vector<16xf32>,
        %mul3A_1353 = arith.mulf %get3A_1352, %gather3A_1269 : vector<16xf32>
        %add3A_1354 = arith.constant 1 : i32
        %add3A_1355 = arith.addi %add3A_1263, %add3A_1354 : i32
        %swap3A_1356 = arith.index_cast %add3A_1355 : i32 to index
        %swap3A_1357 = arith.constant 32 : index
        %swap3A_1358 = tpu.vector_load %arg18[%swap3A_1356, %swap3A_1357] {strides = array<i32>} : memref<80x136xf32, #tpu.memory_space<vmem>>, vector<16xf32>,
        tpu.vector_store %arg18[%swap3A_1356, %swap3A_1357], %mul3A_1353 {strides = array<i32>} : memref<80x136xf32, #tpu.memory_space<vmem>>, vector<16xf32>,
        %add3A_1359 = arith.constant 1 : i32
        %add3A_1360 = arith.addi %add3A_1263, %add3A_1359 : i32
        %get3A_1361 = arith.index_cast %add3A_1360 : i32 to index
        %get3A_1362 = arith.constant 48 : index
        %get3A_1363 = tpu.vector_load %arg18[%get3A_1361, %get3A_1362] {strides = array<i32>} : memref<80x136xf32, #tpu.memory_space<vmem>>, vector<16xf32>,
        %mul3A_1364 = arith.mulf %get3A_1363, %gather3A_1269 : vector<16xf32>
        %add3A_1365 = arith.constant 1 : i32
        %add3A_1366 = arith.addi %add3A_1263, %add3A_1365 : i32
        %swap3A_1367 = arith.index_cast %add3A_1366 : i32 to index
        %swap3A_1368 = arith.constant 48 : index
        %swap3A_1369 = tpu.vector_load %arg18[%swap3A_1367, %swap3A_1368] {strides = array<i32>} : memref<80x136xf32, #tpu.memory_space<vmem>>, vector<16xf32>,
        tpu.vector_store %arg18[%swap3A_1367, %swap3A_1368], %mul3A_1364 {strides = array<i32>} : memref<80x136xf32, #tpu.memory_space<vmem>>, vector<16xf32>,
        %add3A_1370 = arith.constant 1 : i32
        %add3A_1371 = arith.addi %add3A_1263, %add3A_1370 : i32
        %get3A_1372 = arith.index_cast %add3A_1371 : i32 to index
        %get3A_1373 = arith.constant 64 : index
        %get3A_1374 = tpu.vector_load %arg18[%get3A_1372, %get3A_1373] {strides = array<i32>} : memref<80x136xf32, #tpu.memory_space<vmem>>, vector<16xf32>,
        %mul3A_1375 = arith.mulf %get3A_1374, %gather3A_1269 : vector<16xf32>
        %add3A_1376 = arith.constant 1 : i32
        %add3A_1377 = arith.addi %add3A_1263, %add3A_1376 : i32
        %swap3A_1378 = arith.index_cast %add3A_1377 : i32 to index
        %swap3A_1379 = arith.constant 64 : index
        %swap3A_1380 = tpu.vector_load %arg18[%swap3A_1378, %swap3A_1379] {strides = array<i32>} : memref<80x136xf32, #tpu.memory_space<vmem>>, vector<16xf32>,
        tpu.vector_store %arg18[%swap3A_1378, %swap3A_1379], %mul3A_1375 {strides = array<i32>} : memref<80x136xf32, #tpu.memory_space<vmem>>, vector<16xf32>,
        %add3A_1381 = arith.constant 1 : i32
        %add3A_1382 = arith.addi %add3A_1263, %add3A_1381 : i32
        %get3A_1383 = arith.index_cast %add3A_1382 : i32 to index
        %get3A_1384 = arith.constant 80 : index
        %get3A_1385 = tpu.vector_load %arg18[%get3A_1383, %get3A_1384] {strides = array<i32>} : memref<80x136xf32, #tpu.memory_space<vmem>>, vector<16xf32>,
        %mul3A_1386 = arith.mulf %get3A_1385, %gather3A_1269 : vector<16xf32>
        %add3A_1387 = arith.constant 1 : i32
        %add3A_1388 = arith.addi %add3A_1263, %add3A_1387 : i32
        %swap3A_1389 = arith.index_cast %add3A_1388 : i32 to index
        %swap3A_1390 = arith.constant 80 : index
        %swap3A_1391 = tpu.vector_load %arg18[%swap3A_1389, %swap3A_1390] {strides = array<i32>} : memref<80x136xf32, #tpu.memory_space<vmem>>, vector<16xf32>,
        tpu.vector_store %arg18[%swap3A_1389, %swap3A_1390], %mul3A_1386 {strides = array<i32>} : memref<80x136xf32, #tpu.memory_space<vmem>>, vector<16xf32>,
        %add3A_1392 = arith.constant 1 : i32
        %add3A_1393 = arith.addi %add3A_1263, %add3A_1392 : i32
        %get3A_1394 = arith.index_cast %add3A_1393 : i32 to index
        %get3A_1395 = arith.constant 96 : index
        %get3A_1396 = tpu.vector_load %arg18[%get3A_1394, %get3A_1395] {strides = array<i32>} : memref<80x136xf32, #tpu.memory_space<vmem>>, vector<16xf32>,
        %mul3A_1397 = arith.mulf %get3A_1396, %gather3A_1269 : vector<16xf32>
        %add3A_1398 = arith.constant 1 : i32
        %add3A_1399 = arith.addi %add3A_1263, %add3A_1398 : i32
        %swap3A_1400 = arith.index_cast %add3A_1399 : i32 to index
        %swap3A_1401 = arith.constant 96 : index
        %swap3A_1402 = tpu.vector_load %arg18[%swap3A_1400, %swap3A_1401] {strides = array<i32>} : memref<80x136xf32, #tpu.memory_space<vmem>>, vector<16xf32>,
        tpu.vector_store %arg18[%swap3A_1400, %swap3A_1401], %mul3A_1397 {strides = array<i32>} : memref<80x136xf32, #tpu.memory_space<vmem>>, vector<16xf32>,
        %add3A_1403 = arith.constant 1 : i32
        %add3A_1404 = arith.addi %add3A_1263, %add3A_1403 : i32
        %get3A_1405 = arith.index_cast %add3A_1404 : i32 to index
        %get3A_1406 = arith.constant 112 : index
        %get3A_1407 = tpu.vector_load %arg18[%get3A_1405, %get3A_1406] {strides = array<i32>} : memref<80x136xf32, #tpu.memory_space<vmem>>, vector<16xf32>,
        %mul3A_1408 = arith.mulf %get3A_1407, %gather3A_1269 : vector<16xf32>
        %add3A_1409 = arith.constant 1 : i32
        %add3A_1410 = arith.addi %add3A_1263, %add3A_1409 : i32
        %swap3A_1411 = arith.index_cast %add3A_1410 : i32 to index
        %swap3A_1412 = arith.constant 112 : index
        %swap3A_1413 = tpu.vector_load %arg18[%swap3A_1411, %swap3A_1412] {strides = array<i32>} : memref<80x136xf32, #tpu.memory_space<vmem>>, vector<16xf32>,
        tpu.vector_store %arg18[%swap3A_1411, %swap3A_1412], %mul3A_1408 {strides = array<i32>} : memref<80x136xf32, #tpu.memory_space<vmem>>, vector<16xf32>,
        %scan3A_1414 = arith.constant 0 : i32
        scf.yield %scan3A_1414 : i32
      }
      %scan3A_1019 = arith.constant 20 : i32
      %iota3A_1020 = tpu.iota {dimensions = array<i32: 0>} : vector<16xi32>
      %broadcast_in_dim3A_1021 = arith.constant 128 : i32
      %broadcast_in_dim3A_1022 = vector.broadcast %broadcast_in_dim3A_1021 : i32 to vector<16xi32>
      %get3A_1023 = arith.constant 0 : index
      %get3A_1024 = tpu.vector_load %arg16[%get3A_1023] {strides = array<i32>} : memref<80xf32, #tpu.memory_space<vmem>>, vector<16xf32>,
      %add3A_1025 = arith.constant 0 : i32
      %add3A_1026 = vector.broadcast %add3A_1025 : i32 to vector<16xi32>
      %add3A_1027 = arith.addi %iota3A_1020, %add3A_1026 : vector<16xi32>
      tpu.vector_store_idx %arg18[%add3A_1027, %broadcast_in_dim3A_1022], %get3A_1024 : memref<80x136xf32, #tpu.memory_space<vmem>>[vector<16xi32>, vector<16xi32>], vector<16xf32>,
      %get3A_1028 = arith.constant 16 : index
      %get3A_1029 = tpu.vector_load %arg16[%get3A_1028] {strides = array<i32>} : memref<80xf32, #tpu.memory_space<vmem>>, vector<16xf32>,
      %add3A_1030 = arith.constant 16 : i32
      %add3A_1031 = vector.broadcast %add3A_1030 : i32 to vector<16xi32>
      %add3A_1032 = arith.addi %iota3A_1020, %add3A_1031 : vector<16xi32>
      tpu.vector_store_idx %arg18[%add3A_1032, %broadcast_in_dim3A_1022], %get3A_1029 : memref<80x136xf32, #tpu.memory_space<vmem>>[vector<16xi32>, vector<16xi32>], vector<16xf32>,
      %get3A_1033 = arith.constant 32 : index
      %get3A_1034 = tpu.vector_load %arg16[%get3A_1033] {strides = array<i32>} : memref<80xf32, #tpu.memory_space<vmem>>, vector<16xf32>,
      %add3A_1035 = arith.constant 32 : i32
      %add3A_1036 = vector.broadcast %add3A_1035 : i32 to vector<16xi32>
      %add3A_1037 = arith.addi %iota3A_1020, %add3A_1036 : vector<16xi32>
      tpu.vector_store_idx %arg18[%add3A_1037, %broadcast_in_dim3A_1022], %get3A_1034 : memref<80x136xf32, #tpu.memory_space<vmem>>[vector<16xi32>, vector<16xi32>], vector<16xf32>,
      %get3A_1038 = arith.constant 48 : index
      %get3A_1039 = tpu.vector_load %arg16[%get3A_1038] {strides = array<i32>} : memref<80xf32, #tpu.memory_space<vmem>>, vector<16xf32>,
      %add3A_1040 = arith.constant 48 : i32
      %add3A_1041 = vector.broadcast %add3A_1040 : i32 to vector<16xi32>
      %add3A_1042 = arith.addi %iota3A_1020, %add3A_1041 : vector<16xi32>
      tpu.vector_store_idx %arg18[%add3A_1042, %broadcast_in_dim3A_1022], %get3A_1039 : memref<80x136xf32, #tpu.memory_space<vmem>>[vector<16xi32>, vector<16xi32>], vector<16xf32>,
      %get3A_1043 = arith.constant 64 : index
      %get3A_1044 = tpu.vector_load %arg16[%get3A_1043] {strides = array<i32>} : memref<80xf32, #tpu.memory_space<vmem>>, vector<16xf32>,
      %add3A_1045 = arith.constant 64 : i32
      %add3A_1046 = vector.broadcast %add3A_1045 : i32 to vector<16xi32>
      %add3A_1047 = arith.addi %iota3A_1020, %add3A_1046 : vector<16xi32>
      tpu.vector_store_idx %arg18[%add3A_1047, %broadcast_in_dim3A_1022], %get3A_1044 : memref<80x136xf32, #tpu.memory_space<vmem>>[vector<16xi32>, vector<16xi32>], vector<16xf32>,
      %dma_start3A_1048 = arith.constant 0 : i32
      %dma_start3A_1049 = arith.constant 0 : i32
      %dma_start3A_1050 = tpu.memref_slice %arg19[%dma_start3A_1048, %dma_start3A_1049] : memref<10240x136xf32, #tpu.memory_space<vmem_shared>> -> memref<10240x136xf32, #tpu.memory_space<vmem_shared>>
      tpu.enqueue_indirect_dma source(%arg18 : memref<80x136xf32, #tpu.memory_space<vmem>>) target(%dma_start3A_1050 : memref<10240x136xf32, #tpu.memory_space<vmem_shared>>) offsets(%arg14 : memref<80xi32, #tpu.memory_space<vmem>>) semaphore(%arg25 : memref<!tpu.dma_semaphore, #tpu.memory_space<semaphore_mem>>) {add = true}
      %add3A_1051 = arith.constant 1 : i32
      %add3A_1052 = arith.addi %add3A_846, %add3A_1051 : i32
      %dma_wait3A_1053 = arith.constant 0 : i32
      %dma_wait3A_1054 = arith.constant 0 : i32
      %dma_wait3A_1055 = tpu.memref_slice %arg17[%dma_wait3A_1053, %dma_wait3A_1054] : memref<80x136xf32, #tpu.memory_space<vmem>> -> memref<40x136xf32, #tpu.memory_space<vmem>>
      %dma_wait3A_1056 = arith.constant 0 : i32
      %dma_wait3A_1057 = tpu.memref_slice %arg9[%dma_wait3A_1056] : memref<80xi32, #tpu.memory_space<vmem>> -> memref<40xi32, #tpu.memory_space<vmem>>
      %dma_wait3A_1058 = arith.constant 0 : i32
      %dma_wait3A_1059 = arith.constant 0 : i32
      %dma_wait3A_1060 = tpu.memref_slice %arg2[%dma_wait3A_1058, %dma_wait3A_1059] : memref<10240x136xf32, #tpu.memory_space<hbm>> -> memref<10240x136xf32, #tpu.memory_space<hbm>>
      tpu.wait_indirect_dma semaphore(%arg22 : memref<!tpu.dma_semaphore, #tpu.memory_space<semaphore_mem>>) src(%dma_wait3A_1060 : memref<10240x136xf32, #tpu.memory_space<hbm>>) dst(%dma_wait3A_1055 : memref<40x136xf32, #tpu.memory_space<vmem>>)
      %add3A_1061 = arith.constant 2 : i32
      %add3A_1062 = arith.addi %add3A_1052, %add3A_1061 : i32
      %mul3A_1063 = arith.constant 80 : i32
      %mul3A_1064 = arith.muli %add3A_1062, %mul3A_1063 : i32
      %add3A_1065 = arith.addi %mul3A_2, %mul3A_1064 : i32
      %dma_start3A_1066 = arith.constant 0 : i32
      %dma_start3A_1067 = tpu.memref_slice %arg5[%dma_start3A_1066, %add3A_1065] : memref<2x320000xi32, #tpu.memory_space<hbm>> -> memref<1x80xi32, #tpu.memory_space<hbm>>
      %dma_start3A_1068 = tpu.memref_squeeze %dma_start3A_1067 : memref<1x80xi32, #tpu.memory_space<hbm>> -> memref<80xi32, #tpu.memory_space<hbm>>
      %dma_start3A_1069 = tpu.memref_slice %arg5[%dma_start3A_1066, %add3A_1065] : memref<2x320000xi32, #tpu.memory_space<hbm>> -> memref<1x80xi32, #tpu.memory_space<hbm>>
      %dma_start3A_1070 = tpu.memref_squeeze %dma_start3A_1069 : memref<1x80xi32, #tpu.memory_space<hbm>> -> memref<80xi32, #tpu.memory_space<hbm>>
      tpu.enqueue_dma source(%dma_start3A_1070 : memref<80xi32, #tpu.memory_space<hbm>>) target(%arg9 : memref<80xi32, #tpu.memory_space<vmem>>) target_semaphore(%arg20 : memref<!tpu.dma_semaphore, #tpu.memory_space<semaphore_mem>>)
      %dma_start3A_1071 = arith.constant 1 : i32
      %dma_start3A_1072 = tpu.memref_slice %arg5[%dma_start3A_1071, %add3A_1065] : memref<2x320000xi32, #tpu.memory_space<hbm>> -> memref<1x80xi32, #tpu.memory_space<hbm>>
      %dma_start3A_1073 = tpu.memref_squeeze %dma_start3A_1072 : memref<1x80xi32, #tpu.memory_space<hbm>> -> memref<80xi32, #tpu.memory_space<hbm>>
      %dma_start3A_1074 = tpu.memref_slice %arg5[%dma_start3A_1071, %add3A_1065] : memref<2x320000xi32, #tpu.memory_space<hbm>> -> memref<1x80xi32, #tpu.memory_space<hbm>>
      %dma_start3A_1075 = tpu.memref_squeeze %dma_start3A_1074 : memref<1x80xi32, #tpu.memory_space<hbm>> -> memref<80xi32, #tpu.memory_space<hbm>>
      tpu.enqueue_dma source(%dma_start3A_1075 : memref<80xi32, #tpu.memory_space<hbm>>) target(%arg11 : memref<80xi32, #tpu.memory_space<vmem>>) target_semaphore(%arg20 : memref<!tpu.dma_semaphore, #tpu.memory_space<semaphore_mem>>)
      %dma_wait3A_1076 = arith.constant 0 : i32
      %dma_wait3A_1077 = arith.constant 0 : i32
      %dma_wait3A_1078 = tpu.memref_slice %arg5[%dma_wait3A_1076, %dma_wait3A_1077] : memref<2x320000xi32, #tpu.memory_space<hbm>> -> memref<1x80xi32, #tpu.memory_space<hbm>>
      %dma_wait3A_1079 = tpu.memref_squeeze %dma_wait3A_1078 : memref<1x80xi32, #tpu.memory_space<hbm>> -> memref<80xi32, #tpu.memory_space<hbm>>
      %dma_wait3A_1080 = arith.constant 0 : i32
      %dma_wait3A_1081 = tpu.memref_slice %arg5[%dma_wait3A_1076, %dma_wait3A_1080] : memref<2x320000xi32, #tpu.memory_space<hbm>> -> memref<1x80xi32, #tpu.memory_space<hbm>>
      %dma_wait3A_1082 = tpu.memref_squeeze %dma_wait3A_1081 : memref<1x80xi32, #tpu.memory_space<hbm>> -> memref<80xi32, #tpu.memory_space<hbm>>
      tpu.wait_dma2 semaphore(%arg21 : memref<!tpu.dma_semaphore, #tpu.memory_space<semaphore_mem>>) src(%dma_wait3A_1082 : memref<80xi32, #tpu.memory_space<hbm>>) dst(%arg10 : memref<80xi32, #tpu.memory_space<vmem>>)
      %dma_wait3A_1083 = arith.constant 1 : i32
      %dma_wait3A_1084 = arith.constant 0 : i32
      %dma_wait3A_1085 = tpu.memref_slice %arg5[%dma_wait3A_1083, %dma_wait3A_1084] : memref<2x320000xi32, #tpu.memory_space<hbm>> -> memref<1x80xi32, #tpu.memory_space<hbm>>
      %dma_wait3A_1086 = tpu.memref_squeeze %dma_wait3A_1085 : memref<1x80xi32, #tpu.memory_space<hbm>> -> memref<80xi32, #tpu.memory_space<hbm>>
      %dma_wait3A_1087 = arith.constant 0 : i32
      %dma_wait3A_1088 = tpu.memref_slice %arg5[%dma_wait3A_1083, %dma_wait3A_1087] : memref<2x320000xi32, #tpu.memory_space<hbm>> -> memref<1x80xi32, #tpu.memory_space<hbm>>
      %dma_wait3A_1089 = tpu.memref_squeeze %dma_wait3A_1088 : memref<1x80xi32, #tpu.memory_space<hbm>> -> memref<80xi32, #tpu.memory_space<hbm>>
      tpu.wait_dma2 semaphore(%arg21 : memref<!tpu.dma_semaphore, #tpu.memory_space<semaphore_mem>>) src(%dma_wait3A_1089 : memref<80xi32, #tpu.memory_space<hbm>>) dst(%arg12 : memref<80xi32, #tpu.memory_space<vmem>>)
      %dma_wait3A_1090 = arith.constant 0 : i32
      %dma_wait3A_1091 = arith.constant 0 : i32
      %dma_wait3A_1092 = tpu.memref_slice %arg19[%dma_wait3A_1090, %dma_wait3A_1091] : memref<10240x136xf32, #tpu.memory_space<vmem_shared>> -> memref<10240x136xf32, #tpu.memory_space<vmem_shared>>
      tpu.wait_indirect_dma semaphore(%arg25 : memref<!tpu.dma_semaphore, #tpu.memory_space<semaphore_mem>>) src(%arg18 : memref<80x136xf32, #tpu.memory_space<vmem>>) dst(%dma_wait3A_1092 : memref<10240x136xf32, #tpu.memory_space<vmem_shared>>)
      %dma_start3A_1093 = arith.constant 0 : i32
      %dma_start3A_1094 = arith.constant 0 : i32
      %dma_start3A_1095 = tpu.memref_slice %arg18[%dma_start3A_1093, %dma_start3A_1094] : memref<80x136xf32, #tpu.memory_space<vmem>> -> memref<40x136xf32, #tpu.memory_space<vmem>>
      %dma_start3A_1096 = arith.constant 0 : i32
      %dma_start3A_1097 = tpu.memref_slice %arg10[%dma_start3A_1096] : memref<80xi32, #tpu.memory_space<vmem>> -> memref<40xi32, #tpu.memory_space<vmem>>
      %dma_start3A_1098 = arith.constant 0 : i32
      %dma_start3A_1099 = arith.constant 0 : i32
      %dma_start3A_1100 = tpu.memref_slice %arg2[%dma_start3A_1098, %dma_start3A_1099] : memref<10240x136xf32, #tpu.memory_space<hbm>> -> memref<10240x136xf32, #tpu.memory_space<hbm>>
      tpu.enqueue_indirect_dma source(%dma_start3A_1100 : memref<10240x136xf32, #tpu.memory_space<hbm>>) target(%dma_start3A_1095 : memref<40x136xf32, #tpu.memory_space<vmem>>) offsets(%dma_start3A_1097 : memref<40xi32, #tpu.memory_space<vmem>>) semaphore(%arg23 : memref<!tpu.dma_semaphore, #tpu.memory_space<semaphore_mem>>)
      %dma_start3A_1101 = arith.constant 40 : i32
      %dma_start3A_1102 = arith.constant 0 : i32
      %dma_start3A_1103 = tpu.memref_slice %arg18[%dma_start3A_1101, %dma_start3A_1102] : memref<80x136xf32, #tpu.memory_space<vmem>> -> memref<40x136xf32, #tpu.memory_space<vmem>>
      %dma_start3A_1104 = arith.constant 40 : i32
      %dma_start3A_1105 = tpu.memref_slice %arg10[%dma_start3A_1104] : memref<80xi32, #tpu.memory_space<vmem>> -> memref<40xi32, #tpu.memory_space<vmem>>
      %dma_start3A_1106 = arith.constant 0 : i32
      %dma_start3A_1107 = arith.constant 0 : i32
      %dma_start3A_1108 = tpu.memref_slice %arg2[%dma_start3A_1106, %dma_start3A_1107] : memref<10240x136xf32, #tpu.memory_space<hbm>> -> memref<10240x136xf32, #tpu.memory_space<hbm>>
      tpu.enqueue_indirect_dma source(%dma_start3A_1108 : memref<10240x136xf32, #tpu.memory_space<hbm>>) target(%dma_start3A_1103 : memref<40x136xf32, #tpu.memory_space<vmem>>) offsets(%dma_start3A_1105 : memref<40xi32, #tpu.memory_space<vmem>>) semaphore(%arg27 : memref<!tpu.dma_semaphore, #tpu.memory_space<semaphore_mem>>)
      %get3A_1109 = arith.constant 0 : index
      %get3A_1110 = tpu.vector_load %arg12[%get3A_1109] {strides = array<i32>} : memref<80xi32, #tpu.memory_space<vmem>>, vector<16xi32>,
      %get3A_1111 = arith.constant 0 : index
      %get3A_1112 = tpu.vector_load %arg10[%get3A_1111] {strides = array<i32>} : memref<80xi32, #tpu.memory_space<vmem>>, vector<16xi32>,
      %gather3A_1113 = tpu.vector_load_idx %arg7[%get3A_1112] : memref<10240xf32, #tpu.memory_space<vmem>>[vector<16xi32>], vector<16xf32>,
      %gather3A_1114 = tpu.vector_load_idx %arg8[%get3A_1110] : memref<10240xf32, #tpu.memory_space<vmem>>[vector<16xi32>], vector<16xf32>,
      %add3A_1115 = arith.addf %gather3A_1113, %gather3A_1114 : vector<16xf32>
      %ge3A_1116 = arith.constant 0.000000e+00 : f32
      %ge3A_1117 = vector.broadcast %ge3A_1116 : f32 to vector<16xf32>
      %ge3A_1118 = arith.cmpf oge, %add3A_1115, %ge3A_1117 : vector<16xf32>
      %mul3A_1119 = arith.constant 2.000000e-01 : f32
      %mul3A_1120 = vector.broadcast %mul3A_1119 : f32 to vector<16xf32>
      %mul3A_1121 = arith.mulf %mul3A_1120, %add3A_1115 : vector<16xf32>
      %select_n3A_1122 = arith.select %ge3A_1118, %add3A_1115, %mul3A_1121 : vector<16xi1>, vector<16xf32>
      %exp3A_1123 = math.exp %select_n3A_1122 : vector<16xf32>
      %swap3A_1124 = arith.constant 0 : index
      %swap3A_1125 = tpu.vector_load %arg16[%swap3A_1124] {strides = array<i32>} : memref<80xf32, #tpu.memory_space<vmem>>, vector<16xf32>,
      tpu.vector_store %arg16[%swap3A_1124], %exp3A_1123 {strides = array<i32>} : memref<80xf32, #tpu.memory_space<vmem>>, vector<16xf32>,
      %swap3A_1126 = arith.constant 0 : index
      %swap3A_1127 = tpu.vector_load %arg14[%swap3A_1126] {strides = array<i32>} : memref<80xi32, #tpu.memory_space<vmem>>, vector<16xi32>,
      tpu.vector_store %arg14[%swap3A_1126], %get3A_1110 {strides = array<i32>} : memref<80xi32, #tpu.memory_space<vmem>>, vector<16xi32>,
      %get3A_1128 = arith.constant 16 : index
      %get3A_1129 = tpu.vector_load %arg12[%get3A_1128] {strides = array<i32>} : memref<80xi32, #tpu.memory_space<vmem>>, vector<16xi32>,
      %get3A_1130 = arith.constant 16 : index
      %get3A_1131 = tpu.vector_load %arg10[%get3A_1130] {strides = array<i32>} : memref<80xi32, #tpu.memory_space<vmem>>, vector<16xi32>,
      %gather3A_1132 = tpu.vector_load_idx %arg7[%get3A_1131] : memref<10240xf32, #tpu.memory_space<vmem>>[vector<16xi32>], vector<16xf32>,
      %gather3A_1133 = tpu.vector_load_idx %arg8[%get3A_1129] : memref<10240xf32, #tpu.memory_space<vmem>>[vector<16xi32>], vector<16xf32>,
      %add3A_1134 = arith.addf %gather3A_1132, %gather3A_1133 : vector<16xf32>
      %ge3A_1135 = arith.constant 0.000000e+00 : f32
      %ge3A_1136 = vector.broadcast %ge3A_1135 : f32 to vector<16xf32>
      %ge3A_1137 = arith.cmpf oge, %add3A_1134, %ge3A_1136 : vector<16xf32>
      %mul3A_1138 = arith.constant 2.000000e-01 : f32
      %mul3A_1139 = vector.broadcast %mul3A_1138 : f32 to vector<16xf32>
      %mul3A_1140 = arith.mulf %mul3A_1139, %add3A_1134 : vector<16xf32>
      %select_n3A_1141 = arith.select %ge3A_1137, %add3A_1134, %mul3A_1140 : vector<16xi1>, vector<16xf32>
      %exp3A_1142 = math.exp %select_n3A_1141 : vector<16xf32>
      %swap3A_1143 = arith.constant 16 : index
      %swap3A_1144 = tpu.vector_load %arg16[%swap3A_1143] {strides = array<i32>} : memref<80xf32, #tpu.memory_space<vmem>>, vector<16xf32>,
      tpu.vector_store %arg16[%swap3A_1143], %exp3A_1142 {strides = array<i32>} : memref<80xf32, #tpu.memory_space<vmem>>, vector<16xf32>,
      %swap3A_1145 = arith.constant 16 : index
      %swap3A_1146 = tpu.vector_load %arg14[%swap3A_1145] {strides = array<i32>} : memref<80xi32, #tpu.memory_space<vmem>>, vector<16xi32>,
      tpu.vector_store %arg14[%swap3A_1145], %get3A_1129 {strides = array<i32>} : memref<80xi32, #tpu.memory_space<vmem>>, vector<16xi32>,
      %get3A_1147 = arith.constant 32 : index
      %get3A_1148 = tpu.vector_load %arg12[%get3A_1147] {strides = array<i32>} : memref<80xi32, #tpu.memory_space<vmem>>, vector<16xi32>,
      %get3A_1149 = arith.constant 32 : index
      %get3A_1150 = tpu.vector_load %arg10[%get3A_1149] {strides = array<i32>} : memref<80xi32, #tpu.memory_space<vmem>>, vector<16xi32>,
      %gather3A_1151 = tpu.vector_load_idx %arg7[%get3A_1150] : memref<10240xf32, #tpu.memory_space<vmem>>[vector<16xi32>], vector<16xf32>,
      %gather3A_1152 = tpu.vector_load_idx %arg8[%get3A_1148] : memref<10240xf32, #tpu.memory_space<vmem>>[vector<16xi32>], vector<16xf32>,
      %add3A_1153 = arith.addf %gather3A_1151, %gather3A_1152 : vector<16xf32>
      %ge3A_1154 = arith.constant 0.000000e+00 : f32
      %ge3A_1155 = vector.broadcast %ge3A_1154 : f32 to vector<16xf32>
      %ge3A_1156 = arith.cmpf oge, %add3A_1153, %ge3A_1155 : vector<16xf32>
      %mul3A_1157 = arith.constant 2.000000e-01 : f32
      %mul3A_1158 = vector.broadcast %mul3A_1157 : f32 to vector<16xf32>
      %mul3A_1159 = arith.mulf %mul3A_1158, %add3A_1153 : vector<16xf32>
      %select_n3A_1160 = arith.select %ge3A_1156, %add3A_1153, %mul3A_1159 : vector<16xi1>, vector<16xf32>
      %exp3A_1161 = math.exp %select_n3A_1160 : vector<16xf32>
      %swap3A_1162 = arith.constant 32 : index
      %swap3A_1163 = tpu.vector_load %arg16[%swap3A_1162] {strides = array<i32>} : memref<80xf32, #tpu.memory_space<vmem>>, vector<16xf32>,
      tpu.vector_store %arg16[%swap3A_1162], %exp3A_1161 {strides = array<i32>} : memref<80xf32, #tpu.memory_space<vmem>>, vector<16xf32>,
      %swap3A_1164 = arith.constant 32 : index
      %swap3A_1165 = tpu.vector_load %arg14[%swap3A_1164] {strides = array<i32>} : memref<80xi32, #tpu.memory_space<vmem>>, vector<16xi32>,
      tpu.vector_store %arg14[%swap3A_1164], %get3A_1148 {strides = array<i32>} : memref<80xi32, #tpu.memory_space<vmem>>, vector<16xi32>,
      %get3A_1166 = arith.constant 48 : index
      %get3A_1167 = tpu.vector_load %arg12[%get3A_1166] {strides = array<i32>} : memref<80xi32, #tpu.memory_space<vmem>>, vector<16xi32>,
      %get3A_1168 = arith.constant 48 : index
      %get3A_1169 = tpu.vector_load %arg10[%get3A_1168] {strides = array<i32>} : memref<80xi32, #tpu.memory_space<vmem>>, vector<16xi32>,
      %gather3A_1170 = tpu.vector_load_idx %arg7[%get3A_1169] : memref<10240xf32, #tpu.memory_space<vmem>>[vector<16xi32>], vector<16xf32>,
      %gather3A_1171 = tpu.vector_load_idx %arg8[%get3A_1167] : memref<10240xf32, #tpu.memory_space<vmem>>[vector<16xi32>], vector<16xf32>,
      %add3A_1172 = arith.addf %gather3A_1170, %gather3A_1171 : vector<16xf32>
      %ge3A_1173 = arith.constant 0.000000e+00 : f32
      %ge3A_1174 = vector.broadcast %ge3A_1173 : f32 to vector<16xf32>
      %ge3A_1175 = arith.cmpf oge, %add3A_1172, %ge3A_1174 : vector<16xf32>
      %mul3A_1176 = arith.constant 2.000000e-01 : f32
      %mul3A_1177 = vector.broadcast %mul3A_1176 : f32 to vector<16xf32>
      %mul3A_1178 = arith.mulf %mul3A_1177, %add3A_1172 : vector<16xf32>
      %select_n3A_1179 = arith.select %ge3A_1175, %add3A_1172, %mul3A_1178 : vector<16xi1>, vector<16xf32>
      %exp3A_1180 = math.exp %select_n3A_1179 : vector<16xf32>
      %swap3A_1181 = arith.constant 48 : index
      %swap3A_1182 = tpu.vector_load %arg16[%swap3A_1181] {strides = array<i32>} : memref<80xf32, #tpu.memory_space<vmem>>, vector<16xf32>,
      tpu.vector_store %arg16[%swap3A_1181], %exp3A_1180 {strides = array<i32>} : memref<80xf32, #tpu.memory_space<vmem>>, vector<16xf32>,
      %swap3A_1183 = arith.constant 48 : index
      %swap3A_1184 = tpu.vector_load %arg14[%swap3A_1183] {strides = array<i32>} : memref<80xi32, #tpu.memory_space<vmem>>, vector<16xi32>,
      tpu.vector_store %arg14[%swap3A_1183], %get3A_1167 {strides = array<i32>} : memref<80xi32, #tpu.memory_space<vmem>>, vector<16xi32>,
      %get3A_1185 = arith.constant 64 : index
      %get3A_1186 = tpu.vector_load %arg12[%get3A_1185] {strides = array<i32>} : memref<80xi32, #tpu.memory_space<vmem>>, vector<16xi32>,
      %get3A_1187 = arith.constant 64 : index
      %get3A_1188 = tpu.vector_load %arg10[%get3A_1187] {strides = array<i32>} : memref<80xi32, #tpu.memory_space<vmem>>, vector<16xi32>,
      %gather3A_1189 = tpu.vector_load_idx %arg7[%get3A_1188] : memref<10240xf32, #tpu.memory_space<vmem>>[vector<16xi32>], vector<16xf32>,
      %gather3A_1190 = tpu.vector_load_idx %arg8[%get3A_1186] : memref<10240xf32, #tpu.memory_space<vmem>>[vector<16xi32>], vector<16xf32>,
      %add3A_1191 = arith.addf %gather3A_1189, %gather3A_1190 : vector<16xf32>
      %ge3A_1192 = arith.constant 0.000000e+00 : f32
      %ge3A_1193 = vector.broadcast %ge3A_1192 : f32 to vector<16xf32>
      %ge3A_1194 = arith.cmpf oge, %add3A_1191, %ge3A_1193 : vector<16xf32>
      %mul3A_1195 = arith.constant 2.000000e-01 : f32
      %mul3A_1196 = vector.broadcast %mul3A_1195 : f32 to vector<16xf32>
      %mul3A_1197 = arith.mulf %mul3A_1196, %add3A_1191 : vector<16xf32>
      %select_n3A_1198 = arith.select %ge3A_1194, %add3A_1191, %mul3A_1197 : vector<16xi1>, vector<16xf32>
      %exp3A_1199 = math.exp %select_n3A_1198 : vector<16xf32>
      %swap3A_1200 = arith.constant 64 : index
      %swap3A_1201 = tpu.vector_load %arg16[%swap3A_1200] {strides = array<i32>} : memref<80xf32, #tpu.memory_space<vmem>>, vector<16xf32>,
      tpu.vector_store %arg16[%swap3A_1200], %exp3A_1199 {strides = array<i32>} : memref<80xf32, #tpu.memory_space<vmem>>, vector<16xf32>,
      %swap3A_1202 = arith.constant 64 : index
      %swap3A_1203 = tpu.vector_load %arg14[%swap3A_1202] {strides = array<i32>} : memref<80xi32, #tpu.memory_space<vmem>>, vector<16xi32>,
      tpu.vector_store %arg14[%swap3A_1202], %get3A_1186 {strides = array<i32>} : memref<80xi32, #tpu.memory_space<vmem>>, vector<16xi32>,
      %scan3A_1204 = arith.constant 0 : i32
      %scan3A_1205 = arith.constant 0 : i32
      %scan3A_1206 = arith.constant 20 : i32
      %scan3A_1207 = arith.addi %scan3A_1205, %scan3A_1206 : i32
      %scan3A_1208 = arith.constant 1 : i32
      %scan3A_1209 = scf.for %scan3A_1258 = %scan3A_1205 to %scan3A_1207 step %scan3A_1208 iter_args(%scan3A_1259 = %scan3A_1204) -> (i32)  : i32 {
        %mul3A_1260 = arith.constant 2 : i32
        %mul3A_1261 = arith.muli %scan3A_1258, %mul3A_1260 : i32
        %add3A_1262 = arith.constant 0 : i32
        %add3A_1263 = arith.addi %add3A_1262, %mul3A_1261 : i32
        %broadcast_in_dim3A_1264 = vector.broadcast %add3A_1263 : i32 to vector<16xi32>
        %gather3A_1265 = tpu.vector_load_idx %arg15[%broadcast_in_dim3A_1264] : memref<80xf32, #tpu.memory_space<vmem>>[vector<16xi32>], vector<16xf32>,
        %add3A_1266 = arith.constant 1 : i32
        %add3A_1267 = arith.addi %add3A_1263, %add3A_1266 : i32
        %broadcast_in_dim3A_1268 = vector.broadcast %add3A_1267 : i32 to vector<16xi32>
        %gather3A_1269 = tpu.vector_load_idx %arg15[%broadcast_in_dim3A_1268] : memref<80xf32, #tpu.memory_space<vmem>>[vector<16xi32>], vector<16xf32>,
        %get3A_1270 = arith.index_cast %add3A_1263 : i32 to index
        %get3A_1271 = arith.constant 0 : index
        %get3A_1272 = tpu.vector_load %arg17[%get3A_1270, %get3A_1271] {strides = array<i32>} : memref<80x136xf32, #tpu.memory_space<vmem>>, vector<16xf32>,
        %mul3A_1273 = arith.mulf %get3A_1272, %gather3A_1265 : vector<16xf32>
        %swap3A_1274 = arith.index_cast %add3A_1263 : i32 to index
        %swap3A_1275 = arith.constant 0 : index
        %swap3A_1276 = tpu.vector_load %arg17[%swap3A_1274, %swap3A_1275] {strides = array<i32>} : memref<80x136xf32, #tpu.memory_space<vmem>>, vector<16xf32>,
        tpu.vector_store %arg17[%swap3A_1274, %swap3A_1275], %mul3A_1273 {strides = array<i32>} : memref<80x136xf32, #tpu.memory_space<vmem>>, vector<16xf32>,
        %get3A_1277 = arith.index_cast %add3A_1263 : i32 to index
        %get3A_1278 = arith.constant 16 : index
        %get3A_1279 = tpu.vector_load %arg17[%get3A_1277, %get3A_1278] {strides = array<i32>} : memref<80x136xf32, #tpu.memory_space<vmem>>, vector<16xf32>,
        %mul3A_1280 = arith.mulf %get3A_1279, %gather3A_1265 : vector<16xf32>
        %swap3A_1281 = arith.index_cast %add3A_1263 : i32 to index
        %swap3A_1282 = arith.constant 16 : index
        %swap3A_1283 = tpu.vector_load %arg17[%swap3A_1281, %swap3A_1282] {strides = array<i32>} : memref<80x136xf32, #tpu.memory_space<vmem>>, vector<16xf32>,
        tpu.vector_store %arg17[%swap3A_1281, %swap3A_1282], %mul3A_1280 {strides = array<i32>} : memref<80x136xf32, #tpu.memory_space<vmem>>, vector<16xf32>,
        %get3A_1284 = arith.index_cast %add3A_1263 : i32 to index
        %get3A_1285 = arith.constant 32 : index
        %get3A_1286 = tpu.vector_load %arg17[%get3A_1284, %get3A_1285] {strides = array<i32>} : memref<80x136xf32, #tpu.memory_space<vmem>>, vector<16xf32>,
        %mul3A_1287 = arith.mulf %get3A_1286, %gather3A_1265 : vector<16xf32>
        %swap3A_1288 = arith.index_cast %add3A_1263 : i32 to index
        %swap3A_1289 = arith.constant 32 : index
        %swap3A_1290 = tpu.vector_load %arg17[%swap3A_1288, %swap3A_1289] {strides = array<i32>} : memref<80x136xf32, #tpu.memory_space<vmem>>, vector<16xf32>,
        tpu.vector_store %arg17[%swap3A_1288, %swap3A_1289], %mul3A_1287 {strides = array<i32>} : memref<80x136xf32, #tpu.memory_space<vmem>>, vector<16xf32>,
        %get3A_1291 = arith.index_cast %add3A_1263 : i32 to index
        %get3A_1292 = arith.constant 48 : index
        %get3A_1293 = tpu.vector_load %arg17[%get3A_1291, %get3A_1292] {strides = array<i32>} : memref<80x136xf32, #tpu.memory_space<vmem>>, vector<16xf32>,
        %mul3A_1294 = arith.mulf %get3A_1293, %gather3A_1265 : vector<16xf32>
        %swap3A_1295 = arith.index_cast %add3A_1263 : i32 to index
        %swap3A_1296 = arith.constant 48 : index
        %swap3A_1297 = tpu.vector_load %arg17[%swap3A_1295, %swap3A_1296] {strides = array<i32>} : memref<80x136xf32, #tpu.memory_space<vmem>>, vector<16xf32>,
        tpu.vector_store %arg17[%swap3A_1295, %swap3A_1296], %mul3A_1294 {strides = array<i32>} : memref<80x136xf32, #tpu.memory_space<vmem>>, vector<16xf32>,
        %get3A_1298 = arith.index_cast %add3A_1263 : i32 to index
        %get3A_1299 = arith.constant 64 : index
        %get3A_1300 = tpu.vector_load %arg17[%get3A_1298, %get3A_1299] {strides = array<i32>} : memref<80x136xf32, #tpu.memory_space<vmem>>, vector<16xf32>,
        %mul3A_1301 = arith.mulf %get3A_1300, %gather3A_1265 : vector<16xf32>
        %swap3A_1302 = arith.index_cast %add3A_1263 : i32 to index
        %swap3A_1303 = arith.constant 64 : index
        %swap3A_1304 = tpu.vector_load %arg17[%swap3A_1302, %swap3A_1303] {strides = array<i32>} : memref<80x136xf32, #tpu.memory_space<vmem>>, vector<16xf32>,
        tpu.vector_store %arg17[%swap3A_1302, %swap3A_1303], %mul3A_1301 {strides = array<i32>} : memref<80x136xf32, #tpu.memory_space<vmem>>, vector<16xf32>,
        %get3A_1305 = arith.index_cast %add3A_1263 : i32 to index
        %get3A_1306 = arith.constant 80 : index
        %get3A_1307 = tpu.vector_load %arg17[%get3A_1305, %get3A_1306] {strides = array<i32>} : memref<80x136xf32, #tpu.memory_space<vmem>>, vector<16xf32>,
        %mul3A_1308 = arith.mulf %get3A_1307, %gather3A_1265 : vector<16xf32>
        %swap3A_1309 = arith.index_cast %add3A_1263 : i32 to index
        %swap3A_1310 = arith.constant 80 : index
        %swap3A_1311 = tpu.vector_load %arg17[%swap3A_1309, %swap3A_1310] {strides = array<i32>} : memref<80x136xf32, #tpu.memory_space<vmem>>, vector<16xf32>,
        tpu.vector_store %arg17[%swap3A_1309, %swap3A_1310], %mul3A_1308 {strides = array<i32>} : memref<80x136xf32, #tpu.memory_space<vmem>>, vector<16xf32>,
        %get3A_1312 = arith.index_cast %add3A_1263 : i32 to index
        %get3A_1313 = arith.constant 96 : index
        %get3A_1314 = tpu.vector_load %arg17[%get3A_1312, %get3A_1313] {strides = array<i32>} : memref<80x136xf32, #tpu.memory_space<vmem>>, vector<16xf32>,
        %mul3A_1315 = arith.mulf %get3A_1314, %gather3A_1265 : vector<16xf32>
        %swap3A_1316 = arith.index_cast %add3A_1263 : i32 to index
        %swap3A_1317 = arith.constant 96 : index
        %swap3A_1318 = tpu.vector_load %arg17[%swap3A_1316, %swap3A_1317] {strides = array<i32>} : memref<80x136xf32, #tpu.memory_space<vmem>>, vector<16xf32>,
        tpu.vector_store %arg17[%swap3A_1316, %swap3A_1317], %mul3A_1315 {strides = array<i32>} : memref<80x136xf32, #tpu.memory_space<vmem>>, vector<16xf32>,
        %get3A_1319 = arith.index_cast %add3A_1263 : i32 to index
        %get3A_1320 = arith.constant 112 : index
        %get3A_1321 = tpu.vector_load %arg17[%get3A_1319, %get3A_1320] {strides = array<i32>} : memref<80x136xf32, #tpu.memory_space<vmem>>, vector<16xf32>,
        %mul3A_1322 = arith.mulf %get3A_1321, %gather3A_1265 : vector<16xf32>
        %swap3A_1323 = arith.index_cast %add3A_1263 : i32 to index
        %swap3A_1324 = arith.constant 112 : index
        %swap3A_1325 = tpu.vector_load %arg17[%swap3A_1323, %swap3A_1324] {strides = array<i32>} : memref<80x136xf32, #tpu.memory_space<vmem>>, vector<16xf32>,
        tpu.vector_store %arg17[%swap3A_1323, %swap3A_1324], %mul3A_1322 {strides = array<i32>} : memref<80x136xf32, #tpu.memory_space<vmem>>, vector<16xf32>,
        %add3A_1326 = arith.constant 1 : i32
        %add3A_1327 = arith.addi %add3A_1263, %add3A_1326 : i32
        %get3A_1328 = arith.index_cast %add3A_1327 : i32 to index
        %get3A_1329 = arith.constant 0 : index
        %get3A_1330 = tpu.vector_load %arg17[%get3A_1328, %get3A_1329] {strides = array<i32>} : memref<80x136xf32, #tpu.memory_space<vmem>>, vector<16xf32>,
        %mul3A_1331 = arith.mulf %get3A_1330, %gather3A_1269 : vector<16xf32>
        %add3A_1332 = arith.constant 1 : i32
        %add3A_1333 = arith.addi %add3A_1263, %add3A_1332 : i32
        %swap3A_1334 = arith.index_cast %add3A_1333 : i32 to index
        %swap3A_1335 = arith.constant 0 : index
        %swap3A_1336 = tpu.vector_load %arg17[%swap3A_1334, %swap3A_1335] {strides = array<i32>} : memref<80x136xf32, #tpu.memory_space<vmem>>, vector<16xf32>,
        tpu.vector_store %arg17[%swap3A_1334, %swap3A_1335], %mul3A_1331 {strides = array<i32>} : memref<80x136xf32, #tpu.memory_space<vmem>>, vector<16xf32>,
        %add3A_1337 = arith.constant 1 : i32
        %add3A_1338 = arith.addi %add3A_1263, %add3A_1337 : i32
        %get3A_1339 = arith.index_cast %add3A_1338 : i32 to index
        %get3A_1340 = arith.constant 16 : index
        %get3A_1341 = tpu.vector_load %arg17[%get3A_1339, %get3A_1340] {strides = array<i32>} : memref<80x136xf32, #tpu.memory_space<vmem>>, vector<16xf32>,
        %mul3A_1342 = arith.mulf %get3A_1341, %gather3A_1269 : vector<16xf32>
        %add3A_1343 = arith.constant 1 : i32
        %add3A_1344 = arith.addi %add3A_1263, %add3A_1343 : i32
        %swap3A_1345 = arith.index_cast %add3A_1344 : i32 to index
        %swap3A_1346 = arith.constant 16 : index
        %swap3A_1347 = tpu.vector_load %arg17[%swap3A_1345, %swap3A_1346] {strides = array<i32>} : memref<80x136xf32, #tpu.memory_space<vmem>>, vector<16xf32>,
        tpu.vector_store %arg17[%swap3A_1345, %swap3A_1346], %mul3A_1342 {strides = array<i32>} : memref<80x136xf32, #tpu.memory_space<vmem>>, vector<16xf32>,
        %add3A_1348 = arith.constant 1 : i32
        %add3A_1349 = arith.addi %add3A_1263, %add3A_1348 : i32
        %get3A_1350 = arith.index_cast %add3A_1349 : i32 to index
        %get3A_1351 = arith.constant 32 : index
        %get3A_1352 = tpu.vector_load %arg17[%get3A_1350, %get3A_1351] {strides = array<i32>} : memref<80x136xf32, #tpu.memory_space<vmem>>, vector<16xf32>,
        %mul3A_1353 = arith.mulf %get3A_1352, %gather3A_1269 : vector<16xf32>
        %add3A_1354 = arith.constant 1 : i32
        %add3A_1355 = arith.addi %add3A_1263, %add3A_1354 : i32
        %swap3A_1356 = arith.index_cast %add3A_1355 : i32 to index
        %swap3A_1357 = arith.constant 32 : index
        %swap3A_1358 = tpu.vector_load %arg17[%swap3A_1356, %swap3A_1357] {strides = array<i32>} : memref<80x136xf32, #tpu.memory_space<vmem>>, vector<16xf32>,
        tpu.vector_store %arg17[%swap3A_1356, %swap3A_1357], %mul3A_1353 {strides = array<i32>} : memref<80x136xf32, #tpu.memory_space<vmem>>, vector<16xf32>,
        %add3A_1359 = arith.constant 1 : i32
        %add3A_1360 = arith.addi %add3A_1263, %add3A_1359 : i32
        %get3A_1361 = arith.index_cast %add3A_1360 : i32 to index
        %get3A_1362 = arith.constant 48 : index
        %get3A_1363 = tpu.vector_load %arg17[%get3A_1361, %get3A_1362] {strides = array<i32>} : memref<80x136xf32, #tpu.memory_space<vmem>>, vector<16xf32>,
        %mul3A_1364 = arith.mulf %get3A_1363, %gather3A_1269 : vector<16xf32>
        %add3A_1365 = arith.constant 1 : i32
        %add3A_1366 = arith.addi %add3A_1263, %add3A_1365 : i32
        %swap3A_1367 = arith.index_cast %add3A_1366 : i32 to index
        %swap3A_1368 = arith.constant 48 : index
        %swap3A_1369 = tpu.vector_load %arg17[%swap3A_1367, %swap3A_1368] {strides = array<i32>} : memref<80x136xf32, #tpu.memory_space<vmem>>, vector<16xf32>,
        tpu.vector_store %arg17[%swap3A_1367, %swap3A_1368], %mul3A_1364 {strides = array<i32>} : memref<80x136xf32, #tpu.memory_space<vmem>>, vector<16xf32>,
        %add3A_1370 = arith.constant 1 : i32
        %add3A_1371 = arith.addi %add3A_1263, %add3A_1370 : i32
        %get3A_1372 = arith.index_cast %add3A_1371 : i32 to index
        %get3A_1373 = arith.constant 64 : index
        %get3A_1374 = tpu.vector_load %arg17[%get3A_1372, %get3A_1373] {strides = array<i32>} : memref<80x136xf32, #tpu.memory_space<vmem>>, vector<16xf32>,
        %mul3A_1375 = arith.mulf %get3A_1374, %gather3A_1269 : vector<16xf32>
        %add3A_1376 = arith.constant 1 : i32
        %add3A_1377 = arith.addi %add3A_1263, %add3A_1376 : i32
        %swap3A_1378 = arith.index_cast %add3A_1377 : i32 to index
        %swap3A_1379 = arith.constant 64 : index
        %swap3A_1380 = tpu.vector_load %arg17[%swap3A_1378, %swap3A_1379] {strides = array<i32>} : memref<80x136xf32, #tpu.memory_space<vmem>>, vector<16xf32>,
        tpu.vector_store %arg17[%swap3A_1378, %swap3A_1379], %mul3A_1375 {strides = array<i32>} : memref<80x136xf32, #tpu.memory_space<vmem>>, vector<16xf32>,
        %add3A_1381 = arith.constant 1 : i32
        %add3A_1382 = arith.addi %add3A_1263, %add3A_1381 : i32
        %get3A_1383 = arith.index_cast %add3A_1382 : i32 to index
        %get3A_1384 = arith.constant 80 : index
        %get3A_1385 = tpu.vector_load %arg17[%get3A_1383, %get3A_1384] {strides = array<i32>} : memref<80x136xf32, #tpu.memory_space<vmem>>, vector<16xf32>,
        %mul3A_1386 = arith.mulf %get3A_1385, %gather3A_1269 : vector<16xf32>
        %add3A_1387 = arith.constant 1 : i32
        %add3A_1388 = arith.addi %add3A_1263, %add3A_1387 : i32
        %swap3A_1389 = arith.index_cast %add3A_1388 : i32 to index
        %swap3A_1390 = arith.constant 80 : index
        %swap3A_1391 = tpu.vector_load %arg17[%swap3A_1389, %swap3A_1390] {strides = array<i32>} : memref<80x136xf32, #tpu.memory_space<vmem>>, vector<16xf32>,
        tpu.vector_store %arg17[%swap3A_1389, %swap3A_1390], %mul3A_1386 {strides = array<i32>} : memref<80x136xf32, #tpu.memory_space<vmem>>, vector<16xf32>,
        %add3A_1392 = arith.constant 1 : i32
        %add3A_1393 = arith.addi %add3A_1263, %add3A_1392 : i32
        %get3A_1394 = arith.index_cast %add3A_1393 : i32 to index
        %get3A_1395 = arith.constant 96 : index
        %get3A_1396 = tpu.vector_load %arg17[%get3A_1394, %get3A_1395] {strides = array<i32>} : memref<80x136xf32, #tpu.memory_space<vmem>>, vector<16xf32>,
        %mul3A_1397 = arith.mulf %get3A_1396, %gather3A_1269 : vector<16xf32>
        %add3A_1398 = arith.constant 1 : i32
        %add3A_1399 = arith.addi %add3A_1263, %add3A_1398 : i32
        %swap3A_1400 = arith.index_cast %add3A_1399 : i32 to index
        %swap3A_1401 = arith.constant 96 : index
        %swap3A_1402 = tpu.vector_load %arg17[%swap3A_1400, %swap3A_1401] {strides = array<i32>} : memref<80x136xf32, #tpu.memory_space<vmem>>, vector<16xf32>,
        tpu.vector_store %arg17[%swap3A_1400, %swap3A_1401], %mul3A_1397 {strides = array<i32>} : memref<80x136xf32, #tpu.memory_space<vmem>>, vector<16xf32>,
        %add3A_1403 = arith.constant 1 : i32
        %add3A_1404 = arith.addi %add3A_1263, %add3A_1403 : i32
        %get3A_1405 = arith.index_cast %add3A_1404 : i32 to index
        %get3A_1406 = arith.constant 112 : index
        %get3A_1407 = tpu.vector_load %arg17[%get3A_1405, %get3A_1406] {strides = array<i32>} : memref<80x136xf32, #tpu.memory_space<vmem>>, vector<16xf32>,
        %mul3A_1408 = arith.mulf %get3A_1407, %gather3A_1269 : vector<16xf32>
        %add3A_1409 = arith.constant 1 : i32
        %add3A_1410 = arith.addi %add3A_1263, %add3A_1409 : i32
        %swap3A_1411 = arith.index_cast %add3A_1410 : i32 to index
        %swap3A_1412 = arith.constant 112 : index
        %swap3A_1413 = tpu.vector_load %arg17[%swap3A_1411, %swap3A_1412] {strides = array<i32>} : memref<80x136xf32, #tpu.memory_space<vmem>>, vector<16xf32>,
        tpu.vector_store %arg17[%swap3A_1411, %swap3A_1412], %mul3A_1408 {strides = array<i32>} : memref<80x136xf32, #tpu.memory_space<vmem>>, vector<16xf32>,
        %scan3A_1414 = arith.constant 0 : i32
        scf.yield %scan3A_1414 : i32
      }
      %scan3A_1210 = arith.constant 20 : i32
      %dma_wait3A_1211 = arith.constant 40 : i32
      %dma_wait3A_1212 = arith.constant 0 : i32
      %dma_wait3A_1213 = tpu.memref_slice %arg17[%dma_wait3A_1211, %dma_wait3A_1212] : memref<80x136xf32, #tpu.memory_space<vmem>> -> memref<40x136xf32, #tpu.memory_space<vmem>>
      %dma_wait3A_1214 = arith.constant 40 : i32
      %dma_wait3A_1215 = tpu.memref_slice %arg9[%dma_wait3A_1214] : memref<80xi32, #tpu.memory_space<vmem>> -> memref<40xi32, #tpu.memory_space<vmem>>
      %dma_wait3A_1216 = arith.constant 0 : i32
      %dma_wait3A_1217 = arith.constant 0 : i32
      %dma_wait3A_1218 = tpu.memref_slice %arg2[%dma_wait3A_1216, %dma_wait3A_1217] : memref<10240x136xf32, #tpu.memory_space<hbm>> -> memref<10240x136xf32, #tpu.memory_space<hbm>>
      tpu.wait_indirect_dma semaphore(%arg26 : memref<!tpu.dma_semaphore, #tpu.memory_space<semaphore_mem>>) src(%dma_wait3A_1218 : memref<10240x136xf32, #tpu.memory_space<hbm>>) dst(%dma_wait3A_1213 : memref<40x136xf32, #tpu.memory_space<vmem>>)
      %scan3A_1219 = arith.constant 0 : i32
      %scan3A_1220 = arith.constant 0 : i32
      %scan3A_1221 = arith.constant 20 : i32
      %scan3A_1222 = arith.addi %scan3A_1220, %scan3A_1221 : i32
      %scan3A_1223 = arith.constant 1 : i32
      %scan3A_1224 = scf.for %scan3A_1258 = %scan3A_1220 to %scan3A_1222 step %scan3A_1223 iter_args(%scan3A_1259 = %scan3A_1219) -> (i32)  : i32 {
        %mul3A_1260 = arith.constant 2 : i32
        %mul3A_1261 = arith.muli %scan3A_1258, %mul3A_1260 : i32
        %add3A_1262 = arith.constant 40 : i32
        %add3A_1263 = arith.addi %add3A_1262, %mul3A_1261 : i32
        %broadcast_in_dim3A_1264 = vector.broadcast %add3A_1263 : i32 to vector<16xi32>
        %gather3A_1265 = tpu.vector_load_idx %arg15[%broadcast_in_dim3A_1264] : memref<80xf32, #tpu.memory_space<vmem>>[vector<16xi32>], vector<16xf32>,
        %add3A_1266 = arith.constant 1 : i32
        %add3A_1267 = arith.addi %add3A_1263, %add3A_1266 : i32
        %broadcast_in_dim3A_1268 = vector.broadcast %add3A_1267 : i32 to vector<16xi32>
        %gather3A_1269 = tpu.vector_load_idx %arg15[%broadcast_in_dim3A_1268] : memref<80xf32, #tpu.memory_space<vmem>>[vector<16xi32>], vector<16xf32>,
        %get3A_1270 = arith.index_cast %add3A_1263 : i32 to index
        %get3A_1271 = arith.constant 0 : index
        %get3A_1272 = tpu.vector_load %arg17[%get3A_1270, %get3A_1271] {strides = array<i32>} : memref<80x136xf32, #tpu.memory_space<vmem>>, vector<16xf32>,
        %mul3A_1273 = arith.mulf %get3A_1272, %gather3A_1265 : vector<16xf32>
        %swap3A_1274 = arith.index_cast %add3A_1263 : i32 to index
        %swap3A_1275 = arith.constant 0 : index
        %swap3A_1276 = tpu.vector_load %arg17[%swap3A_1274, %swap3A_1275] {strides = array<i32>} : memref<80x136xf32, #tpu.memory_space<vmem>>, vector<16xf32>,
        tpu.vector_store %arg17[%swap3A_1274, %swap3A_1275], %mul3A_1273 {strides = array<i32>} : memref<80x136xf32, #tpu.memory_space<vmem>>, vector<16xf32>,
        %get3A_1277 = arith.index_cast %add3A_1263 : i32 to index
        %get3A_1278 = arith.constant 16 : index
        %get3A_1279 = tpu.vector_load %arg17[%get3A_1277, %get3A_1278] {strides = array<i32>} : memref<80x136xf32, #tpu.memory_space<vmem>>, vector<16xf32>,
        %mul3A_1280 = arith.mulf %get3A_1279, %gather3A_1265 : vector<16xf32>
        %swap3A_1281 = arith.index_cast %add3A_1263 : i32 to index
        %swap3A_1282 = arith.constant 16 : index
        %swap3A_1283 = tpu.vector_load %arg17[%swap3A_1281, %swap3A_1282] {strides = array<i32>} : memref<80x136xf32, #tpu.memory_space<vmem>>, vector<16xf32>,
        tpu.vector_store %arg17[%swap3A_1281, %swap3A_1282], %mul3A_1280 {strides = array<i32>} : memref<80x136xf32, #tpu.memory_space<vmem>>, vector<16xf32>,
        %get3A_1284 = arith.index_cast %add3A_1263 : i32 to index
        %get3A_1285 = arith.constant 32 : index
        %get3A_1286 = tpu.vector_load %arg17[%get3A_1284, %get3A_1285] {strides = array<i32>} : memref<80x136xf32, #tpu.memory_space<vmem>>, vector<16xf32>,
        %mul3A_1287 = arith.mulf %get3A_1286, %gather3A_1265 : vector<16xf32>
        %swap3A_1288 = arith.index_cast %add3A_1263 : i32 to index
        %swap3A_1289 = arith.constant 32 : index
        %swap3A_1290 = tpu.vector_load %arg17[%swap3A_1288, %swap3A_1289] {strides = array<i32>} : memref<80x136xf32, #tpu.memory_space<vmem>>, vector<16xf32>,
        tpu.vector_store %arg17[%swap3A_1288, %swap3A_1289], %mul3A_1287 {strides = array<i32>} : memref<80x136xf32, #tpu.memory_space<vmem>>, vector<16xf32>,
        %get3A_1291 = arith.index_cast %add3A_1263 : i32 to index
        %get3A_1292 = arith.constant 48 : index
        %get3A_1293 = tpu.vector_load %arg17[%get3A_1291, %get3A_1292] {strides = array<i32>} : memref<80x136xf32, #tpu.memory_space<vmem>>, vector<16xf32>,
        %mul3A_1294 = arith.mulf %get3A_1293, %gather3A_1265 : vector<16xf32>
        %swap3A_1295 = arith.index_cast %add3A_1263 : i32 to index
        %swap3A_1296 = arith.constant 48 : index
        %swap3A_1297 = tpu.vector_load %arg17[%swap3A_1295, %swap3A_1296] {strides = array<i32>} : memref<80x136xf32, #tpu.memory_space<vmem>>, vector<16xf32>,
        tpu.vector_store %arg17[%swap3A_1295, %swap3A_1296], %mul3A_1294 {strides = array<i32>} : memref<80x136xf32, #tpu.memory_space<vmem>>, vector<16xf32>,
        %get3A_1298 = arith.index_cast %add3A_1263 : i32 to index
        %get3A_1299 = arith.constant 64 : index
        %get3A_1300 = tpu.vector_load %arg17[%get3A_1298, %get3A_1299] {strides = array<i32>} : memref<80x136xf32, #tpu.memory_space<vmem>>, vector<16xf32>,
        %mul3A_1301 = arith.mulf %get3A_1300, %gather3A_1265 : vector<16xf32>
        %swap3A_1302 = arith.index_cast %add3A_1263 : i32 to index
        %swap3A_1303 = arith.constant 64 : index
        %swap3A_1304 = tpu.vector_load %arg17[%swap3A_1302, %swap3A_1303] {strides = array<i32>} : memref<80x136xf32, #tpu.memory_space<vmem>>, vector<16xf32>,
        tpu.vector_store %arg17[%swap3A_1302, %swap3A_1303], %mul3A_1301 {strides = array<i32>} : memref<80x136xf32, #tpu.memory_space<vmem>>, vector<16xf32>,
        %get3A_1305 = arith.index_cast %add3A_1263 : i32 to index
        %get3A_1306 = arith.constant 80 : index
        %get3A_1307 = tpu.vector_load %arg17[%get3A_1305, %get3A_1306] {strides = array<i32>} : memref<80x136xf32, #tpu.memory_space<vmem>>, vector<16xf32>,
        %mul3A_1308 = arith.mulf %get3A_1307, %gather3A_1265 : vector<16xf32>
        %swap3A_1309 = arith.index_cast %add3A_1263 : i32 to index
        %swap3A_1310 = arith.constant 80 : index
        %swap3A_1311 = tpu.vector_load %arg17[%swap3A_1309, %swap3A_1310] {strides = array<i32>} : memref<80x136xf32, #tpu.memory_space<vmem>>, vector<16xf32>,
        tpu.vector_store %arg17[%swap3A_1309, %swap3A_1310], %mul3A_1308 {strides = array<i32>} : memref<80x136xf32, #tpu.memory_space<vmem>>, vector<16xf32>,
        %get3A_1312 = arith.index_cast %add3A_1263 : i32 to index
        %get3A_1313 = arith.constant 96 : index
        %get3A_1314 = tpu.vector_load %arg17[%get3A_1312, %get3A_1313] {strides = array<i32>} : memref<80x136xf32, #tpu.memory_space<vmem>>, vector<16xf32>,
        %mul3A_1315 = arith.mulf %get3A_1314, %gather3A_1265 : vector<16xf32>
        %swap3A_1316 = arith.index_cast %add3A_1263 : i32 to index
        %swap3A_1317 = arith.constant 96 : index
        %swap3A_1318 = tpu.vector_load %arg17[%swap3A_1316, %swap3A_1317] {strides = array<i32>} : memref<80x136xf32, #tpu.memory_space<vmem>>, vector<16xf32>,
        tpu.vector_store %arg17[%swap3A_1316, %swap3A_1317], %mul3A_1315 {strides = array<i32>} : memref<80x136xf32, #tpu.memory_space<vmem>>, vector<16xf32>,
        %get3A_1319 = arith.index_cast %add3A_1263 : i32 to index
        %get3A_1320 = arith.constant 112 : index
        %get3A_1321 = tpu.vector_load %arg17[%get3A_1319, %get3A_1320] {strides = array<i32>} : memref<80x136xf32, #tpu.memory_space<vmem>>, vector<16xf32>,
        %mul3A_1322 = arith.mulf %get3A_1321, %gather3A_1265 : vector<16xf32>
        %swap3A_1323 = arith.index_cast %add3A_1263 : i32 to index
        %swap3A_1324 = arith.constant 112 : index
        %swap3A_1325 = tpu.vector_load %arg17[%swap3A_1323, %swap3A_1324] {strides = array<i32>} : memref<80x136xf32, #tpu.memory_space<vmem>>, vector<16xf32>,
        tpu.vector_store %arg17[%swap3A_1323, %swap3A_1324], %mul3A_1322 {strides = array<i32>} : memref<80x136xf32, #tpu.memory_space<vmem>>, vector<16xf32>,
        %add3A_1326 = arith.constant 1 : i32
        %add3A_1327 = arith.addi %add3A_1263, %add3A_1326 : i32
        %get3A_1328 = arith.index_cast %add3A_1327 : i32 to index
        %get3A_1329 = arith.constant 0 : index
        %get3A_1330 = tpu.vector_load %arg17[%get3A_1328, %get3A_1329] {strides = array<i32>} : memref<80x136xf32, #tpu.memory_space<vmem>>, vector<16xf32>,
        %mul3A_1331 = arith.mulf %get3A_1330, %gather3A_1269 : vector<16xf32>
        %add3A_1332 = arith.constant 1 : i32
        %add3A_1333 = arith.addi %add3A_1263, %add3A_1332 : i32
        %swap3A_1334 = arith.index_cast %add3A_1333 : i32 to index
        %swap3A_1335 = arith.constant 0 : index
        %swap3A_1336 = tpu.vector_load %arg17[%swap3A_1334, %swap3A_1335] {strides = array<i32>} : memref<80x136xf32, #tpu.memory_space<vmem>>, vector<16xf32>,
        tpu.vector_store %arg17[%swap3A_1334, %swap3A_1335], %mul3A_1331 {strides = array<i32>} : memref<80x136xf32, #tpu.memory_space<vmem>>, vector<16xf32>,
        %add3A_1337 = arith.constant 1 : i32
        %add3A_1338 = arith.addi %add3A_1263, %add3A_1337 : i32
        %get3A_1339 = arith.index_cast %add3A_1338 : i32 to index
        %get3A_1340 = arith.constant 16 : index
        %get3A_1341 = tpu.vector_load %arg17[%get3A_1339, %get3A_1340] {strides = array<i32>} : memref<80x136xf32, #tpu.memory_space<vmem>>, vector<16xf32>,
        %mul3A_1342 = arith.mulf %get3A_1341, %gather3A_1269 : vector<16xf32>
        %add3A_1343 = arith.constant 1 : i32
        %add3A_1344 = arith.addi %add3A_1263, %add3A_1343 : i32
        %swap3A_1345 = arith.index_cast %add3A_1344 : i32 to index
        %swap3A_1346 = arith.constant 16 : index
        %swap3A_1347 = tpu.vector_load %arg17[%swap3A_1345, %swap3A_1346] {strides = array<i32>} : memref<80x136xf32, #tpu.memory_space<vmem>>, vector<16xf32>,
        tpu.vector_store %arg17[%swap3A_1345, %swap3A_1346], %mul3A_1342 {strides = array<i32>} : memref<80x136xf32, #tpu.memory_space<vmem>>, vector<16xf32>,
        %add3A_1348 = arith.constant 1 : i32
        %add3A_1349 = arith.addi %add3A_1263, %add3A_1348 : i32
        %get3A_1350 = arith.index_cast %add3A_1349 : i32 to index
        %get3A_1351 = arith.constant 32 : index
        %get3A_1352 = tpu.vector_load %arg17[%get3A_1350, %get3A_1351] {strides = array<i32>} : memref<80x136xf32, #tpu.memory_space<vmem>>, vector<16xf32>,
        %mul3A_1353 = arith.mulf %get3A_1352, %gather3A_1269 : vector<16xf32>
        %add3A_1354 = arith.constant 1 : i32
        %add3A_1355 = arith.addi %add3A_1263, %add3A_1354 : i32
        %swap3A_1356 = arith.index_cast %add3A_1355 : i32 to index
        %swap3A_1357 = arith.constant 32 : index
        %swap3A_1358 = tpu.vector_load %arg17[%swap3A_1356, %swap3A_1357] {strides = array<i32>} : memref<80x136xf32, #tpu.memory_space<vmem>>, vector<16xf32>,
        tpu.vector_store %arg17[%swap3A_1356, %swap3A_1357], %mul3A_1353 {strides = array<i32>} : memref<80x136xf32, #tpu.memory_space<vmem>>, vector<16xf32>,
        %add3A_1359 = arith.constant 1 : i32
        %add3A_1360 = arith.addi %add3A_1263, %add3A_1359 : i32
        %get3A_1361 = arith.index_cast %add3A_1360 : i32 to index
        %get3A_1362 = arith.constant 48 : index
        %get3A_1363 = tpu.vector_load %arg17[%get3A_1361, %get3A_1362] {strides = array<i32>} : memref<80x136xf32, #tpu.memory_space<vmem>>, vector<16xf32>,
        %mul3A_1364 = arith.mulf %get3A_1363, %gather3A_1269 : vector<16xf32>
        %add3A_1365 = arith.constant 1 : i32
        %add3A_1366 = arith.addi %add3A_1263, %add3A_1365 : i32
        %swap3A_1367 = arith.index_cast %add3A_1366 : i32 to index
        %swap3A_1368 = arith.constant 48 : index
        %swap3A_1369 = tpu.vector_load %arg17[%swap3A_1367, %swap3A_1368] {strides = array<i32>} : memref<80x136xf32, #tpu.memory_space<vmem>>, vector<16xf32>,
        tpu.vector_store %arg17[%swap3A_1367, %swap3A_1368], %mul3A_1364 {strides = array<i32>} : memref<80x136xf32, #tpu.memory_space<vmem>>, vector<16xf32>,
        %add3A_1370 = arith.constant 1 : i32
        %add3A_1371 = arith.addi %add3A_1263, %add3A_1370 : i32
        %get3A_1372 = arith.index_cast %add3A_1371 : i32 to index
        %get3A_1373 = arith.constant 64 : index
        %get3A_1374 = tpu.vector_load %arg17[%get3A_1372, %get3A_1373] {strides = array<i32>} : memref<80x136xf32, #tpu.memory_space<vmem>>, vector<16xf32>,
        %mul3A_1375 = arith.mulf %get3A_1374, %gather3A_1269 : vector<16xf32>
        %add3A_1376 = arith.constant 1 : i32
        %add3A_1377 = arith.addi %add3A_1263, %add3A_1376 : i32
        %swap3A_1378 = arith.index_cast %add3A_1377 : i32 to index
        %swap3A_1379 = arith.constant 64 : index
        %swap3A_1380 = tpu.vector_load %arg17[%swap3A_1378, %swap3A_1379] {strides = array<i32>} : memref<80x136xf32, #tpu.memory_space<vmem>>, vector<16xf32>,
        tpu.vector_store %arg17[%swap3A_1378, %swap3A_1379], %mul3A_1375 {strides = array<i32>} : memref<80x136xf32, #tpu.memory_space<vmem>>, vector<16xf32>,
        %add3A_1381 = arith.constant 1 : i32
        %add3A_1382 = arith.addi %add3A_1263, %add3A_1381 : i32
        %get3A_1383 = arith.index_cast %add3A_1382 : i32 to index
        %get3A_1384 = arith.constant 80 : index
        %get3A_1385 = tpu.vector_load %arg17[%get3A_1383, %get3A_1384] {strides = array<i32>} : memref<80x136xf32, #tpu.memory_space<vmem>>, vector<16xf32>,
        %mul3A_1386 = arith.mulf %get3A_1385, %gather3A_1269 : vector<16xf32>
        %add3A_1387 = arith.constant 1 : i32
        %add3A_1388 = arith.addi %add3A_1263, %add3A_1387 : i32
        %swap3A_1389 = arith.index_cast %add3A_1388 : i32 to index
        %swap3A_1390 = arith.constant 80 : index
        %swap3A_1391 = tpu.vector_load %arg17[%swap3A_1389, %swap3A_1390] {strides = array<i32>} : memref<80x136xf32, #tpu.memory_space<vmem>>, vector<16xf32>,
        tpu.vector_store %arg17[%swap3A_1389, %swap3A_1390], %mul3A_1386 {strides = array<i32>} : memref<80x136xf32, #tpu.memory_space<vmem>>, vector<16xf32>,
        %add3A_1392 = arith.constant 1 : i32
        %add3A_1393 = arith.addi %add3A_1263, %add3A_1392 : i32
        %get3A_1394 = arith.index_cast %add3A_1393 : i32 to index
        %get3A_1395 = arith.constant 96 : index
        %get3A_1396 = tpu.vector_load %arg17[%get3A_1394, %get3A_1395] {strides = array<i32>} : memref<80x136xf32, #tpu.memory_space<vmem>>, vector<16xf32>,
        %mul3A_1397 = arith.mulf %get3A_1396, %gather3A_1269 : vector<16xf32>
        %add3A_1398 = arith.constant 1 : i32
        %add3A_1399 = arith.addi %add3A_1263, %add3A_1398 : i32
        %swap3A_1400 = arith.index_cast %add3A_1399 : i32 to index
        %swap3A_1401 = arith.constant 96 : index
        %swap3A_1402 = tpu.vector_load %arg17[%swap3A_1400, %swap3A_1401] {strides = array<i32>} : memref<80x136xf32, #tpu.memory_space<vmem>>, vector<16xf32>,
        tpu.vector_store %arg17[%swap3A_1400, %swap3A_1401], %mul3A_1397 {strides = array<i32>} : memref<80x136xf32, #tpu.memory_space<vmem>>, vector<16xf32>,
        %add3A_1403 = arith.constant 1 : i32
        %add3A_1404 = arith.addi %add3A_1263, %add3A_1403 : i32
        %get3A_1405 = arith.index_cast %add3A_1404 : i32 to index
        %get3A_1406 = arith.constant 112 : index
        %get3A_1407 = tpu.vector_load %arg17[%get3A_1405, %get3A_1406] {strides = array<i32>} : memref<80x136xf32, #tpu.memory_space<vmem>>, vector<16xf32>,
        %mul3A_1408 = arith.mulf %get3A_1407, %gather3A_1269 : vector<16xf32>
        %add3A_1409 = arith.constant 1 : i32
        %add3A_1410 = arith.addi %add3A_1263, %add3A_1409 : i32
        %swap3A_1411 = arith.index_cast %add3A_1410 : i32 to index
        %swap3A_1412 = arith.constant 112 : index
        %swap3A_1413 = tpu.vector_load %arg17[%swap3A_1411, %swap3A_1412] {strides = array<i32>} : memref<80x136xf32, #tpu.memory_space<vmem>>, vector<16xf32>,
        tpu.vector_store %arg17[%swap3A_1411, %swap3A_1412], %mul3A_1408 {strides = array<i32>} : memref<80x136xf32, #tpu.memory_space<vmem>>, vector<16xf32>,
        %scan3A_1414 = arith.constant 0 : i32
        scf.yield %scan3A_1414 : i32
      }
      %scan3A_1225 = arith.constant 20 : i32
      %iota3A_1226 = tpu.iota {dimensions = array<i32: 0>} : vector<16xi32>
      %broadcast_in_dim3A_1227 = arith.constant 128 : i32
      %broadcast_in_dim3A_1228 = vector.broadcast %broadcast_in_dim3A_1227 : i32 to vector<16xi32>
      %get3A_1229 = arith.constant 0 : index
      %get3A_1230 = tpu.vector_load %arg15[%get3A_1229] {strides = array<i32>} : memref<80xf32, #tpu.memory_space<vmem>>, vector<16xf32>,
      %add3A_1231 = arith.constant 0 : i32
      %add3A_1232 = vector.broadcast %add3A_1231 : i32 to vector<16xi32>
      %add3A_1233 = arith.addi %iota3A_1226, %add3A_1232 : vector<16xi32>
      tpu.vector_store_idx %arg17[%add3A_1233, %broadcast_in_dim3A_1228], %get3A_1230 : memref<80x136xf32, #tpu.memory_space<vmem>>[vector<16xi32>, vector<16xi32>], vector<16xf32>,
      %get3A_1234 = arith.constant 16 : index
      %get3A_1235 = tpu.vector_load %arg15[%get3A_1234] {strides = array<i32>} : memref<80xf32, #tpu.memory_space<vmem>>, vector<16xf32>,
      %add3A_1236 = arith.constant 16 : i32
      %add3A_1237 = vector.broadcast %add3A_1236 : i32 to vector<16xi32>
      %add3A_1238 = arith.addi %iota3A_1226, %add3A_1237 : vector<16xi32>
      tpu.vector_store_idx %arg17[%add3A_1238, %broadcast_in_dim3A_1228], %get3A_1235 : memref<80x136xf32, #tpu.memory_space<vmem>>[vector<16xi32>, vector<16xi32>], vector<16xf32>,
      %get3A_1239 = arith.constant 32 : index
      %get3A_1240 = tpu.vector_load %arg15[%get3A_1239] {strides = array<i32>} : memref<80xf32, #tpu.memory_space<vmem>>, vector<16xf32>,
      %add3A_1241 = arith.constant 32 : i32
      %add3A_1242 = vector.broadcast %add3A_1241 : i32 to vector<16xi32>
      %add3A_1243 = arith.addi %iota3A_1226, %add3A_1242 : vector<16xi32>
      tpu.vector_store_idx %arg17[%add3A_1243, %broadcast_in_dim3A_1228], %get3A_1240 : memref<80x136xf32, #tpu.memory_space<vmem>>[vector<16xi32>, vector<16xi32>], vector<16xf32>,
      %get3A_1244 = arith.constant 48 : index
      %get3A_1245 = tpu.vector_load %arg15[%get3A_1244] {strides = array<i32>} : memref<80xf32, #tpu.memory_space<vmem>>, vector<16xf32>,
      %add3A_1246 = arith.constant 48 : i32
      %add3A_1247 = vector.broadcast %add3A_1246 : i32 to vector<16xi32>
      %add3A_1248 = arith.addi %iota3A_1226, %add3A_1247 : vector<16xi32>
      tpu.vector_store_idx %arg17[%add3A_1248, %broadcast_in_dim3A_1228], %get3A_1245 : memref<80x136xf32, #tpu.memory_space<vmem>>[vector<16xi32>, vector<16xi32>], vector<16xf32>,
      %get3A_1249 = arith.constant 64 : index
      %get3A_1250 = tpu.vector_load %arg15[%get3A_1249] {strides = array<i32>} : memref<80xf32, #tpu.memory_space<vmem>>, vector<16xf32>,
      %add3A_1251 = arith.constant 64 : i32
      %add3A_1252 = vector.broadcast %add3A_1251 : i32 to vector<16xi32>
      %add3A_1253 = arith.addi %iota3A_1226, %add3A_1252 : vector<16xi32>
      tpu.vector_store_idx %arg17[%add3A_1253, %broadcast_in_dim3A_1228], %get3A_1250 : memref<80x136xf32, #tpu.memory_space<vmem>>[vector<16xi32>, vector<16xi32>], vector<16xf32>,
      %dma_start3A_1254 = arith.constant 0 : i32
      %dma_start3A_1255 = arith.constant 0 : i32
      %dma_start3A_1256 = tpu.memref_slice %arg19[%dma_start3A_1254, %dma_start3A_1255] : memref<10240x136xf32, #tpu.memory_space<vmem_shared>> -> memref<10240x136xf32, #tpu.memory_space<vmem_shared>>
      tpu.enqueue_indirect_dma source(%arg17 : memref<80x136xf32, #tpu.memory_space<vmem>>) target(%dma_start3A_1256 : memref<10240x136xf32, #tpu.memory_space<vmem_shared>>) offsets(%arg13 : memref<80xi32, #tpu.memory_space<vmem>>) semaphore(%arg24 : memref<!tpu.dma_semaphore, #tpu.memory_space<semaphore_mem>>) {add = true}
      %scan3A_1257 = arith.constant 0 : i32
      scf.yield %scan3A_1257 : i32
    }
    %scan3A_456 = arith.constant 61 : i32
    %dma_wait3A_457 = arith.constant 0 : i32
    %dma_wait3A_458 = arith.constant 0 : i32
    %dma_wait3A_459 = tpu.memref_slice %arg18[%dma_wait3A_457, %dma_wait3A_458] : memref<80x136xf32, #tpu.memory_space<vmem>> -> memref<40x136xf32, #tpu.memory_space<vmem>>
    %dma_wait3A_460 = arith.constant 0 : i32
    %dma_wait3A_461 = tpu.memref_slice %arg10[%dma_wait3A_460] : memref<80xi32, #tpu.memory_space<vmem>> -> memref<40xi32, #tpu.memory_space<vmem>>
    %dma_wait3A_462 = arith.constant 0 : i32
    %dma_wait3A_463 = arith.constant 0 : i32
    %dma_wait3A_464 = tpu.memref_slice %arg2[%dma_wait3A_462, %dma_wait3A_463] : memref<10240x136xf32, #tpu.memory_space<hbm>> -> memref<10240x136xf32, #tpu.memory_space<hbm>>
    tpu.wait_indirect_dma semaphore(%arg23 : memref<!tpu.dma_semaphore, #tpu.memory_space<semaphore_mem>>) src(%dma_wait3A_464 : memref<10240x136xf32, #tpu.memory_space<hbm>>) dst(%dma_wait3A_459 : memref<40x136xf32, #tpu.memory_space<vmem>>)
    %dma_wait3A_465 = arith.constant 0 : i32
    %dma_wait3A_466 = arith.constant 0 : i32
    %dma_wait3A_467 = tpu.memref_slice %arg5[%dma_wait3A_465, %dma_wait3A_466] : memref<2x320000xi32, #tpu.memory_space<hbm>> -> memref<1x80xi32, #tpu.memory_space<hbm>>
    %dma_wait3A_468 = tpu.memref_squeeze %dma_wait3A_467 : memref<1x80xi32, #tpu.memory_space<hbm>> -> memref<80xi32, #tpu.memory_space<hbm>>
    %dma_wait3A_469 = arith.constant 0 : i32
    %dma_wait3A_470 = tpu.memref_slice %arg5[%dma_wait3A_465, %dma_wait3A_469] : memref<2x320000xi32, #tpu.memory_space<hbm>> -> memref<1x80xi32, #tpu.memory_space<hbm>>
    %dma_wait3A_471 = tpu.memref_squeeze %dma_wait3A_470 : memref<1x80xi32, #tpu.memory_space<hbm>> -> memref<80xi32, #tpu.memory_space<hbm>>
    tpu.wait_dma2 semaphore(%arg20 : memref<!tpu.dma_semaphore, #tpu.memory_space<semaphore_mem>>) src(%dma_wait3A_471 : memref<80xi32, #tpu.memory_space<hbm>>) dst(%arg9 : memref<80xi32, #tpu.memory_space<vmem>>)
    %dma_wait3A_472 = arith.constant 1 : i32
    %dma_wait3A_473 = arith.constant 0 : i32
    %dma_wait3A_474 = tpu.memref_slice %arg5[%dma_wait3A_472, %dma_wait3A_473] : memref<2x320000xi32, #tpu.memory_space<hbm>> -> memref<1x80xi32, #tpu.memory_space<hbm>>
    %dma_wait3A_475 = tpu.memref_squeeze %dma_wait3A_474 : memref<1x80xi32, #tpu.memory_space<hbm>> -> memref<80xi32, #tpu.memory_space<hbm>>
    %dma_wait3A_476 = arith.constant 0 : i32
    %dma_wait3A_477 = tpu.memref_slice %arg5[%dma_wait3A_472, %dma_wait3A_476] : memref<2x320000xi32, #tpu.memory_space<hbm>> -> memref<1x80xi32, #tpu.memory_space<hbm>>
    %dma_wait3A_478 = tpu.memref_squeeze %dma_wait3A_477 : memref<1x80xi32, #tpu.memory_space<hbm>> -> memref<80xi32, #tpu.memory_space<hbm>>
    tpu.wait_dma2 semaphore(%arg20 : memref<!tpu.dma_semaphore, #tpu.memory_space<semaphore_mem>>) src(%dma_wait3A_478 : memref<80xi32, #tpu.memory_space<hbm>>) dst(%arg11 : memref<80xi32, #tpu.memory_space<vmem>>)
    %dma_wait3A_479 = arith.constant 0 : i32
    %dma_wait3A_480 = arith.constant 0 : i32
    %dma_wait3A_481 = tpu.memref_slice %arg19[%dma_wait3A_479, %dma_wait3A_480] : memref<10240x136xf32, #tpu.memory_space<vmem_shared>> -> memref<10240x136xf32, #tpu.memory_space<vmem_shared>>
    tpu.wait_indirect_dma semaphore(%arg24 : memref<!tpu.dma_semaphore, #tpu.memory_space<semaphore_mem>>) src(%arg17 : memref<80x136xf32, #tpu.memory_space<vmem>>) dst(%dma_wait3A_481 : memref<10240x136xf32, #tpu.memory_space<vmem_shared>>)
    %dma_start3A_482 = arith.constant 0 : i32
    %dma_start3A_483 = arith.constant 0 : i32
    %dma_start3A_484 = tpu.memref_slice %arg17[%dma_start3A_482, %dma_start3A_483] : memref<80x136xf32, #tpu.memory_space<vmem>> -> memref<40x136xf32, #tpu.memory_space<vmem>>
    %dma_start3A_485 = arith.constant 0 : i32
    %dma_start3A_486 = tpu.memref_slice %arg9[%dma_start3A_485] : memref<80xi32, #tpu.memory_space<vmem>> -> memref<40xi32, #tpu.memory_space<vmem>>
    %dma_start3A_487 = arith.constant 0 : i32
    %dma_start3A_488 = arith.constant 0 : i32
    %dma_start3A_489 = tpu.memref_slice %arg2[%dma_start3A_487, %dma_start3A_488] : memref<10240x136xf32, #tpu.memory_space<hbm>> -> memref<10240x136xf32, #tpu.memory_space<hbm>>
    tpu.enqueue_indirect_dma source(%dma_start3A_489 : memref<10240x136xf32, #tpu.memory_space<hbm>>) target(%dma_start3A_484 : memref<40x136xf32, #tpu.memory_space<vmem>>) offsets(%dma_start3A_486 : memref<40xi32, #tpu.memory_space<vmem>>) semaphore(%arg22 : memref<!tpu.dma_semaphore, #tpu.memory_space<semaphore_mem>>)
    %dma_start3A_490 = arith.constant 40 : i32
    %dma_start3A_491 = arith.constant 0 : i32
    %dma_start3A_492 = tpu.memref_slice %arg17[%dma_start3A_490, %dma_start3A_491] : memref<80x136xf32, #tpu.memory_space<vmem>> -> memref<40x136xf32, #tpu.memory_space<vmem>>
    %dma_start3A_493 = arith.constant 40 : i32
    %dma_start3A_494 = tpu.memref_slice %arg9[%dma_start3A_493] : memref<80xi32, #tpu.memory_space<vmem>> -> memref<40xi32, #tpu.memory_space<vmem>>
    %dma_start3A_495 = arith.constant 0 : i32
    %dma_start3A_496 = arith.constant 0 : i32
    %dma_start3A_497 = tpu.memref_slice %arg2[%dma_start3A_495, %dma_start3A_496] : memref<10240x136xf32, #tpu.memory_space<hbm>> -> memref<10240x136xf32, #tpu.memory_space<hbm>>
    tpu.enqueue_indirect_dma source(%dma_start3A_497 : memref<10240x136xf32, #tpu.memory_space<hbm>>) target(%dma_start3A_492 : memref<40x136xf32, #tpu.memory_space<vmem>>) offsets(%dma_start3A_494 : memref<40xi32, #tpu.memory_space<vmem>>) semaphore(%arg26 : memref<!tpu.dma_semaphore, #tpu.memory_space<semaphore_mem>>)
    %get3A_498 = arith.constant 0 : index
    %get3A_499 = tpu.vector_load %arg11[%get3A_498] {strides = array<i32>} : memref<80xi32, #tpu.memory_space<vmem>>, vector<16xi32>,
    %get3A_500 = arith.constant 0 : index
    %get3A_501 = tpu.vector_load %arg9[%get3A_500] {strides = array<i32>} : memref<80xi32, #tpu.memory_space<vmem>>, vector<16xi32>,
    %gather3A_502 = tpu.vector_load_idx %arg7[%get3A_501] : memref<10240xf32, #tpu.memory_space<vmem>>[vector<16xi32>], vector<16xf32>,
    %gather3A_503 = tpu.vector_load_idx %arg8[%get3A_499] : memref<10240xf32, #tpu.memory_space<vmem>>[vector<16xi32>], vector<16xf32>,
    %add3A_504 = arith.addf %gather3A_502, %gather3A_503 : vector<16xf32>
    %ge3A_505 = arith.constant 0.000000e+00 : f32
    %ge3A_506 = vector.broadcast %ge3A_505 : f32 to vector<16xf32>
    %ge3A_507 = arith.cmpf oge, %add3A_504, %ge3A_506 : vector<16xf32>
    %mul3A_508 = arith.constant 2.000000e-01 : f32
    %mul3A_509 = vector.broadcast %mul3A_508 : f32 to vector<16xf32>
    %mul3A_510 = arith.mulf %mul3A_509, %add3A_504 : vector<16xf32>
    %select_n3A_511 = arith.select %ge3A_507, %add3A_504, %mul3A_510 : vector<16xi1>, vector<16xf32>
    %exp3A_512 = math.exp %select_n3A_511 : vector<16xf32>
    %swap3A_513 = arith.constant 0 : index
    %swap3A_514 = tpu.vector_load %arg15[%swap3A_513] {strides = array<i32>} : memref<80xf32, #tpu.memory_space<vmem>>, vector<16xf32>,
    tpu.vector_store %arg15[%swap3A_513], %exp3A_512 {strides = array<i32>} : memref<80xf32, #tpu.memory_space<vmem>>, vector<16xf32>,
    %swap3A_515 = arith.constant 0 : index
    %swap3A_516 = tpu.vector_load %arg13[%swap3A_515] {strides = array<i32>} : memref<80xi32, #tpu.memory_space<vmem>>, vector<16xi32>,
    tpu.vector_store %arg13[%swap3A_515], %get3A_499 {strides = array<i32>} : memref<80xi32, #tpu.memory_space<vmem>>, vector<16xi32>,
    %get3A_517 = arith.constant 16 : index
    %get3A_518 = tpu.vector_load %arg11[%get3A_517] {strides = array<i32>} : memref<80xi32, #tpu.memory_space<vmem>>, vector<16xi32>,
    %get3A_519 = arith.constant 16 : index
    %get3A_520 = tpu.vector_load %arg9[%get3A_519] {strides = array<i32>} : memref<80xi32, #tpu.memory_space<vmem>>, vector<16xi32>,
    %gather3A_521 = tpu.vector_load_idx %arg7[%get3A_520] : memref<10240xf32, #tpu.memory_space<vmem>>[vector<16xi32>], vector<16xf32>,
    %gather3A_522 = tpu.vector_load_idx %arg8[%get3A_518] : memref<10240xf32, #tpu.memory_space<vmem>>[vector<16xi32>], vector<16xf32>,
    %add3A_523 = arith.addf %gather3A_521, %gather3A_522 : vector<16xf32>
    %ge3A_524 = arith.constant 0.000000e+00 : f32
    %ge3A_525 = vector.broadcast %ge3A_524 : f32 to vector<16xf32>
    %ge3A_526 = arith.cmpf oge, %add3A_523, %ge3A_525 : vector<16xf32>
    %mul3A_527 = arith.constant 2.000000e-01 : f32
    %mul3A_528 = vector.broadcast %mul3A_527 : f32 to vector<16xf32>
    %mul3A_529 = arith.mulf %mul3A_528, %add3A_523 : vector<16xf32>
    %select_n3A_530 = arith.select %ge3A_526, %add3A_523, %mul3A_529 : vector<16xi1>, vector<16xf32>
    %exp3A_531 = math.exp %select_n3A_530 : vector<16xf32>
    %swap3A_532 = arith.constant 16 : index
    %swap3A_533 = tpu.vector_load %arg15[%swap3A_532] {strides = array<i32>} : memref<80xf32, #tpu.memory_space<vmem>>, vector<16xf32>,
    tpu.vector_store %arg15[%swap3A_532], %exp3A_531 {strides = array<i32>} : memref<80xf32, #tpu.memory_space<vmem>>, vector<16xf32>,
    %swap3A_534 = arith.constant 16 : index
    %swap3A_535 = tpu.vector_load %arg13[%swap3A_534] {strides = array<i32>} : memref<80xi32, #tpu.memory_space<vmem>>, vector<16xi32>,
    tpu.vector_store %arg13[%swap3A_534], %get3A_518 {strides = array<i32>} : memref<80xi32, #tpu.memory_space<vmem>>, vector<16xi32>,
    %get3A_536 = arith.constant 32 : index
    %get3A_537 = tpu.vector_load %arg11[%get3A_536] {strides = array<i32>} : memref<80xi32, #tpu.memory_space<vmem>>, vector<16xi32>,
    %get3A_538 = arith.constant 32 : index
    %get3A_539 = tpu.vector_load %arg9[%get3A_538] {strides = array<i32>} : memref<80xi32, #tpu.memory_space<vmem>>, vector<16xi32>,
    %gather3A_540 = tpu.vector_load_idx %arg7[%get3A_539] : memref<10240xf32, #tpu.memory_space<vmem>>[vector<16xi32>], vector<16xf32>,
    %gather3A_541 = tpu.vector_load_idx %arg8[%get3A_537] : memref<10240xf32, #tpu.memory_space<vmem>>[vector<16xi32>], vector<16xf32>,
    %add3A_542 = arith.addf %gather3A_540, %gather3A_541 : vector<16xf32>
    %ge3A_543 = arith.constant 0.000000e+00 : f32
    %ge3A_544 = vector.broadcast %ge3A_543 : f32 to vector<16xf32>
    %ge3A_545 = arith.cmpf oge, %add3A_542, %ge3A_544 : vector<16xf32>
    %mul3A_546 = arith.constant 2.000000e-01 : f32
    %mul3A_547 = vector.broadcast %mul3A_546 : f32 to vector<16xf32>
    %mul3A_548 = arith.mulf %mul3A_547, %add3A_542 : vector<16xf32>
    %select_n3A_549 = arith.select %ge3A_545, %add3A_542, %mul3A_548 : vector<16xi1>, vector<16xf32>
    %exp3A_550 = math.exp %select_n3A_549 : vector<16xf32>
    %swap3A_551 = arith.constant 32 : index
    %swap3A_552 = tpu.vector_load %arg15[%swap3A_551] {strides = array<i32>} : memref<80xf32, #tpu.memory_space<vmem>>, vector<16xf32>,
    tpu.vector_store %arg15[%swap3A_551], %exp3A_550 {strides = array<i32>} : memref<80xf32, #tpu.memory_space<vmem>>, vector<16xf32>,
    %swap3A_553 = arith.constant 32 : index
    %swap3A_554 = tpu.vector_load %arg13[%swap3A_553] {strides = array<i32>} : memref<80xi32, #tpu.memory_space<vmem>>, vector<16xi32>,
    tpu.vector_store %arg13[%swap3A_553], %get3A_537 {strides = array<i32>} : memref<80xi32, #tpu.memory_space<vmem>>, vector<16xi32>,
    %get3A_555 = arith.constant 48 : index
    %get3A_556 = tpu.vector_load %arg11[%get3A_555] {strides = array<i32>} : memref<80xi32, #tpu.memory_space<vmem>>, vector<16xi32>,
    %get3A_557 = arith.constant 48 : index
    %get3A_558 = tpu.vector_load %arg9[%get3A_557] {strides = array<i32>} : memref<80xi32, #tpu.memory_space<vmem>>, vector<16xi32>,
    %gather3A_559 = tpu.vector_load_idx %arg7[%get3A_558] : memref<10240xf32, #tpu.memory_space<vmem>>[vector<16xi32>], vector<16xf32>,
    %gather3A_560 = tpu.vector_load_idx %arg8[%get3A_556] : memref<10240xf32, #tpu.memory_space<vmem>>[vector<16xi32>], vector<16xf32>,
    %add3A_561 = arith.addf %gather3A_559, %gather3A_560 : vector<16xf32>
    %ge3A_562 = arith.constant 0.000000e+00 : f32
    %ge3A_563 = vector.broadcast %ge3A_562 : f32 to vector<16xf32>
    %ge3A_564 = arith.cmpf oge, %add3A_561, %ge3A_563 : vector<16xf32>
    %mul3A_565 = arith.constant 2.000000e-01 : f32
    %mul3A_566 = vector.broadcast %mul3A_565 : f32 to vector<16xf32>
    %mul3A_567 = arith.mulf %mul3A_566, %add3A_561 : vector<16xf32>
    %select_n3A_568 = arith.select %ge3A_564, %add3A_561, %mul3A_567 : vector<16xi1>, vector<16xf32>
    %exp3A_569 = math.exp %select_n3A_568 : vector<16xf32>
    %swap3A_570 = arith.constant 48 : index
    %swap3A_571 = tpu.vector_load %arg15[%swap3A_570] {strides = array<i32>} : memref<80xf32, #tpu.memory_space<vmem>>, vector<16xf32>,
    tpu.vector_store %arg15[%swap3A_570], %exp3A_569 {strides = array<i32>} : memref<80xf32, #tpu.memory_space<vmem>>, vector<16xf32>,
    %swap3A_572 = arith.constant 48 : index
    %swap3A_573 = tpu.vector_load %arg13[%swap3A_572] {strides = array<i32>} : memref<80xi32, #tpu.memory_space<vmem>>, vector<16xi32>,
    tpu.vector_store %arg13[%swap3A_572], %get3A_556 {strides = array<i32>} : memref<80xi32, #tpu.memory_space<vmem>>, vector<16xi32>,
    %get3A_574 = arith.constant 64 : index
    %get3A_575 = tpu.vector_load %arg11[%get3A_574] {strides = array<i32>} : memref<80xi32, #tpu.memory_space<vmem>>, vector<16xi32>,
    %get3A_576 = arith.constant 64 : index
    %get3A_577 = tpu.vector_load %arg9[%get3A_576] {strides = array<i32>} : memref<80xi32, #tpu.memory_space<vmem>>, vector<16xi32>,
    %gather3A_578 = tpu.vector_load_idx %arg7[%get3A_577] : memref<10240xf32, #tpu.memory_space<vmem>>[vector<16xi32>], vector<16xf32>,
    %gather3A_579 = tpu.vector_load_idx %arg8[%get3A_575] : memref<10240xf32, #tpu.memory_space<vmem>>[vector<16xi32>], vector<16xf32>,
    %add3A_580 = arith.addf %gather3A_578, %gather3A_579 : vector<16xf32>
    %ge3A_581 = arith.constant 0.000000e+00 : f32
    %ge3A_582 = vector.broadcast %ge3A_581 : f32 to vector<16xf32>
    %ge3A_583 = arith.cmpf oge, %add3A_580, %ge3A_582 : vector<16xf32>
    %mul3A_584 = arith.constant 2.000000e-01 : f32
    %mul3A_585 = vector.broadcast %mul3A_584 : f32 to vector<16xf32>
    %mul3A_586 = arith.mulf %mul3A_585, %add3A_580 : vector<16xf32>
    %select_n3A_587 = arith.select %ge3A_583, %add3A_580, %mul3A_586 : vector<16xi1>, vector<16xf32>
    %exp3A_588 = math.exp %select_n3A_587 : vector<16xf32>
    %swap3A_589 = arith.constant 64 : index
    %swap3A_590 = tpu.vector_load %arg15[%swap3A_589] {strides = array<i32>} : memref<80xf32, #tpu.memory_space<vmem>>, vector<16xf32>,
    tpu.vector_store %arg15[%swap3A_589], %exp3A_588 {strides = array<i32>} : memref<80xf32, #tpu.memory_space<vmem>>, vector<16xf32>,
    %swap3A_591 = arith.constant 64 : index
    %swap3A_592 = tpu.vector_load %arg13[%swap3A_591] {strides = array<i32>} : memref<80xi32, #tpu.memory_space<vmem>>, vector<16xi32>,
    tpu.vector_store %arg13[%swap3A_591], %get3A_575 {strides = array<i32>} : memref<80xi32, #tpu.memory_space<vmem>>, vector<16xi32>,
    %scan3A_593 = arith.constant 0 : i32
    %scan3A_594 = arith.constant 0 : i32
    %scan3A_595 = arith.constant 20 : i32
    %scan3A_596 = arith.addi %scan3A_594, %scan3A_595 : i32
    %scan3A_597 = arith.constant 1 : i32
    %scan3A_598 = scf.for %scan3A_841 = %scan3A_594 to %scan3A_596 step %scan3A_597 iter_args(%scan3A_842 = %scan3A_593) -> (i32)  : i32 {
      %mul3A_843 = arith.constant 2 : i32
      %mul3A_844 = arith.muli %scan3A_841, %mul3A_843 : i32
      %add3A_845 = arith.constant 0 : i32
      %add3A_846 = arith.addi %add3A_845, %mul3A_844 : i32
      %broadcast_in_dim3A_847 = vector.broadcast %add3A_846 : i32 to vector<16xi32>
      %gather3A_848 = tpu.vector_load_idx %arg16[%broadcast_in_dim3A_847] : memref<80xf32, #tpu.memory_space<vmem>>[vector<16xi32>], vector<16xf32>,
      %add3A_849 = arith.constant 1 : i32
      %add3A_850 = arith.addi %add3A_846, %add3A_849 : i32
      %broadcast_in_dim3A_851 = vector.broadcast %add3A_850 : i32 to vector<16xi32>
      %gather3A_852 = tpu.vector_load_idx %arg16[%broadcast_in_dim3A_851] : memref<80xf32, #tpu.memory_space<vmem>>[vector<16xi32>], vector<16xf32>,
      %get3A_853 = arith.index_cast %add3A_846 : i32 to index
      %get3A_854 = arith.constant 0 : index
      %get3A_855 = tpu.vector_load %arg18[%get3A_853, %get3A_854] {strides = array<i32>} : memref<80x136xf32, #tpu.memory_space<vmem>>, vector<16xf32>,
      %mul3A_856 = arith.mulf %get3A_855, %gather3A_848 : vector<16xf32>
      %swap3A_857 = arith.index_cast %add3A_846 : i32 to index
      %swap3A_858 = arith.constant 0 : index
      %swap3A_859 = tpu.vector_load %arg18[%swap3A_857, %swap3A_858] {strides = array<i32>} : memref<80x136xf32, #tpu.memory_space<vmem>>, vector<16xf32>,
      tpu.vector_store %arg18[%swap3A_857, %swap3A_858], %mul3A_856 {strides = array<i32>} : memref<80x136xf32, #tpu.memory_space<vmem>>, vector<16xf32>,
      %get3A_860 = arith.index_cast %add3A_846 : i32 to index
      %get3A_861 = arith.constant 16 : index
      %get3A_862 = tpu.vector_load %arg18[%get3A_860, %get3A_861] {strides = array<i32>} : memref<80x136xf32, #tpu.memory_space<vmem>>, vector<16xf32>,
      %mul3A_863 = arith.mulf %get3A_862, %gather3A_848 : vector<16xf32>
      %swap3A_864 = arith.index_cast %add3A_846 : i32 to index
      %swap3A_865 = arith.constant 16 : index
      %swap3A_866 = tpu.vector_load %arg18[%swap3A_864, %swap3A_865] {strides = array<i32>} : memref<80x136xf32, #tpu.memory_space<vmem>>, vector<16xf32>,
      tpu.vector_store %arg18[%swap3A_864, %swap3A_865], %mul3A_863 {strides = array<i32>} : memref<80x136xf32, #tpu.memory_space<vmem>>, vector<16xf32>,
      %get3A_867 = arith.index_cast %add3A_846 : i32 to index
      %get3A_868 = arith.constant 32 : index
      %get3A_869 = tpu.vector_load %arg18[%get3A_867, %get3A_868] {strides = array<i32>} : memref<80x136xf32, #tpu.memory_space<vmem>>, vector<16xf32>,
      %mul3A_870 = arith.mulf %get3A_869, %gather3A_848 : vector<16xf32>
      %swap3A_871 = arith.index_cast %add3A_846 : i32 to index
      %swap3A_872 = arith.constant 32 : index
      %swap3A_873 = tpu.vector_load %arg18[%swap3A_871, %swap3A_872] {strides = array<i32>} : memref<80x136xf32, #tpu.memory_space<vmem>>, vector<16xf32>,
      tpu.vector_store %arg18[%swap3A_871, %swap3A_872], %mul3A_870 {strides = array<i32>} : memref<80x136xf32, #tpu.memory_space<vmem>>, vector<16xf32>,
      %get3A_874 = arith.index_cast %add3A_846 : i32 to index
      %get3A_875 = arith.constant 48 : index
      %get3A_876 = tpu.vector_load %arg18[%get3A_874, %get3A_875] {strides = array<i32>} : memref<80x136xf32, #tpu.memory_space<vmem>>, vector<16xf32>,
      %mul3A_877 = arith.mulf %get3A_876, %gather3A_848 : vector<16xf32>
      %swap3A_878 = arith.index_cast %add3A_846 : i32 to index
      %swap3A_879 = arith.constant 48 : index
      %swap3A_880 = tpu.vector_load %arg18[%swap3A_878, %swap3A_879] {strides = array<i32>} : memref<80x136xf32, #tpu.memory_space<vmem>>, vector<16xf32>,
      tpu.vector_store %arg18[%swap3A_878, %swap3A_879], %mul3A_877 {strides = array<i32>} : memref<80x136xf32, #tpu.memory_space<vmem>>, vector<16xf32>,
      %get3A_881 = arith.index_cast %add3A_846 : i32 to index
      %get3A_882 = arith.constant 64 : index
      %get3A_883 = tpu.vector_load %arg18[%get3A_881, %get3A_882] {strides = array<i32>} : memref<80x136xf32, #tpu.memory_space<vmem>>, vector<16xf32>,
      %mul3A_884 = arith.mulf %get3A_883, %gather3A_848 : vector<16xf32>
      %swap3A_885 = arith.index_cast %add3A_846 : i32 to index
      %swap3A_886 = arith.constant 64 : index
      %swap3A_887 = tpu.vector_load %arg18[%swap3A_885, %swap3A_886] {strides = array<i32>} : memref<80x136xf32, #tpu.memory_space<vmem>>, vector<16xf32>,
      tpu.vector_store %arg18[%swap3A_885, %swap3A_886], %mul3A_884 {strides = array<i32>} : memref<80x136xf32, #tpu.memory_space<vmem>>, vector<16xf32>,
      %get3A_888 = arith.index_cast %add3A_846 : i32 to index
      %get3A_889 = arith.constant 80 : index
      %get3A_890 = tpu.vector_load %arg18[%get3A_888, %get3A_889] {strides = array<i32>} : memref<80x136xf32, #tpu.memory_space<vmem>>, vector<16xf32>,
      %mul3A_891 = arith.mulf %get3A_890, %gather3A_848 : vector<16xf32>
      %swap3A_892 = arith.index_cast %add3A_846 : i32 to index
      %swap3A_893 = arith.constant 80 : index
      %swap3A_894 = tpu.vector_load %arg18[%swap3A_892, %swap3A_893] {strides = array<i32>} : memref<80x136xf32, #tpu.memory_space<vmem>>, vector<16xf32>,
      tpu.vector_store %arg18[%swap3A_892, %swap3A_893], %mul3A_891 {strides = array<i32>} : memref<80x136xf32, #tpu.memory_space<vmem>>, vector<16xf32>,
      %get3A_895 = arith.index_cast %add3A_846 : i32 to index
      %get3A_896 = arith.constant 96 : index
      %get3A_897 = tpu.vector_load %arg18[%get3A_895, %get3A_896] {strides = array<i32>} : memref<80x136xf32, #tpu.memory_space<vmem>>, vector<16xf32>,
      %mul3A_898 = arith.mulf %get3A_897, %gather3A_848 : vector<16xf32>
      %swap3A_899 = arith.index_cast %add3A_846 : i32 to index
      %swap3A_900 = arith.constant 96 : index
      %swap3A_901 = tpu.vector_load %arg18[%swap3A_899, %swap3A_900] {strides = array<i32>} : memref<80x136xf32, #tpu.memory_space<vmem>>, vector<16xf32>,
      tpu.vector_store %arg18[%swap3A_899, %swap3A_900], %mul3A_898 {strides = array<i32>} : memref<80x136xf32, #tpu.memory_space<vmem>>, vector<16xf32>,
      %get3A_902 = arith.index_cast %add3A_846 : i32 to index
      %get3A_903 = arith.constant 112 : index
      %get3A_904 = tpu.vector_load %arg18[%get3A_902, %get3A_903] {strides = array<i32>} : memref<80x136xf32, #tpu.memory_space<vmem>>, vector<16xf32>,
      %mul3A_905 = arith.mulf %get3A_904, %gather3A_848 : vector<16xf32>
      %swap3A_906 = arith.index_cast %add3A_846 : i32 to index
      %swap3A_907 = arith.constant 112 : index
      %swap3A_908 = tpu.vector_load %arg18[%swap3A_906, %swap3A_907] {strides = array<i32>} : memref<80x136xf32, #tpu.memory_space<vmem>>, vector<16xf32>,
      tpu.vector_store %arg18[%swap3A_906, %swap3A_907], %mul3A_905 {strides = array<i32>} : memref<80x136xf32, #tpu.memory_space<vmem>>, vector<16xf32>,
      %add3A_909 = arith.constant 1 : i32
      %add3A_910 = arith.addi %add3A_846, %add3A_909 : i32
      %get3A_911 = arith.index_cast %add3A_910 : i32 to index
      %get3A_912 = arith.constant 0 : index
      %get3A_913 = tpu.vector_load %arg18[%get3A_911, %get3A_912] {strides = array<i32>} : memref<80x136xf32, #tpu.memory_space<vmem>>, vector<16xf32>,
      %mul3A_914 = arith.mulf %get3A_913, %gather3A_852 : vector<16xf32>
      %add3A_915 = arith.constant 1 : i32
      %add3A_916 = arith.addi %add3A_846, %add3A_915 : i32
      %swap3A_917 = arith.index_cast %add3A_916 : i32 to index
      %swap3A_918 = arith.constant 0 : index
      %swap3A_919 = tpu.vector_load %arg18[%swap3A_917, %swap3A_918] {strides = array<i32>} : memref<80x136xf32, #tpu.memory_space<vmem>>, vector<16xf32>,
      tpu.vector_store %arg18[%swap3A_917, %swap3A_918], %mul3A_914 {strides = array<i32>} : memref<80x136xf32, #tpu.memory_space<vmem>>, vector<16xf32>,
      %add3A_920 = arith.constant 1 : i32
      %add3A_921 = arith.addi %add3A_846, %add3A_920 : i32
      %get3A_922 = arith.index_cast %add3A_921 : i32 to index
      %get3A_923 = arith.constant 16 : index
      %get3A_924 = tpu.vector_load %arg18[%get3A_922, %get3A_923] {strides = array<i32>} : memref<80x136xf32, #tpu.memory_space<vmem>>, vector<16xf32>,
      %mul3A_925 = arith.mulf %get3A_924, %gather3A_852 : vector<16xf32>
      %add3A_926 = arith.constant 1 : i32
      %add3A_927 = arith.addi %add3A_846, %add3A_926 : i32
      %swap3A_928 = arith.index_cast %add3A_927 : i32 to index
      %swap3A_929 = arith.constant 16 : index
      %swap3A_930 = tpu.vector_load %arg18[%swap3A_928, %swap3A_929] {strides = array<i32>} : memref<80x136xf32, #tpu.memory_space<vmem>>, vector<16xf32>,
      tpu.vector_store %arg18[%swap3A_928, %swap3A_929], %mul3A_925 {strides = array<i32>} : memref<80x136xf32, #tpu.memory_space<vmem>>, vector<16xf32>,
      %add3A_931 = arith.constant 1 : i32
      %add3A_932 = arith.addi %add3A_846, %add3A_931 : i32
      %get3A_933 = arith.index_cast %add3A_932 : i32 to index
      %get3A_934 = arith.constant 32 : index
      %get3A_935 = tpu.vector_load %arg18[%get3A_933, %get3A_934] {strides = array<i32>} : memref<80x136xf32, #tpu.memory_space<vmem>>, vector<16xf32>,
      %mul3A_936 = arith.mulf %get3A_935, %gather3A_852 : vector<16xf32>
      %add3A_937 = arith.constant 1 : i32
      %add3A_938 = arith.addi %add3A_846, %add3A_937 : i32
      %swap3A_939 = arith.index_cast %add3A_938 : i32 to index
      %swap3A_940 = arith.constant 32 : index
      %swap3A_941 = tpu.vector_load %arg18[%swap3A_939, %swap3A_940] {strides = array<i32>} : memref<80x136xf32, #tpu.memory_space<vmem>>, vector<16xf32>,
      tpu.vector_store %arg18[%swap3A_939, %swap3A_940], %mul3A_936 {strides = array<i32>} : memref<80x136xf32, #tpu.memory_space<vmem>>, vector<16xf32>,
      %add3A_942 = arith.constant 1 : i32
      %add3A_943 = arith.addi %add3A_846, %add3A_942 : i32
      %get3A_944 = arith.index_cast %add3A_943 : i32 to index
      %get3A_945 = arith.constant 48 : index
      %get3A_946 = tpu.vector_load %arg18[%get3A_944, %get3A_945] {strides = array<i32>} : memref<80x136xf32, #tpu.memory_space<vmem>>, vector<16xf32>,
      %mul3A_947 = arith.mulf %get3A_946, %gather3A_852 : vector<16xf32>
      %add3A_948 = arith.constant 1 : i32
      %add3A_949 = arith.addi %add3A_846, %add3A_948 : i32
      %swap3A_950 = arith.index_cast %add3A_949 : i32 to index
      %swap3A_951 = arith.constant 48 : index
      %swap3A_952 = tpu.vector_load %arg18[%swap3A_950, %swap3A_951] {strides = array<i32>} : memref<80x136xf32, #tpu.memory_space<vmem>>, vector<16xf32>,
      tpu.vector_store %arg18[%swap3A_950, %swap3A_951], %mul3A_947 {strides = array<i32>} : memref<80x136xf32, #tpu.memory_space<vmem>>, vector<16xf32>,
      %add3A_953 = arith.constant 1 : i32
      %add3A_954 = arith.addi %add3A_846, %add3A_953 : i32
      %get3A_955 = arith.index_cast %add3A_954 : i32 to index
      %get3A_956 = arith.constant 64 : index
      %get3A_957 = tpu.vector_load %arg18[%get3A_955, %get3A_956] {strides = array<i32>} : memref<80x136xf32, #tpu.memory_space<vmem>>, vector<16xf32>,
      %mul3A_958 = arith.mulf %get3A_957, %gather3A_852 : vector<16xf32>
      %add3A_959 = arith.constant 1 : i32
      %add3A_960 = arith.addi %add3A_846, %add3A_959 : i32
      %swap3A_961 = arith.index_cast %add3A_960 : i32 to index
      %swap3A_962 = arith.constant 64 : index
      %swap3A_963 = tpu.vector_load %arg18[%swap3A_961, %swap3A_962] {strides = array<i32>} : memref<80x136xf32, #tpu.memory_space<vmem>>, vector<16xf32>,
      tpu.vector_store %arg18[%swap3A_961, %swap3A_962], %mul3A_958 {strides = array<i32>} : memref<80x136xf32, #tpu.memory_space<vmem>>, vector<16xf32>,
      %add3A_964 = arith.constant 1 : i32
      %add3A_965 = arith.addi %add3A_846, %add3A_964 : i32
      %get3A_966 = arith.index_cast %add3A_965 : i32 to index
      %get3A_967 = arith.constant 80 : index
      %get3A_968 = tpu.vector_load %arg18[%get3A_966, %get3A_967] {strides = array<i32>} : memref<80x136xf32, #tpu.memory_space<vmem>>, vector<16xf32>,
      %mul3A_969 = arith.mulf %get3A_968, %gather3A_852 : vector<16xf32>
      %add3A_970 = arith.constant 1 : i32
      %add3A_971 = arith.addi %add3A_846, %add3A_970 : i32
      %swap3A_972 = arith.index_cast %add3A_971 : i32 to index
      %swap3A_973 = arith.constant 80 : index
      %swap3A_974 = tpu.vector_load %arg18[%swap3A_972, %swap3A_973] {strides = array<i32>} : memref<80x136xf32, #tpu.memory_space<vmem>>, vector<16xf32>,
      tpu.vector_store %arg18[%swap3A_972, %swap3A_973], %mul3A_969 {strides = array<i32>} : memref<80x136xf32, #tpu.memory_space<vmem>>, vector<16xf32>,
      %add3A_975 = arith.constant 1 : i32
      %add3A_976 = arith.addi %add3A_846, %add3A_975 : i32
      %get3A_977 = arith.index_cast %add3A_976 : i32 to index
      %get3A_978 = arith.constant 96 : index
      %get3A_979 = tpu.vector_load %arg18[%get3A_977, %get3A_978] {strides = array<i32>} : memref<80x136xf32, #tpu.memory_space<vmem>>, vector<16xf32>,
      %mul3A_980 = arith.mulf %get3A_979, %gather3A_852 : vector<16xf32>
      %add3A_981 = arith.constant 1 : i32
      %add3A_982 = arith.addi %add3A_846, %add3A_981 : i32
      %swap3A_983 = arith.index_cast %add3A_982 : i32 to index
      %swap3A_984 = arith.constant 96 : index
      %swap3A_985 = tpu.vector_load %arg18[%swap3A_983, %swap3A_984] {strides = array<i32>} : memref<80x136xf32, #tpu.memory_space<vmem>>, vector<16xf32>,
      tpu.vector_store %arg18[%swap3A_983, %swap3A_984], %mul3A_980 {strides = array<i32>} : memref<80x136xf32, #tpu.memory_space<vmem>>, vector<16xf32>,
      %add3A_986 = arith.constant 1 : i32
      %add3A_987 = arith.addi %add3A_846, %add3A_986 : i32
      %get3A_988 = arith.index_cast %add3A_987 : i32 to index
      %get3A_989 = arith.constant 112 : index
      %get3A_990 = tpu.vector_load %arg18[%get3A_988, %get3A_989] {strides = array<i32>} : memref<80x136xf32, #tpu.memory_space<vmem>>, vector<16xf32>,
      %mul3A_991 = arith.mulf %get3A_990, %gather3A_852 : vector<16xf32>
      %add3A_992 = arith.constant 1 : i32
      %add3A_993 = arith.addi %add3A_846, %add3A_992 : i32
      %swap3A_994 = arith.index_cast %add3A_993 : i32 to index
      %swap3A_995 = arith.constant 112 : index
      %swap3A_996 = tpu.vector_load %arg18[%swap3A_994, %swap3A_995] {strides = array<i32>} : memref<80x136xf32, #tpu.memory_space<vmem>>, vector<16xf32>,
      tpu.vector_store %arg18[%swap3A_994, %swap3A_995], %mul3A_991 {strides = array<i32>} : memref<80x136xf32, #tpu.memory_space<vmem>>, vector<16xf32>,
      %scan3A_997 = arith.constant 0 : i32
      scf.yield %scan3A_997 : i32
    }
    %scan3A_599 = arith.constant 20 : i32
    %dma_wait3A_600 = arith.constant 40 : i32
    %dma_wait3A_601 = arith.constant 0 : i32
    %dma_wait3A_602 = tpu.memref_slice %arg18[%dma_wait3A_600, %dma_wait3A_601] : memref<80x136xf32, #tpu.memory_space<vmem>> -> memref<40x136xf32, #tpu.memory_space<vmem>>
    %dma_wait3A_603 = arith.constant 40 : i32
    %dma_wait3A_604 = tpu.memref_slice %arg10[%dma_wait3A_603] : memref<80xi32, #tpu.memory_space<vmem>> -> memref<40xi32, #tpu.memory_space<vmem>>
    %dma_wait3A_605 = arith.constant 0 : i32
    %dma_wait3A_606 = arith.constant 0 : i32
    %dma_wait3A_607 = tpu.memref_slice %arg2[%dma_wait3A_605, %dma_wait3A_606] : memref<10240x136xf32, #tpu.memory_space<hbm>> -> memref<10240x136xf32, #tpu.memory_space<hbm>>
    tpu.wait_indirect_dma semaphore(%arg27 : memref<!tpu.dma_semaphore, #tpu.memory_space<semaphore_mem>>) src(%dma_wait3A_607 : memref<10240x136xf32, #tpu.memory_space<hbm>>) dst(%dma_wait3A_602 : memref<40x136xf32, #tpu.memory_space<vmem>>)
    %scan3A_608 = arith.constant 0 : i32
    %scan3A_609 = arith.constant 0 : i32
    %scan3A_610 = arith.constant 20 : i32
    %scan3A_611 = arith.addi %scan3A_609, %scan3A_610 : i32
    %scan3A_612 = arith.constant 1 : i32
    %scan3A_613 = scf.for %scan3A_841 = %scan3A_609 to %scan3A_611 step %scan3A_612 iter_args(%scan3A_842 = %scan3A_608) -> (i32)  : i32 {
      %mul3A_843 = arith.constant 2 : i32
      %mul3A_844 = arith.muli %scan3A_841, %mul3A_843 : i32
      %add3A_845 = arith.constant 40 : i32
      %add3A_846 = arith.addi %add3A_845, %mul3A_844 : i32
      %broadcast_in_dim3A_847 = vector.broadcast %add3A_846 : i32 to vector<16xi32>
      %gather3A_848 = tpu.vector_load_idx %arg16[%broadcast_in_dim3A_847] : memref<80xf32, #tpu.memory_space<vmem>>[vector<16xi32>], vector<16xf32>,
      %add3A_849 = arith.constant 1 : i32
      %add3A_850 = arith.addi %add3A_846, %add3A_849 : i32
      %broadcast_in_dim3A_851 = vector.broadcast %add3A_850 : i32 to vector<16xi32>
      %gather3A_852 = tpu.vector_load_idx %arg16[%broadcast_in_dim3A_851] : memref<80xf32, #tpu.memory_space<vmem>>[vector<16xi32>], vector<16xf32>,
      %get3A_853 = arith.index_cast %add3A_846 : i32 to index
      %get3A_854 = arith.constant 0 : index
      %get3A_855 = tpu.vector_load %arg18[%get3A_853, %get3A_854] {strides = array<i32>} : memref<80x136xf32, #tpu.memory_space<vmem>>, vector<16xf32>,
      %mul3A_856 = arith.mulf %get3A_855, %gather3A_848 : vector<16xf32>
      %swap3A_857 = arith.index_cast %add3A_846 : i32 to index
      %swap3A_858 = arith.constant 0 : index
      %swap3A_859 = tpu.vector_load %arg18[%swap3A_857, %swap3A_858] {strides = array<i32>} : memref<80x136xf32, #tpu.memory_space<vmem>>, vector<16xf32>,
      tpu.vector_store %arg18[%swap3A_857, %swap3A_858], %mul3A_856 {strides = array<i32>} : memref<80x136xf32, #tpu.memory_space<vmem>>, vector<16xf32>,
      %get3A_860 = arith.index_cast %add3A_846 : i32 to index
      %get3A_861 = arith.constant 16 : index
      %get3A_862 = tpu.vector_load %arg18[%get3A_860, %get3A_861] {strides = array<i32>} : memref<80x136xf32, #tpu.memory_space<vmem>>, vector<16xf32>,
      %mul3A_863 = arith.mulf %get3A_862, %gather3A_848 : vector<16xf32>
      %swap3A_864 = arith.index_cast %add3A_846 : i32 to index
      %swap3A_865 = arith.constant 16 : index
      %swap3A_866 = tpu.vector_load %arg18[%swap3A_864, %swap3A_865] {strides = array<i32>} : memref<80x136xf32, #tpu.memory_space<vmem>>, vector<16xf32>,
      tpu.vector_store %arg18[%swap3A_864, %swap3A_865], %mul3A_863 {strides = array<i32>} : memref<80x136xf32, #tpu.memory_space<vmem>>, vector<16xf32>,
      %get3A_867 = arith.index_cast %add3A_846 : i32 to index
      %get3A_868 = arith.constant 32 : index
      %get3A_869 = tpu.vector_load %arg18[%get3A_867, %get3A_868] {strides = array<i32>} : memref<80x136xf32, #tpu.memory_space<vmem>>, vector<16xf32>,
      %mul3A_870 = arith.mulf %get3A_869, %gather3A_848 : vector<16xf32>
      %swap3A_871 = arith.index_cast %add3A_846 : i32 to index
      %swap3A_872 = arith.constant 32 : index
      %swap3A_873 = tpu.vector_load %arg18[%swap3A_871, %swap3A_872] {strides = array<i32>} : memref<80x136xf32, #tpu.memory_space<vmem>>, vector<16xf32>,
      tpu.vector_store %arg18[%swap3A_871, %swap3A_872], %mul3A_870 {strides = array<i32>} : memref<80x136xf32, #tpu.memory_space<vmem>>, vector<16xf32>,
      %get3A_874 = arith.index_cast %add3A_846 : i32 to index
      %get3A_875 = arith.constant 48 : index
      %get3A_876 = tpu.vector_load %arg18[%get3A_874, %get3A_875] {strides = array<i32>} : memref<80x136xf32, #tpu.memory_space<vmem>>, vector<16xf32>,
      %mul3A_877 = arith.mulf %get3A_876, %gather3A_848 : vector<16xf32>
      %swap3A_878 = arith.index_cast %add3A_846 : i32 to index
      %swap3A_879 = arith.constant 48 : index
      %swap3A_880 = tpu.vector_load %arg18[%swap3A_878, %swap3A_879] {strides = array<i32>} : memref<80x136xf32, #tpu.memory_space<vmem>>, vector<16xf32>,
      tpu.vector_store %arg18[%swap3A_878, %swap3A_879], %mul3A_877 {strides = array<i32>} : memref<80x136xf32, #tpu.memory_space<vmem>>, vector<16xf32>,
      %get3A_881 = arith.index_cast %add3A_846 : i32 to index
      %get3A_882 = arith.constant 64 : index
      %get3A_883 = tpu.vector_load %arg18[%get3A_881, %get3A_882] {strides = array<i32>} : memref<80x136xf32, #tpu.memory_space<vmem>>, vector<16xf32>,
      %mul3A_884 = arith.mulf %get3A_883, %gather3A_848 : vector<16xf32>
      %swap3A_885 = arith.index_cast %add3A_846 : i32 to index
      %swap3A_886 = arith.constant 64 : index
      %swap3A_887 = tpu.vector_load %arg18[%swap3A_885, %swap3A_886] {strides = array<i32>} : memref<80x136xf32, #tpu.memory_space<vmem>>, vector<16xf32>,
      tpu.vector_store %arg18[%swap3A_885, %swap3A_886], %mul3A_884 {strides = array<i32>} : memref<80x136xf32, #tpu.memory_space<vmem>>, vector<16xf32>,
      %get3A_888 = arith.index_cast %add3A_846 : i32 to index
      %get3A_889 = arith.constant 80 : index
      %get3A_890 = tpu.vector_load %arg18[%get3A_888, %get3A_889] {strides = array<i32>} : memref<80x136xf32, #tpu.memory_space<vmem>>, vector<16xf32>,
      %mul3A_891 = arith.mulf %get3A_890, %gather3A_848 : vector<16xf32>
      %swap3A_892 = arith.index_cast %add3A_846 : i32 to index
      %swap3A_893 = arith.constant 80 : index
      %swap3A_894 = tpu.vector_load %arg18[%swap3A_892, %swap3A_893] {strides = array<i32>} : memref<80x136xf32, #tpu.memory_space<vmem>>, vector<16xf32>,
      tpu.vector_store %arg18[%swap3A_892, %swap3A_893], %mul3A_891 {strides = array<i32>} : memref<80x136xf32, #tpu.memory_space<vmem>>, vector<16xf32>,
      %get3A_895 = arith.index_cast %add3A_846 : i32 to index
      %get3A_896 = arith.constant 96 : index
      %get3A_897 = tpu.vector_load %arg18[%get3A_895, %get3A_896] {strides = array<i32>} : memref<80x136xf32, #tpu.memory_space<vmem>>, vector<16xf32>,
      %mul3A_898 = arith.mulf %get3A_897, %gather3A_848 : vector<16xf32>
      %swap3A_899 = arith.index_cast %add3A_846 : i32 to index
      %swap3A_900 = arith.constant 96 : index
      %swap3A_901 = tpu.vector_load %arg18[%swap3A_899, %swap3A_900] {strides = array<i32>} : memref<80x136xf32, #tpu.memory_space<vmem>>, vector<16xf32>,
      tpu.vector_store %arg18[%swap3A_899, %swap3A_900], %mul3A_898 {strides = array<i32>} : memref<80x136xf32, #tpu.memory_space<vmem>>, vector<16xf32>,
      %get3A_902 = arith.index_cast %add3A_846 : i32 to index
      %get3A_903 = arith.constant 112 : index
      %get3A_904 = tpu.vector_load %arg18[%get3A_902, %get3A_903] {strides = array<i32>} : memref<80x136xf32, #tpu.memory_space<vmem>>, vector<16xf32>,
      %mul3A_905 = arith.mulf %get3A_904, %gather3A_848 : vector<16xf32>
      %swap3A_906 = arith.index_cast %add3A_846 : i32 to index
      %swap3A_907 = arith.constant 112 : index
      %swap3A_908 = tpu.vector_load %arg18[%swap3A_906, %swap3A_907] {strides = array<i32>} : memref<80x136xf32, #tpu.memory_space<vmem>>, vector<16xf32>,
      tpu.vector_store %arg18[%swap3A_906, %swap3A_907], %mul3A_905 {strides = array<i32>} : memref<80x136xf32, #tpu.memory_space<vmem>>, vector<16xf32>,
      %add3A_909 = arith.constant 1 : i32
      %add3A_910 = arith.addi %add3A_846, %add3A_909 : i32
      %get3A_911 = arith.index_cast %add3A_910 : i32 to index
      %get3A_912 = arith.constant 0 : index
      %get3A_913 = tpu.vector_load %arg18[%get3A_911, %get3A_912] {strides = array<i32>} : memref<80x136xf32, #tpu.memory_space<vmem>>, vector<16xf32>,
      %mul3A_914 = arith.mulf %get3A_913, %gather3A_852 : vector<16xf32>
      %add3A_915 = arith.constant 1 : i32
      %add3A_916 = arith.addi %add3A_846, %add3A_915 : i32
      %swap3A_917 = arith.index_cast %add3A_916 : i32 to index
      %swap3A_918 = arith.constant 0 : index
      %swap3A_919 = tpu.vector_load %arg18[%swap3A_917, %swap3A_918] {strides = array<i32>} : memref<80x136xf32, #tpu.memory_space<vmem>>, vector<16xf32>,
      tpu.vector_store %arg18[%swap3A_917, %swap3A_918], %mul3A_914 {strides = array<i32>} : memref<80x136xf32, #tpu.memory_space<vmem>>, vector<16xf32>,
      %add3A_920 = arith.constant 1 : i32
      %add3A_921 = arith.addi %add3A_846, %add3A_920 : i32
      %get3A_922 = arith.index_cast %add3A_921 : i32 to index
      %get3A_923 = arith.constant 16 : index
      %get3A_924 = tpu.vector_load %arg18[%get3A_922, %get3A_923] {strides = array<i32>} : memref<80x136xf32, #tpu.memory_space<vmem>>, vector<16xf32>,
      %mul3A_925 = arith.mulf %get3A_924, %gather3A_852 : vector<16xf32>
      %add3A_926 = arith.constant 1 : i32
      %add3A_927 = arith.addi %add3A_846, %add3A_926 : i32
      %swap3A_928 = arith.index_cast %add3A_927 : i32 to index
      %swap3A_929 = arith.constant 16 : index
      %swap3A_930 = tpu.vector_load %arg18[%swap3A_928, %swap3A_929] {strides = array<i32>} : memref<80x136xf32, #tpu.memory_space<vmem>>, vector<16xf32>,
      tpu.vector_store %arg18[%swap3A_928, %swap3A_929], %mul3A_925 {strides = array<i32>} : memref<80x136xf32, #tpu.memory_space<vmem>>, vector<16xf32>,
      %add3A_931 = arith.constant 1 : i32
      %add3A_932 = arith.addi %add3A_846, %add3A_931 : i32
      %get3A_933 = arith.index_cast %add3A_932 : i32 to index
      %get3A_934 = arith.constant 32 : index
      %get3A_935 = tpu.vector_load %arg18[%get3A_933, %get3A_934] {strides = array<i32>} : memref<80x136xf32, #tpu.memory_space<vmem>>, vector<16xf32>,
      %mul3A_936 = arith.mulf %get3A_935, %gather3A_852 : vector<16xf32>
      %add3A_937 = arith.constant 1 : i32
      %add3A_938 = arith.addi %add3A_846, %add3A_937 : i32
      %swap3A_939 = arith.index_cast %add3A_938 : i32 to index
      %swap3A_940 = arith.constant 32 : index
      %swap3A_941 = tpu.vector_load %arg18[%swap3A_939, %swap3A_940] {strides = array<i32>} : memref<80x136xf32, #tpu.memory_space<vmem>>, vector<16xf32>,
      tpu.vector_store %arg18[%swap3A_939, %swap3A_940], %mul3A_936 {strides = array<i32>} : memref<80x136xf32, #tpu.memory_space<vmem>>, vector<16xf32>,
      %add3A_942 = arith.constant 1 : i32
      %add3A_943 = arith.addi %add3A_846, %add3A_942 : i32
      %get3A_944 = arith.index_cast %add3A_943 : i32 to index
      %get3A_945 = arith.constant 48 : index
      %get3A_946 = tpu.vector_load %arg18[%get3A_944, %get3A_945] {strides = array<i32>} : memref<80x136xf32, #tpu.memory_space<vmem>>, vector<16xf32>,
      %mul3A_947 = arith.mulf %get3A_946, %gather3A_852 : vector<16xf32>
      %add3A_948 = arith.constant 1 : i32
      %add3A_949 = arith.addi %add3A_846, %add3A_948 : i32
      %swap3A_950 = arith.index_cast %add3A_949 : i32 to index
      %swap3A_951 = arith.constant 48 : index
      %swap3A_952 = tpu.vector_load %arg18[%swap3A_950, %swap3A_951] {strides = array<i32>} : memref<80x136xf32, #tpu.memory_space<vmem>>, vector<16xf32>,
      tpu.vector_store %arg18[%swap3A_950, %swap3A_951], %mul3A_947 {strides = array<i32>} : memref<80x136xf32, #tpu.memory_space<vmem>>, vector<16xf32>,
      %add3A_953 = arith.constant 1 : i32
      %add3A_954 = arith.addi %add3A_846, %add3A_953 : i32
      %get3A_955 = arith.index_cast %add3A_954 : i32 to index
      %get3A_956 = arith.constant 64 : index
      %get3A_957 = tpu.vector_load %arg18[%get3A_955, %get3A_956] {strides = array<i32>} : memref<80x136xf32, #tpu.memory_space<vmem>>, vector<16xf32>,
      %mul3A_958 = arith.mulf %get3A_957, %gather3A_852 : vector<16xf32>
      %add3A_959 = arith.constant 1 : i32
      %add3A_960 = arith.addi %add3A_846, %add3A_959 : i32
      %swap3A_961 = arith.index_cast %add3A_960 : i32 to index
      %swap3A_962 = arith.constant 64 : index
      %swap3A_963 = tpu.vector_load %arg18[%swap3A_961, %swap3A_962] {strides = array<i32>} : memref<80x136xf32, #tpu.memory_space<vmem>>, vector<16xf32>,
      tpu.vector_store %arg18[%swap3A_961, %swap3A_962], %mul3A_958 {strides = array<i32>} : memref<80x136xf32, #tpu.memory_space<vmem>>, vector<16xf32>,
      %add3A_964 = arith.constant 1 : i32
      %add3A_965 = arith.addi %add3A_846, %add3A_964 : i32
      %get3A_966 = arith.index_cast %add3A_965 : i32 to index
      %get3A_967 = arith.constant 80 : index
      %get3A_968 = tpu.vector_load %arg18[%get3A_966, %get3A_967] {strides = array<i32>} : memref<80x136xf32, #tpu.memory_space<vmem>>, vector<16xf32>,
      %mul3A_969 = arith.mulf %get3A_968, %gather3A_852 : vector<16xf32>
      %add3A_970 = arith.constant 1 : i32
      %add3A_971 = arith.addi %add3A_846, %add3A_970 : i32
      %swap3A_972 = arith.index_cast %add3A_971 : i32 to index
      %swap3A_973 = arith.constant 80 : index
      %swap3A_974 = tpu.vector_load %arg18[%swap3A_972, %swap3A_973] {strides = array<i32>} : memref<80x136xf32, #tpu.memory_space<vmem>>, vector<16xf32>,
      tpu.vector_store %arg18[%swap3A_972, %swap3A_973], %mul3A_969 {strides = array<i32>} : memref<80x136xf32, #tpu.memory_space<vmem>>, vector<16xf32>,
      %add3A_975 = arith.constant 1 : i32
      %add3A_976 = arith.addi %add3A_846, %add3A_975 : i32
      %get3A_977 = arith.index_cast %add3A_976 : i32 to index
      %get3A_978 = arith.constant 96 : index
      %get3A_979 = tpu.vector_load %arg18[%get3A_977, %get3A_978] {strides = array<i32>} : memref<80x136xf32, #tpu.memory_space<vmem>>, vector<16xf32>,
      %mul3A_980 = arith.mulf %get3A_979, %gather3A_852 : vector<16xf32>
      %add3A_981 = arith.constant 1 : i32
      %add3A_982 = arith.addi %add3A_846, %add3A_981 : i32
      %swap3A_983 = arith.index_cast %add3A_982 : i32 to index
      %swap3A_984 = arith.constant 96 : index
      %swap3A_985 = tpu.vector_load %arg18[%swap3A_983, %swap3A_984] {strides = array<i32>} : memref<80x136xf32, #tpu.memory_space<vmem>>, vector<16xf32>,
      tpu.vector_store %arg18[%swap3A_983, %swap3A_984], %mul3A_980 {strides = array<i32>} : memref<80x136xf32, #tpu.memory_space<vmem>>, vector<16xf32>,
      %add3A_986 = arith.constant 1 : i32
      %add3A_987 = arith.addi %add3A_846, %add3A_986 : i32
      %get3A_988 = arith.index_cast %add3A_987 : i32 to index
      %get3A_989 = arith.constant 112 : index
      %get3A_990 = tpu.vector_load %arg18[%get3A_988, %get3A_989] {strides = array<i32>} : memref<80x136xf32, #tpu.memory_space<vmem>>, vector<16xf32>,
      %mul3A_991 = arith.mulf %get3A_990, %gather3A_852 : vector<16xf32>
      %add3A_992 = arith.constant 1 : i32
      %add3A_993 = arith.addi %add3A_846, %add3A_992 : i32
      %swap3A_994 = arith.index_cast %add3A_993 : i32 to index
      %swap3A_995 = arith.constant 112 : index
      %swap3A_996 = tpu.vector_load %arg18[%swap3A_994, %swap3A_995] {strides = array<i32>} : memref<80x136xf32, #tpu.memory_space<vmem>>, vector<16xf32>,
      tpu.vector_store %arg18[%swap3A_994, %swap3A_995], %mul3A_991 {strides = array<i32>} : memref<80x136xf32, #tpu.memory_space<vmem>>, vector<16xf32>,
      %scan3A_997 = arith.constant 0 : i32
      scf.yield %scan3A_997 : i32
    }
    %scan3A_614 = arith.constant 20 : i32
    %iota3A_615 = tpu.iota {dimensions = array<i32: 0>} : vector<16xi32>
    %broadcast_in_dim3A_616 = arith.constant 128 : i32
    %broadcast_in_dim3A_617 = vector.broadcast %broadcast_in_dim3A_616 : i32 to vector<16xi32>
    %get3A_618 = arith.constant 0 : index
    %get3A_619 = tpu.vector_load %arg16[%get3A_618] {strides = array<i32>} : memref<80xf32, #tpu.memory_space<vmem>>, vector<16xf32>,
    %add3A_620 = arith.constant 0 : i32
    %add3A_621 = vector.broadcast %add3A_620 : i32 to vector<16xi32>
    %add3A_622 = arith.addi %iota3A_615, %add3A_621 : vector<16xi32>
    tpu.vector_store_idx %arg18[%add3A_622, %broadcast_in_dim3A_617], %get3A_619 : memref<80x136xf32, #tpu.memory_space<vmem>>[vector<16xi32>, vector<16xi32>], vector<16xf32>,
    %get3A_623 = arith.constant 16 : index
    %get3A_624 = tpu.vector_load %arg16[%get3A_623] {strides = array<i32>} : memref<80xf32, #tpu.memory_space<vmem>>, vector<16xf32>,
    %add3A_625 = arith.constant 16 : i32
    %add3A_626 = vector.broadcast %add3A_625 : i32 to vector<16xi32>
    %add3A_627 = arith.addi %iota3A_615, %add3A_626 : vector<16xi32>
    tpu.vector_store_idx %arg18[%add3A_627, %broadcast_in_dim3A_617], %get3A_624 : memref<80x136xf32, #tpu.memory_space<vmem>>[vector<16xi32>, vector<16xi32>], vector<16xf32>,
    %get3A_628 = arith.constant 32 : index
    %get3A_629 = tpu.vector_load %arg16[%get3A_628] {strides = array<i32>} : memref<80xf32, #tpu.memory_space<vmem>>, vector<16xf32>,
    %add3A_630 = arith.constant 32 : i32
    %add3A_631 = vector.broadcast %add3A_630 : i32 to vector<16xi32>
    %add3A_632 = arith.addi %iota3A_615, %add3A_631 : vector<16xi32>
    tpu.vector_store_idx %arg18[%add3A_632, %broadcast_in_dim3A_617], %get3A_629 : memref<80x136xf32, #tpu.memory_space<vmem>>[vector<16xi32>, vector<16xi32>], vector<16xf32>,
    %get3A_633 = arith.constant 48 : index
    %get3A_634 = tpu.vector_load %arg16[%get3A_633] {strides = array<i32>} : memref<80xf32, #tpu.memory_space<vmem>>, vector<16xf32>,
    %add3A_635 = arith.constant 48 : i32
    %add3A_636 = vector.broadcast %add3A_635 : i32 to vector<16xi32>
    %add3A_637 = arith.addi %iota3A_615, %add3A_636 : vector<16xi32>
    tpu.vector_store_idx %arg18[%add3A_637, %broadcast_in_dim3A_617], %get3A_634 : memref<80x136xf32, #tpu.memory_space<vmem>>[vector<16xi32>, vector<16xi32>], vector<16xf32>,
    %get3A_638 = arith.constant 64 : index
    %get3A_639 = tpu.vector_load %arg16[%get3A_638] {strides = array<i32>} : memref<80xf32, #tpu.memory_space<vmem>>, vector<16xf32>,
    %add3A_640 = arith.constant 64 : i32
    %add3A_641 = vector.broadcast %add3A_640 : i32 to vector<16xi32>
    %add3A_642 = arith.addi %iota3A_615, %add3A_641 : vector<16xi32>
    tpu.vector_store_idx %arg18[%add3A_642, %broadcast_in_dim3A_617], %get3A_639 : memref<80x136xf32, #tpu.memory_space<vmem>>[vector<16xi32>, vector<16xi32>], vector<16xf32>,
    %dma_start3A_643 = arith.constant 0 : i32
    %dma_start3A_644 = arith.constant 0 : i32
    %dma_start3A_645 = tpu.memref_slice %arg19[%dma_start3A_643, %dma_start3A_644] : memref<10240x136xf32, #tpu.memory_space<vmem_shared>> -> memref<10240x136xf32, #tpu.memory_space<vmem_shared>>
    tpu.enqueue_indirect_dma source(%arg18 : memref<80x136xf32, #tpu.memory_space<vmem>>) target(%dma_start3A_645 : memref<10240x136xf32, #tpu.memory_space<vmem_shared>>) offsets(%arg14 : memref<80xi32, #tpu.memory_space<vmem>>) semaphore(%arg25 : memref<!tpu.dma_semaphore, #tpu.memory_space<semaphore_mem>>) {add = true}
    %dma_wait3A_646 = arith.constant 0 : i32
    %dma_wait3A_647 = arith.constant 0 : i32
    %dma_wait3A_648 = tpu.memref_slice %arg17[%dma_wait3A_646, %dma_wait3A_647] : memref<80x136xf32, #tpu.memory_space<vmem>> -> memref<40x136xf32, #tpu.memory_space<vmem>>
    %dma_wait3A_649 = arith.constant 0 : i32
    %dma_wait3A_650 = tpu.memref_slice %arg9[%dma_wait3A_649] : memref<80xi32, #tpu.memory_space<vmem>> -> memref<40xi32, #tpu.memory_space<vmem>>
    %dma_wait3A_651 = arith.constant 0 : i32
    %dma_wait3A_652 = arith.constant 0 : i32
    %dma_wait3A_653 = tpu.memref_slice %arg2[%dma_wait3A_651, %dma_wait3A_652] : memref<10240x136xf32, #tpu.memory_space<hbm>> -> memref<10240x136xf32, #tpu.memory_space<hbm>>
    tpu.wait_indirect_dma semaphore(%arg22 : memref<!tpu.dma_semaphore, #tpu.memory_space<semaphore_mem>>) src(%dma_wait3A_653 : memref<10240x136xf32, #tpu.memory_space<hbm>>) dst(%dma_wait3A_648 : memref<40x136xf32, #tpu.memory_space<vmem>>)
    %scan3A_654 = arith.constant 0 : i32
    %scan3A_655 = arith.constant 0 : i32
    %scan3A_656 = arith.constant 20 : i32
    %scan3A_657 = arith.addi %scan3A_655, %scan3A_656 : i32
    %scan3A_658 = arith.constant 1 : i32
    %scan3A_659 = scf.for %scan3A_841 = %scan3A_655 to %scan3A_657 step %scan3A_658 iter_args(%scan3A_842 = %scan3A_654) -> (i32)  : i32 {
      %mul3A_843 = arith.constant 2 : i32
      %mul3A_844 = arith.muli %scan3A_841, %mul3A_843 : i32
      %add3A_845 = arith.constant 0 : i32
      %add3A_846 = arith.addi %add3A_845, %mul3A_844 : i32
      %broadcast_in_dim3A_847 = vector.broadcast %add3A_846 : i32 to vector<16xi32>
      %gather3A_848 = tpu.vector_load_idx %arg15[%broadcast_in_dim3A_847] : memref<80xf32, #tpu.memory_space<vmem>>[vector<16xi32>], vector<16xf32>,
      %add3A_849 = arith.constant 1 : i32
      %add3A_850 = arith.addi %add3A_846, %add3A_849 : i32
      %broadcast_in_dim3A_851 = vector.broadcast %add3A_850 : i32 to vector<16xi32>
      %gather3A_852 = tpu.vector_load_idx %arg15[%broadcast_in_dim3A_851] : memref<80xf32, #tpu.memory_space<vmem>>[vector<16xi32>], vector<16xf32>,
      %get3A_853 = arith.index_cast %add3A_846 : i32 to index
      %get3A_854 = arith.constant 0 : index
      %get3A_855 = tpu.vector_load %arg17[%get3A_853, %get3A_854] {strides = array<i32>} : memref<80x136xf32, #tpu.memory_space<vmem>>, vector<16xf32>,
      %mul3A_856 = arith.mulf %get3A_855, %gather3A_848 : vector<16xf32>
      %swap3A_857 = arith.index_cast %add3A_846 : i32 to index
      %swap3A_858 = arith.constant 0 : index
      %swap3A_859 = tpu.vector_load %arg17[%swap3A_857, %swap3A_858] {strides = array<i32>} : memref<80x136xf32, #tpu.memory_space<vmem>>, vector<16xf32>,
      tpu.vector_store %arg17[%swap3A_857, %swap3A_858], %mul3A_856 {strides = array<i32>} : memref<80x136xf32, #tpu.memory_space<vmem>>, vector<16xf32>,
      %get3A_860 = arith.index_cast %add3A_846 : i32 to index
      %get3A_861 = arith.constant 16 : index
      %get3A_862 = tpu.vector_load %arg17[%get3A_860, %get3A_861] {strides = array<i32>} : memref<80x136xf32, #tpu.memory_space<vmem>>, vector<16xf32>,
      %mul3A_863 = arith.mulf %get3A_862, %gather3A_848 : vector<16xf32>
      %swap3A_864 = arith.index_cast %add3A_846 : i32 to index
      %swap3A_865 = arith.constant 16 : index
      %swap3A_866 = tpu.vector_load %arg17[%swap3A_864, %swap3A_865] {strides = array<i32>} : memref<80x136xf32, #tpu.memory_space<vmem>>, vector<16xf32>,
      tpu.vector_store %arg17[%swap3A_864, %swap3A_865], %mul3A_863 {strides = array<i32>} : memref<80x136xf32, #tpu.memory_space<vmem>>, vector<16xf32>,
      %get3A_867 = arith.index_cast %add3A_846 : i32 to index
      %get3A_868 = arith.constant 32 : index
      %get3A_869 = tpu.vector_load %arg17[%get3A_867, %get3A_868] {strides = array<i32>} : memref<80x136xf32, #tpu.memory_space<vmem>>, vector<16xf32>,
      %mul3A_870 = arith.mulf %get3A_869, %gather3A_848 : vector<16xf32>
      %swap3A_871 = arith.index_cast %add3A_846 : i32 to index
      %swap3A_872 = arith.constant 32 : index
      %swap3A_873 = tpu.vector_load %arg17[%swap3A_871, %swap3A_872] {strides = array<i32>} : memref<80x136xf32, #tpu.memory_space<vmem>>, vector<16xf32>,
      tpu.vector_store %arg17[%swap3A_871, %swap3A_872], %mul3A_870 {strides = array<i32>} : memref<80x136xf32, #tpu.memory_space<vmem>>, vector<16xf32>,
      %get3A_874 = arith.index_cast %add3A_846 : i32 to index
      %get3A_875 = arith.constant 48 : index
      %get3A_876 = tpu.vector_load %arg17[%get3A_874, %get3A_875] {strides = array<i32>} : memref<80x136xf32, #tpu.memory_space<vmem>>, vector<16xf32>,
      %mul3A_877 = arith.mulf %get3A_876, %gather3A_848 : vector<16xf32>
      %swap3A_878 = arith.index_cast %add3A_846 : i32 to index
      %swap3A_879 = arith.constant 48 : index
      %swap3A_880 = tpu.vector_load %arg17[%swap3A_878, %swap3A_879] {strides = array<i32>} : memref<80x136xf32, #tpu.memory_space<vmem>>, vector<16xf32>,
      tpu.vector_store %arg17[%swap3A_878, %swap3A_879], %mul3A_877 {strides = array<i32>} : memref<80x136xf32, #tpu.memory_space<vmem>>, vector<16xf32>,
      %get3A_881 = arith.index_cast %add3A_846 : i32 to index
      %get3A_882 = arith.constant 64 : index
      %get3A_883 = tpu.vector_load %arg17[%get3A_881, %get3A_882] {strides = array<i32>} : memref<80x136xf32, #tpu.memory_space<vmem>>, vector<16xf32>,
      %mul3A_884 = arith.mulf %get3A_883, %gather3A_848 : vector<16xf32>
      %swap3A_885 = arith.index_cast %add3A_846 : i32 to index
      %swap3A_886 = arith.constant 64 : index
      %swap3A_887 = tpu.vector_load %arg17[%swap3A_885, %swap3A_886] {strides = array<i32>} : memref<80x136xf32, #tpu.memory_space<vmem>>, vector<16xf32>,
      tpu.vector_store %arg17[%swap3A_885, %swap3A_886], %mul3A_884 {strides = array<i32>} : memref<80x136xf32, #tpu.memory_space<vmem>>, vector<16xf32>,
      %get3A_888 = arith.index_cast %add3A_846 : i32 to index
      %get3A_889 = arith.constant 80 : index
      %get3A_890 = tpu.vector_load %arg17[%get3A_888, %get3A_889] {strides = array<i32>} : memref<80x136xf32, #tpu.memory_space<vmem>>, vector<16xf32>,
      %mul3A_891 = arith.mulf %get3A_890, %gather3A_848 : vector<16xf32>
      %swap3A_892 = arith.index_cast %add3A_846 : i32 to index
      %swap3A_893 = arith.constant 80 : index
      %swap3A_894 = tpu.vector_load %arg17[%swap3A_892, %swap3A_893] {strides = array<i32>} : memref<80x136xf32, #tpu.memory_space<vmem>>, vector<16xf32>,
      tpu.vector_store %arg17[%swap3A_892, %swap3A_893], %mul3A_891 {strides = array<i32>} : memref<80x136xf32, #tpu.memory_space<vmem>>, vector<16xf32>,
      %get3A_895 = arith.index_cast %add3A_846 : i32 to index
      %get3A_896 = arith.constant 96 : index
      %get3A_897 = tpu.vector_load %arg17[%get3A_895, %get3A_896] {strides = array<i32>} : memref<80x136xf32, #tpu.memory_space<vmem>>, vector<16xf32>,
      %mul3A_898 = arith.mulf %get3A_897, %gather3A_848 : vector<16xf32>
      %swap3A_899 = arith.index_cast %add3A_846 : i32 to index
      %swap3A_900 = arith.constant 96 : index
      %swap3A_901 = tpu.vector_load %arg17[%swap3A_899, %swap3A_900] {strides = array<i32>} : memref<80x136xf32, #tpu.memory_space<vmem>>, vector<16xf32>,
      tpu.vector_store %arg17[%swap3A_899, %swap3A_900], %mul3A_898 {strides = array<i32>} : memref<80x136xf32, #tpu.memory_space<vmem>>, vector<16xf32>,
      %get3A_902 = arith.index_cast %add3A_846 : i32 to index
      %get3A_903 = arith.constant 112 : index
      %get3A_904 = tpu.vector_load %arg17[%get3A_902, %get3A_903] {strides = array<i32>} : memref<80x136xf32, #tpu.memory_space<vmem>>, vector<16xf32>,
      %mul3A_905 = arith.mulf %get3A_904, %gather3A_848 : vector<16xf32>
      %swap3A_906 = arith.index_cast %add3A_846 : i32 to index
      %swap3A_907 = arith.constant 112 : index
      %swap3A_908 = tpu.vector_load %arg17[%swap3A_906, %swap3A_907] {strides = array<i32>} : memref<80x136xf32, #tpu.memory_space<vmem>>, vector<16xf32>,
      tpu.vector_store %arg17[%swap3A_906, %swap3A_907], %mul3A_905 {strides = array<i32>} : memref<80x136xf32, #tpu.memory_space<vmem>>, vector<16xf32>,
      %add3A_909 = arith.constant 1 : i32
      %add3A_910 = arith.addi %add3A_846, %add3A_909 : i32
      %get3A_911 = arith.index_cast %add3A_910 : i32 to index
      %get3A_912 = arith.constant 0 : index
      %get3A_913 = tpu.vector_load %arg17[%get3A_911, %get3A_912] {strides = array<i32>} : memref<80x136xf32, #tpu.memory_space<vmem>>, vector<16xf32>,
      %mul3A_914 = arith.mulf %get3A_913, %gather3A_852 : vector<16xf32>
      %add3A_915 = arith.constant 1 : i32
      %add3A_916 = arith.addi %add3A_846, %add3A_915 : i32
      %swap3A_917 = arith.index_cast %add3A_916 : i32 to index
      %swap3A_918 = arith.constant 0 : index
      %swap3A_919 = tpu.vector_load %arg17[%swap3A_917, %swap3A_918] {strides = array<i32>} : memref<80x136xf32, #tpu.memory_space<vmem>>, vector<16xf32>,
      tpu.vector_store %arg17[%swap3A_917, %swap3A_918], %mul3A_914 {strides = array<i32>} : memref<80x136xf32, #tpu.memory_space<vmem>>, vector<16xf32>,
      %add3A_920 = arith.constant 1 : i32
      %add3A_921 = arith.addi %add3A_846, %add3A_920 : i32
      %get3A_922 = arith.index_cast %add3A_921 : i32 to index
      %get3A_923 = arith.constant 16 : index
      %get3A_924 = tpu.vector_load %arg17[%get3A_922, %get3A_923] {strides = array<i32>} : memref<80x136xf32, #tpu.memory_space<vmem>>, vector<16xf32>,
      %mul3A_925 = arith.mulf %get3A_924, %gather3A_852 : vector<16xf32>
      %add3A_926 = arith.constant 1 : i32
      %add3A_927 = arith.addi %add3A_846, %add3A_926 : i32
      %swap3A_928 = arith.index_cast %add3A_927 : i32 to index
      %swap3A_929 = arith.constant 16 : index
      %swap3A_930 = tpu.vector_load %arg17[%swap3A_928, %swap3A_929] {strides = array<i32>} : memref<80x136xf32, #tpu.memory_space<vmem>>, vector<16xf32>,
      tpu.vector_store %arg17[%swap3A_928, %swap3A_929], %mul3A_925 {strides = array<i32>} : memref<80x136xf32, #tpu.memory_space<vmem>>, vector<16xf32>,
      %add3A_931 = arith.constant 1 : i32
      %add3A_932 = arith.addi %add3A_846, %add3A_931 : i32
      %get3A_933 = arith.index_cast %add3A_932 : i32 to index
      %get3A_934 = arith.constant 32 : index
      %get3A_935 = tpu.vector_load %arg17[%get3A_933, %get3A_934] {strides = array<i32>} : memref<80x136xf32, #tpu.memory_space<vmem>>, vector<16xf32>,
      %mul3A_936 = arith.mulf %get3A_935, %gather3A_852 : vector<16xf32>
      %add3A_937 = arith.constant 1 : i32
      %add3A_938 = arith.addi %add3A_846, %add3A_937 : i32
      %swap3A_939 = arith.index_cast %add3A_938 : i32 to index
      %swap3A_940 = arith.constant 32 : index
      %swap3A_941 = tpu.vector_load %arg17[%swap3A_939, %swap3A_940] {strides = array<i32>} : memref<80x136xf32, #tpu.memory_space<vmem>>, vector<16xf32>,
      tpu.vector_store %arg17[%swap3A_939, %swap3A_940], %mul3A_936 {strides = array<i32>} : memref<80x136xf32, #tpu.memory_space<vmem>>, vector<16xf32>,
      %add3A_942 = arith.constant 1 : i32
      %add3A_943 = arith.addi %add3A_846, %add3A_942 : i32
      %get3A_944 = arith.index_cast %add3A_943 : i32 to index
      %get3A_945 = arith.constant 48 : index
      %get3A_946 = tpu.vector_load %arg17[%get3A_944, %get3A_945] {strides = array<i32>} : memref<80x136xf32, #tpu.memory_space<vmem>>, vector<16xf32>,
      %mul3A_947 = arith.mulf %get3A_946, %gather3A_852 : vector<16xf32>
      %add3A_948 = arith.constant 1 : i32
      %add3A_949 = arith.addi %add3A_846, %add3A_948 : i32
      %swap3A_950 = arith.index_cast %add3A_949 : i32 to index
      %swap3A_951 = arith.constant 48 : index
      %swap3A_952 = tpu.vector_load %arg17[%swap3A_950, %swap3A_951] {strides = array<i32>} : memref<80x136xf32, #tpu.memory_space<vmem>>, vector<16xf32>,
      tpu.vector_store %arg17[%swap3A_950, %swap3A_951], %mul3A_947 {strides = array<i32>} : memref<80x136xf32, #tpu.memory_space<vmem>>, vector<16xf32>,
      %add3A_953 = arith.constant 1 : i32
      %add3A_954 = arith.addi %add3A_846, %add3A_953 : i32
      %get3A_955 = arith.index_cast %add3A_954 : i32 to index
      %get3A_956 = arith.constant 64 : index
      %get3A_957 = tpu.vector_load %arg17[%get3A_955, %get3A_956] {strides = array<i32>} : memref<80x136xf32, #tpu.memory_space<vmem>>, vector<16xf32>,
      %mul3A_958 = arith.mulf %get3A_957, %gather3A_852 : vector<16xf32>
      %add3A_959 = arith.constant 1 : i32
      %add3A_960 = arith.addi %add3A_846, %add3A_959 : i32
      %swap3A_961 = arith.index_cast %add3A_960 : i32 to index
      %swap3A_962 = arith.constant 64 : index
      %swap3A_963 = tpu.vector_load %arg17[%swap3A_961, %swap3A_962] {strides = array<i32>} : memref<80x136xf32, #tpu.memory_space<vmem>>, vector<16xf32>,
      tpu.vector_store %arg17[%swap3A_961, %swap3A_962], %mul3A_958 {strides = array<i32>} : memref<80x136xf32, #tpu.memory_space<vmem>>, vector<16xf32>,
      %add3A_964 = arith.constant 1 : i32
      %add3A_965 = arith.addi %add3A_846, %add3A_964 : i32
      %get3A_966 = arith.index_cast %add3A_965 : i32 to index
      %get3A_967 = arith.constant 80 : index
      %get3A_968 = tpu.vector_load %arg17[%get3A_966, %get3A_967] {strides = array<i32>} : memref<80x136xf32, #tpu.memory_space<vmem>>, vector<16xf32>,
      %mul3A_969 = arith.mulf %get3A_968, %gather3A_852 : vector<16xf32>
      %add3A_970 = arith.constant 1 : i32
      %add3A_971 = arith.addi %add3A_846, %add3A_970 : i32
      %swap3A_972 = arith.index_cast %add3A_971 : i32 to index
      %swap3A_973 = arith.constant 80 : index
      %swap3A_974 = tpu.vector_load %arg17[%swap3A_972, %swap3A_973] {strides = array<i32>} : memref<80x136xf32, #tpu.memory_space<vmem>>, vector<16xf32>,
      tpu.vector_store %arg17[%swap3A_972, %swap3A_973], %mul3A_969 {strides = array<i32>} : memref<80x136xf32, #tpu.memory_space<vmem>>, vector<16xf32>,
      %add3A_975 = arith.constant 1 : i32
      %add3A_976 = arith.addi %add3A_846, %add3A_975 : i32
      %get3A_977 = arith.index_cast %add3A_976 : i32 to index
      %get3A_978 = arith.constant 96 : index
      %get3A_979 = tpu.vector_load %arg17[%get3A_977, %get3A_978] {strides = array<i32>} : memref<80x136xf32, #tpu.memory_space<vmem>>, vector<16xf32>,
      %mul3A_980 = arith.mulf %get3A_979, %gather3A_852 : vector<16xf32>
      %add3A_981 = arith.constant 1 : i32
      %add3A_982 = arith.addi %add3A_846, %add3A_981 : i32
      %swap3A_983 = arith.index_cast %add3A_982 : i32 to index
      %swap3A_984 = arith.constant 96 : index
      %swap3A_985 = tpu.vector_load %arg17[%swap3A_983, %swap3A_984] {strides = array<i32>} : memref<80x136xf32, #tpu.memory_space<vmem>>, vector<16xf32>,
      tpu.vector_store %arg17[%swap3A_983, %swap3A_984], %mul3A_980 {strides = array<i32>} : memref<80x136xf32, #tpu.memory_space<vmem>>, vector<16xf32>,
      %add3A_986 = arith.constant 1 : i32
      %add3A_987 = arith.addi %add3A_846, %add3A_986 : i32
      %get3A_988 = arith.index_cast %add3A_987 : i32 to index
      %get3A_989 = arith.constant 112 : index
      %get3A_990 = tpu.vector_load %arg17[%get3A_988, %get3A_989] {strides = array<i32>} : memref<80x136xf32, #tpu.memory_space<vmem>>, vector<16xf32>,
      %mul3A_991 = arith.mulf %get3A_990, %gather3A_852 : vector<16xf32>
      %add3A_992 = arith.constant 1 : i32
      %add3A_993 = arith.addi %add3A_846, %add3A_992 : i32
      %swap3A_994 = arith.index_cast %add3A_993 : i32 to index
      %swap3A_995 = arith.constant 112 : index
      %swap3A_996 = tpu.vector_load %arg17[%swap3A_994, %swap3A_995] {strides = array<i32>} : memref<80x136xf32, #tpu.memory_space<vmem>>, vector<16xf32>,
      tpu.vector_store %arg17[%swap3A_994, %swap3A_995], %mul3A_991 {strides = array<i32>} : memref<80x136xf32, #tpu.memory_space<vmem>>, vector<16xf32>,
      %scan3A_997 = arith.constant 0 : i32
      scf.yield %scan3A_997 : i32
    }
    %scan3A_660 = arith.constant 20 : i32
    %dma_wait3A_661 = arith.constant 40 : i32
    %dma_wait3A_662 = arith.constant 0 : i32
    %dma_wait3A_663 = tpu.memref_slice %arg17[%dma_wait3A_661, %dma_wait3A_662] : memref<80x136xf32, #tpu.memory_space<vmem>> -> memref<40x136xf32, #tpu.memory_space<vmem>>
    %dma_wait3A_664 = arith.constant 40 : i32
    %dma_wait3A_665 = tpu.memref_slice %arg9[%dma_wait3A_664] : memref<80xi32, #tpu.memory_space<vmem>> -> memref<40xi32, #tpu.memory_space<vmem>>
    %dma_wait3A_666 = arith.constant 0 : i32
    %dma_wait3A_667 = arith.constant 0 : i32
    %dma_wait3A_668 = tpu.memref_slice %arg2[%dma_wait3A_666, %dma_wait3A_667] : memref<10240x136xf32, #tpu.memory_space<hbm>> -> memref<10240x136xf32, #tpu.memory_space<hbm>>
    tpu.wait_indirect_dma semaphore(%arg26 : memref<!tpu.dma_semaphore, #tpu.memory_space<semaphore_mem>>) src(%dma_wait3A_668 : memref<10240x136xf32, #tpu.memory_space<hbm>>) dst(%dma_wait3A_663 : memref<40x136xf32, #tpu.memory_space<vmem>>)
    %scan3A_669 = arith.constant 0 : i32
    %scan3A_670 = arith.constant 0 : i32
    %scan3A_671 = arith.constant 20 : i32
    %scan3A_672 = arith.addi %scan3A_670, %scan3A_671 : i32
    %scan3A_673 = arith.constant 1 : i32
    %scan3A_674 = scf.for %scan3A_841 = %scan3A_670 to %scan3A_672 step %scan3A_673 iter_args(%scan3A_842 = %scan3A_669) -> (i32)  : i32 {
      %mul3A_843 = arith.constant 2 : i32
      %mul3A_844 = arith.muli %scan3A_841, %mul3A_843 : i32
      %add3A_845 = arith.constant 40 : i32
      %add3A_846 = arith.addi %add3A_845, %mul3A_844 : i32
      %broadcast_in_dim3A_847 = vector.broadcast %add3A_846 : i32 to vector<16xi32>
      %gather3A_848 = tpu.vector_load_idx %arg15[%broadcast_in_dim3A_847] : memref<80xf32, #tpu.memory_space<vmem>>[vector<16xi32>], vector<16xf32>,
      %add3A_849 = arith.constant 1 : i32
      %add3A_850 = arith.addi %add3A_846, %add3A_849 : i32
      %broadcast_in_dim3A_851 = vector.broadcast %add3A_850 : i32 to vector<16xi32>
      %gather3A_852 = tpu.vector_load_idx %arg15[%broadcast_in_dim3A_851] : memref<80xf32, #tpu.memory_space<vmem>>[vector<16xi32>], vector<16xf32>,
      %get3A_853 = arith.index_cast %add3A_846 : i32 to index
      %get3A_854 = arith.constant 0 : index
      %get3A_855 = tpu.vector_load %arg17[%get3A_853, %get3A_854] {strides = array<i32>} : memref<80x136xf32, #tpu.memory_space<vmem>>, vector<16xf32>,
      %mul3A_856 = arith.mulf %get3A_855, %gather3A_848 : vector<16xf32>
      %swap3A_857 = arith.index_cast %add3A_846 : i32 to index
      %swap3A_858 = arith.constant 0 : index
      %swap3A_859 = tpu.vector_load %arg17[%swap3A_857, %swap3A_858] {strides = array<i32>} : memref<80x136xf32, #tpu.memory_space<vmem>>, vector<16xf32>,
      tpu.vector_store %arg17[%swap3A_857, %swap3A_858], %mul3A_856 {strides = array<i32>} : memref<80x136xf32, #tpu.memory_space<vmem>>, vector<16xf32>,
      %get3A_860 = arith.index_cast %add3A_846 : i32 to index
      %get3A_861 = arith.constant 16 : index
      %get3A_862 = tpu.vector_load %arg17[%get3A_860, %get3A_861] {strides = array<i32>} : memref<80x136xf32, #tpu.memory_space<vmem>>, vector<16xf32>,
      %mul3A_863 = arith.mulf %get3A_862, %gather3A_848 : vector<16xf32>
      %swap3A_864 = arith.index_cast %add3A_846 : i32 to index
      %swap3A_865 = arith.constant 16 : index
      %swap3A_866 = tpu.vector_load %arg17[%swap3A_864, %swap3A_865] {strides = array<i32>} : memref<80x136xf32, #tpu.memory_space<vmem>>, vector<16xf32>,
      tpu.vector_store %arg17[%swap3A_864, %swap3A_865], %mul3A_863 {strides = array<i32>} : memref<80x136xf32, #tpu.memory_space<vmem>>, vector<16xf32>,
      %get3A_867 = arith.index_cast %add3A_846 : i32 to index
      %get3A_868 = arith.constant 32 : index
      %get3A_869 = tpu.vector_load %arg17[%get3A_867, %get3A_868] {strides = array<i32>} : memref<80x136xf32, #tpu.memory_space<vmem>>, vector<16xf32>,
      %mul3A_870 = arith.mulf %get3A_869, %gather3A_848 : vector<16xf32>
      %swap3A_871 = arith.index_cast %add3A_846 : i32 to index
      %swap3A_872 = arith.constant 32 : index
      %swap3A_873 = tpu.vector_load %arg17[%swap3A_871, %swap3A_872] {strides = array<i32>} : memref<80x136xf32, #tpu.memory_space<vmem>>, vector<16xf32>,
      tpu.vector_store %arg17[%swap3A_871, %swap3A_872], %mul3A_870 {strides = array<i32>} : memref<80x136xf32, #tpu.memory_space<vmem>>, vector<16xf32>,
      %get3A_874 = arith.index_cast %add3A_846 : i32 to index
      %get3A_875 = arith.constant 48 : index
      %get3A_876 = tpu.vector_load %arg17[%get3A_874, %get3A_875] {strides = array<i32>} : memref<80x136xf32, #tpu.memory_space<vmem>>, vector<16xf32>,
      %mul3A_877 = arith.mulf %get3A_876, %gather3A_848 : vector<16xf32>
      %swap3A_878 = arith.index_cast %add3A_846 : i32 to index
      %swap3A_879 = arith.constant 48 : index
      %swap3A_880 = tpu.vector_load %arg17[%swap3A_878, %swap3A_879] {strides = array<i32>} : memref<80x136xf32, #tpu.memory_space<vmem>>, vector<16xf32>,
      tpu.vector_store %arg17[%swap3A_878, %swap3A_879], %mul3A_877 {strides = array<i32>} : memref<80x136xf32, #tpu.memory_space<vmem>>, vector<16xf32>,
      %get3A_881 = arith.index_cast %add3A_846 : i32 to index
      %get3A_882 = arith.constant 64 : index
      %get3A_883 = tpu.vector_load %arg17[%get3A_881, %get3A_882] {strides = array<i32>} : memref<80x136xf32, #tpu.memory_space<vmem>>, vector<16xf32>,
      %mul3A_884 = arith.mulf %get3A_883, %gather3A_848 : vector<16xf32>
      %swap3A_885 = arith.index_cast %add3A_846 : i32 to index
      %swap3A_886 = arith.constant 64 : index
      %swap3A_887 = tpu.vector_load %arg17[%swap3A_885, %swap3A_886] {strides = array<i32>} : memref<80x136xf32, #tpu.memory_space<vmem>>, vector<16xf32>,
      tpu.vector_store %arg17[%swap3A_885, %swap3A_886], %mul3A_884 {strides = array<i32>} : memref<80x136xf32, #tpu.memory_space<vmem>>, vector<16xf32>,
      %get3A_888 = arith.index_cast %add3A_846 : i32 to index
      %get3A_889 = arith.constant 80 : index
      %get3A_890 = tpu.vector_load %arg17[%get3A_888, %get3A_889] {strides = array<i32>} : memref<80x136xf32, #tpu.memory_space<vmem>>, vector<16xf32>,
      %mul3A_891 = arith.mulf %get3A_890, %gather3A_848 : vector<16xf32>
      %swap3A_892 = arith.index_cast %add3A_846 : i32 to index
      %swap3A_893 = arith.constant 80 : index
      %swap3A_894 = tpu.vector_load %arg17[%swap3A_892, %swap3A_893] {strides = array<i32>} : memref<80x136xf32, #tpu.memory_space<vmem>>, vector<16xf32>,
      tpu.vector_store %arg17[%swap3A_892, %swap3A_893], %mul3A_891 {strides = array<i32>} : memref<80x136xf32, #tpu.memory_space<vmem>>, vector<16xf32>,
      %get3A_895 = arith.index_cast %add3A_846 : i32 to index
      %get3A_896 = arith.constant 96 : index
      %get3A_897 = tpu.vector_load %arg17[%get3A_895, %get3A_896] {strides = array<i32>} : memref<80x136xf32, #tpu.memory_space<vmem>>, vector<16xf32>,
      %mul3A_898 = arith.mulf %get3A_897, %gather3A_848 : vector<16xf32>
      %swap3A_899 = arith.index_cast %add3A_846 : i32 to index
      %swap3A_900 = arith.constant 96 : index
      %swap3A_901 = tpu.vector_load %arg17[%swap3A_899, %swap3A_900] {strides = array<i32>} : memref<80x136xf32, #tpu.memory_space<vmem>>, vector<16xf32>,
      tpu.vector_store %arg17[%swap3A_899, %swap3A_900], %mul3A_898 {strides = array<i32>} : memref<80x136xf32, #tpu.memory_space<vmem>>, vector<16xf32>,
      %get3A_902 = arith.index_cast %add3A_846 : i32 to index
      %get3A_903 = arith.constant 112 : index
      %get3A_904 = tpu.vector_load %arg17[%get3A_902, %get3A_903] {strides = array<i32>} : memref<80x136xf32, #tpu.memory_space<vmem>>, vector<16xf32>,
      %mul3A_905 = arith.mulf %get3A_904, %gather3A_848 : vector<16xf32>
      %swap3A_906 = arith.index_cast %add3A_846 : i32 to index
      %swap3A_907 = arith.constant 112 : index
      %swap3A_908 = tpu.vector_load %arg17[%swap3A_906, %swap3A_907] {strides = array<i32>} : memref<80x136xf32, #tpu.memory_space<vmem>>, vector<16xf32>,
      tpu.vector_store %arg17[%swap3A_906, %swap3A_907], %mul3A_905 {strides = array<i32>} : memref<80x136xf32, #tpu.memory_space<vmem>>, vector<16xf32>,
      %add3A_909 = arith.constant 1 : i32
      %add3A_910 = arith.addi %add3A_846, %add3A_909 : i32
      %get3A_911 = arith.index_cast %add3A_910 : i32 to index
      %get3A_912 = arith.constant 0 : index
      %get3A_913 = tpu.vector_load %arg17[%get3A_911, %get3A_912] {strides = array<i32>} : memref<80x136xf32, #tpu.memory_space<vmem>>, vector<16xf32>,
      %mul3A_914 = arith.mulf %get3A_913, %gather3A_852 : vector<16xf32>
      %add3A_915 = arith.constant 1 : i32
      %add3A_916 = arith.addi %add3A_846, %add3A_915 : i32
      %swap3A_917 = arith.index_cast %add3A_916 : i32 to index
      %swap3A_918 = arith.constant 0 : index
      %swap3A_919 = tpu.vector_load %arg17[%swap3A_917, %swap3A_918] {strides = array<i32>} : memref<80x136xf32, #tpu.memory_space<vmem>>, vector<16xf32>,
      tpu.vector_store %arg17[%swap3A_917, %swap3A_918], %mul3A_914 {strides = array<i32>} : memref<80x136xf32, #tpu.memory_space<vmem>>, vector<16xf32>,
      %add3A_920 = arith.constant 1 : i32
      %add3A_921 = arith.addi %add3A_846, %add3A_920 : i32
      %get3A_922 = arith.index_cast %add3A_921 : i32 to index
      %get3A_923 = arith.constant 16 : index
      %get3A_924 = tpu.vector_load %arg17[%get3A_922, %get3A_923] {strides = array<i32>} : memref<80x136xf32, #tpu.memory_space<vmem>>, vector<16xf32>,
      %mul3A_925 = arith.mulf %get3A_924, %gather3A_852 : vector<16xf32>
      %add3A_926 = arith.constant 1 : i32
      %add3A_927 = arith.addi %add3A_846, %add3A_926 : i32
      %swap3A_928 = arith.index_cast %add3A_927 : i32 to index
      %swap3A_929 = arith.constant 16 : index
      %swap3A_930 = tpu.vector_load %arg17[%swap3A_928, %swap3A_929] {strides = array<i32>} : memref<80x136xf32, #tpu.memory_space<vmem>>, vector<16xf32>,
      tpu.vector_store %arg17[%swap3A_928, %swap3A_929], %mul3A_925 {strides = array<i32>} : memref<80x136xf32, #tpu.memory_space<vmem>>, vector<16xf32>,
      %add3A_931 = arith.constant 1 : i32
      %add3A_932 = arith.addi %add3A_846, %add3A_931 : i32
      %get3A_933 = arith.index_cast %add3A_932 : i32 to index
      %get3A_934 = arith.constant 32 : index
      %get3A_935 = tpu.vector_load %arg17[%get3A_933, %get3A_934] {strides = array<i32>} : memref<80x136xf32, #tpu.memory_space<vmem>>, vector<16xf32>,
      %mul3A_936 = arith.mulf %get3A_935, %gather3A_852 : vector<16xf32>
      %add3A_937 = arith.constant 1 : i32
      %add3A_938 = arith.addi %add3A_846, %add3A_937 : i32
      %swap3A_939 = arith.index_cast %add3A_938 : i32 to index
      %swap3A_940 = arith.constant 32 : index
      %swap3A_941 = tpu.vector_load %arg17[%swap3A_939, %swap3A_940] {strides = array<i32>} : memref<80x136xf32, #tpu.memory_space<vmem>>, vector<16xf32>,
      tpu.vector_store %arg17[%swap3A_939, %swap3A_940], %mul3A_936 {strides = array<i32>} : memref<80x136xf32, #tpu.memory_space<vmem>>, vector<16xf32>,
      %add3A_942 = arith.constant 1 : i32
      %add3A_943 = arith.addi %add3A_846, %add3A_942 : i32
      %get3A_944 = arith.index_cast %add3A_943 : i32 to index
      %get3A_945 = arith.constant 48 : index
      %get3A_946 = tpu.vector_load %arg17[%get3A_944, %get3A_945] {strides = array<i32>} : memref<80x136xf32, #tpu.memory_space<vmem>>, vector<16xf32>,
      %mul3A_947 = arith.mulf %get3A_946, %gather3A_852 : vector<16xf32>
      %add3A_948 = arith.constant 1 : i32
      %add3A_949 = arith.addi %add3A_846, %add3A_948 : i32
      %swap3A_950 = arith.index_cast %add3A_949 : i32 to index
      %swap3A_951 = arith.constant 48 : index
      %swap3A_952 = tpu.vector_load %arg17[%swap3A_950, %swap3A_951] {strides = array<i32>} : memref<80x136xf32, #tpu.memory_space<vmem>>, vector<16xf32>,
      tpu.vector_store %arg17[%swap3A_950, %swap3A_951], %mul3A_947 {strides = array<i32>} : memref<80x136xf32, #tpu.memory_space<vmem>>, vector<16xf32>,
      %add3A_953 = arith.constant 1 : i32
      %add3A_954 = arith.addi %add3A_846, %add3A_953 : i32
      %get3A_955 = arith.index_cast %add3A_954 : i32 to index
      %get3A_956 = arith.constant 64 : index
      %get3A_957 = tpu.vector_load %arg17[%get3A_955, %get3A_956] {strides = array<i32>} : memref<80x136xf32, #tpu.memory_space<vmem>>, vector<16xf32>,
      %mul3A_958 = arith.mulf %get3A_957, %gather3A_852 : vector<16xf32>
      %add3A_959 = arith.constant 1 : i32
      %add3A_960 = arith.addi %add3A_846, %add3A_959 : i32
      %swap3A_961 = arith.index_cast %add3A_960 : i32 to index
      %swap3A_962 = arith.constant 64 : index
      %swap3A_963 = tpu.vector_load %arg17[%swap3A_961, %swap3A_962] {strides = array<i32>} : memref<80x136xf32, #tpu.memory_space<vmem>>, vector<16xf32>,
      tpu.vector_store %arg17[%swap3A_961, %swap3A_962], %mul3A_958 {strides = array<i32>} : memref<80x136xf32, #tpu.memory_space<vmem>>, vector<16xf32>,
      %add3A_964 = arith.constant 1 : i32
      %add3A_965 = arith.addi %add3A_846, %add3A_964 : i32
      %get3A_966 = arith.index_cast %add3A_965 : i32 to index
      %get3A_967 = arith.constant 80 : index
      %get3A_968 = tpu.vector_load %arg17[%get3A_966, %get3A_967] {strides = array<i32>} : memref<80x136xf32, #tpu.memory_space<vmem>>, vector<16xf32>,
      %mul3A_969 = arith.mulf %get3A_968, %gather3A_852 : vector<16xf32>
      %add3A_970 = arith.constant 1 : i32
      %add3A_971 = arith.addi %add3A_846, %add3A_970 : i32
      %swap3A_972 = arith.index_cast %add3A_971 : i32 to index
      %swap3A_973 = arith.constant 80 : index
      %swap3A_974 = tpu.vector_load %arg17[%swap3A_972, %swap3A_973] {strides = array<i32>} : memref<80x136xf32, #tpu.memory_space<vmem>>, vector<16xf32>,
      tpu.vector_store %arg17[%swap3A_972, %swap3A_973], %mul3A_969 {strides = array<i32>} : memref<80x136xf32, #tpu.memory_space<vmem>>, vector<16xf32>,
      %add3A_975 = arith.constant 1 : i32
      %add3A_976 = arith.addi %add3A_846, %add3A_975 : i32
      %get3A_977 = arith.index_cast %add3A_976 : i32 to index
      %get3A_978 = arith.constant 96 : index
      %get3A_979 = tpu.vector_load %arg17[%get3A_977, %get3A_978] {strides = array<i32>} : memref<80x136xf32, #tpu.memory_space<vmem>>, vector<16xf32>,
      %mul3A_980 = arith.mulf %get3A_979, %gather3A_852 : vector<16xf32>
      %add3A_981 = arith.constant 1 : i32
      %add3A_982 = arith.addi %add3A_846, %add3A_981 : i32
      %swap3A_983 = arith.index_cast %add3A_982 : i32 to index
      %swap3A_984 = arith.constant 96 : index
      %swap3A_985 = tpu.vector_load %arg17[%swap3A_983, %swap3A_984] {strides = array<i32>} : memref<80x136xf32, #tpu.memory_space<vmem>>, vector<16xf32>,
      tpu.vector_store %arg17[%swap3A_983, %swap3A_984], %mul3A_980 {strides = array<i32>} : memref<80x136xf32, #tpu.memory_space<vmem>>, vector<16xf32>,
      %add3A_986 = arith.constant 1 : i32
      %add3A_987 = arith.addi %add3A_846, %add3A_986 : i32
      %get3A_988 = arith.index_cast %add3A_987 : i32 to index
      %get3A_989 = arith.constant 112 : index
      %get3A_990 = tpu.vector_load %arg17[%get3A_988, %get3A_989] {strides = array<i32>} : memref<80x136xf32, #tpu.memory_space<vmem>>, vector<16xf32>,
      %mul3A_991 = arith.mulf %get3A_990, %gather3A_852 : vector<16xf32>
      %add3A_992 = arith.constant 1 : i32
      %add3A_993 = arith.addi %add3A_846, %add3A_992 : i32
      %swap3A_994 = arith.index_cast %add3A_993 : i32 to index
      %swap3A_995 = arith.constant 112 : index
      %swap3A_996 = tpu.vector_load %arg17[%swap3A_994, %swap3A_995] {strides = array<i32>} : memref<80x136xf32, #tpu.memory_space<vmem>>, vector<16xf32>,
      tpu.vector_store %arg17[%swap3A_994, %swap3A_995], %mul3A_991 {strides = array<i32>} : memref<80x136xf32, #tpu.memory_space<vmem>>, vector<16xf32>,
      %scan3A_997 = arith.constant 0 : i32
      scf.yield %scan3A_997 : i32
    }
    %scan3A_675 = arith.constant 20 : i32
    %iota3A_676 = tpu.iota {dimensions = array<i32: 0>} : vector<16xi32>
    %broadcast_in_dim3A_677 = arith.constant 128 : i32
    %broadcast_in_dim3A_678 = vector.broadcast %broadcast_in_dim3A_677 : i32 to vector<16xi32>
    %get3A_679 = arith.constant 0 : index
    %get3A_680 = tpu.vector_load %arg15[%get3A_679] {strides = array<i32>} : memref<80xf32, #tpu.memory_space<vmem>>, vector<16xf32>,
    %add3A_681 = arith.constant 0 : i32
    %add3A_682 = vector.broadcast %add3A_681 : i32 to vector<16xi32>
    %add3A_683 = arith.addi %iota3A_676, %add3A_682 : vector<16xi32>
    tpu.vector_store_idx %arg17[%add3A_683, %broadcast_in_dim3A_678], %get3A_680 : memref<80x136xf32, #tpu.memory_space<vmem>>[vector<16xi32>, vector<16xi32>], vector<16xf32>,
    %get3A_684 = arith.constant 16 : index
    %get3A_685 = tpu.vector_load %arg15[%get3A_684] {strides = array<i32>} : memref<80xf32, #tpu.memory_space<vmem>>, vector<16xf32>,
    %add3A_686 = arith.constant 16 : i32
    %add3A_687 = vector.broadcast %add3A_686 : i32 to vector<16xi32>
    %add3A_688 = arith.addi %iota3A_676, %add3A_687 : vector<16xi32>
    tpu.vector_store_idx %arg17[%add3A_688, %broadcast_in_dim3A_678], %get3A_685 : memref<80x136xf32, #tpu.memory_space<vmem>>[vector<16xi32>, vector<16xi32>], vector<16xf32>,
    %get3A_689 = arith.constant 32 : index
    %get3A_690 = tpu.vector_load %arg15[%get3A_689] {strides = array<i32>} : memref<80xf32, #tpu.memory_space<vmem>>, vector<16xf32>,
    %add3A_691 = arith.constant 32 : i32
    %add3A_692 = vector.broadcast %add3A_691 : i32 to vector<16xi32>
    %add3A_693 = arith.addi %iota3A_676, %add3A_692 : vector<16xi32>
    tpu.vector_store_idx %arg17[%add3A_693, %broadcast_in_dim3A_678], %get3A_690 : memref<80x136xf32, #tpu.memory_space<vmem>>[vector<16xi32>, vector<16xi32>], vector<16xf32>,
    %get3A_694 = arith.constant 48 : index
    %get3A_695 = tpu.vector_load %arg15[%get3A_694] {strides = array<i32>} : memref<80xf32, #tpu.memory_space<vmem>>, vector<16xf32>,
    %add3A_696 = arith.constant 48 : i32
    %add3A_697 = vector.broadcast %add3A_696 : i32 to vector<16xi32>
    %add3A_698 = arith.addi %iota3A_676, %add3A_697 : vector<16xi32>
    tpu.vector_store_idx %arg17[%add3A_698, %broadcast_in_dim3A_678], %get3A_695 : memref<80x136xf32, #tpu.memory_space<vmem>>[vector<16xi32>, vector<16xi32>], vector<16xf32>,
    %get3A_699 = arith.constant 64 : index
    %get3A_700 = tpu.vector_load %arg15[%get3A_699] {strides = array<i32>} : memref<80xf32, #tpu.memory_space<vmem>>, vector<16xf32>,
    %add3A_701 = arith.constant 64 : i32
    %add3A_702 = vector.broadcast %add3A_701 : i32 to vector<16xi32>
    %add3A_703 = arith.addi %iota3A_676, %add3A_702 : vector<16xi32>
    tpu.vector_store_idx %arg17[%add3A_703, %broadcast_in_dim3A_678], %get3A_700 : memref<80x136xf32, #tpu.memory_space<vmem>>[vector<16xi32>, vector<16xi32>], vector<16xf32>,
    %dma_start3A_704 = arith.constant 0 : i32
    %dma_start3A_705 = arith.constant 0 : i32
    %dma_start3A_706 = tpu.memref_slice %arg19[%dma_start3A_704, %dma_start3A_705] : memref<10240x136xf32, #tpu.memory_space<vmem_shared>> -> memref<10240x136xf32, #tpu.memory_space<vmem_shared>>
    tpu.enqueue_indirect_dma source(%arg17 : memref<80x136xf32, #tpu.memory_space<vmem>>) target(%dma_start3A_706 : memref<10240x136xf32, #tpu.memory_space<vmem_shared>>) offsets(%arg13 : memref<80xi32, #tpu.memory_space<vmem>>) semaphore(%arg24 : memref<!tpu.dma_semaphore, #tpu.memory_space<semaphore_mem>>) {add = true}
    %dma_wait3A_707 = arith.constant 0 : i32
    %dma_wait3A_708 = arith.constant 0 : i32
    %dma_wait3A_709 = tpu.memref_slice %arg19[%dma_wait3A_707, %dma_wait3A_708] : memref<10240x136xf32, #tpu.memory_space<vmem_shared>> -> memref<10240x136xf32, #tpu.memory_space<vmem_shared>>
    tpu.wait_indirect_dma semaphore(%arg25 : memref<!tpu.dma_semaphore, #tpu.memory_space<semaphore_mem>>) src(%arg18 : memref<80x136xf32, #tpu.memory_space<vmem>>) dst(%dma_wait3A_709 : memref<10240x136xf32, #tpu.memory_space<vmem_shared>>)
    %dma_wait3A_710 = arith.constant 0 : i32
    %dma_wait3A_711 = arith.constant 0 : i32
    %dma_wait3A_712 = tpu.memref_slice %arg19[%dma_wait3A_710, %dma_wait3A_711] : memref<10240x136xf32, #tpu.memory_space<vmem_shared>> -> memref<10240x136xf32, #tpu.memory_space<vmem_shared>>
    tpu.wait_indirect_dma semaphore(%arg24 : memref<!tpu.dma_semaphore, #tpu.memory_space<semaphore_mem>>) src(%arg17 : memref<80x136xf32, #tpu.memory_space<vmem>>) dst(%dma_wait3A_712 : memref<10240x136xf32, #tpu.memory_space<vmem_shared>>)
    %barrier3A_713 = arith.constant 0 : index
    tpu.barrier barrier_id(%barrier3A_713)
    %add3A_714 = arith.constant 0 : i32
    %add3A_715 = arith.addi %mul3A_34, %add3A_714 : i32
    "tpu.region"() ({
      %run_scoped3A = tpu.sem_alloc : memref<!tpu.dma_semaphore, #tpu.memory_space<semaphore_mem>>
      %dma_start3A_841 = arith.constant 0 : i32
      %dma_start3A_842 = tpu.memref_slice %arg19[%add3A_715, %dma_start3A_841] : memref<10240x136xf32, #tpu.memory_space<vmem_shared>> -> memref<80x136xf32, #tpu.memory_space<vmem_shared>>
      %dma_start3A_843 = arith.constant 0 : i32
      %dma_start3A_844 = tpu.memref_slice %arg19[%add3A_715, %dma_start3A_843] : memref<10240x136xf32, #tpu.memory_space<vmem_shared>> -> memref<80x136xf32, #tpu.memory_space<vmem_shared>>
      tpu.enqueue_dma source(%dma_start3A_844 : memref<80x136xf32, #tpu.memory_space<vmem_shared>>) target(%arg17 : memref<80x136xf32, #tpu.memory_space<vmem>>) target_semaphore(%run_scoped3A : memref<!tpu.dma_semaphore, #tpu.memory_space<semaphore_mem>>)
      %dma_wait3A_845 = arith.constant 0 : i32
      %dma_wait3A_846 = tpu.memref_slice %arg19[%add3A_715, %dma_wait3A_845] : memref<10240x136xf32, #tpu.memory_space<vmem_shared>> -> memref<80x136xf32, #tpu.memory_space<vmem_shared>>
      %dma_wait3A_847 = arith.constant 0 : i32
      %dma_wait3A_848 = tpu.memref_slice %arg19[%add3A_715, %dma_wait3A_847] : memref<10240x136xf32, #tpu.memory_space<vmem_shared>> -> memref<80x136xf32, #tpu.memory_space<vmem_shared>>
      tpu.wait_dma2 semaphore(%run_scoped3A : memref<!tpu.dma_semaphore, #tpu.memory_space<semaphore_mem>>) src(%dma_wait3A_848 : memref<80x136xf32, #tpu.memory_space<vmem_shared>>) dst(%arg17 : memref<80x136xf32, #tpu.memory_space<vmem>>)
      tpu.yield
    }) : () -> ()
    %dma_start3A_716 = arith.constant 0 : i32
    %dma_start3A_717 = tpu.memref_slice %arg6[%arg0, %add3A_715, %dma_start3A_716] : memref<2x10240x136xf32, #tpu.memory_space<hbm>> -> memref<1x80x136xf32, #tpu.memory_space<hbm>>
    %dma_start3A_718 = tpu.memref_squeeze %dma_start3A_717 : memref<1x80x136xf32, #tpu.memory_space<hbm>> -> memref<80x136xf32, #tpu.memory_space<hbm>>
    %dma_start3A_719 = arith.constant 0 : i32
    %dma_start3A_720 = tpu.memref_slice %arg6[%arg0, %add3A_715, %dma_start3A_719] : memref<2x10240x136xf32, #tpu.memory_space<hbm>> -> memref<1x80x136xf32, #tpu.memory_space<hbm>>
    %dma_start3A_721 = tpu.memref_squeeze %dma_start3A_720 : memref<1x80x136xf32, #tpu.memory_space<hbm>> -> memref<80x136xf32, #tpu.memory_space<hbm>>
    tpu.enqueue_dma source(%arg17 : memref<80x136xf32, #tpu.memory_space<vmem>>) target(%dma_start3A_721 : memref<80x136xf32, #tpu.memory_space<hbm>>) target_semaphore(%arg22 : memref<!tpu.dma_semaphore, #tpu.memory_space<semaphore_mem>>)
    %add3A_722 = arith.constant 80 : i32
    %add3A_723 = arith.addi %mul3A_34, %add3A_722 : i32
    "tpu.region"() ({
      %run_scoped3A = tpu.sem_alloc : memref<!tpu.dma_semaphore, #tpu.memory_space<semaphore_mem>>
      %dma_start3A_841 = arith.constant 0 : i32
      %dma_start3A_842 = tpu.memref_slice %arg19[%add3A_723, %dma_start3A_841] : memref<10240x136xf32, #tpu.memory_space<vmem_shared>> -> memref<80x136xf32, #tpu.memory_space<vmem_shared>>
      %dma_start3A_843 = arith.constant 0 : i32
      %dma_start3A_844 = tpu.memref_slice %arg19[%add3A_723, %dma_start3A_843] : memref<10240x136xf32, #tpu.memory_space<vmem_shared>> -> memref<80x136xf32, #tpu.memory_space<vmem_shared>>
      tpu.enqueue_dma source(%dma_start3A_844 : memref<80x136xf32, #tpu.memory_space<vmem_shared>>) target(%arg18 : memref<80x136xf32, #tpu.memory_space<vmem>>) target_semaphore(%run_scoped3A : memref<!tpu.dma_semaphore, #tpu.memory_space<semaphore_mem>>)
      %dma_wait3A_845 = arith.constant 0 : i32
      %dma_wait3A_846 = tpu.memref_slice %arg19[%add3A_723, %dma_wait3A_845] : memref<10240x136xf32, #tpu.memory_space<vmem_shared>> -> memref<80x136xf32, #tpu.memory_space<vmem_shared>>
      %dma_wait3A_847 = arith.constant 0 : i32
      %dma_wait3A_848 = tpu.memref_slice %arg19[%add3A_723, %dma_wait3A_847] : memref<10240x136xf32, #tpu.memory_space<vmem_shared>> -> memref<80x136xf32, #tpu.memory_space<vmem_shared>>
      tpu.wait_dma2 semaphore(%run_scoped3A : memref<!tpu.dma_semaphore, #tpu.memory_space<semaphore_mem>>) src(%dma_wait3A_848 : memref<80x136xf32, #tpu.memory_space<vmem_shared>>) dst(%arg18 : memref<80x136xf32, #tpu.memory_space<vmem>>)
      tpu.yield
    }) : () -> ()
    %dma_start3A_724 = arith.constant 0 : i32
    %dma_start3A_725 = tpu.memref_slice %arg6[%arg0, %add3A_723, %dma_start3A_724] : memref<2x10240x136xf32, #tpu.memory_space<hbm>> -> memref<1x80x136xf32, #tpu.memory_space<hbm>>
    %dma_start3A_726 = tpu.memref_squeeze %dma_start3A_725 : memref<1x80x136xf32, #tpu.memory_space<hbm>> -> memref<80x136xf32, #tpu.memory_space<hbm>>
    %dma_start3A_727 = arith.constant 0 : i32
    %dma_start3A_728 = tpu.memref_slice %arg6[%arg0, %add3A_723, %dma_start3A_727] : memref<2x10240x136xf32, #tpu.memory_space<hbm>> -> memref<1x80x136xf32, #tpu.memory_space<hbm>>
    %dma_start3A_729 = tpu.memref_squeeze %dma_start3A_728 : memref<1x80x136xf32, #tpu.memory_space<hbm>> -> memref<80x136xf32, #tpu.memory_space<hbm>>
    tpu.enqueue_dma source(%arg18 : memref<80x136xf32, #tpu.memory_space<vmem>>) target(%dma_start3A_729 : memref<80x136xf32, #tpu.memory_space<hbm>>) target_semaphore(%arg23 : memref<!tpu.dma_semaphore, #tpu.memory_space<semaphore_mem>>)
    %add3A_730 = arith.constant 160 : i32
    %add3A_731 = arith.addi %mul3A_34, %add3A_730 : i32
    %sub3A = arith.constant 160 : i32
    %sub3A_732 = arith.subi %add3A_731, %sub3A : i32
    %dma_wait3A_733 = arith.constant 0 : i32
    %dma_wait3A_734 = tpu.memref_slice %arg6[%arg0, %sub3A_732, %dma_wait3A_733] : memref<2x10240x136xf32, #tpu.memory_space<hbm>> -> memref<1x80x136xf32, #tpu.memory_space<hbm>>
    %dma_wait3A_735 = tpu.memref_squeeze %dma_wait3A_734 : memref<1x80x136xf32, #tpu.memory_space<hbm>> -> memref<80x136xf32, #tpu.memory_space<hbm>>
    %dma_wait3A_736 = arith.constant 0 : i32
    %dma_wait3A_737 = tpu.memref_slice %arg6[%arg0, %sub3A_732, %dma_wait3A_736] : memref<2x10240x136xf32, #tpu.memory_space<hbm>> -> memref<1x80x136xf32, #tpu.memory_space<hbm>>
    %dma_wait3A_738 = tpu.memref_squeeze %dma_wait3A_737 : memref<1x80x136xf32, #tpu.memory_space<hbm>> -> memref<80x136xf32, #tpu.memory_space<hbm>>
    tpu.wait_dma2 semaphore(%arg22 : memref<!tpu.dma_semaphore, #tpu.memory_space<semaphore_mem>>) src(%arg17 : memref<80x136xf32, #tpu.memory_space<vmem>>) dst(%dma_wait3A_738 : memref<80x136xf32, #tpu.memory_space<hbm>>)
    "tpu.region"() ({
      %run_scoped3A = tpu.sem_alloc : memref<!tpu.dma_semaphore, #tpu.memory_space<semaphore_mem>>
      %dma_start3A_841 = arith.constant 0 : i32
      %dma_start3A_842 = tpu.memref_slice %arg19[%add3A_731, %dma_start3A_841] : memref<10240x136xf32, #tpu.memory_space<vmem_shared>> -> memref<80x136xf32, #tpu.memory_space<vmem_shared>>
      %dma_start3A_843 = arith.constant 0 : i32
      %dma_start3A_844 = tpu.memref_slice %arg19[%add3A_731, %dma_start3A_843] : memref<10240x136xf32, #tpu.memory_space<vmem_shared>> -> memref<80x136xf32, #tpu.memory_space<vmem_shared>>
      tpu.enqueue_dma source(%dma_start3A_844 : memref<80x136xf32, #tpu.memory_space<vmem_shared>>) target(%arg17 : memref<80x136xf32, #tpu.memory_space<vmem>>) target_semaphore(%run_scoped3A : memref<!tpu.dma_semaphore, #tpu.memory_space<semaphore_mem>>)
      %dma_wait3A_845 = arith.constant 0 : i32
      %dma_wait3A_846 = tpu.memref_slice %arg19[%add3A_731, %dma_wait3A_845] : memref<10240x136xf32, #tpu.memory_space<vmem_shared>> -> memref<80x136xf32, #tpu.memory_space<vmem_shared>>
      %dma_wait3A_847 = arith.constant 0 : i32
      %dma_wait3A_848 = tpu.memref_slice %arg19[%add3A_731, %dma_wait3A_847] : memref<10240x136xf32, #tpu.memory_space<vmem_shared>> -> memref<80x136xf32, #tpu.memory_space<vmem_shared>>
      tpu.wait_dma2 semaphore(%run_scoped3A : memref<!tpu.dma_semaphore, #tpu.memory_space<semaphore_mem>>) src(%dma_wait3A_848 : memref<80x136xf32, #tpu.memory_space<vmem_shared>>) dst(%arg17 : memref<80x136xf32, #tpu.memory_space<vmem>>)
      tpu.yield
    }) : () -> ()
    %dma_start3A_739 = arith.constant 0 : i32
    %dma_start3A_740 = tpu.memref_slice %arg6[%arg0, %add3A_731, %dma_start3A_739] : memref<2x10240x136xf32, #tpu.memory_space<hbm>> -> memref<1x80x136xf32, #tpu.memory_space<hbm>>
    %dma_start3A_741 = tpu.memref_squeeze %dma_start3A_740 : memref<1x80x136xf32, #tpu.memory_space<hbm>> -> memref<80x136xf32, #tpu.memory_space<hbm>>
    %dma_start3A_742 = arith.constant 0 : i32
    %dma_start3A_743 = tpu.memref_slice %arg6[%arg0, %add3A_731, %dma_start3A_742] : memref<2x10240x136xf32, #tpu.memory_space<hbm>> -> memref<1x80x136xf32, #tpu.memory_space<hbm>>
    %dma_start3A_744 = tpu.memref_squeeze %dma_start3A_743 : memref<1x80x136xf32, #tpu.memory_space<hbm>> -> memref<80x136xf32, #tpu.memory_space<hbm>>
    tpu.enqueue_dma source(%arg17 : memref<80x136xf32, #tpu.memory_space<vmem>>) target(%dma_start3A_744 : memref<80x136xf32, #tpu.memory_space<hbm>>) target_semaphore(%arg22 : memref<!tpu.dma_semaphore, #tpu.memory_space<semaphore_mem>>)
    %add3A_745 = arith.constant 240 : i32
    %add3A_746 = arith.addi %mul3A_34, %add3A_745 : i32
    %sub3A_747 = arith.constant 160 : i32
    %sub3A_748 = arith.subi %add3A_746, %sub3A_747 : i32
    %dma_wait3A_749 = arith.constant 0 : i32
    %dma_wait3A_750 = tpu.memref_slice %arg6[%arg0, %sub3A_748, %dma_wait3A_749] : memref<2x10240x136xf32, #tpu.memory_space<hbm>> -> memref<1x80x136xf32, #tpu.memory_space<hbm>>
    %dma_wait3A_751 = tpu.memref_squeeze %dma_wait3A_750 : memref<1x80x136xf32, #tpu.memory_space<hbm>> -> memref<80x136xf32, #tpu.memory_space<hbm>>
    %dma_wait3A_752 = arith.constant 0 : i32
    %dma_wait3A_753 = tpu.memref_slice %arg6[%arg0, %sub3A_748, %dma_wait3A_752] : memref<2x10240x136xf32, #tpu.memory_space<hbm>> -> memref<1x80x136xf32, #tpu.memory_space<hbm>>
    %dma_wait3A_754 = tpu.memref_squeeze %dma_wait3A_753 : memref<1x80x136xf32, #tpu.memory_space<hbm>> -> memref<80x136xf32, #tpu.memory_space<hbm>>
    tpu.wait_dma2 semaphore(%arg23 : memref<!tpu.dma_semaphore, #tpu.memory_space<semaphore_mem>>) src(%arg18 : memref<80x136xf32, #tpu.memory_space<vmem>>) dst(%dma_wait3A_754 : memref<80x136xf32, #tpu.memory_space<hbm>>)
    "tpu.region"() ({
      %run_scoped3A = tpu.sem_alloc : memref<!tpu.dma_semaphore, #tpu.memory_space<semaphore_mem>>
      %dma_start3A_841 = arith.constant 0 : i32
      %dma_start3A_842 = tpu.memref_slice %arg19[%add3A_746, %dma_start3A_841] : memref<10240x136xf32, #tpu.memory_space<vmem_shared>> -> memref<80x136xf32, #tpu.memory_space<vmem_shared>>
      %dma_start3A_843 = arith.constant 0 : i32
      %dma_start3A_844 = tpu.memref_slice %arg19[%add3A_746, %dma_start3A_843] : memref<10240x136xf32, #tpu.memory_space<vmem_shared>> -> memref<80x136xf32, #tpu.memory_space<vmem_shared>>
      tpu.enqueue_dma source(%dma_start3A_844 : memref<80x136xf32, #tpu.memory_space<vmem_shared>>) target(%arg18 : memref<80x136xf32, #tpu.memory_space<vmem>>) target_semaphore(%run_scoped3A : memref<!tpu.dma_semaphore, #tpu.memory_space<semaphore_mem>>)
      %dma_wait3A_845 = arith.constant 0 : i32
      %dma_wait3A_846 = tpu.memref_slice %arg19[%add3A_746, %dma_wait3A_845] : memref<10240x136xf32, #tpu.memory_space<vmem_shared>> -> memref<80x136xf32, #tpu.memory_space<vmem_shared>>
      %dma_wait3A_847 = arith.constant 0 : i32
      %dma_wait3A_848 = tpu.memref_slice %arg19[%add3A_746, %dma_wait3A_847] : memref<10240x136xf32, #tpu.memory_space<vmem_shared>> -> memref<80x136xf32, #tpu.memory_space<vmem_shared>>
      tpu.wait_dma2 semaphore(%run_scoped3A : memref<!tpu.dma_semaphore, #tpu.memory_space<semaphore_mem>>) src(%dma_wait3A_848 : memref<80x136xf32, #tpu.memory_space<vmem_shared>>) dst(%arg18 : memref<80x136xf32, #tpu.memory_space<vmem>>)
      tpu.yield
    }) : () -> ()
    %dma_start3A_755 = arith.constant 0 : i32
    %dma_start3A_756 = tpu.memref_slice %arg6[%arg0, %add3A_746, %dma_start3A_755] : memref<2x10240x136xf32, #tpu.memory_space<hbm>> -> memref<1x80x136xf32, #tpu.memory_space<hbm>>
    %dma_start3A_757 = tpu.memref_squeeze %dma_start3A_756 : memref<1x80x136xf32, #tpu.memory_space<hbm>> -> memref<80x136xf32, #tpu.memory_space<hbm>>
    %dma_start3A_758 = arith.constant 0 : i32
    %dma_start3A_759 = tpu.memref_slice %arg6[%arg0, %add3A_746, %dma_start3A_758] : memref<2x10240x136xf32, #tpu.memory_space<hbm>> -> memref<1x80x136xf32, #tpu.memory_space<hbm>>
    %dma_start3A_760 = tpu.memref_squeeze %dma_start3A_759 : memref<1x80x136xf32, #tpu.memory_space<hbm>> -> memref<80x136xf32, #tpu.memory_space<hbm>>
    tpu.enqueue_dma source(%arg18 : memref<80x136xf32, #tpu.memory_space<vmem>>) target(%dma_start3A_760 : memref<80x136xf32, #tpu.memory_space<hbm>>) target_semaphore(%arg23 : memref<!tpu.dma_semaphore, #tpu.memory_space<semaphore_mem>>)
    %add3A_761 = arith.constant 320 : i32
    %add3A_762 = arith.addi %mul3A_34, %add3A_761 : i32
    %sub3A_763 = arith.constant 160 : i32
    %sub3A_764 = arith.subi %add3A_762, %sub3A_763 : i32
    %dma_wait3A_765 = arith.constant 0 : i32
    %dma_wait3A_766 = tpu.memref_slice %arg6[%arg0, %sub3A_764, %dma_wait3A_765] : memref<2x10240x136xf32, #tpu.memory_space<hbm>> -> memref<1x80x136xf32, #tpu.memory_space<hbm>>
    %dma_wait3A_767 = tpu.memref_squeeze %dma_wait3A_766 : memref<1x80x136xf32, #tpu.memory_space<hbm>> -> memref<80x136xf32, #tpu.memory_space<hbm>>
    %dma_wait3A_768 = arith.constant 0 : i32
    %dma_wait3A_769 = tpu.memref_slice %arg6[%arg0, %sub3A_764, %dma_wait3A_768] : memref<2x10240x136xf32, #tpu.memory_space<hbm>> -> memref<1x80x136xf32, #tpu.memory_space<hbm>>
    %dma_wait3A_770 = tpu.memref_squeeze %dma_wait3A_769 : memref<1x80x136xf32, #tpu.memory_space<hbm>> -> memref<80x136xf32, #tpu.memory_space<hbm>>
    tpu.wait_dma2 semaphore(%arg22 : memref<!tpu.dma_semaphore, #tpu.memory_space<semaphore_mem>>) src(%arg17 : memref<80x136xf32, #tpu.memory_space<vmem>>) dst(%dma_wait3A_770 : memref<80x136xf32, #tpu.memory_space<hbm>>)
    "tpu.region"() ({
      %run_scoped3A = tpu.sem_alloc : memref<!tpu.dma_semaphore, #tpu.memory_space<semaphore_mem>>
      %dma_start3A_841 = arith.constant 0 : i32
      %dma_start3A_842 = tpu.memref_slice %arg19[%add3A_762, %dma_start3A_841] : memref<10240x136xf32, #tpu.memory_space<vmem_shared>> -> memref<80x136xf32, #tpu.memory_space<vmem_shared>>
      %dma_start3A_843 = arith.constant 0 : i32
      %dma_start3A_844 = tpu.memref_slice %arg19[%add3A_762, %dma_start3A_843] : memref<10240x136xf32, #tpu.memory_space<vmem_shared>> -> memref<80x136xf32, #tpu.memory_space<vmem_shared>>
      tpu.enqueue_dma source(%dma_start3A_844 : memref<80x136xf32, #tpu.memory_space<vmem_shared>>) target(%arg17 : memref<80x136xf32, #tpu.memory_space<vmem>>) target_semaphore(%run_scoped3A : memref<!tpu.dma_semaphore, #tpu.memory_space<semaphore_mem>>)
      %dma_wait3A_845 = arith.constant 0 : i32
      %dma_wait3A_846 = tpu.memref_slice %arg19[%add3A_762, %dma_wait3A_845] : memref<10240x136xf32, #tpu.memory_space<vmem_shared>> -> memref<80x136xf32, #tpu.memory_space<vmem_shared>>
      %dma_wait3A_847 = arith.constant 0 : i32
      %dma_wait3A_848 = tpu.memref_slice %arg19[%add3A_762, %dma_wait3A_847] : memref<10240x136xf32, #tpu.memory_space<vmem_shared>> -> memref<80x136xf32, #tpu.memory_space<vmem_shared>>
      tpu.wait_dma2 semaphore(%run_scoped3A : memref<!tpu.dma_semaphore, #tpu.memory_space<semaphore_mem>>) src(%dma_wait3A_848 : memref<80x136xf32, #tpu.memory_space<vmem_shared>>) dst(%arg17 : memref<80x136xf32, #tpu.memory_space<vmem>>)
      tpu.yield
    }) : () -> ()
    %dma_start3A_771 = arith.constant 0 : i32
    %dma_start3A_772 = tpu.memref_slice %arg6[%arg0, %add3A_762, %dma_start3A_771] : memref<2x10240x136xf32, #tpu.memory_space<hbm>> -> memref<1x80x136xf32, #tpu.memory_space<hbm>>
    %dma_start3A_773 = tpu.memref_squeeze %dma_start3A_772 : memref<1x80x136xf32, #tpu.memory_space<hbm>> -> memref<80x136xf32, #tpu.memory_space<hbm>>
    %dma_start3A_774 = arith.constant 0 : i32
    %dma_start3A_775 = tpu.memref_slice %arg6[%arg0, %add3A_762, %dma_start3A_774] : memref<2x10240x136xf32, #tpu.memory_space<hbm>> -> memref<1x80x136xf32, #tpu.memory_space<hbm>>
    %dma_start3A_776 = tpu.memref_squeeze %dma_start3A_775 : memref<1x80x136xf32, #tpu.memory_space<hbm>> -> memref<80x136xf32, #tpu.memory_space<hbm>>
    tpu.enqueue_dma source(%arg17 : memref<80x136xf32, #tpu.memory_space<vmem>>) target(%dma_start3A_776 : memref<80x136xf32, #tpu.memory_space<hbm>>) target_semaphore(%arg22 : memref<!tpu.dma_semaphore, #tpu.memory_space<semaphore_mem>>)
    %add3A_777 = arith.constant 400 : i32
    %add3A_778 = arith.addi %mul3A_34, %add3A_777 : i32
    %sub3A_779 = arith.constant 160 : i32
    %sub3A_780 = arith.subi %add3A_778, %sub3A_779 : i32
    %dma_wait3A_781 = arith.constant 0 : i32
    %dma_wait3A_782 = tpu.memref_slice %arg6[%arg0, %sub3A_780, %dma_wait3A_781] : memref<2x10240x136xf32, #tpu.memory_space<hbm>> -> memref<1x80x136xf32, #tpu.memory_space<hbm>>
    %dma_wait3A_783 = tpu.memref_squeeze %dma_wait3A_782 : memref<1x80x136xf32, #tpu.memory_space<hbm>> -> memref<80x136xf32, #tpu.memory_space<hbm>>
    %dma_wait3A_784 = arith.constant 0 : i32
    %dma_wait3A_785 = tpu.memref_slice %arg6[%arg0, %sub3A_780, %dma_wait3A_784] : memref<2x10240x136xf32, #tpu.memory_space<hbm>> -> memref<1x80x136xf32, #tpu.memory_space<hbm>>
    %dma_wait3A_786 = tpu.memref_squeeze %dma_wait3A_785 : memref<1x80x136xf32, #tpu.memory_space<hbm>> -> memref<80x136xf32, #tpu.memory_space<hbm>>
    tpu.wait_dma2 semaphore(%arg23 : memref<!tpu.dma_semaphore, #tpu.memory_space<semaphore_mem>>) src(%arg18 : memref<80x136xf32, #tpu.memory_space<vmem>>) dst(%dma_wait3A_786 : memref<80x136xf32, #tpu.memory_space<hbm>>)
    "tpu.region"() ({
      %run_scoped3A = tpu.sem_alloc : memref<!tpu.dma_semaphore, #tpu.memory_space<semaphore_mem>>
      %dma_start3A_841 = arith.constant 0 : i32
      %dma_start3A_842 = tpu.memref_slice %arg19[%add3A_778, %dma_start3A_841] : memref<10240x136xf32, #tpu.memory_space<vmem_shared>> -> memref<80x136xf32, #tpu.memory_space<vmem_shared>>
      %dma_start3A_843 = arith.constant 0 : i32
      %dma_start3A_844 = tpu.memref_slice %arg19[%add3A_778, %dma_start3A_843] : memref<10240x136xf32, #tpu.memory_space<vmem_shared>> -> memref<80x136xf32, #tpu.memory_space<vmem_shared>>
      tpu.enqueue_dma source(%dma_start3A_844 : memref<80x136xf32, #tpu.memory_space<vmem_shared>>) target(%arg18 : memref<80x136xf32, #tpu.memory_space<vmem>>) target_semaphore(%run_scoped3A : memref<!tpu.dma_semaphore, #tpu.memory_space<semaphore_mem>>)
      %dma_wait3A_845 = arith.constant 0 : i32
      %dma_wait3A_846 = tpu.memref_slice %arg19[%add3A_778, %dma_wait3A_845] : memref<10240x136xf32, #tpu.memory_space<vmem_shared>> -> memref<80x136xf32, #tpu.memory_space<vmem_shared>>
      %dma_wait3A_847 = arith.constant 0 : i32
      %dma_wait3A_848 = tpu.memref_slice %arg19[%add3A_778, %dma_wait3A_847] : memref<10240x136xf32, #tpu.memory_space<vmem_shared>> -> memref<80x136xf32, #tpu.memory_space<vmem_shared>>
      tpu.wait_dma2 semaphore(%run_scoped3A : memref<!tpu.dma_semaphore, #tpu.memory_space<semaphore_mem>>) src(%dma_wait3A_848 : memref<80x136xf32, #tpu.memory_space<vmem_shared>>) dst(%arg18 : memref<80x136xf32, #tpu.memory_space<vmem>>)
      tpu.yield
    }) : () -> ()
    %dma_start3A_787 = arith.constant 0 : i32
    %dma_start3A_788 = tpu.memref_slice %arg6[%arg0, %add3A_778, %dma_start3A_787] : memref<2x10240x136xf32, #tpu.memory_space<hbm>> -> memref<1x80x136xf32, #tpu.memory_space<hbm>>
    %dma_start3A_789 = tpu.memref_squeeze %dma_start3A_788 : memref<1x80x136xf32, #tpu.memory_space<hbm>> -> memref<80x136xf32, #tpu.memory_space<hbm>>
    %dma_start3A_790 = arith.constant 0 : i32
    %dma_start3A_791 = tpu.memref_slice %arg6[%arg0, %add3A_778, %dma_start3A_790] : memref<2x10240x136xf32, #tpu.memory_space<hbm>> -> memref<1x80x136xf32, #tpu.memory_space<hbm>>
    %dma_start3A_792 = tpu.memref_squeeze %dma_start3A_791 : memref<1x80x136xf32, #tpu.memory_space<hbm>> -> memref<80x136xf32, #tpu.memory_space<hbm>>
    tpu.enqueue_dma source(%arg18 : memref<80x136xf32, #tpu.memory_space<vmem>>) target(%dma_start3A_792 : memref<80x136xf32, #tpu.memory_space<hbm>>) target_semaphore(%arg23 : memref<!tpu.dma_semaphore, #tpu.memory_space<semaphore_mem>>)
    %add3A_793 = arith.constant 480 : i32
    %add3A_794 = arith.addi %mul3A_34, %add3A_793 : i32
    %sub3A_795 = arith.constant 160 : i32
    %sub3A_796 = arith.subi %add3A_794, %sub3A_795 : i32
    %dma_wait3A_797 = arith.constant 0 : i32
    %dma_wait3A_798 = tpu.memref_slice %arg6[%arg0, %sub3A_796, %dma_wait3A_797] : memref<2x10240x136xf32, #tpu.memory_space<hbm>> -> memref<1x80x136xf32, #tpu.memory_space<hbm>>
    %dma_wait3A_799 = tpu.memref_squeeze %dma_wait3A_798 : memref<1x80x136xf32, #tpu.memory_space<hbm>> -> memref<80x136xf32, #tpu.memory_space<hbm>>
    %dma_wait3A_800 = arith.constant 0 : i32
    %dma_wait3A_801 = tpu.memref_slice %arg6[%arg0, %sub3A_796, %dma_wait3A_800] : memref<2x10240x136xf32, #tpu.memory_space<hbm>> -> memref<1x80x136xf32, #tpu.memory_space<hbm>>
    %dma_wait3A_802 = tpu.memref_squeeze %dma_wait3A_801 : memref<1x80x136xf32, #tpu.memory_space<hbm>> -> memref<80x136xf32, #tpu.memory_space<hbm>>
    tpu.wait_dma2 semaphore(%arg22 : memref<!tpu.dma_semaphore, #tpu.memory_space<semaphore_mem>>) src(%arg17 : memref<80x136xf32, #tpu.memory_space<vmem>>) dst(%dma_wait3A_802 : memref<80x136xf32, #tpu.memory_space<hbm>>)
    "tpu.region"() ({
      %run_scoped3A = tpu.sem_alloc : memref<!tpu.dma_semaphore, #tpu.memory_space<semaphore_mem>>
      %dma_start3A_841 = arith.constant 0 : i32
      %dma_start3A_842 = tpu.memref_slice %arg19[%add3A_794, %dma_start3A_841] : memref<10240x136xf32, #tpu.memory_space<vmem_shared>> -> memref<80x136xf32, #tpu.memory_space<vmem_shared>>
      %dma_start3A_843 = arith.constant 0 : i32
      %dma_start3A_844 = tpu.memref_slice %arg19[%add3A_794, %dma_start3A_843] : memref<10240x136xf32, #tpu.memory_space<vmem_shared>> -> memref<80x136xf32, #tpu.memory_space<vmem_shared>>
      tpu.enqueue_dma source(%dma_start3A_844 : memref<80x136xf32, #tpu.memory_space<vmem_shared>>) target(%arg17 : memref<80x136xf32, #tpu.memory_space<vmem>>) target_semaphore(%run_scoped3A : memref<!tpu.dma_semaphore, #tpu.memory_space<semaphore_mem>>)
      %dma_wait3A_845 = arith.constant 0 : i32
      %dma_wait3A_846 = tpu.memref_slice %arg19[%add3A_794, %dma_wait3A_845] : memref<10240x136xf32, #tpu.memory_space<vmem_shared>> -> memref<80x136xf32, #tpu.memory_space<vmem_shared>>
      %dma_wait3A_847 = arith.constant 0 : i32
      %dma_wait3A_848 = tpu.memref_slice %arg19[%add3A_794, %dma_wait3A_847] : memref<10240x136xf32, #tpu.memory_space<vmem_shared>> -> memref<80x136xf32, #tpu.memory_space<vmem_shared>>
      tpu.wait_dma2 semaphore(%run_scoped3A : memref<!tpu.dma_semaphore, #tpu.memory_space<semaphore_mem>>) src(%dma_wait3A_848 : memref<80x136xf32, #tpu.memory_space<vmem_shared>>) dst(%arg17 : memref<80x136xf32, #tpu.memory_space<vmem>>)
      tpu.yield
    }) : () -> ()
    %dma_start3A_803 = arith.constant 0 : i32
    %dma_start3A_804 = tpu.memref_slice %arg6[%arg0, %add3A_794, %dma_start3A_803] : memref<2x10240x136xf32, #tpu.memory_space<hbm>> -> memref<1x80x136xf32, #tpu.memory_space<hbm>>
    %dma_start3A_805 = tpu.memref_squeeze %dma_start3A_804 : memref<1x80x136xf32, #tpu.memory_space<hbm>> -> memref<80x136xf32, #tpu.memory_space<hbm>>
    %dma_start3A_806 = arith.constant 0 : i32
    %dma_start3A_807 = tpu.memref_slice %arg6[%arg0, %add3A_794, %dma_start3A_806] : memref<2x10240x136xf32, #tpu.memory_space<hbm>> -> memref<1x80x136xf32, #tpu.memory_space<hbm>>
    %dma_start3A_808 = tpu.memref_squeeze %dma_start3A_807 : memref<1x80x136xf32, #tpu.memory_space<hbm>> -> memref<80x136xf32, #tpu.memory_space<hbm>>
    tpu.enqueue_dma source(%arg17 : memref<80x136xf32, #tpu.memory_space<vmem>>) target(%dma_start3A_808 : memref<80x136xf32, #tpu.memory_space<hbm>>) target_semaphore(%arg22 : memref<!tpu.dma_semaphore, #tpu.memory_space<semaphore_mem>>)
    %add3A_809 = arith.constant 560 : i32
    %add3A_810 = arith.addi %mul3A_34, %add3A_809 : i32
    %sub3A_811 = arith.constant 160 : i32
    %sub3A_812 = arith.subi %add3A_810, %sub3A_811 : i32
    %dma_wait3A_813 = arith.constant 0 : i32
    %dma_wait3A_814 = tpu.memref_slice %arg6[%arg0, %sub3A_812, %dma_wait3A_813] : memref<2x10240x136xf32, #tpu.memory_space<hbm>> -> memref<1x80x136xf32, #tpu.memory_space<hbm>>
    %dma_wait3A_815 = tpu.memref_squeeze %dma_wait3A_814 : memref<1x80x136xf32, #tpu.memory_space<hbm>> -> memref<80x136xf32, #tpu.memory_space<hbm>>
    %dma_wait3A_816 = arith.constant 0 : i32
    %dma_wait3A_817 = tpu.memref_slice %arg6[%arg0, %sub3A_812, %dma_wait3A_816] : memref<2x10240x136xf32, #tpu.memory_space<hbm>> -> memref<1x80x136xf32, #tpu.memory_space<hbm>>
    %dma_wait3A_818 = tpu.memref_squeeze %dma_wait3A_817 : memref<1x80x136xf32, #tpu.memory_space<hbm>> -> memref<80x136xf32, #tpu.memory_space<hbm>>
    tpu.wait_dma2 semaphore(%arg23 : memref<!tpu.dma_semaphore, #tpu.memory_space<semaphore_mem>>) src(%arg18 : memref<80x136xf32, #tpu.memory_space<vmem>>) dst(%dma_wait3A_818 : memref<80x136xf32, #tpu.memory_space<hbm>>)
    "tpu.region"() ({
      %run_scoped3A = tpu.sem_alloc : memref<!tpu.dma_semaphore, #tpu.memory_space<semaphore_mem>>
      %dma_start3A_841 = arith.constant 0 : i32
      %dma_start3A_842 = tpu.memref_slice %arg19[%add3A_810, %dma_start3A_841] : memref<10240x136xf32, #tpu.memory_space<vmem_shared>> -> memref<80x136xf32, #tpu.memory_space<vmem_shared>>
      %dma_start3A_843 = arith.constant 0 : i32
      %dma_start3A_844 = tpu.memref_slice %arg19[%add3A_810, %dma_start3A_843] : memref<10240x136xf32, #tpu.memory_space<vmem_shared>> -> memref<80x136xf32, #tpu.memory_space<vmem_shared>>
      tpu.enqueue_dma source(%dma_start3A_844 : memref<80x136xf32, #tpu.memory_space<vmem_shared>>) target(%arg18 : memref<80x136xf32, #tpu.memory_space<vmem>>) target_semaphore(%run_scoped3A : memref<!tpu.dma_semaphore, #tpu.memory_space<semaphore_mem>>)
      %dma_wait3A_845 = arith.constant 0 : i32
      %dma_wait3A_846 = tpu.memref_slice %arg19[%add3A_810, %dma_wait3A_845] : memref<10240x136xf32, #tpu.memory_space<vmem_shared>> -> memref<80x136xf32, #tpu.memory_space<vmem_shared>>
      %dma_wait3A_847 = arith.constant 0 : i32
      %dma_wait3A_848 = tpu.memref_slice %arg19[%add3A_810, %dma_wait3A_847] : memref<10240x136xf32, #tpu.memory_space<vmem_shared>> -> memref<80x136xf32, #tpu.memory_space<vmem_shared>>
      tpu.wait_dma2 semaphore(%run_scoped3A : memref<!tpu.dma_semaphore, #tpu.memory_space<semaphore_mem>>) src(%dma_wait3A_848 : memref<80x136xf32, #tpu.memory_space<vmem_shared>>) dst(%arg18 : memref<80x136xf32, #tpu.memory_space<vmem>>)
      tpu.yield
    }) : () -> ()
    %dma_start3A_819 = arith.constant 0 : i32
    %dma_start3A_820 = tpu.memref_slice %arg6[%arg0, %add3A_810, %dma_start3A_819] : memref<2x10240x136xf32, #tpu.memory_space<hbm>> -> memref<1x80x136xf32, #tpu.memory_space<hbm>>
    %dma_start3A_821 = tpu.memref_squeeze %dma_start3A_820 : memref<1x80x136xf32, #tpu.memory_space<hbm>> -> memref<80x136xf32, #tpu.memory_space<hbm>>
    %dma_start3A_822 = arith.constant 0 : i32
    %dma_start3A_823 = tpu.memref_slice %arg6[%arg0, %add3A_810, %dma_start3A_822] : memref<2x10240x136xf32, #tpu.memory_space<hbm>> -> memref<1x80x136xf32, #tpu.memory_space<hbm>>
    %dma_start3A_824 = tpu.memref_squeeze %dma_start3A_823 : memref<1x80x136xf32, #tpu.memory_space<hbm>> -> memref<80x136xf32, #tpu.memory_space<hbm>>
    tpu.enqueue_dma source(%arg18 : memref<80x136xf32, #tpu.memory_space<vmem>>) target(%dma_start3A_824 : memref<80x136xf32, #tpu.memory_space<hbm>>) target_semaphore(%arg23 : memref<!tpu.dma_semaphore, #tpu.memory_space<semaphore_mem>>)
    %add3A_825 = arith.constant 480 : i32
    %add3A_826 = arith.addi %mul3A_34, %add3A_825 : i32
    %dma_wait3A_827 = arith.constant 0 : i32
    %dma_wait3A_828 = tpu.memref_slice %arg6[%arg0, %add3A_826, %dma_wait3A_827] : memref<2x10240x136xf32, #tpu.memory_space<hbm>> -> memref<1x80x136xf32, #tpu.memory_space<hbm>>
    %dma_wait3A_829 = tpu.memref_squeeze %dma_wait3A_828 : memref<1x80x136xf32, #tpu.memory_space<hbm>> -> memref<80x136xf32, #tpu.memory_space<hbm>>
    %dma_wait3A_830 = arith.constant 0 : i32
    %dma_wait3A_831 = tpu.memref_slice %arg6[%arg0, %add3A_826, %dma_wait3A_830] : memref<2x10240x136xf32, #tpu.memory_space<hbm>> -> memref<1x80x136xf32, #tpu.memory_space<hbm>>
    %dma_wait3A_832 = tpu.memref_squeeze %dma_wait3A_831 : memref<1x80x136xf32, #tpu.memory_space<hbm>> -> memref<80x136xf32, #tpu.memory_space<hbm>>
    tpu.wait_dma2 semaphore(%arg22 : memref<!tpu.dma_semaphore, #tpu.memory_space<semaphore_mem>>) src(%arg17 : memref<80x136xf32, #tpu.memory_space<vmem>>) dst(%dma_wait3A_832 : memref<80x136xf32, #tpu.memory_space<hbm>>)
    %add3A_833 = arith.constant 560 : i32
    %add3A_834 = arith.addi %mul3A_34, %add3A_833 : i32
    %dma_wait3A_835 = arith.constant 0 : i32
    %dma_wait3A_836 = tpu.memref_slice %arg6[%arg0, %add3A_834, %dma_wait3A_835] : memref<2x10240x136xf32, #tpu.memory_space<hbm>> -> memref<1x80x136xf32, #tpu.memory_space<hbm>>
    %dma_wait3A_837 = tpu.memref_squeeze %dma_wait3A_836 : memref<1x80x136xf32, #tpu.memory_space<hbm>> -> memref<80x136xf32, #tpu.memory_space<hbm>>
    %dma_wait3A_838 = arith.constant 0 : i32
    %dma_wait3A_839 = tpu.memref_slice %arg6[%arg0, %add3A_834, %dma_wait3A_838] : memref<2x10240x136xf32, #tpu.memory_space<hbm>> -> memref<1x80x136xf32, #tpu.memory_space<hbm>>
    %dma_wait3A_840 = tpu.memref_squeeze %dma_wait3A_839 : memref<1x80x136xf32, #tpu.memory_space<hbm>> -> memref<80x136xf32, #tpu.memory_space<hbm>>
    tpu.wait_dma2 semaphore(%arg23 : memref<!tpu.dma_semaphore, #tpu.memory_space<semaphore_mem>>) src(%arg18 : memref<80x136xf32, #tpu.memory_space<vmem>>) dst(%dma_wait3A_840 : memref<80x136xf32, #tpu.memory_space<hbm>>)
    return
  }
}

module attributes {stable_mosaic.version = 14 : i64} {
  func.func @_proj_body(%arg0: i32, %arg1: memref<1024x128xf32, #tpu.memory_space<vmem>>, %arg2: memref<128x128xf32, #tpu.memory_space<vmem>>, %arg3: memref<1x128xf32, #tpu.memory_space<vmem>>, %arg4: memref<1x128xf32, #tpu.memory_space<vmem>>, %arg5: memref<1024x136xf32, #tpu.memory_space<vmem>>, %arg6: memref<1x1x1024xf32, #tpu.memory_space<vmem>>, %arg7: memref<1x1x1024xf32, #tpu.memory_space<vmem>>) attributes {dimension_semantics = [#tpu.dimension_semantics<arbitrary>], iteration_bounds = array<i64: 10>, scalar_prefetch = 0 : i64, scratch_operands = 0 : i64, tpu.core_type = #tpu.core_type<tc>, window_params = [{transform_indices = @transform_0, window_bounds = array<i64: 1024, 128>}, {pipeline_mode = #tpu.pipeline_mode<synchronous>, transform_indices = @transform_1, window_bounds = array<i64: 128, 128>}, {pipeline_mode = #tpu.pipeline_mode<synchronous>, transform_indices = @transform_2, window_bounds = array<i64: 1, 128>}, {pipeline_mode = #tpu.pipeline_mode<synchronous>, transform_indices = @transform_3, window_bounds = array<i64: 1, 128>}, {transform_indices = @transform_4, window_bounds = array<i64: 1024, 136>}, {transform_indices = @transform_5, window_bounds = array<i64: 1, 1, 1024>}, {transform_indices = @transform_6, window_bounds = array<i64: 1, 1, 1024>}]} {
    %get3A = arith.constant 0 : index
    %get3A_0 = arith.constant 0 : index
    %get3A_1 = vector.load %arg1[%get3A, %get3A_0] : memref<1024x128xf32, #tpu.memory_space<vmem>>, vector<1024x128xf32>
    %get3A_2 = arith.constant 0 : index
    %get3A_3 = arith.constant 0 : index
    %get3A_4 = vector.load %arg2[%get3A_2, %get3A_3] : memref<128x128xf32, #tpu.memory_space<vmem>>, vector<128x128xf32>
    %dot_general3A = arith.constant dense<0.000000e+00> : vector<1024x128xf32>
    %dot_general3A_5 = tpu.matmul %get3A_1, %get3A_4, %dot_general3A {dimension_numbers = #tpu.dot_dimension_numbers<[1], [1], [0], [0], [0, 0, 1, 0], [], []>, transpose_lhs_hint = false} : vector<1024x128xf32>, vector<128x128xf32>, vector<1024x128xf32> -> vector<1024x128xf32>
    %broadcast_in_dim3A = arith.constant 0.000000e+00 : f32
    %broadcast_in_dim3A_6 = vector.broadcast %broadcast_in_dim3A : f32 to vector<1024x8xf32>
    %concatenate3A = tpu.concatenate %dot_general3A_5, %broadcast_in_dim3A_6 in 1 : vector<1024x128xf32>, vector<1024x8xf32> -> vector<1024x136xf32>
    %swap3A = arith.constant 0 : index
    %swap3A_7 = arith.constant 0 : index
    %swap3A_8 = vector.load %arg5[%swap3A, %swap3A_7] : memref<1024x136xf32, #tpu.memory_space<vmem>>, vector<1024x136xf32>
    tpu.vector_store %arg5[%swap3A, %swap3A_7], %concatenate3A {strides = array<i32>} : memref<1024x136xf32, #tpu.memory_space<vmem>>, vector<1024x136xf32>,
    %get3A_9 = arith.constant 0 : index
    %get3A_10 = arith.constant 0 : index
    %get3A_11 = vector.load %arg3[%get3A_9, %get3A_10] : memref<1x128xf32, #tpu.memory_space<vmem>>, vector<1x128xf32>
    %dot_general3A_12 = arith.constant dense<0.000000e+00> : vector<1x1024xf32>
    %dot_general3A_13 = tpu.matmul %get3A_11, %dot_general3A_5, %dot_general3A_12 {dimension_numbers = #tpu.dot_dimension_numbers<[1], [1], [0], [0], [0, 0, 1, 0], [], []>, transpose_lhs_hint = false} : vector<1x128xf32>, vector<1024x128xf32>, vector<1x1024xf32> -> vector<1x1024xf32>
    %broadcast_in_dim3A_14 = vector.shape_cast %dot_general3A_13 : vector<1x1024xf32> to vector<1x1x1024xf32>
    %swap3A_15 = arith.constant 0 : index
    %swap3A_16 = arith.constant 0 : index
    %swap3A_17 = arith.constant 0 : index
    %swap3A_18 = vector.load %arg6[%swap3A_15, %swap3A_16, %swap3A_17] : memref<1x1x1024xf32, #tpu.memory_space<vmem>>, vector<1x1x1024xf32>
    tpu.vector_store %arg6[%swap3A_15, %swap3A_16, %swap3A_17], %broadcast_in_dim3A_14 {strides = array<i32>} : memref<1x1x1024xf32, #tpu.memory_space<vmem>>, vector<1x1x1024xf32>,
    %get3A_19 = arith.constant 0 : index
    %get3A_20 = arith.constant 0 : index
    %get3A_21 = vector.load %arg4[%get3A_19, %get3A_20] : memref<1x128xf32, #tpu.memory_space<vmem>>, vector<1x128xf32>
    %dot_general3A_22 = arith.constant dense<0.000000e+00> : vector<1x1024xf32>
    %dot_general3A_23 = tpu.matmul %get3A_21, %dot_general3A_5, %dot_general3A_22 {dimension_numbers = #tpu.dot_dimension_numbers<[1], [1], [0], [0], [0, 0, 1, 0], [], []>, transpose_lhs_hint = false} : vector<1x128xf32>, vector<1024x128xf32>, vector<1x1024xf32> -> vector<1x1024xf32>
    %broadcast_in_dim3A_24 = vector.shape_cast %dot_general3A_23 : vector<1x1024xf32> to vector<1x1x1024xf32>
    %swap3A_25 = arith.constant 0 : index
    %swap3A_26 = arith.constant 0 : index
    %swap3A_27 = arith.constant 0 : index
    %swap3A_28 = vector.load %arg7[%swap3A_25, %swap3A_26, %swap3A_27] : memref<1x1x1024xf32, #tpu.memory_space<vmem>>, vector<1x1x1024xf32>
    tpu.vector_store %arg7[%swap3A_25, %swap3A_26, %swap3A_27], %broadcast_in_dim3A_24 {strides = array<i32>} : memref<1x1x1024xf32, #tpu.memory_space<vmem>>, vector<1x1x1024xf32>,
    return
  }
  func.func @transform_0(%arg0: i32) -> (i32, i32) {
    %c0_i32 = arith.constant 0 : i32
    %c0_i32_0 = arith.constant 0 : i32
    return %arg0, %c0_i32 : i32, i32
  }
  func.func @transform_1(%arg0: i32) -> (i32, i32) {
    %c0_i32 = arith.constant 0 : i32
    %c0_i32_0 = arith.constant 0 : i32
    %c0_i32_1 = arith.constant 0 : i32
    return %c0_i32, %c0_i32_0 : i32, i32
  }
  func.func @transform_2(%arg0: i32) -> (i32, i32) {
    %c0_i32 = arith.constant 0 : i32
    %c0_i32_0 = arith.constant 0 : i32
    %c0_i32_1 = arith.constant 0 : i32
    return %c0_i32, %c0_i32_0 : i32, i32
  }
  func.func @transform_3(%arg0: i32) -> (i32, i32) {
    %c0_i32 = arith.constant 0 : i32
    %c0_i32_0 = arith.constant 0 : i32
    %c0_i32_1 = arith.constant 0 : i32
    return %c0_i32, %c0_i32_0 : i32, i32
  }
  func.func @transform_4(%arg0: i32) -> (i32, i32) {
    %c0_i32 = arith.constant 0 : i32
    %c0_i32_0 = arith.constant 0 : i32
    return %arg0, %c0_i32 : i32, i32
  }
  func.func @transform_5(%arg0: i32) -> (i32, i32, i32) {
    %c0_i32 = arith.constant 0 : i32
    %c0_i32_0 = arith.constant 0 : i32
    %c0_i32_1 = arith.constant 0 : i32
    return %arg0, %c0_i32, %c0_i32_0 : i32, i32, i32
  }
  func.func @transform_6(%arg0: i32) -> (i32, i32, i32) {
    %c0_i32 = arith.constant 0 : i32
    %c0_i32_0 = arith.constant 0 : i32
    %c0_i32_1 = arith.constant 0 : i32
    return %arg0, %c0_i32, %c0_i32_0 : i32, i32, i32
  }
}

module attributes {stable_mosaic.version = 14 : i64} {
  func.func @_merge_body(%arg0: i32, %arg1: memref<2x1000x136xf32, #tpu.memory_space<vmem>>, %arg2: memref<1x128xf32, #tpu.memory_space<vmem>>, %arg3: memref<1000x128xf32, #tpu.memory_space<vmem>>) attributes {dimension_semantics = [#tpu.dimension_semantics<arbitrary>], iteration_bounds = array<i64: 10>, scalar_prefetch = 0 : i64, scratch_operands = 0 : i64, tpu.core_type = #tpu.core_type<tc>, window_params = [{transform_indices = @transform_0, window_bounds = array<i64: 2, 1000, 136>}, {pipeline_mode = #tpu.pipeline_mode<synchronous>, transform_indices = @transform_1, window_bounds = array<i64: 1, 128>}, {transform_indices = @transform_2, window_bounds = array<i64: 1000, 128>}]} {
    %get3A = arith.constant 0 : index
    %get3A_0 = arith.constant 0 : index
    %get3A_1 = arith.constant 0 : index
    %get3A_2 = vector.load %arg1[%get3A, %get3A_0, %get3A_1] : memref<2x1000x136xf32, #tpu.memory_space<vmem>>, vector<1x1000x136xf32>
    %get3A_3 = vector.shape_cast %get3A_2 : vector<1x1000x136xf32> to vector<1000x136xf32>
    %get3A_4 = arith.constant 1 : index
    %get3A_5 = arith.constant 0 : index
    %get3A_6 = arith.constant 0 : index
    %get3A_7 = vector.load %arg1[%get3A_4, %get3A_5, %get3A_6] : memref<2x1000x136xf32, #tpu.memory_space<vmem>>, vector<1x1000x136xf32>
    %get3A_8 = vector.shape_cast %get3A_7 : vector<1x1000x136xf32> to vector<1000x136xf32>
    %add3A = arith.addf %get3A_3, %get3A_8 : vector<1000x136xf32>
    %slice3A = vector.extract_strided_slice %add3A {offsets = [0, 0], sizes = [1000, 128], strides = [1, 1]} : vector<1000x136xf32> to vector<1000x128xf32>
    %slice3A_9 = vector.extract_strided_slice %add3A {offsets = [0, 128], sizes = [1000, 1], strides = [1, 1]} : vector<1000x136xf32> to vector<1000x1xf32>
    %gt3A = arith.constant 0.000000e+00 : f32
    %gt3A_10 = vector.broadcast %gt3A : f32 to vector<1000x1xf32>
    %gt3A_11 = arith.cmpf ogt, %slice3A_9, %gt3A_10 : vector<1000x1xf32>
    %div3A = arith.constant 1.000000e+00 : f32
    %div3A_12 = vector.broadcast %div3A : f32 to vector<1000x1xf32>
    %div3A_13 = arith.divf %div3A_12, %slice3A_9 : vector<1000x1xf32>
    %jit3A = arith.constant 0.000000e+00 : f32
    %broadcast_in_dim3A = vector.broadcast %jit3A : f32 to vector<1000x1xf32>
    %select_n3A = arith.select %gt3A_11, %div3A_13, %broadcast_in_dim3A : vector<1000x1xi1>, vector<1000x1xf32>
    %mul3A = vector.broadcast %select_n3A : vector<1000x1xf32> to vector<1000x128xf32>
    %mul3A_14 = arith.mulf %slice3A, %mul3A : vector<1000x128xf32>
    %get3A_15 = arith.constant 0 : index
    %get3A_16 = arith.constant 0 : index
    %get3A_17 = vector.load %arg2[%get3A_15, %get3A_16] : memref<1x128xf32, #tpu.memory_space<vmem>>, vector<1x128xf32>
    %add3A_18 = vector.broadcast %get3A_17 : vector<1x128xf32> to vector<1000x128xf32>
    %add3A_19 = arith.addf %mul3A_14, %add3A_18 : vector<1000x128xf32>
    %swap3A = arith.constant 0 : index
    %swap3A_20 = arith.constant 0 : index
    %swap3A_21 = vector.load %arg3[%swap3A, %swap3A_20] : memref<1000x128xf32, #tpu.memory_space<vmem>>, vector<1000x128xf32>
    tpu.vector_store %arg3[%swap3A, %swap3A_20], %add3A_19 {strides = array<i32>} : memref<1000x128xf32, #tpu.memory_space<vmem>>, vector<1000x128xf32>,
    return
  }
  func.func @transform_0(%arg0: i32) -> (i32, i32, i32) {
    %c0_i32 = arith.constant 0 : i32
    %c0_i32_0 = arith.constant 0 : i32
    %c0_i32_1 = arith.constant 0 : i32
    return %c0_i32, %arg0, %c0_i32_0 : i32, i32, i32
  }
  func.func @transform_1(%arg0: i32) -> (i32, i32) {
    %c0_i32 = arith.constant 0 : i32
    %c0_i32_0 = arith.constant 0 : i32
    %c0_i32_1 = arith.constant 0 : i32
    return %c0_i32, %c0_i32_0 : i32, i32
  }
  func.func @transform_2(%arg0: i32) -> (i32, i32) {
    %c0_i32 = arith.constant 0 : i32
    %c0_i32_0 = arith.constant 0 : i32
    return %arg0, %c0_i32 : i32, i32
  }
}

</mosaic_0001>

<sc_bundles>
// kernel: kernel.5.cloned.1.call-start
scs
__scs_entry_jumppad:
0x0: {  	(pc) =	sbr.rel $0x88, $3  }
0x1: {  	(tag) =	ssettag $0x0;
	lr =	simm.s32 $0x1  }
0x2: {  	[smem:$0x3F9B] =	sst lr;
	_ =	strace $0xD0000000  }
0x3: {  	_ = 	snop  }
0x4: {  	_ = 	snop  }
0x5: {  	_ = 	snop  }
0x6: {  	_ = 	snop  }
0x7: {  	_ = 	snop  }
__scs_overlays_trampoline_lowered:
0x8: {  	[smem:$0x3FAA] =	sst s0  }
0x9: {  	[smem:$0x3FAB] =	sst s1  }
0xa: {  	[smem:$0x3FAC] =	sst s2  }
0xb: {  	[smem:$0x3FAD] =	sst s3  }
0xc: {  	[smem:$0x3FAE] =	sst s4  }
0xd: {  	[smem:$0x3FAF] =	sst s5  }
0xe: {  	[smem:$0x3FB0] =	sst s6  }
0xf: {  	[smem:$0x3FB1] =	sst s7  }
0x10: {  	[smem:$0x3FB2] =	sst s8  }
0x11: {  	[smem:$0x3FB3] =	sst s9;
	s0 =	simm.s32 @!p0 $0x0  }
0x12: {  	s1 =	sld [smem:$0x3F99];
	s0 =	simm.s32 @p0 $0x1  }
0x13: {  	[smem:$0x3FB4] =	sst s0;
	s0 =	simm.s32 @!p1 $0x0  }
0x14: {  	s2 =	sld [smem:$0x3F98];
	s0 =	simm.s32 @p1 $0x1  }
0x15: {  	[smem:$0x3FB5] =	sst s0;
	s0 =	simm.s32 @!p2 $0x0  }
0x16: {  	s3 =	sld [smem:$0x3FDB];
	s0 =	simm.s32 @p2 $0x1  }
0x17: {  	s4 =	simm.s32 $0x1BF5;
	[smem:$0x3FB7] =	sst s0  }
0x18: {  	s0 =	sld [smem:$0x3F9A];
	_ =	swait.ge [sflag:s4], $0x0  }
0x19: {  	s7 =	sld [smem:$0x3F9B]  }
0x1a: {  	s8 =	sadd.s32 $0xFFFFE003, lr  }
0x1b: {  	s9 =	sadd.s32 $0xFFFFFEF7, lr;
	s5 =	simm.s32 $0xFFFFFFFF;
	p2 =	slt.u32 s8, $0xFFFFF086  }
0x1c: {  	p1 =	slt.u32 s9, $0xF7A;
	s5 =	simm.s32 @!p2 $0x0  }
0x1d: {  	s5 =	simm.s32 @p1 $0x1;
	p0 =	seq.s32 s7, s2  }
0x1e: {  	s7 =	smul.u32 @!p0 $0xF7A, s2;
	p2 =	seq.s32 @!p0 s5, $0x0  }
0x1f: {  	s9 =	smul.u32 $0xF7A, s1;
	s8 =	simm.s32 @!p0 $0x1BF5;
	p2 =	por !p2, p0  }
0x20: {  	[sflag:s8] =	ssyncset.s32 @!p0 $0xFFFFF086;
	s6 =	sadd.s32 @!p0 s3, s7;
	s7 =	simm.s32 @!p0 $0x108  }
0x21: {  	s3 =	sadd.s32 s3, s9;
	s6 =	sadd.s32 @!p0 $0x88, s6;
	s7 =	simm.s32 @p2 $0x1082  }
0x22: {  	[simem:s7], [sflag:s8] =	dma.local @!p0 [hbm:s6], $0xF7A  }
0x23: {  	s9 =	sor.u32 $0xD0000000, s2;
	s6 =	simm.s32 $0x108;
	_ =	swait.ge @!p0 [sflag:s8], $0x0  }
0x24: {  	s3 =	sadd.s32 $0x88, s3;
	s6 =	simm.s32 @!p1 $0x1082;
	[sflag:s4] =	ssyncset.s32 $0xFFFFF086  }
0x25: {  	[simem:s6], [sflag:s4] =	dma.local [hbm:s3], $0xF7A  }
0x26: {  	[smem:$0x3F9B] =	sst s1;
	(tag) =	ssettag s2;
	_ =	strace s9  }
0x27: {  	s1 =	sld [smem:$0x3FAB]  }
0x28: {  	s2 =	sld [smem:$0x3FAC]  }
0x29: {  	s4 =	sld [smem:$0x3FAE]  }
0x2a: {  	p0 =	seq.s32 s5, $0x0;
	s5 =	sld [smem:$0x3FAF]  }
0x2b: {  	s6 =	sld [smem:$0x3FB0]  }
0x2c: {  	s7 =	sld [smem:$0x3FB1]  }
0x2d: {  	s3 =	simm.s32 $0x108;
	s8 =	sld [smem:$0x3FB2]  }
0x2e: {  	s3 =	simm.s32 @!p0 $0x1082;
	s9 =	sld [smem:$0x3FB3]  }
0x2f: {  	lr =	sadd.s32 s0, s3;
	s0 =	sld [smem:$0x3FAA]  }
0x30: {  	s3 =	sld [smem:$0x3FAD]  }
0x31: {  	[smem:$0x3FB6] =	sst s10  }
0x32: {  	s10 =	sld [smem:$0x3FB4];
	_ =	sdelay $0x3  }
0x33: {  	p0 =	seq.s32 s10, $0x1;
	s10 =	sld [smem:$0x3FB6];
	_ =	sdelay $0x3  }
0x34: {  	[smem:$0x3FB6] =	sst s10  }
0x35: {  	s10 =	sld [smem:$0x3FB5];
	_ =	sdelay $0x3  }
0x36: {  	p1 =	seq.s32 s10, $0x1;
	s10 =	sld [smem:$0x3FB6];
	_ =	sdelay $0x3  }
0x37: {  	[smem:$0x3FB6] =	sst s10  }
0x38: {  	s10 =	sld [smem:$0x3FB7]  }
0x39: {  	_ = 	snop;
	(pc) =	sbr.ind lr, $3  }
0x3a: {  	_ = 	snop  }
0x3b: {  	_ = 	snop  }
0x3c: {  	p2 =	seq.s32 s10, $0x1;
	s10 =	sld [smem:$0x3FB6]  }
0x3d: {  	_ =	shalt  }
0x3e: {  	_ =	shalt  }
0x3f: {  	_ =	shalt  }
0x40: {  	_ =	shalt  }
0x41: {  	_ =	shalt  }
0x42: {  	_ =	shalt  }
0x43: {  	_ =	shalt  }
0x44: {  	_ =	shalt  }
0x45: {  	_ =	shalt  }
0x46: {  	_ =	shalt  }
0x47: {  	_ =	shalt  }
0x48: {  	_ =	shalt  }
0x49: {  	_ =	shalt  }
0x4a: {  	_ =	shalt  }
0x4b: {  	_ =	shalt  }
0x4c: {  	_ =	shalt  }
0x4d: {  	_ =	shalt  }
0x4e: {  	_ =	shalt  }
0x4f: {  	_ =	shalt  }
0x50: {  	_ =	shalt  }
0x51: {  	_ =	shalt  }
0x52: {  	_ =	shalt  }
0x53: {  	_ =	shalt  }
0x54: {  	_ =	shalt  }
0x55: {  	_ =	shalt  }
0x56: {  	_ =	shalt  }
0x57: {  	_ =	shalt  }
0x58: {  	_ =	shalt  }
0x59: {  	_ =	shalt  }
0x5a: {  	_ =	shalt  }
0x5b: {  	_ =	shalt  }
0x5c: {  	_ =	shalt  }
0x5d: {  	_ =	shalt  }
0x5e: {  	_ =	shalt  }
0x5f: {  	_ =	shalt  }
0x60: {  	_ =	shalt  }
0x61: {  	_ =	shalt  }
0x62: {  	_ =	shalt  }
0x63: {  	_ =	shalt  }
0x64: {  	_ =	shalt  }
0x65: {  	_ =	shalt  }
0x66: {  	_ =	shalt  }
0x67: {  	_ =	shalt  }
0x68: {  	_ =	shalt  }
0x69: {  	_ =	shalt  }
0x6a: {  	_ =	shalt  }
0x6b: {  	_ =	shalt  }
0x6c: {  	_ =	shalt  }
0x6d: {  	_ =	shalt  }
0x6e: {  	_ =	shalt  }
0x6f: {  	_ =	shalt  }
0x70: {  	_ =	shalt  }
0x71: {  	_ =	shalt  }
0x72: {  	_ =	shalt  }
0x73: {  	_ =	shalt  }
0x74: {  	_ =	shalt  }
0x75: {  	_ =	shalt  }
0x76: {  	_ =	shalt  }
0x77: {  	_ =	shalt  }
0x78: {  	_ =	shalt  }
0x79: {  	_ =	shalt  }
0x7a: {  	_ =	shalt  }
0x7b: {  	_ =	shalt  }
0x7c: {  	_ =	shalt  }
0x7d: {  	_ =	shalt  }
0x7e: {  	_ =	shalt  }
0x7f: {  	_ =	shalt  }
0x80: {  	_ =	shalt  }
0x81: {  	_ =	shalt  }
0x82: {  	_ =	shalt  }
0x83: {  	_ =	shalt  }
0x84: {  	_ =	shalt  }
0x85: {  	_ =	shalt  }
0x86: {  	_ =	shalt  }
0x87: {  	_ =	shalt  }
.Lfunc_end0:
.L_simem_size_0:
called_computation_lowered:
.L_overlay_start_0:
0x88: {  	s2 =	sld [smem:$0x3FD9]  }
0x89: {  	s3 =	sld [smem:$0x3FFE];
	_ =	sdelay $0x1  }
0x8a: {  	s1 =	srdreg.scid  }
0x8b: {  	s0 =	sand.u32 $0x1, s1  }
0x8c: {  	s17 =	sshll.u32 s0, $0xA;
	s2 =	sadd.s32 s3, s2  }
0x8d: {  	s2 =	sadd.s32 s2, s17  }
0x8e: {  	[smem:$0x3FC2] =	sst s2  }
0x8f: {  	_ = 	snop  }
0x90: {  	s2 =	sld [smem:$0x3FD0];
	(tm) =	ssettm $0x1  }
0x91: {  	s18 =	sld [smem:$0x3FFB];
	_ =	sdelay $0x3  }
0x92: {  	_ =	strace s18  }
0x93: {  	s3 =	sld [smem:$0x3FFC];
	_ =	sdelay $0x3  }
0x94: {  	_ =	strace s3  }
0x95: {  	s3 =	sld [smem:$0x3FFD];
	_ =	sdelay $0x3  }
0x96: {  	_ =	strace s3  }
0x97: {  	_ =	strace $0x8FFFFFFF  }
0x98: {  	s19 =	sld [smem:$0x3FDB];
	_ =	sdelay $0x1  }
0x99: {  	s4 =	simm.s32 $_scs_section_size  }
0x9a: {  	s5 =	simm.s32 $_size__tile_overlayer_lowered;
	s6 =	simm.s32 $_tile_overlayer_lowered  }
0x9b: {  	s22 =	simm.s32 $0x1BFF;
	s21 =	sshll.u32 s6, $0x1;
	s3 =	sadd.s32 s4, s19  }
0x9c: {  	s7 =	simm.s32 $0x0;
	s20 =	sshll.u32 s5, $0x1;
	s5 =	sadd.s32 s21, s3  }
0x9d: {  	[timem:s7], [sflag:s22] =	dma.local [hbm:s5], s20  }
0x9e: {  	_ =	swait.ge [sflag:s22], s20  }
0x9f: {  	s4 =	ssub.s32 $0x0, s20;
	[sflag:s22] =	ssyncset.done $0x0  }
0xa0: {  	[sflag:s22] =	ssyncadd.s32 s4;
	_ =	sdelay $0x1  }
0xa1: {  	s23 =	simm.s32 $0x1B8B  }
0xa2: {  	_ =	swait.ge [sflag:s23], $0x1  }
0xa3: {  	[sflag:s23] =	ssyncset.done $0x0  }
0xa4: {  	s25 =	simm.s32 $0x1B8E;
	s24 =	sld [smem:$0x3FFE];
	[sflag:s23] =	ssyncadd.s32 $0xFFFFFFFF  }
0xa5: {  	s26 =	simm.s32 $execute0_lowered;
	[smem:$0x3FD2] =	sst s25  }
0xa6: {  	s5 =	sshll.u32 s26, $0x1;
	_ =	strace $0x80000046;
	[dreg:$0x1] =	wrdreg $0xFFFFFFFF  }
0xa7: {  	s28 =	simm.s32 $_size_execute0_lowered;
	s3 =	sadd.s32 s3, s5;
	[dreg:$0x0] =	wrdreg $0x0  }
0xa8: {  	s5 =	sshll.u32 s28, $0x1;
	[dreg:$0x2] =	wrdreg s3  }
0xa9: {  	[dreg:$0x3] =	wrdreg s5  }
0xaa: {  	[dreg:$0x4] =	wrdreg $0xC0  }
0xab: {  	_ =	task [dreg:s7], $0x5FFFF  }
0xac: {  	[dreg:$0x1] =	wrdreg $0xFFFFFFFF  }
0xad: {  	[dreg:$0x0] =	wrdreg $0x60  }
0xae: {  	[dreg:$0x2] =	wrdreg s24  }
0xaf: {  	[dreg:$0x3] =	wrdreg s2  }
0xb0: {  	[dreg:$0x4] =	wrdreg $0xA7800  }
0xb1: {  	[dreg:$0x5] =	wrdreg $0x9  }
0xb2: {  	_ =	task.clear_ibuf [dreg:s7], $0x6FFFF;
	_ =	strace $0x90000046  }
0xb3: {  	s29 =	simm.s32 $0x9;
	_ =	strace $0x80000048  }
0xb4: {  	_ =	swait.ge [sflag:s29], $0x1  }
0xb5: {  	[sflag:s29] =	ssyncadd.s32 $0xFFFFFFFF  }
0xb6: {  	_ =	strace $0x90000048  }
0xb7: {  	_ =	sfence  }
0xb8: {  	s30 =	sld [smem:$0x0];
	_ =	sdelay $0x2  }
0xb9: {  	s31 =	sshll.u32 s1, $0xD;
	s1 =	sshrl.u32 s1, $0x2  }
0xba: {  	s3 =	sand.u32 $0x4000, s31;
	s1 =	sadd.s32 s1, s30  }
0xbb: {  	s0 =	sor.u32 s3, s0;
	s1 =	sshll.u32 s1, $0x11  }
0xbc: {  	s0 =	sor.u32 s1, s0  }
0xbd: {  	s0 =	sadd.s32 $0x8F2B, s0  }
0xbe: {  	[sflag:s0] =	ssyncadd.remote.s32 $0x1  }
0xbf: {  	_ =	sfence.sel $0xFFFF  }
0xc0: {  	[dreg:$0x0] =	wrdreg $0xFFFFFFFF;
	(pc) =	sbr.abs _section_cstart, $3  }
0xc1: {  	[dreg:$0x1] =	wrdreg $0xFFFFFFFF  }
0xc2: {  	_ =	task.clear_ibuf [dreg:s7], $0x2FFFF;
	_ =	strace $0x9FFFFFFF  }
0xc3: {  	(tm) =	ssettm $0x7FFFFFFF  }
tec
execute0_lowered:
.L_overlay_start_1:
0x0: {  	(tag) =	ssettag $0x1  }
0x1: {  	s0 =	rddreg [dreg:$0x0]  }
0x2: {  	s1 =	rddreg [dreg:$0x1]  }
0x3: {  	s2 =	rddreg [dreg:$0x2]  }
0x4: {  	s3 =	simm.s32 $0x0;
	s4 =	srdreg.scid;
	s9 =	stileid.u32  }
0x5: {  	s29 =	simm.s32 $0x67C0;
	s30 =	simm.s32 $0x2;
	s31 =	simm.s32 $0x7D00  }
0x6: {  	[smem:$0x7FF] =	sst s3;
	s5 =	sadd.s32 $0x2000, s0;
	s4 =	sand.u32 $0x1, s4  }
0x7: {  	s10 =	sadd.s32 $0x2C800, s0;
	s6 =	ssub.s32 $0x2, s4;
	s7 =	sshll.u32 s4, $0x4  }
0x8: {  	s8 =	sshrl.u32 s6, $0x1;
	s7 =	sor.u32 s9, s7;
	s9 =	smul.u32 $0x15400, s9  }
0x9: {  	_ =	strace $0x80000047;
	s4 =	smul.u32 $0x154000, s4;
	s6 =	ssub.s32 s6, s8  }
0xa: {  	s7 =	smul.u32 $0x2710, s7;
	s8 =	sadd.s32 $0x2A80, s9;
	s11 =	sadd.s32 $0x5500, s9  }
0xb: {  	s12 =	sadd.s32 $0x7F80, s9;
	s13 =	sadd.s32 $0xAA00, s9;
	s14 =	sadd.s32 $0xD480, s9  }
0xc: {  	s15 =	sadd.s32 $0xFF00, s9;
	s16 =	sadd.s32 s9, s4;
	s18 =	sadd.s32 $0x12980, s9  }
0xd: {  	s9 =	sadd.s32 s9, s2;
	s17 =	sadd.s32 s4, s8;
	s16 =	sshrl.u32 s16, $0x3  }
0xe: {  	s26 =	sadd.s32 s4, s11;
	s28 =	sadd.s32 s4, s12;
	s19 =	sadd.s32 s4, s13  }
0xf: {  	s23 =	sadd.s32 s4, s14;
	s12 =	sadd.s32 s12, s2;
	[dreg:$0xf] =	wrdreg s9  }
0x10: {  	s24 =	sadd.s32 s4, s15;
	s13 =	sadd.s32 s13, s2;
	[dreg:$0x12] =	wrdreg s12  }
0x11: {  	s4 =	sadd.s32 s4, s18;
	s18 =	sadd.s32 s18, s2;
	[dreg:$0x13] =	wrdreg s13  }
0x12: {  	s17 =	sshrl.u32 s17, $0x3;
	s16 =	sadd.s32 s10, s16;
	[dreg:$0x16] =	wrdreg s18  }
0x13: {  	s20 =	sshrl.u32 s28, $0x3;
	s28 =	sadd.s32 $0x1400, s0;
	[dreg:$0x4] =	wrdreg s16  }
0x14: {  	s21 =	sshrl.u32 s19, $0x3;
	s0 =	sadd.s32 $0x1A00, s0;
	[dreg:$0xc] =	wrdreg s28  }
0x15: {  	s4 =	sshrl.u32 s4, $0x3;
	s19 =	smax.u32 s6, $0x1;
	[dreg:$0xd] =	wrdreg s0  }
0x16: {  	s6 =	simm.s32 $0x5000;
	s25 =	sadd.s32 s10, s17;
	[dreg:$0x17] =	wrdreg s19  }
0x17: {  	s12 =	simm.s32 $0x5;
	s22 =	sadd.s32 s10, s21;
	[dreg:$0x5] =	wrdreg s25  }
0x18: {  	s13 =	simm.s32 $0x3;
	s4 =	sadd.s32 s10, s4;
	[dreg:$0x8] =	wrdreg s22  }
0x19: {  	s16 =	sshrl.u32 s26, $0x3;
	s17 =	sadd.s32 s15, s2;
	[dreg:$0xb] =	wrdreg s4  }
0x1a: {  	s18 =	simm.s32 $0x50;
	s16 =	sadd.s32 s10, s16;
	[dreg:$0x15] =	wrdreg s17  }
0x1b: {  	s26 =	sshrl.u32 s7, $0x3;
	s22 =	sadd.s32 s8, s2;
	[dreg:$0x6] =	wrdreg s16  }
0x1c: {  	s25 =	sshrl.u32 s24, $0x3;
	s16 =	sadd.s32 s10, s20;
	[dreg:$0x10] =	wrdreg s22  }
0x1d: {  	s24 =	sadd.s32 s11, s2;
	[dreg:$0x7] =	wrdreg s16;
	s16 =	sshrl.u32 s23, $0x3  }
0x1e: {  	s15 =	simm.s32 $0x28;
	[dreg:$0x11] =	wrdreg s24;
	s16 =	sadd.s32 s10, s16  }
0x1f: {  	s19 =	simm.s32 $0x5140;
	[dreg:$0x9] =	wrdreg s16;
	s16 =	sadd.s32 s10, s25  }
0x20: {  	s8 =	simm.s32 $0x5050;
	s10 =	sadd.s32 s1, s26;
	[dreg:$0xa] =	wrdreg s16  }
0x21: {  	s11 =	simm.s32 $0x5280;
	s16 =	sadd.s32 s14, s2;
	[dreg:$0xe] =	wrdreg s10  }
0x22: {  	s17 =	simm.s32 $0x7;
	s20 =	sadd.s32 $0x9C40, s10;
	[dreg:$0x14] =	wrdreg s16  }
0x23: {  	s4 =	simm.s32 $0x0;
	s21 =	sadd.s32 $0xA, s10;
	[dreg:$0x18] =	wrdreg s20  }
0x24: {  	v0 =	vlaneseq.u32;
	s25 =	sadd.s32 $0xF0, s7;
	s23 =	sadd.s32 $0x9C4A, s10;
	[dreg:$0x19] =	wrdreg s21  }
0x25: {  	v5 =	vmul.u32 $0x88, v0;
	s26 =	sadd.s32 $0x140, s7;
	s28 =	sadd.s32 $0x14, s10;
	[dreg:$0x1a] =	wrdreg s23  }
0x26: {  	s0 =	sadd.s32 $0x9C54, s10;
	s10 =	simm.s32 $0x2800;
	[dreg:$0x1b] =	wrdreg s28  }
0x27: {  	v0 =	vimm.f32 $0.0e+00;
	v1 =	vadd.s32 $0x80, v5;
	v2 =	vadd.s32 $0x900, v5;
	s14 =	simm.s32 $0x4;
	[dreg:$0x1c] =	wrdreg s0;
	s16 =	simm.s32 $0x51E0  }
0x28: {  	v3 =	vadd.s32 $0x1180, v5;
	v4 =	vadd.s32 $0x1A00, v5;
	v5 =	vadd.s32 $0x2280, v5;
	s20 =	simm.s32 $0x5230;
	s21 =	simm.s32 $0x8;
	s23 =	simm.s32 $0x6  }
.LBB2_1:
0x29: {  	[dreg:$0x1d] =	wrdreg s4  }
0x2a: {  	s0 =	rddreg [dreg:$0xe]  }
0x2b: {  	[tilespmem:s6], [sflag:$0x1] =	stream.linear.gather [hbm4b:s0+s3], $0x50, $0x38;
	[tilespmem:$0x1FB80] =	vst v63  }
0x2c: {  	s7 =	rddreg [dreg:$0x18];
	s28 =	simm.s32 $0x50A0  }
0x2d: {  	[tilespmem:s28], [sflag:$0x1] =	stream.linear.gather [hbm4b:s7+s3], $0x50, $0x38;
	[tilespmem:$0x1FB80] =	vst v63  }
0x2e: {  	s4 =	rddreg [dreg:$0x19]  }
0x2f: {  	[tilespmem:s8], [sflag:$0x2] =	stream.linear.gather [hbm4b:s4+s3], $0x50, $0x38;
	[tilespmem:$0x1FB80] =	vst v63  }
0x30: {  	s7 =	rddreg [dreg:$0x1a];
	s28 =	simm.s32 $0x50F0  }
0x31: {  	[tilespmem:s28], [sflag:$0x2] =	stream.linear.gather [hbm4b:s7+s3], $0x50, $0x38;
	[tilespmem:$0x1FB80] =	vst v63  }
0x32: {  	s7 =	rddreg [dreg:$0xc]  }
0x33: {  	[tilespmem:s3], [sflag:$0x3] =	stream.linear.gather [hbm4b:s7+s3], $0x2800, $0x38;
	[tilespmem:$0x1FB80] =	vst v63  }
0x34: {  	s0 =	simm.s32 $0x0;
	s28 =	rddreg [dreg:$0xd]  }
0x35: {  	[tilespmem:s10], [sflag:$0x4] =	stream.linear.gather [hbm4b:s28+s3], $0x2800, $0x38;
	[tilespmem:$0x1FB80] =	vst v63  }
0x36: {  	s4 =	simm.s32 $0x220;
	[tilespmem:s0+$0x52F0] =	vst v0  }
.LBB2_2:
0x37: {  	p0 =	sne.s32 s4, $0xA7E0;
	[tilespmem:s0+$0x52F8] =	vst v0  }
0x38: {  	[tilespmem:s0+$0x5280] =	vst v0  }
0x39: {  	[tilespmem:s0+$0x5290] =	vst v0  }
0x3a: {  	[tilespmem:s0+$0x52A0] =	vst v0  }
.Ltmp0:
0x3b: {  	[tilespmem:s0+$0x52B0] =	vst v0;
	(pc) =	sbr.rel @p0 .LBB2_2-.Ltmp0, $4  }
0x3c: {  	[tilespmem:s0+$0x52C0] =	vst v0  }
0x3d: {  	[tilespmem:s0+$0x52D0] =	vst v0  }
0x3e: {  	[tilespmem:s0+$0x52E0] =	vst v0;
	s0 =	sshra.s32 s4, $0x2  }
0x3f: {  	s4 =	sadd.s32 $0x220, s4;
	[tilespmem:s0+$0x52F0] =	vst v0  }
0x40: {  	[tilespmem:s0+$0x52F8] =	vst v0  }
0x41: {  	[tilespmem:s0+$0x5280] =	vst v0  }
0x42: {  	[tilespmem:s0+$0x5290] =	vst v0  }
0x43: {  	[tilespmem:s0+$0x52A0] =	vst v0  }
0x44: {  	[tilespmem:s0+$0x52B0] =	vst v0  }
0x45: {  	[tilespmem:s0+$0x52C0] =	vst v0  }
0x46: {  	[tilespmem:s0+$0x52D0] =	vst v0  }
0x47: {  	[tilespmem:s0+$0x52E0] =	vst v0  }
0x48: {  	[spmem:s9] =	stream.linear.scatter [tilespmem:s11], [sflag:$0x5], $0x2A80, $0x38;
	[tilespmem:$0x1FB80] =	vst v63  }
0x49: {  	_ = 	snop  }
0x4a: {  	[spmem:s22] =	stream.linear.scatter [tilespmem:s11], [sflag:$0x5], $0x2A80, $0x38;
	[tilespmem:$0x1FB80] =	vst v63  }
0x4b: {  	_ = 	snop  }
0x4c: {  	[spmem:s24] =	stream.linear.scatter [tilespmem:s11], [sflag:$0x5], $0x2A80, $0x38;
	[tilespmem:$0x1FB80] =	vst v63  }
0x4d: {  	s4 =	rddreg [dreg:$0x12]  }
0x4e: {  	[spmem:s4] =	stream.linear.scatter [tilespmem:s11], [sflag:$0x5], $0x2A80, $0x38;
	[tilespmem:$0x1FB80] =	vst v63  }
0x4f: {  	s7 =	rddreg [dreg:$0x13]  }
0x50: {  	[spmem:s7] =	stream.linear.scatter [tilespmem:s11], [sflag:$0x5], $0x2A80, $0x38;
	[tilespmem:$0x1FB80] =	vst v63  }
0x51: {  	s9 =	rddreg [dreg:$0x14]  }
0x52: {  	[spmem:s9] =	stream.linear.scatter [tilespmem:s11], [sflag:$0x5], $0x2A80, $0x38;
	[tilespmem:$0x1FB80] =	vst v63  }
0x53: {  	s22 =	rddreg [dreg:$0x15]  }
0x54: {  	[spmem:s22] =	stream.linear.scatter [tilespmem:s11], [sflag:$0x5], $0x2A80, $0x38;
	[tilespmem:$0x1FB80] =	vst v63  }
0x55: {  	s24 =	rddreg [dreg:$0x16]  }
0x56: {  	[spmem:s24] =	stream.linear.scatter [tilespmem:s11], [sflag:$0x5], $0x2A80, $0x38;
	[tilespmem:$0x1FB80] =	vst v63  }
0x57: {  	_ =	swait.ge [sflag:s12], $0x2A80  }
0x58: {  	[sflag:s12] =	ssyncset.done $0x0  }
0x59: {  	[sflag:s12] =	ssyncadd.s32 $0xFFFFD580  }
0x5a: {  	_ =	swait.ge [sflag:s12], $0x2A80  }
0x5b: {  	[sflag:s12] =	ssyncset.done $0x0  }
0x5c: {  	[sflag:s12] =	ssyncadd.s32 $0xFFFFD580  }
0x5d: {  	_ =	swait.ge [sflag:s12], $0x2A80  }
0x5e: {  	[sflag:s12] =	ssyncset.done $0x0  }
0x5f: {  	[sflag:s12] =	ssyncadd.s32 $0xFFFFD580  }
0x60: {  	_ =	swait.ge [sflag:s12], $0x2A80  }
0x61: {  	[sflag:s12] =	ssyncset.done $0x0  }
0x62: {  	[sflag:s12] =	ssyncadd.s32 $0xFFFFD580  }
0x63: {  	_ =	swait.ge [sflag:s12], $0x2A80  }
0x64: {  	[sflag:s12] =	ssyncset.done $0x0  }
0x65: {  	[sflag:s12] =	ssyncadd.s32 $0xFFFFD580  }
0x66: {  	_ =	swait.ge [sflag:s12], $0x2A80  }
0x67: {  	[sflag:s12] =	ssyncset.done $0x0  }
0x68: {  	[sflag:s12] =	ssyncadd.s32 $0xFFFFD580  }
0x69: {  	_ =	swait.ge [sflag:s12], $0x2A80  }
0x6a: {  	[sflag:s12] =	ssyncset.done $0x0  }
0x6b: {  	[sflag:s12] =	ssyncadd.s32 $0xFFFFD580  }
0x6c: {  	_ =	swait.ge [sflag:s12], $0x2A80  }
0x6d: {  	[sflag:s12] =	ssyncset.done $0x0  }
0x6e: {  	[sflag:s12] =	ssyncadd.s32 $0xFFFFD580  }
0x6f: {  	_ =	swait.ge [sflag:s13], $0x2800  }
0x70: {  	[sflag:s13] =	ssyncset.done $0x0  }
0x71: {  	[sflag:s13] =	ssyncadd.s32 $0xFFFFD800  }
0x72: {  	_ =	swait.ge [sflag:s14], $0x2800  }
0x73: {  	[sflag:s14] =	ssyncset.done $0x0  }
0x74: {  	[sflag:s14] =	ssyncadd.s32 $0xFFFFD800  }
0x75: {  	s9 =	simm.s32 $0x1;
	[bflag:$0x0] =	sbarrier.arrive $0xFFFF  }
0x76: {  	_ =	swait.ge [sflag:s9], $0x50  }
0x77: {  	[sflag:s9] =	ssyncset.done $0x0  }
0x78: {  	[sflag:s9] =	ssyncadd.s32 $0xFFFFFFB0  }
0x79: {  	_ =	swait.ge [sflag:s9], $0x50  }
0x7a: {  	[sflag:s9] =	ssyncset.done $0x0  }
0x7b: {  	[sflag:s9] =	ssyncadd.s32 $0xFFFFFFB0  }
0x7c: {  	[tilespmem:s11], [sflag:$0x3] =	stream.indirect.gather [hbm4b:s5+s15], $0x88, s6, s15, $0xb8;
	[tilespmem:$0x1FB80] =	vst v63  }
0x7d: {  	s28 =	simm.s32 $0x5028  }
0x7e: {  	[tilespmem:s29], [sflag:$0x7] =	stream.indirect.gather [hbm4b:s5+s15], $0x88, s28, s15, $0xb8;
	[tilespmem:$0x1FB80] =	vst v63  }
0x7f: {  	v6 =	vld [tilespmem:$0x5000]  }
0x80: {  	v7 =	vld [tilespmem:$0x50A0];
	_ =	sdelay $0x6  }
0x81: {  	v6 =	vld.idx.msk [tilespmem:v6+s3+$0x0], $0xffff  }
0x82: {  	v8 =	vld.idx.msk [tilespmem:v7+s10+$0x0], $0xffff;
	_ =	sdelay $0x4  }
0x83: {  	v6 =	vadd.f32 v8, v6;
	_ =	sdelay $0x1  }
0x84: {  	v8 =	vmul.f32 $2.000000030e-01, v6  }
0x85: {  	vm0 =	vge.f32 v6, $0.0e+00  }
0x86: {  	v6 =	vsel vm0, v6, v8  }
0x87: {  	v6 =	vmul.f32 $1.442695020e+00, v6;
	_ =	sdelay $0x1  }
0x88: {  	(erf) = vpow2.f32 v6;
	_ =	sdelay $0x2  }
0x89: {  	v6 =	vld [tilespmem:$0x5010]  }
0x8a: {  	v8 =	vld [tilespmem:$0x50B0];
	_ =	sdelay $0x4  }
0x8b: {  	[tilespmem:$0x5140] =	vst v7;
	v9 =	vpop (erf)  }
0x8c: {  	[tilespmem:$0x51E0] =	vst v9  }
0x8d: {  	v6 =	vld.idx.msk [tilespmem:v6+s3+$0x0], $0xffff  }
0x8e: {  	v7 =	vld.idx.msk [tilespmem:v8+s10+$0x0], $0xffff;
	_ =	sdelay $0x4  }
0x8f: {  	v6 =	vadd.f32 v7, v6;
	_ =	sdelay $0x1  }
0x90: {  	v7 =	vmul.f32 $2.000000030e-01, v6  }
0x91: {  	vm7 =	vge.f32 v6, $0.0e+00  }
0x92: {  	v6 =	vsel vm7, v6, v7  }
0x93: {  	v6 =	vmul.f32 $1.442695020e+00, v6;
	_ =	sdelay $0x1  }
0x94: {  	(erf) = vpow2.f32 v6;
	_ =	sdelay $0x2  }
0x95: {  	v6 =	vld [tilespmem:$0x5020]  }
0x96: {  	v7 =	vld [tilespmem:$0x50C0];
	_ =	sdelay $0x4  }
0x97: {  	[tilespmem:$0x5150] =	vst v8;
	v9 =	vpop (erf)  }
0x98: {  	[tilespmem:$0x51F0] =	vst v9  }
0x99: {  	v6 =	vld.idx.msk [tilespmem:v6+s3+$0x0], $0xffff  }
0x9a: {  	v8 =	vld.idx.msk [tilespmem:v7+s10+$0x0], $0xffff;
	_ =	sdelay $0x4  }
0x9b: {  	v6 =	vadd.f32 v8, v6;
	_ =	sdelay $0x1  }
0x9c: {  	v8 =	vmul.f32 $2.000000030e-01, v6  }
0x9d: {  	vm8 =	vge.f32 v6, $0.0e+00  }
0x9e: {  	v6 =	vsel vm8, v6, v8  }
0x9f: {  	v6 =	vmul.f32 $1.442695020e+00, v6;
	_ =	sdelay $0x1  }
0xa0: {  	(erf) = vpow2.f32 v6;
	_ =	sdelay $0x2  }
0xa1: {  	v6 =	vld [tilespmem:$0x5030]  }
0xa2: {  	v8 =	vld [tilespmem:$0x50D0];
	_ =	sdelay $0x4  }
0xa3: {  	[tilespmem:$0x5160] =	vst v7;
	v9 =	vpop (erf)  }
0xa4: {  	[tilespmem:$0x5200] =	vst v9  }
0xa5: {  	v6 =	vld.idx.msk [tilespmem:v6+s3+$0x0], $0xffff  }
0xa6: {  	v7 =	vld.idx.msk [tilespmem:v8+s10+$0x0], $0xffff;
	_ =	sdelay $0x4  }
0xa7: {  	v6 =	vadd.f32 v7, v6;
	_ =	sdelay $0x1  }
0xa8: {  	v7 =	vmul.f32 $2.000000030e-01, v6  }
0xa9: {  	vm9 =	vge.f32 v6, $0.0e+00  }
0xaa: {  	v6 =	vsel vm9, v6, v7  }
0xab: {  	v6 =	vmul.f32 $1.442695020e+00, v6;
	_ =	sdelay $0x1  }
0xac: {  	(erf) = vpow2.f32 v6;
	_ =	sdelay $0x2  }
0xad: {  	v6 =	vld [tilespmem:$0x5040]  }
0xae: {  	v7 =	vld [tilespmem:$0x50E0];
	_ =	sdelay $0x4  }
0xaf: {  	[tilespmem:$0x5170] =	vst v8;
	v9 =	vpop (erf)  }
0xb0: {  	[tilespmem:$0x5210] =	vst v9  }
0xb1: {  	v6 =	vld.idx.msk [tilespmem:v6+s3+$0x0], $0xffff  }
0xb2: {  	v8 =	vld.idx.msk [tilespmem:v7+s10+$0x0], $0xffff;
	_ =	sdelay $0x4  }
0xb3: {  	v6 =	vadd.f32 v8, v6;
	_ =	sdelay $0x1  }
0xb4: {  	v8 =	vmul.f32 $2.000000030e-01, v6  }
0xb5: {  	vm10 =	vge.f32 v6, $0.0e+00  }
0xb6: {  	v6 =	vsel vm10, v6, v8  }
0xb7: {  	v6 =	vmul.f32 $1.442695020e+00, v6;
	_ =	sdelay $0x1  }
0xb8: {  	(erf) = vpow2.f32 v6;
	_ =	sdelay $0x8  }
0xb9: {  	[tilespmem:$0x5180] =	vst v7;
	v6 =	vpop (erf)  }
0xba: {  	[tilespmem:$0x5220] =	vst v6  }
0xbb: {  	_ =	swait.ge [sflag:s13], $0x1540  }
0xbc: {  	[sflag:s13] =	ssyncset.done $0x0  }
0xbd: {  	s4 =	rddreg [dreg:$0x1b];
	[sflag:s13] =	ssyncadd.s32 $0xFFFFEAC0  }
0xbe: {  	[tilespmem:s6], [sflag:$0x1] =	stream.linear.gather [hbm4b:s4+s3], $0x50, $0x38;
	[tilespmem:$0x1FB80] =	vst v63  }
0xbf: {  	s7 =	rddreg [dreg:$0x1c];
	s4 =	simm.s32 $0x50A0  }
0xc0: {  	[tilespmem:s4], [sflag:$0x1] =	stream.linear.gather [hbm4b:s7+s3], $0x50, $0x38;
	[tilespmem:$0x1FB80] =	vst v63  }
0xc1: {  	_ =	swait.ge [sflag:s30], $0x50  }
0xc2: {  	[sflag:s30] =	ssyncset.done $0x0  }
0xc3: {  	[sflag:s30] =	ssyncadd.s32 $0xFFFFFFB0  }
0xc4: {  	_ =	swait.ge [sflag:s30], $0x50  }
0xc5: {  	[sflag:s30] =	ssyncset.done $0x0  }
0xc6: {  	[sflag:s30] =	ssyncadd.s32 $0xFFFFFFB0  }
0xc7: {  	[tilespmem:s31], [sflag:$0x4] =	stream.indirect.gather [hbm4b:s5+s15], $0x88, s8, s15, $0xb8;
	[tilespmem:$0x1FB80] =	vst v63  }
0xc8: {  	s22 =	simm.s32 $0x5078;
	s24 =	simm.s32 $0x9240  }
0xc9: {  	[tilespmem:s24], [sflag:$0x8] =	stream.indirect.gather [hbm4b:s5+s15], $0x88, s22, s15, $0xb8;
	[tilespmem:$0x1FB80] =	vst v63  }
0xca: {  	v6 =	vld [tilespmem:$0x5050]  }
0xcb: {  	v7 =	vld [tilespmem:$0x50F0];
	_ =	sdelay $0x6  }
0xcc: {  	v6 =	vld.idx.msk [tilespmem:v6+s3+$0x0], $0xffff  }
0xcd: {  	v8 =	vld.idx.msk [tilespmem:v7+s10+$0x0], $0xffff;
	_ =	sdelay $0x4  }
0xce: {  	v6 =	vadd.f32 v8, v6;
	_ =	sdelay $0x1  }
0xcf: {  	v8 =	vmul.f32 $2.000000030e-01, v6  }
0xd0: {  	vm11 =	vge.f32 v6, $0.0e+00  }
0xd1: {  	v6 =	vsel vm11, v6, v8  }
0xd2: {  	v6 =	vmul.f32 $1.442695020e+00, v6;
	_ =	sdelay $0x1  }
0xd3: {  	(erf) = vpow2.f32 v6;
	_ =	sdelay $0x2  }
0xd4: {  	v6 =	vld [tilespmem:$0x5060]  }
0xd5: {  	v8 =	vld [tilespmem:$0x5100];
	_ =	sdelay $0x4  }
0xd6: {  	[tilespmem:$0x5190] =	vst v7;
	v9 =	vpop (erf)  }
0xd7: {  	[tilespmem:$0x5230] =	vst v9  }
0xd8: {  	v6 =	vld.idx.msk [tilespmem:v6+s3+$0x0], $0xffff  }
0xd9: {  	v7 =	vld.idx.msk [tilespmem:v8+s10+$0x0], $0xffff;
	_ =	sdelay $0x4  }
0xda: {  	v6 =	vadd.f32 v7, v6;
	_ =	sdelay $0x1  }
0xdb: {  	v7 =	vmul.f32 $2.000000030e-01, v6  }
0xdc: {  	vm12 =	vge.f32 v6, $0.0e+00  }
0xdd: {  	v6 =	vsel vm12, v6, v7  }
0xde: {  	v6 =	vmul.f32 $1.442695020e+00, v6;
	_ =	sdelay $0x1  }
0xdf: {  	(erf) = vpow2.f32 v6;
	_ =	sdelay $0x2  }
0xe0: {  	v6 =	vld [tilespmem:$0x5070]  }
0xe1: {  	v7 =	vld [tilespmem:$0x5110];
	_ =	sdelay $0x4  }
0xe2: {  	[tilespmem:$0x51A0] =	vst v8;
	v9 =	vpop (erf)  }
0xe3: {  	[tilespmem:$0x5240] =	vst v9  }
0xe4: {  	v6 =	vld.idx.msk [tilespmem:v6+s3+$0x0], $0xffff  }
0xe5: {  	v8 =	vld.idx.msk [tilespmem:v7+s10+$0x0], $0xffff;
	_ =	sdelay $0x4  }
0xe6: {  	v6 =	vadd.f32 v8, v6;
	_ =	sdelay $0x1  }
0xe7: {  	v8 =	vmul.f32 $2.000000030e-01, v6  }
0xe8: {  	vm13 =	vge.f32 v6, $0.0e+00  }
0xe9: {  	v6 =	vsel vm13, v6, v8  }
0xea: {  	v6 =	vmul.f32 $1.442695020e+00, v6;
	_ =	sdelay $0x1  }
0xeb: {  	(erf) = vpow2.f32 v6;
	_ =	sdelay $0x2  }
0xec: {  	v6 =	vld [tilespmem:$0x5080]  }
0xed: {  	v8 =	vld [tilespmem:$0x5120];
	_ =	sdelay $0x4  }
0xee: {  	[tilespmem:$0x51B0] =	vst v7;
	v9 =	vpop (erf)  }
0xef: {  	[tilespmem:$0x5250] =	vst v9  }
0xf0: {  	v6 =	vld.idx.msk [tilespmem:v6+s3+$0x0], $0xffff  }
0xf1: {  	v7 =	vld.idx.msk [tilespmem:v8+s10+$0x0], $0xffff;
	_ =	sdelay $0x4  }
0xf2: {  	v6 =	vadd.f32 v7, v6;
	_ =	sdelay $0x1  }
0xf3: {  	v7 =	vmul.f32 $2.000000030e-01, v6  }
0xf4: {  	vm14 =	vge.f32 v6, $0.0e+00  }
0xf5: {  	v6 =	vsel vm14, v6, v7  }
0xf6: {  	v6 =	vmul.f32 $1.442695020e+00, v6;
	_ =	sdelay $0x1  }
0xf7: {  	(erf) = vpow2.f32 v6;
	_ =	sdelay $0x2  }
0xf8: {  	v6 =	vld [tilespmem:$0x5090]  }
0xf9: {  	v7 =	vld [tilespmem:$0x5130];
	_ =	sdelay $0x4  }
0xfa: {  	[tilespmem:$0x51C0] =	vst v8;
	v9 =	vpop (erf)  }
0xfb: {  	[tilespmem:$0x5260] =	vst v9  }
0xfc: {  	v6 =	vld.idx.msk [tilespmem:v6+s3+$0x0], $0xffff  }
0xfd: {  	v8 =	vld.idx.msk [tilespmem:v7+s10+$0x0], $0xffff;
	_ =	sdelay $0x4  }
0xfe: {  	v6 =	vadd.f32 v8, v6;
	_ =	sdelay $0x1  }
0xff: {  	v8 =	vmul.f32 $2.000000030e-01, v6  }
0x100: {  	vm15 =	vge.f32 v6, $0.0e+00  }
0x101: {  	v6 =	vsel vm15, v6, v8  }
0x102: {  	v6 =	vmul.f32 $1.442695020e+00, v6;
	_ =	sdelay $0x1  }
0x103: {  	(erf) = vpow2.f32 v6;
	_ =	sdelay $0x8  }
0x104: {  	[tilespmem:$0x51D0] =	vst v7;
	v6 =	vpop (erf)  }
0x105: {  	s24 =	simm.s32 $0x5308;
	[tilespmem:$0x5270] =	vst v6  }
0x106: {  	v6 =	vmov s9;
	v11 =	vld [tilespmem:s24+$0xFFFFFFE8]  }
0x107: {  	v10 =	vld [tilespmem:s24+$0x50]  }
0x108: {  	v15 =	vld [tilespmem:s24+$0xFFFFFFC8]  }
0x109: {  	s28 =	simm.s32 $0x0;
	v8 =	vld [tilespmem:s24+$0x60]  }
0x10a: {  	v7 =	vmov s28;
	v9 =	vld [tilespmem:s24+$0x70]  }
0x10b: {  	v7 =	vand.u32 $0xFFFFFFFE, v7;
	v12 =	vld.idx.msk [tilespmem:v6+s16+$0x0], $0xffff  }
0x10c: {  	v6 =	vbroadcast v7, $0x0;
	v7 =	vld [tilespmem:s24+$0x0]  }
0x10d: {  	v13 =	vld [tilespmem:s24+$0x10]  }
0x10e: {  	v14 =	vld [tilespmem:s24+$0x20]  }
0x10f: {  	v16 =	vld [tilespmem:s24+$0x30]  }
0x110: {  	v17 =	vld [tilespmem:s24+$0x40]  }
0x111: {  	v18 =	vld [tilespmem:s24+$0xFFFFFF78];
	v19 =	vmul.f32 v7, v12  }
0x112: {  	v13 =	vmul.f32 v13, v12;
	v7 =	vld.idx.msk [tilespmem:v6+s16+$0x0], $0xffff  }
0x113: {  	v20 =	vld [tilespmem:s24+$0xFFFFFF98];
	v14 =	vmul.f32 v14, v12;
	[tilespmem:s24+$0x0] =	vst v19  }
0x114: {  	v63 =	vmul.f32 v10, v12;
	v10 =	vld [tilespmem:s24+$0xFFFFFF88];
	v6 =	vmul.f32 v8, v12;
	[tilespmem:s24+$0x10] =	vst v13  }
0x115: {  	v16 =	vmul.f32 v16, v12;
	v8 =	vld [tilespmem:s24+$0xFFFFFFD8];
	[tilespmem:s24+$0x20] =	vst v14  }
0x116: {  	v17 =	vmul.f32 v17, v12;
	[tilespmem:s24+$0x60] =	vst v6;
	v6 =	vld [tilespmem:s24+$0xFFFFFFA8]  }
0x117: {  	[tilespmem:s24+$0x30] =	vst v16;
	v14 =	vmul.f32 v11, v7;
	v11 =	vld [tilespmem:s24+$0xFFFFFFB8]  }
0x118: {  	v9 =	vmul.f32 v9, v12;
	[tilespmem:s24+$0x40] =	vst v17;
	v13 =	vmul.f32 v18, v7  }
0x119: {  	s0 =	simm.s32 $0x3;
	s4 =	simm.s32 $0x5308;
	[tilespmem:s24+$0x50] =	vst v63;
	v12 =	vmul.f32 v20, v7;
	v15 =	vmul.f32 v15, v7  }
.LBB2_4:
0x11a: {  	p0 =	sne.s32 s0, $0x27  }
0x11b: {  	v10 =	vmul.f32 v10, v7;
	v8 =	vmul.f32 v8, v7;
	[tilespmem:s24+$0x70] =	vst v9;
	s4 =	sadd.s32 $0x110, s4;
	s7 =	smov.u32 s0;
	s0 =	sadd.s32 $0x2, s0  }
0x11c: {  	v6 =	vmul.f32 v6, v7;
	v7 =	vmul.f32 v11, v7;
	[tilespmem:s24+$0xFFFFFFE8] =	vst v14  }
0x11d: {  	[tilespmem:s24+$0xFFFFFF78] =	vst v13  }
0x11e: {  	v14 =	vld [tilespmem:s4+$0xFFFFFFE8];
	[tilespmem:s24+$0xFFFFFFC8] =	vst v15  }
0x11f: {  	v9 =	vmov s7;
	v13 =	vld [tilespmem:s4+$0x50];
	[tilespmem:s24+$0xFFFFFF98] =	vst v12  }
0x120: {  	v15 =	vld [tilespmem:s4+$0xFFFFFFC8];
	[tilespmem:s24+$0xFFFFFFA8] =	vst v6  }
0x121: {  	v6 =	vld [tilespmem:s4+$0xFFFFFFA8];
	[tilespmem:s24+$0xFFFFFFB8] =	vst v7  }
0x122: {  	s7 =	sadd.s32 $0xFFFFFFFF, s7;
	v11 =	vld [tilespmem:s4+$0x60];
	[tilespmem:s24+$0xFFFFFFD8] =	vst v8  }
0x123: {  	v7 =	vmov s7;
	v8 =	vld [tilespmem:s4+$0x70];
	[tilespmem:s24+$0xFFFFFF88] =	vst v10;
	s24 =	smov.u32 s4  }
0x124: {  	v7 =	vand.u32 $0xFFFFFFFE, v7;
	v12 =	vld.idx.msk [tilespmem:v9+s16+$0x0], $0xffff  }
0x125: {  	v7 =	vbroadcast v7, $0x0;
	v9 =	vld [tilespmem:s4+$0x0]  }
0x126: {  	v10 =	vld [tilespmem:s4+$0x10]  }
0x127: {  	v16 =	vld [tilespmem:s4+$0x20]  }
0x128: {  	v17 =	vld [tilespmem:s4+$0x30]  }
0x129: {  	v18 =	vld [tilespmem:s4+$0x40]  }
0x12a: {  	v19 =	vld [tilespmem:s4+$0xFFFFFF78];
	v20 =	vmul.f32 v9, v12;
	v9 =	vmul.f32 v8, v12  }
0x12b: {  	v7 =	vld.idx.msk [tilespmem:v7+s16+$0x0], $0xffff;
	v21 =	vmul.f32 v10, v12;
	v10 =	vmul.f32 v11, v12  }
0x12c: {  	v22 =	vld [tilespmem:s4+$0xFFFFFF98];
	[tilespmem:s4+$0x0] =	vst v20;
	v16 =	vmul.f32 v16, v12  }
0x12d: {  	v8 =	vld [tilespmem:s4+$0xFFFFFFD8];
	v17 =	vmul.f32 v17, v12;
	[tilespmem:s4+$0x60] =	vst v10  }
.Ltmp1:
0x12e: {  	v10 =	vld [tilespmem:s4+$0xFFFFFF88];
	[tilespmem:s4+$0x10] =	vst v21;
	v18 =	vmul.f32 v18, v12;
	(pc) =	sbr.rel @p0 .LBB2_4-.Ltmp1, $4  }
0x12f: {  	v11 =	vld [tilespmem:s4+$0xFFFFFFB8];
	[tilespmem:s4+$0x20] =	vst v16;
	v16 =	vmul.f32 v13, v12  }
0x130: {  	[tilespmem:s4+$0x30] =	vst v17  }
0x131: {  	v13 =	vmul.f32 v19, v7;
	v14 =	vmul.f32 v14, v7;
	[tilespmem:s4+$0x40] =	vst v18  }
0x132: {  	v15 =	vmul.f32 v15, v7;
	v12 =	vmul.f32 v22, v7;
	[tilespmem:s4+$0x50] =	vst v16  }
0x133: {  	[tilespmem:s24+$0x70] =	vst v9  }
0x134: {  	[tilespmem:s24+$0xFFFFFFE8] =	vst v14  }
0x135: {  	[tilespmem:s24+$0xFFFFFF78] =	vst v13  }
0x136: {  	v6 =	vmul.f32 v6, v7;
	[tilespmem:s24+$0xFFFFFFC8] =	vst v15  }
0x137: {  	v8 =	vmul.f32 v8, v7;
	[tilespmem:s24+$0xFFFFFF98] =	vst v12  }
0x138: {  	v9 =	vmul.f32 v11, v7;
	[tilespmem:s24+$0xFFFFFFA8] =	vst v6  }
0x139: {  	v6 =	vmul.f32 v10, v7;
	[tilespmem:s24+$0xFFFFFFD8] =	vst v8  }
0x13a: {  	[tilespmem:s24+$0xFFFFFFB8] =	vst v9  }
0x13b: {  	[tilespmem:s24+$0xFFFFFF88] =	vst v6  }
0x13c: {  	s0 =	simm.s32 $0x28;
	_ =	swait.ge [sflag:s17], $0x1540  }
0x13d: {  	v6 =	vmov s0;
	[sflag:s17] =	ssyncset.done $0x0  }
0x13e: {  	s0 =	simm.s32 $0x68B8;
	v6 =	vand.u32 $0xFFFFFFFE, v6;
	[sflag:s17] =	ssyncadd.s32 $0xFFFFEAC0  }
0x13f: {  	v6 =	vbroadcast v6, $0x0;
	v9 =	vld [tilespmem:s0+$0xFFFFFF78]  }
0x140: {  	v8 =	vld [tilespmem:s0+$0xFFFFFF58]  }
0x141: {  	v10 =	vld [tilespmem:s0+$0xFFFFFF38]  }
0x142: {  	v7 =	vld [tilespmem:s0+$0xFFFFFF18]  }
0x143: {  	v13 =	vld [tilespmem:s0+$0xFFFFFF28]  }
0x144: {  	v14 =	vld [tilespmem:s0+$0xFFFFFF48]  }
0x145: {  	s4 =	simm.s32 $0x29;
	v11 =	vld.idx.msk [tilespmem:v6+s16+$0x0], $0xffff  }
0x146: {  	v12 =	vmov s4;
	v6 =	vld [tilespmem:s0+$0xFFFFFF08]  }
0x147: {  	v15 =	vld [tilespmem:s0+$0xFFFFFF68]  }
0x148: {  	v17 =	vld [tilespmem:s0+$0xFFFFFFC0]  }
0x149: {  	v63 =	vld [tilespmem:s0+$0xFFFFFF90]  }
0x14a: {  	v18 =	vld [tilespmem:s0+$0xFFFFFFB0];
	v16 =	vmul.f32 v7, v11  }
0x14b: {  	v6 =	vmul.f32 v6, v11;
	v7 =	vld.idx.msk [tilespmem:v12+s16+$0x0], $0xffff  }
0x14c: {  	v12 =	vmul.f32 v13, v11;
	v13 =	vld [tilespmem:s0+$0xFFFFFFA0];
	[tilespmem:s0+$0xFFFFFF18] =	vst v16  }
0x14d: {  	v10 =	vmul.f32 v10, v11;
	[tilespmem:s0+$0xFFFFFF08] =	vst v6;
	v6 =	vld [tilespmem:s0+$0xFFFFFFF0]  }
0x14e: {  	v14 =	vmul.f32 v14, v11;
	[tilespmem:s0+$0xFFFFFF28] =	vst v12;
	v12 =	vmul.f32 v8, v11;
	v8 =	vld [tilespmem:s0+$0xFFFFFFE0]  }
0x14f: {  	v15 =	vmul.f32 v15, v11;
	[tilespmem:s0+$0xFFFFFF38] =	vst v10;
	v10 =	vld [tilespmem:s0+$0xFFFFFFD0]  }
0x150: {  	[tilespmem:s0+$0xFFFFFF48] =	vst v14;
	v11 =	vmul.f32 v9, v11;
	v9 =	vld [tilespmem:s0+$0x0]  }
0x151: {  	[tilespmem:s0+$0xFFFFFF68] =	vst v15  }
0x152: {  	s9 =	simm.s32 $0x2B;
	[tilespmem:s0+$0xFFFFFF58] =	vst v12;
	v14 =	vmul.f32 v63, v7;
	v12 =	vmul.f32 v13, v7  }
0x153: {  	s7 =	simm.s32 $0x2A;
	s22 =	simm.s32 $0x2D;
	s4 =	simm.s32 $0x68B8;
	[tilespmem:s0+$0xFFFFFF78] =	vst v11;
	v13 =	vmul.f32 v18, v7;
	v11 =	vmul.f32 v17, v7  }
.LBB2_6:
0x154: {  	p0 =	sne.s32 s22, $0x4F;
	v15 =	vmov s7;
	[tilespmem:s0+$0xFFFFFF90] =	vst v14;
	v10 =	vmul.f32 v10, v7;
	v8 =	vmul.f32 v8, v7  }
0x155: {  	v14 =	vand.u32 $0xFFFFFFFE, v15;
	[tilespmem:s0+$0xFFFFFFA0] =	vst v12;
	v12 =	vmul.f32 v6, v7;
	v7 =	vmul.f32 v9, v7  }
0x156: {  	s0 =	sadd.s32 $0x110, s0;
	v9 =	vbroadcast v14, $0x0;
	[tilespmem:s4+$0xFFFFFFB0] =	vst v13  }
0x157: {  	v6 =	vld [tilespmem:s0+$0xFFFFFFF0];
	[tilespmem:s4+$0xFFFFFFC0] =	vst v11  }
0x158: {  	v11 =	vld [tilespmem:s0+$0xFFFFFF78];
	[tilespmem:s4+$0xFFFFFFD0] =	vst v10  }
0x159: {  	v10 =	vld [tilespmem:s0+$0xFFFFFF58];
	[tilespmem:s4+$0xFFFFFFE0] =	vst v8  }
0x15a: {  	v13 =	vld [tilespmem:s0+$0xFFFFFF38];
	[tilespmem:s4+$0xFFFFFFF0] =	vst v12  }
0x15b: {  	v12 =	vld [tilespmem:s0+$0xFFFFFF18];
	[tilespmem:s4+$0x0] =	vst v7;
	s4 =	smov.u32 s0  }
0x15c: {  	v9 =	vld.idx.msk [tilespmem:v9+s16+$0x0], $0xffff  }
0x15d: {  	v7 =	vld [tilespmem:s0+$0xFFFFFF08]  }
0x15e: {  	v14 =	vld [tilespmem:s0+$0xFFFFFF28]  }
0x15f: {  	v15 =	vmov s9;
	s9 =	smov.u32 s22;
	v16 =	vld [tilespmem:s0+$0xFFFFFF48]  }
0x160: {  	v17 =	vld [tilespmem:s0+$0xFFFFFF68]  }
0x161: {  	v8 =	vld [tilespmem:s0+$0xFFFFFFE0]  }
0x162: {  	v12 =	vmul.f32 v12, v9;
	v18 =	vmul.f32 v7, v9;
	v19 =	vld [tilespmem:s0+$0xFFFFFFC0]  }
0x163: {  	v13 =	vmul.f32 v13, v9;
	v14 =	vmul.f32 v14, v9;
	v20 =	vld [tilespmem:s0+$0xFFFFFFA0]  }
0x164: {  	v7 =	vld.idx.msk [tilespmem:v15+s16+$0x0], $0xffff;
	[tilespmem:s0+$0xFFFFFF18] =	vst v12;
	v12 =	vmul.f32 v16, v9;
	v15 =	vmul.f32 v10, v9  }
0x165: {  	v11 =	vmul.f32 v11, v9;
	[tilespmem:s0+$0xFFFFFF08] =	vst v18;
	v16 =	vmul.f32 v17, v9;
	v17 =	vld [tilespmem:s0+$0xFFFFFF90]  }
0x166: {  	[tilespmem:s0+$0xFFFFFF28] =	vst v14;
	v18 =	vld [tilespmem:s0+$0xFFFFFFB0]  }
.Ltmp2:
0x167: {  	[tilespmem:s0+$0xFFFFFF38] =	vst v13;
	v10 =	vld [tilespmem:s0+$0xFFFFFFD0];
	(pc) =	sbr.rel @p0 .LBB2_6-.Ltmp2, $4  }
0x168: {  	[tilespmem:s0+$0xFFFFFF48] =	vst v12;
	v9 =	vld [tilespmem:s0+$0x0]  }
0x169: {  	[tilespmem:s0+$0xFFFFFF58] =	vst v15  }
0x16a: {  	v12 =	vmul.f32 v20, v7;
	[tilespmem:s0+$0xFFFFFF68] =	vst v16;
	v14 =	vmul.f32 v17, v7  }
0x16b: {  	s22 =	sadd.s32 $0x2, s22;
	s7 =	sadd.s32 $0xFFFFFFFF, s9;
	[tilespmem:s0+$0xFFFFFF78] =	vst v11;
	v13 =	vmul.f32 v18, v7;
	v11 =	vmul.f32 v19, v7  }
0x16c: {  	[tilespmem:s0+$0xFFFFFF90] =	vst v14  }
0x16d: {  	[tilespmem:s0+$0xFFFFFFA0] =	vst v12  }
0x16e: {  	v15 =	vmov s7;
	s28 =	sadd.s32 $0x110, s0;
	v10 =	vmul.f32 v10, v7;
	[tilespmem:s4+$0xFFFFFFB0] =	vst v13  }
0x16f: {  	v8 =	vmul.f32 v8, v7;
	v53 =	vmov s9;
	v48 =	vand.u32 $0xFFFFFFFE, v15;
	v50 =	vld [tilespmem:s28+$0xFFFFFFF0];
	[tilespmem:s4+$0xFFFFFFC0] =	vst v11  }
0x170: {  	v6 =	vmul.f32 v6, v7;
	v51 =	vld [tilespmem:s28+$0xFFFFFF58];
	v49 =	vbroadcast v48, $0x0;
	[tilespmem:s4+$0xFFFFFFD0] =	vst v10  }
0x171: {  	v7 =	vmul.f32 v9, v7;
	v52 =	vld [tilespmem:s28+$0xFFFFFF08];
	[tilespmem:s4+$0xFFFFFFE0] =	vst v8  }
0x172: {  	[tilespmem:s4+$0xFFFFFFF0] =	vst v6;
	v6 =	vld [tilespmem:s28+$0xFFFFFF18]  }
0x173: {  	[tilespmem:s4+$0x0] =	vst v7;
	v59 =	vld [tilespmem:s28+$0xFFFFFFA0]  }
0x174: {  	v10 =	vld.idx.msk [tilespmem:v53+s16+$0x0], $0xffff  }
0x175: {  	v61 =	vld [tilespmem:s28+$0xFFFFFFD0]  }
0x176: {  	v7 =	vld.idx.msk [tilespmem:v49+s16+$0x0], $0xffff  }
0x177: {  	v54 =	vld [tilespmem:s28+$0xFFFFFF28]  }
0x178: {  	v55 =	vld [tilespmem:s28+$0xFFFFFF38]  }
0x179: {  	v56 =	vld [tilespmem:s28+$0xFFFFFF48];
	v12 =	vmul.f32 v59, v10  }
0x17a: {  	v57 =	vld [tilespmem:s28+$0xFFFFFF68];
	v63 =	vmul.f32 v61, v10  }
0x17b: {  	v16 =	vld [tilespmem:s28+$0xFFFFFF78];
	[tilespmem:s28+$0xFFFFFFA0] =	vst v12;
	v6 =	vmul.f32 v6, v7  }
0x17c: {  	[tilespmem:s28+$0xFFFFFFD0] =	vst v63;
	v9 =	vmul.f32 v52, v7  }
0x17d: {  	v11 =	vmul.f32 v54, v7;
	[tilespmem:s28+$0xFFFFFF18] =	vst v6  }
0x17e: {  	v58 =	vld [tilespmem:s28+$0xFFFFFF90];
	v14 =	vmul.f32 v56, v7;
	[tilespmem:s28+$0xFFFFFF08] =	vst v9  }
0x17f: {  	v60 =	vld [tilespmem:s28+$0xFFFFFFB0];
	v8 =	vmul.f32 v51, v7;
	v6 =	vmul.f32 v55, v7;
	[tilespmem:s28+$0xFFFFFF28] =	vst v11  }
0x180: {  	v62 =	vld [tilespmem:s28+$0xFFFFFFE0];
	v15 =	vmul.f32 v57, v7;
	[tilespmem:s28+$0xFFFFFF48] =	vst v14;
	v7 =	vmul.f32 v16, v7  }
0x181: {  	[tilespmem:s28+$0xFFFFFF38] =	vst v6;
	v6 =	vld [tilespmem:s28+$0xFFFFFFC0]  }
0x182: {  	[tilespmem:s28+$0xFFFFFF78] =	vst v7;
	v7 =	vld [tilespmem:s28+$0x0]  }
0x183: {  	[tilespmem:s28+$0xFFFFFF58] =	vst v8;
	v9 =	vmul.f32 v58, v10  }
0x184: {  	[tilespmem:s28+$0xFFFFFF68] =	vst v15;
	v11 =	vmul.f32 v60, v10  }
0x185: {  	v8 =	vmul.f32 v62, v10;
	[tilespmem:s28+$0xFFFFFF90] =	vst v9  }
0x186: {  	[tilespmem:s28+$0xFFFFFFB0] =	vst v11;
	v6 =	vmul.f32 v6, v10  }
0x187: {  	[tilespmem:s28+$0xFFFFFFE0] =	vst v8;
	v7 =	vmul.f32 v7, v10  }
0x188: {  	[tilespmem:s28+$0xFFFFFFC0] =	vst v6;
	v6 =	vmul.f32 v50, v10  }
0x189: {  	[tilespmem:s28+$0x0] =	vst v7  }
0x18a: {  	[tilespmem:s28+$0xFFFFFFF0] =	vst v6  }
0x18b: {  	v6 =	vld [tilespmem:$0x51E0];
	_ =	sdelay $0x4  }
0x18c: {  	[tilespmem:v1+s11+$0x0] =	vst.idx.msk $0xffff, v6  }
0x18d: {  	v6 =	vld [tilespmem:$0x51F0];
	_ =	sdelay $0x4  }
0x18e: {  	[tilespmem:v2+s11+$0x0] =	vst.idx.msk $0xffff, v6  }
0x18f: {  	v6 =	vld [tilespmem:$0x5200];
	_ =	sdelay $0x4  }
0x190: {  	[tilespmem:v3+s11+$0x0] =	vst.idx.msk $0xffff, v6  }
0x191: {  	v6 =	vld [tilespmem:$0x5210];
	_ =	sdelay $0x4  }
0x192: {  	[tilespmem:v4+s11+$0x0] =	vst.idx.msk $0xffff, v6  }
0x193: {  	v6 =	vld [tilespmem:$0x5220];
	_ =	sdelay $0x4  }
0x194: {  	s24 =	simm.s32 $0x0;
	[tilespmem:v5+s11+$0x0] =	vst.idx.msk $0xffff, v6  }
0x195: {  	[spmem:s2] =	stream.indirect.scatter.add.f32 [tilespmem:s11], [sflag:$0x5], $0x88, s19, s18, $0xb8;
	[tilespmem:$0x1FB80] =	vst v63  }
.LBB2_8:
0x196: {  	s9 =	smul.u32 $0xA0, s24;
	_ =	sdelay $0x1  }
0x197: {  	_ =	swait.ge [sflag:s14], $0x1540;
	s0 =	sadd.s32 s9, s25  }
0x198: {  	[sflag:s14] =	ssyncset.done $0x0;
	s0 =	sshrl.u32 s0, $0x3  }
0x199: {  	[sflag:s14] =	ssyncadd.s32 $0xFFFFEAC0;
	s0 =	sadd.s32 s1, s0  }
0x19a: {  	[tilespmem:s8], [sflag:$0x2] =	stream.linear.gather [hbm4b:s0+s3], $0x50, $0x38;
	[tilespmem:$0x1FB80] =	vst v63  }
0x19b: {  	s4 =	simm.s32 $0x50F0;
	s7 =	simm.s32 $0x1;
	s0 =	sadd.s32 $0x9C40, s0  }
0x19c: {  	[tilespmem:s4], [sflag:$0x2] =	stream.linear.gather [hbm4b:s0+s3], $0x50, $0x38;
	[tilespmem:$0x1FB80] =	vst v63  }
0x19d: {  	_ =	swait.ge [sflag:s7], $0x50  }
0x19e: {  	[sflag:s7] =	ssyncset.done $0x0  }
0x19f: {  	[sflag:s7] =	ssyncadd.s32 $0xFFFFFFB0  }
0x1a0: {  	_ =	swait.ge [sflag:s7], $0x50  }
0x1a1: {  	[sflag:s7] =	ssyncset.done $0x0  }
0x1a2: {  	[sflag:s7] =	ssyncadd.s32 $0xFFFFFFB0  }
0x1a3: {  	_ =	swait.ge [sflag:s12], $0x2A80  }
0x1a4: {  	[sflag:s12] =	ssyncset.done $0x0  }
0x1a5: {  	[sflag:s12] =	ssyncadd.s32 $0xFFFFD580  }
0x1a6: {  	[tilespmem:s11], [sflag:$0x3] =	stream.indirect.gather [hbm4b:s5+s15], $0x88, s6, s15, $0xb8;
	[tilespmem:$0x1FB80] =	vst v63  }
0x1a7: {  	s22 =	simm.s32 $0x5028  }
0x1a8: {  	[tilespmem:s29], [sflag:$0x7] =	stream.indirect.gather [hbm4b:s5+s15], $0x88, s22, s15, $0xb8;
	[tilespmem:$0x1FB80] =	vst v63  }
0x1a9: {  	v6 =	vld [tilespmem:$0x5000]  }
0x1aa: {  	v7 =	vld [tilespmem:$0x50A0];
	_ =	sdelay $0x6  }
0x1ab: {  	v6 =	vld.idx.msk [tilespmem:v6+s3+$0x0], $0xffff  }
0x1ac: {  	v8 =	vld.idx.msk [tilespmem:v7+s10+$0x0], $0xffff;
	_ =	sdelay $0x4  }
0x1ad: {  	v6 =	vadd.f32 v8, v6;
	_ =	sdelay $0x1  }
0x1ae: {  	v8 =	vmul.f32 $2.000000030e-01, v6  }
0x1af: {  	vm0 =	vge.f32 v6, $0.0e+00  }
0x1b0: {  	v6 =	vsel vm0, v6, v8  }
0x1b1: {  	v6 =	vmul.f32 $1.442695020e+00, v6;
	_ =	sdelay $0x1  }
0x1b2: {  	(erf) = vpow2.f32 v6;
	_ =	sdelay $0x2  }
0x1b3: {  	v6 =	vld [tilespmem:$0x5010]  }
0x1b4: {  	v8 =	vld [tilespmem:$0x50B0];
	_ =	sdelay $0x4  }
0x1b5: {  	[tilespmem:$0x5140] =	vst v7;
	v9 =	vpop (erf)  }
0x1b6: {  	[tilespmem:$0x51E0] =	vst v9  }
0x1b7: {  	v6 =	vld.idx.msk [tilespmem:v6+s3+$0x0], $0xffff  }
0x1b8: {  	v7 =	vld.idx.msk [tilespmem:v8+s10+$0x0], $0xffff;
	_ =	sdelay $0x4  }
0x1b9: {  	v6 =	vadd.f32 v7, v6;
	_ =	sdelay $0x1  }
0x1ba: {  	v7 =	vmul.f32 $2.000000030e-01, v6  }
0x1bb: {  	vm12 =	vge.f32 v6, $0.0e+00  }
0x1bc: {  	v6 =	vsel vm12, v6, v7  }
0x1bd: {  	v6 =	vmul.f32 $1.442695020e+00, v6;
	_ =	sdelay $0x1  }
0x1be: {  	(erf) = vpow2.f32 v6;
	_ =	sdelay $0x2  }
0x1bf: {  	v6 =	vld [tilespmem:$0x5020]  }
0x1c0: {  	v7 =	vld [tilespmem:$0x50C0];
	_ =	sdelay $0x4  }
0x1c1: {  	[tilespmem:$0x5150] =	vst v8;
	v9 =	vpop (erf)  }
0x1c2: {  	[tilespmem:$0x51F0] =	vst v9  }
0x1c3: {  	v6 =	vld.idx.msk [tilespmem:v6+s3+$0x0], $0xffff  }
0x1c4: {  	v8 =	vld.idx.msk [tilespmem:v7+s10+$0x0], $0xffff;
	_ =	sdelay $0x4  }
0x1c5: {  	v6 =	vadd.f32 v8, v6;
	_ =	sdelay $0x1  }
0x1c6: {  	v8 =	vmul.f32 $2.000000030e-01, v6  }
0x1c7: {  	vm13 =	vge.f32 v6, $0.0e+00  }
0x1c8: {  	v6 =	vsel vm13, v6, v8  }
0x1c9: {  	v6 =	vmul.f32 $1.442695020e+00, v6;
	_ =	sdelay $0x1  }
0x1ca: {  	(erf) = vpow2.f32 v6;
	_ =	sdelay $0x2  }
0x1cb: {  	v6 =	vld [tilespmem:$0x5030]  }
0x1cc: {  	v8 =	vld [tilespmem:$0x50D0];
	_ =	sdelay $0x4  }
0x1cd: {  	[tilespmem:$0x5160] =	vst v7;
	v9 =	vpop (erf)  }
0x1ce: {  	[tilespmem:$0x5200] =	vst v9  }
0x1cf: {  	v6 =	vld.idx.msk [tilespmem:v6+s3+$0x0], $0xffff  }
0x1d0: {  	v7 =	vld.idx.msk [tilespmem:v8+s10+$0x0], $0xffff;
	_ =	sdelay $0x4  }
0x1d1: {  	v6 =	vadd.f32 v7, v6;
	_ =	sdelay $0x1  }
0x1d2: {  	v7 =	vmul.f32 $2.000000030e-01, v6  }
0x1d3: {  	vm14 =	vge.f32 v6, $0.0e+00  }
0x1d4: {  	v6 =	vsel vm14, v6, v7  }
0x1d5: {  	v6 =	vmul.f32 $1.442695020e+00, v6;
	_ =	sdelay $0x1  }
0x1d6: {  	(erf) = vpow2.f32 v6;
	_ =	sdelay $0x2  }
0x1d7: {  	v6 =	vld [tilespmem:$0x5040]  }
0x1d8: {  	v7 =	vld [tilespmem:$0x50E0];
	_ =	sdelay $0x4  }
0x1d9: {  	[tilespmem:$0x5170] =	vst v8;
	v9 =	vpop (erf)  }
0x1da: {  	[tilespmem:$0x5210] =	vst v9  }
0x1db: {  	v6 =	vld.idx.msk [tilespmem:v6+s3+$0x0], $0xffff  }
0x1dc: {  	v8 =	vld.idx.msk [tilespmem:v7+s10+$0x0], $0xffff;
	_ =	sdelay $0x4  }
0x1dd: {  	v6 =	vadd.f32 v8, v6;
	_ =	sdelay $0x1  }
0x1de: {  	v8 =	vmul.f32 $2.000000030e-01, v6  }
0x1df: {  	vm15 =	vge.f32 v6, $0.0e+00  }
0x1e0: {  	v6 =	vsel vm15, v6, v8  }
0x1e1: {  	v6 =	vmul.f32 $1.442695020e+00, v6;
	_ =	sdelay $0x1  }
0x1e2: {  	(erf) = vpow2.f32 v6;
	_ =	sdelay $0x8  }
0x1e3: {  	[tilespmem:$0x5180] =	vst v7;
	v6 =	vpop (erf)  }
0x1e4: {  	s0 =	simm.s32 $0x7D88;
	[tilespmem:$0x5220] =	vst v6  }
0x1e5: {  	v6 =	vmov s7;
	v11 =	vld [tilespmem:s0+$0xFFFFFFE8]  }
0x1e6: {  	v10 =	vld [tilespmem:s0+$0x50]  }
0x1e7: {  	v15 =	vld [tilespmem:s0+$0xFFFFFFC8]  }
0x1e8: {  	s28 =	simm.s32 $0x0;
	v8 =	vld [tilespmem:s0+$0x60]  }
0x1e9: {  	v7 =	vmov s28;
	v9 =	vld [tilespmem:s0+$0x70]  }
0x1ea: {  	v7 =	vand.u32 $0xFFFFFFFE, v7;
	v12 =	vld.idx.msk [tilespmem:v6+s20+$0x0], $0xffff  }
0x1eb: {  	v6 =	vbroadcast v7, $0x0;
	v7 =	vld [tilespmem:s0+$0x0]  }
0x1ec: {  	v13 =	vld [tilespmem:s0+$0x10]  }
0x1ed: {  	v14 =	vld [tilespmem:s0+$0x20]  }
0x1ee: {  	v16 =	vld [tilespmem:s0+$0x30]  }
0x1ef: {  	v17 =	vld [tilespmem:s0+$0x40]  }
0x1f0: {  	v18 =	vld [tilespmem:s0+$0xFFFFFF78];
	v19 =	vmul.f32 v7, v12  }
0x1f1: {  	v13 =	vmul.f32 v13, v12;
	v7 =	vld.idx.msk [tilespmem:v6+s20+$0x0], $0xffff  }
0x1f2: {  	v20 =	vld [tilespmem:s0+$0xFFFFFF98];
	v14 =	vmul.f32 v14, v12;
	[tilespmem:s0+$0x0] =	vst v19  }
0x1f3: {  	v63 =	vmul.f32 v10, v12;
	v10 =	vld [tilespmem:s0+$0xFFFFFF88];
	v6 =	vmul.f32 v8, v12;
	[tilespmem:s0+$0x10] =	vst v13  }
0x1f4: {  	v16 =	vmul.f32 v16, v12;
	v8 =	vld [tilespmem:s0+$0xFFFFFFD8];
	[tilespmem:s0+$0x20] =	vst v14  }
0x1f5: {  	v17 =	vmul.f32 v17, v12;
	[tilespmem:s0+$0x60] =	vst v6;
	v6 =	vld [tilespmem:s0+$0xFFFFFFA8]  }
0x1f6: {  	[tilespmem:s0+$0x30] =	vst v16;
	v14 =	vmul.f32 v11, v7;
	v11 =	vld [tilespmem:s0+$0xFFFFFFB8]  }
0x1f7: {  	v9 =	vmul.f32 v9, v12;
	[tilespmem:s0+$0x40] =	vst v17;
	v13 =	vmul.f32 v18, v7  }
0x1f8: {  	s4 =	simm.s32 $0x3;
	s7 =	simm.s32 $0x7D88;
	[tilespmem:s0+$0x50] =	vst v63;
	v12 =	vmul.f32 v20, v7;
	v15 =	vmul.f32 v15, v7  }
.LBB2_9:
0x1f9: {  	p0 =	sne.s32 s4, $0x27  }
0x1fa: {  	v10 =	vmul.f32 v10, v7;
	v8 =	vmul.f32 v8, v7;
	[tilespmem:s0+$0x70] =	vst v9;
	s7 =	sadd.s32 $0x110, s7;
	s22 =	smov.u32 s4;
	s4 =	sadd.s32 $0x2, s4  }
0x1fb: {  	v6 =	vmul.f32 v6, v7;
	v7 =	vmul.f32 v11, v7;
	[tilespmem:s0+$0xFFFFFFE8] =	vst v14  }
0x1fc: {  	[tilespmem:s0+$0xFFFFFF78] =	vst v13  }
0x1fd: {  	v14 =	vld [tilespmem:s7+$0xFFFFFFE8];
	[tilespmem:s0+$0xFFFFFFC8] =	vst v15  }
0x1fe: {  	v9 =	vmov s22;
	v13 =	vld [tilespmem:s7+$0x50];
	[tilespmem:s0+$0xFFFFFF98] =	vst v12  }
0x1ff: {  	v15 =	vld [tilespmem:s7+$0xFFFFFFC8];
	[tilespmem:s0+$0xFFFFFFA8] =	vst v6  }
0x200: {  	v6 =	vld [tilespmem:s7+$0xFFFFFFA8];
	[tilespmem:s0+$0xFFFFFFB8] =	vst v7  }
0x201: {  	s22 =	sadd.s32 $0xFFFFFFFF, s22;
	v11 =	vld [tilespmem:s7+$0x60];
	[tilespmem:s0+$0xFFFFFFD8] =	vst v8  }
0x202: {  	v7 =	vmov s22;
	v8 =	vld [tilespmem:s7+$0x70];
	[tilespmem:s0+$0xFFFFFF88] =	vst v10;
	s0 =	smov.u32 s7  }
0x203: {  	v7 =	vand.u32 $0xFFFFFFFE, v7;
	v12 =	vld.idx.msk [tilespmem:v9+s20+$0x0], $0xffff  }
0x204: {  	v7 =	vbroadcast v7, $0x0;
	v9 =	vld [tilespmem:s7+$0x0]  }
0x205: {  	v10 =	vld [tilespmem:s7+$0x10]  }
0x206: {  	v16 =	vld [tilespmem:s7+$0x20]  }
0x207: {  	v17 =	vld [tilespmem:s7+$0x30]  }
0x208: {  	v18 =	vld [tilespmem:s7+$0x40]  }
0x209: {  	v19 =	vld [tilespmem:s7+$0xFFFFFF78];
	v20 =	vmul.f32 v9, v12;
	v9 =	vmul.f32 v8, v12  }
0x20a: {  	v7 =	vld.idx.msk [tilespmem:v7+s20+$0x0], $0xffff;
	v21 =	vmul.f32 v10, v12;
	v10 =	vmul.f32 v11, v12  }
0x20b: {  	v22 =	vld [tilespmem:s7+$0xFFFFFF98];
	[tilespmem:s7+$0x0] =	vst v20;
	v16 =	vmul.f32 v16, v12  }
0x20c: {  	v8 =	vld [tilespmem:s7+$0xFFFFFFD8];
	v17 =	vmul.f32 v17, v12;
	[tilespmem:s7+$0x60] =	vst v10  }
.Ltmp3:
0x20d: {  	v10 =	vld [tilespmem:s7+$0xFFFFFF88];
	[tilespmem:s7+$0x10] =	vst v21;
	v18 =	vmul.f32 v18, v12;
	(pc) =	sbr.rel @p0 .LBB2_9-.Ltmp3, $4  }
0x20e: {  	v11 =	vld [tilespmem:s7+$0xFFFFFFB8];
	[tilespmem:s7+$0x20] =	vst v16;
	v16 =	vmul.f32 v13, v12  }
0x20f: {  	[tilespmem:s7+$0x30] =	vst v17  }
0x210: {  	v13 =	vmul.f32 v19, v7;
	v14 =	vmul.f32 v14, v7;
	[tilespmem:s7+$0x40] =	vst v18  }
0x211: {  	v15 =	vmul.f32 v15, v7;
	v12 =	vmul.f32 v22, v7;
	[tilespmem:s7+$0x50] =	vst v16  }
0x212: {  	[tilespmem:s0+$0x70] =	vst v9  }
0x213: {  	[tilespmem:s0+$0xFFFFFFE8] =	vst v14  }
0x214: {  	[tilespmem:s0+$0xFFFFFF78] =	vst v13  }
0x215: {  	v6 =	vmul.f32 v6, v7;
	[tilespmem:s0+$0xFFFFFFC8] =	vst v15  }
0x216: {  	v8 =	vmul.f32 v8, v7;
	[tilespmem:s0+$0xFFFFFF98] =	vst v12  }
0x217: {  	v9 =	vmul.f32 v11, v7;
	[tilespmem:s0+$0xFFFFFFA8] =	vst v6  }
0x218: {  	v6 =	vmul.f32 v10, v7;
	[tilespmem:s0+$0xFFFFFFD8] =	vst v8  }
0x219: {  	[tilespmem:s0+$0xFFFFFFB8] =	vst v9  }
0x21a: {  	[tilespmem:s0+$0xFFFFFF88] =	vst v6  }
0x21b: {  	s4 =	simm.s32 $0x28;
	_ =	swait.ge [sflag:s21], $0x1540  }
0x21c: {  	v6 =	vmov s4;
	[sflag:s21] =	ssyncset.done $0x0  }
0x21d: {  	s0 =	simm.s32 $0x9338;
	v6 =	vand.u32 $0xFFFFFFFE, v6;
	[sflag:s21] =	ssyncadd.s32 $0xFFFFEAC0  }
0x21e: {  	v6 =	vbroadcast v6, $0x0;
	v9 =	vld [tilespmem:s0+$0xFFFFFF78]  }
0x21f: {  	v8 =	vld [tilespmem:s0+$0xFFFFFF58]  }
0x220: {  	v10 =	vld [tilespmem:s0+$0xFFFFFF38]  }
0x221: {  	v7 =	vld [tilespmem:s0+$0xFFFFFF18]  }
0x222: {  	v13 =	vld [tilespmem:s0+$0xFFFFFF28]  }
0x223: {  	v14 =	vld [tilespmem:s0+$0xFFFFFF48]  }
0x224: {  	s22 =	simm.s32 $0x29;
	v11 =	vld.idx.msk [tilespmem:v6+s20+$0x0], $0xffff  }
0x225: {  	v12 =	vmov s22;
	v6 =	vld [tilespmem:s0+$0xFFFFFF08]  }
0x226: {  	v15 =	vld [tilespmem:s0+$0xFFFFFF68]  }
0x227: {  	v17 =	vld [tilespmem:s0+$0xFFFFFFC0]  }
0x228: {  	v63 =	vld [tilespmem:s0+$0xFFFFFF90]  }
0x229: {  	v18 =	vld [tilespmem:s0+$0xFFFFFFB0];
	v16 =	vmul.f32 v7, v11  }
0x22a: {  	v6 =	vmul.f32 v6, v11;
	v7 =	vld.idx.msk [tilespmem:v12+s20+$0x0], $0xffff  }
0x22b: {  	v12 =	vmul.f32 v13, v11;
	v13 =	vld [tilespmem:s0+$0xFFFFFFA0];
	[tilespmem:s0+$0xFFFFFF18] =	vst v16  }
0x22c: {  	v10 =	vmul.f32 v10, v11;
	[tilespmem:s0+$0xFFFFFF08] =	vst v6;
	v6 =	vld [tilespmem:s0+$0xFFFFFFF0]  }
0x22d: {  	v14 =	vmul.f32 v14, v11;
	[tilespmem:s0+$0xFFFFFF28] =	vst v12;
	v12 =	vmul.f32 v8, v11;
	v8 =	vld [tilespmem:s0+$0xFFFFFFE0]  }
0x22e: {  	v15 =	vmul.f32 v15, v11;
	[tilespmem:s0+$0xFFFFFF38] =	vst v10;
	v10 =	vld [tilespmem:s0+$0xFFFFFFD0]  }
0x22f: {  	[tilespmem:s0+$0xFFFFFF48] =	vst v14;
	v11 =	vmul.f32 v9, v11;
	v9 =	vld [tilespmem:s0+$0x0]  }
0x230: {  	[tilespmem:s0+$0xFFFFFF68] =	vst v15  }
0x231: {  	s28 =	simm.s32 $0x2A;
	[tilespmem:s0+$0xFFFFFF58] =	vst v12;
	v14 =	vmul.f32 v63, v7;
	v12 =	vmul.f32 v13, v7  }
0x232: {  	s7 =	simm.s32 $0x2D;
	s22 =	simm.s32 $0x9338;
	s4 =	simm.s32 $0x2B;
	[tilespmem:s0+$0xFFFFFF78] =	vst v11;
	v13 =	vmul.f32 v18, v7;
	v11 =	vmul.f32 v17, v7  }
.LBB2_11:
0x233: {  	p0 =	sne.s32 s7, $0x4F;
	v15 =	vmov s28;
	[tilespmem:s0+$0xFFFFFF90] =	vst v14;
	v10 =	vmul.f32 v10, v7;
	v8 =	vmul.f32 v8, v7  }
0x234: {  	v14 =	vand.u32 $0xFFFFFFFE, v15;
	[tilespmem:s0+$0xFFFFFFA0] =	vst v12;
	v12 =	vmul.f32 v6, v7;
	v7 =	vmul.f32 v9, v7  }
0x235: {  	s0 =	sadd.s32 $0x110, s0;
	v9 =	vbroadcast v14, $0x0;
	[tilespmem:s22+$0xFFFFFFB0] =	vst v13  }
0x236: {  	v6 =	vld [tilespmem:s0+$0xFFFFFFF0];
	[tilespmem:s22+$0xFFFFFFC0] =	vst v11  }
0x237: {  	v11 =	vld [tilespmem:s0+$0xFFFFFF78];
	[tilespmem:s22+$0xFFFFFFD0] =	vst v10  }
0x238: {  	v10 =	vld [tilespmem:s0+$0xFFFFFF58];
	[tilespmem:s22+$0xFFFFFFE0] =	vst v8  }
0x239: {  	v13 =	vld [tilespmem:s0+$0xFFFFFF38];
	[tilespmem:s22+$0xFFFFFFF0] =	vst v12  }
0x23a: {  	v12 =	vld [tilespmem:s0+$0xFFFFFF18];
	[tilespmem:s22+$0x0] =	vst v7;
	s22 =	smov.u32 s0  }
0x23b: {  	v9 =	vld.idx.msk [tilespmem:v9+s20+$0x0], $0xffff  }
0x23c: {  	v7 =	vld [tilespmem:s0+$0xFFFFFF08]  }
0x23d: {  	v14 =	vld [tilespmem:s0+$0xFFFFFF28]  }
0x23e: {  	v15 =	vmov s4;
	s4 =	smov.u32 s7;
	v16 =	vld [tilespmem:s0+$0xFFFFFF48]  }
0x23f: {  	v17 =	vld [tilespmem:s0+$0xFFFFFF68]  }
0x240: {  	v8 =	vld [tilespmem:s0+$0xFFFFFFE0]  }
0x241: {  	v12 =	vmul.f32 v12, v9;
	v18 =	vmul.f32 v7, v9;
	v19 =	vld [tilespmem:s0+$0xFFFFFFC0]  }
0x242: {  	v13 =	vmul.f32 v13, v9;
	v14 =	vmul.f32 v14, v9;
	v20 =	vld [tilespmem:s0+$0xFFFFFFA0]  }
0x243: {  	v7 =	vld.idx.msk [tilespmem:v15+s20+$0x0], $0xffff;
	[tilespmem:s0+$0xFFFFFF18] =	vst v12;
	v12 =	vmul.f32 v16, v9;
	v15 =	vmul.f32 v10, v9  }
0x244: {  	v11 =	vmul.f32 v11, v9;
	[tilespmem:s0+$0xFFFFFF08] =	vst v18;
	v16 =	vmul.f32 v17, v9;
	v17 =	vld [tilespmem:s0+$0xFFFFFF90]  }
0x245: {  	[tilespmem:s0+$0xFFFFFF28] =	vst v14;
	v18 =	vld [tilespmem:s0+$0xFFFFFFB0]  }
.Ltmp4:
0x246: {  	[tilespmem:s0+$0xFFFFFF38] =	vst v13;
	v10 =	vld [tilespmem:s0+$0xFFFFFFD0];
	(pc) =	sbr.rel @p0 .LBB2_11-.Ltmp4, $4  }
0x247: {  	[tilespmem:s0+$0xFFFFFF48] =	vst v12;
	v9 =	vld [tilespmem:s0+$0x0]  }
0x248: {  	[tilespmem:s0+$0xFFFFFF58] =	vst v15  }
0x249: {  	v12 =	vmul.f32 v20, v7;
	[tilespmem:s0+$0xFFFFFF68] =	vst v16;
	v14 =	vmul.f32 v17, v7  }
0x24a: {  	s7 =	sadd.s32 $0x2, s7;
	s28 =	sadd.s32 $0xFFFFFFFF, s4;
	[tilespmem:s0+$0xFFFFFF78] =	vst v11;
	v13 =	vmul.f32 v18, v7;
	v11 =	vmul.f32 v19, v7  }
0x24b: {  	v15 =	vmov s28;
	[tilespmem:s0+$0xFFFFFF90] =	vst v14  }
0x24c: {  	[tilespmem:s0+$0xFFFFFFA0] =	vst v12;
	v14 =	vand.u32 $0xFFFFFFFE, v15  }
0x24d: {  	s28 =	sadd.s32 $0x110, s0;
	v10 =	vmul.f32 v10, v7;
	[tilespmem:s22+$0xFFFFFFB0] =	vst v13;
	v12 =	vbroadcast v14, $0x0  }
0x24e: {  	v8 =	vmul.f32 v8, v7;
	v13 =	vld [tilespmem:s28+$0xFFFFFFF0];
	[tilespmem:s22+$0xFFFFFFC0] =	vst v11  }
0x24f: {  	v6 =	vmul.f32 v6, v7;
	[tilespmem:s22+$0xFFFFFFD0] =	vst v10  }
0x250: {  	v7 =	vmul.f32 v9, v7;
	[tilespmem:s22+$0xFFFFFFE0] =	vst v8  }
0x251: {  	v9 =	vld [tilespmem:s28+$0xFFFFFF08];
	[tilespmem:s22+$0xFFFFFFF0] =	vst v6  }
0x252: {  	v6 =	vld [tilespmem:s28+$0xFFFFFF18];
	[tilespmem:s22+$0x0] =	vst v7  }
0x253: {  	v7 =	vld.idx.msk [tilespmem:v12+s20+$0x0], $0xffff  }
0x254: {  	v11 =	vld [tilespmem:s28+$0xFFFFFF28]  }
0x255: {  	v8 =	vld [tilespmem:s28+$0xFFFFFF58];
	v10 =	vmov s4  }
0x256: {  	v14 =	vld [tilespmem:s28+$0xFFFFFF48]  }
0x257: {  	v12 =	vld [tilespmem:s28+$0xFFFFFF38]  }
0x258: {  	v15 =	vld [tilespmem:s28+$0xFFFFFF68];
	v6 =	vmul.f32 v6, v7  }
0x259: {  	v16 =	vld [tilespmem:s28+$0xFFFFFF78];
	v9 =	vmul.f32 v9, v7  }
0x25a: {  	v10 =	vld.idx.msk [tilespmem:v10+s20+$0x0], $0xffff;
	v11 =	vmul.f32 v11, v7;
	[tilespmem:s28+$0xFFFFFF18] =	vst v6  }
0x25b: {  	v14 =	vmul.f32 v14, v7;
	[tilespmem:s28+$0xFFFFFF08] =	vst v9;
	v9 =	vld [tilespmem:s28+$0xFFFFFF90]  }
0x25c: {  	v8 =	vmul.f32 v8, v7;
	v6 =	vmul.f32 v12, v7;
	v12 =	vld [tilespmem:s28+$0xFFFFFFA0];
	[tilespmem:s28+$0xFFFFFF28] =	vst v11  }
0x25d: {  	v11 =	vld [tilespmem:s28+$0xFFFFFFB0];
	[tilespmem:s28+$0xFFFFFF48] =	vst v14  }
0x25e: {  	v15 =	vmul.f32 v15, v7;
	[tilespmem:s28+$0xFFFFFF58] =	vst v8;
	v8 =	vld [tilespmem:s28+$0xFFFFFFE0]  }
0x25f: {  	v7 =	vmul.f32 v16, v7;
	[tilespmem:s28+$0xFFFFFF38] =	vst v6;
	v6 =	vld [tilespmem:s28+$0xFFFFFFC0]  }
0x260: {  	v14 =	vld [tilespmem:s28+$0xFFFFFFD0];
	[tilespmem:s28+$0xFFFFFF68] =	vst v15;
	v9 =	vmul.f32 v9, v10  }
0x261: {  	[tilespmem:s28+$0xFFFFFF78] =	vst v7;
	v7 =	vld [tilespmem:s28+$0x0];
	v12 =	vmul.f32 v12, v10  }
0x262: {  	v11 =	vmul.f32 v11, v10;
	[tilespmem:s28+$0xFFFFFF90] =	vst v9  }
0x263: {  	v8 =	vmul.f32 v8, v10;
	[tilespmem:s28+$0xFFFFFFA0] =	vst v12  }
0x264: {  	v6 =	vmul.f32 v6, v10;
	[tilespmem:s28+$0xFFFFFFB0] =	vst v11  }
0x265: {  	v9 =	vmul.f32 v14, v10;
	[tilespmem:s28+$0xFFFFFFE0] =	vst v8  }
0x266: {  	v7 =	vmul.f32 v7, v10;
	[tilespmem:s28+$0xFFFFFFC0] =	vst v6  }
0x267: {  	v6 =	vmul.f32 v13, v10;
	[tilespmem:s28+$0xFFFFFFD0] =	vst v9  }
0x268: {  	[tilespmem:s28+$0x0] =	vst v7  }
0x269: {  	[tilespmem:s28+$0xFFFFFFF0] =	vst v6  }
0x26a: {  	v6 =	vld [tilespmem:$0x5230];
	_ =	sdelay $0x4  }
0x26b: {  	[tilespmem:v1+s31+$0x0] =	vst.idx.msk $0xffff, v6  }
0x26c: {  	v6 =	vld [tilespmem:$0x5240];
	_ =	sdelay $0x4  }
0x26d: {  	[tilespmem:v2+s31+$0x0] =	vst.idx.msk $0xffff, v6  }
0x26e: {  	v6 =	vld [tilespmem:$0x5250];
	_ =	sdelay $0x4  }
0x26f: {  	[tilespmem:v3+s31+$0x0] =	vst.idx.msk $0xffff, v6  }
0x270: {  	v6 =	vld [tilespmem:$0x5260];
	_ =	sdelay $0x4  }
0x271: {  	[tilespmem:v4+s31+$0x0] =	vst.idx.msk $0xffff, v6  }
0x272: {  	v6 =	vld [tilespmem:$0x5270];
	_ =	sdelay $0x4  }
0x273: {  	s7 =	simm.s32 $0x5190;
	[tilespmem:v5+s31+$0x0] =	vst.idx.msk $0xffff, v6  }
0x274: {  	[spmem:s2] =	stream.indirect.scatter.add.f32 [tilespmem:s31], [sflag:$0x6], $0x88, s7, s18, $0xb8;
	[tilespmem:$0x1FB80] =	vst v63  }
0x275: {  	s22 =	sadd.s32 s9, s26;
	_ =	swait.ge [sflag:s13], $0x1540  }
0x276: {  	s0 =	sshrl.u32 s22, $0x3;
	[sflag:s13] =	ssyncset.done $0x0  }
0x277: {  	s0 =	sadd.s32 s1, s0;
	[sflag:s13] =	ssyncadd.s32 $0xFFFFEAC0  }
0x278: {  	[tilespmem:s6], [sflag:$0x1] =	stream.linear.gather [hbm4b:s0+s3], $0x50, $0x38;
	[tilespmem:$0x1FB80] =	vst v63  }
0x279: {  	s28 =	simm.s32 $0x50A0;
	s0 =	sadd.s32 $0x9C40, s0  }
0x27a: {  	[tilespmem:s28], [sflag:$0x1] =	stream.linear.gather [hbm4b:s0+s3], $0x50, $0x38;
	[tilespmem:$0x1FB80] =	vst v63  }
0x27b: {  	_ =	swait.ge [sflag:s30], $0x50  }
0x27c: {  	[sflag:s30] =	ssyncset.done $0x0  }
0x27d: {  	[sflag:s30] =	ssyncadd.s32 $0xFFFFFFB0  }
0x27e: {  	_ =	swait.ge [sflag:s30], $0x50  }
0x27f: {  	[sflag:s30] =	ssyncset.done $0x0  }
0x280: {  	[sflag:s30] =	ssyncadd.s32 $0xFFFFFFB0  }
0x281: {  	_ =	swait.ge [sflag:s23], $0x2A80  }
0x282: {  	[sflag:s23] =	ssyncset.done $0x0  }
0x283: {  	[sflag:s23] =	ssyncadd.s32 $0xFFFFD580  }
0x284: {  	[tilespmem:s31], [sflag:$0x4] =	stream.indirect.gather [hbm4b:s5+s15], $0x88, s8, s15, $0xb8;
	[tilespmem:$0x1FB80] =	vst v63  }
0x285: {  	s9 =	simm.s32 $0x9240;
	s7 =	simm.s32 $0x5078  }
0x286: {  	[tilespmem:s9], [sflag:$0x8] =	stream.indirect.gather [hbm4b:s5+s15], $0x88, s7, s15, $0xb8;
	[tilespmem:$0x1FB80] =	vst v63  }
0x287: {  	v6 =	vld [tilespmem:$0x5050]  }
0x288: {  	v7 =	vld [tilespmem:$0x50F0];
	_ =	sdelay $0x6  }
0x289: {  	v6 =	vld.idx.msk [tilespmem:v6+s3+$0x0], $0xffff  }
0x28a: {  	v8 =	vld.idx.msk [tilespmem:v7+s10+$0x0], $0xffff;
	_ =	sdelay $0x4  }
0x28b: {  	v6 =	vadd.f32 v8, v6;
	_ =	sdelay $0x1  }
0x28c: {  	v8 =	vmul.f32 $2.000000030e-01, v6  }
0x28d: {  	vm0 =	vge.f32 v6, $0.0e+00  }
0x28e: {  	v6 =	vsel vm0, v6, v8  }
0x28f: {  	v6 =	vmul.f32 $1.442695020e+00, v6;
	_ =	sdelay $0x1  }
0x290: {  	(erf) = vpow2.f32 v6;
	_ =	sdelay $0x2  }
0x291: {  	v6 =	vld [tilespmem:$0x5060]  }
0x292: {  	v8 =	vld [tilespmem:$0x5100];
	_ =	sdelay $0x4  }
0x293: {  	[tilespmem:$0x5190] =	vst v7;
	v9 =	vpop (erf)  }
0x294: {  	[tilespmem:$0x5230] =	vst v9  }
0x295: {  	v6 =	vld.idx.msk [tilespmem:v6+s3+$0x0], $0xffff  }
0x296: {  	v7 =	vld.idx.msk [tilespmem:v8+s10+$0x0], $0xffff;
	_ =	sdelay $0x4  }
0x297: {  	v6 =	vadd.f32 v7, v6;
	_ =	sdelay $0x1  }
0x298: {  	v7 =	vmul.f32 $2.000000030e-01, v6  }
0x299: {  	vm12 =	vge.f32 v6, $0.0e+00  }
0x29a: {  	v6 =	vsel vm12, v6, v7  }
0x29b: {  	v6 =	vmul.f32 $1.442695020e+00, v6;
	_ =	sdelay $0x1  }
0x29c: {  	(erf) = vpow2.f32 v6;
	_ =	sdelay $0x2  }
0x29d: {  	v6 =	vld [tilespmem:$0x5070]  }
0x29e: {  	v7 =	vld [tilespmem:$0x5110];
	_ =	sdelay $0x4  }
0x29f: {  	[tilespmem:$0x51A0] =	vst v8;
	v9 =	vpop (erf)  }
0x2a0: {  	[tilespmem:$0x5240] =	vst v9  }
0x2a1: {  	v6 =	vld.idx.msk [tilespmem:v6+s3+$0x0], $0xffff  }
0x2a2: {  	v8 =	vld.idx.msk [tilespmem:v7+s10+$0x0], $0xffff;
	_ =	sdelay $0x4  }
0x2a3: {  	v6 =	vadd.f32 v8, v6;
	_ =	sdelay $0x1  }
0x2a4: {  	v8 =	vmul.f32 $2.000000030e-01, v6  }
0x2a5: {  	vm13 =	vge.f32 v6, $0.0e+00  }
0x2a6: {  	v6 =	vsel vm13, v6, v8  }
0x2a7: {  	v6 =	vmul.f32 $1.442695020e+00, v6;
	_ =	sdelay $0x1  }
0x2a8: {  	(erf) = vpow2.f32 v6;
	_ =	sdelay $0x2  }
0x2a9: {  	v6 =	vld [tilespmem:$0x5080]  }
0x2aa: {  	v8 =	vld [tilespmem:$0x5120];
	_ =	sdelay $0x4  }
0x2ab: {  	[tilespmem:$0x51B0] =	vst v7;
	v9 =	vpop (erf)  }
0x2ac: {  	[tilespmem:$0x5250] =	vst v9  }
0x2ad: {  	v6 =	vld.idx.msk [tilespmem:v6+s3+$0x0], $0xffff  }
0x2ae: {  	v7 =	vld.idx.msk [tilespmem:v8+s10+$0x0], $0xffff;
	_ =	sdelay $0x4  }
0x2af: {  	v6 =	vadd.f32 v7, v6;
	_ =	sdelay $0x1  }
0x2b0: {  	v7 =	vmul.f32 $2.000000030e-01, v6  }
0x2b1: {  	vm14 =	vge.f32 v6, $0.0e+00  }
0x2b2: {  	v6 =	vsel vm14, v6, v7  }
0x2b3: {  	v6 =	vmul.f32 $1.442695020e+00, v6;
	_ =	sdelay $0x1  }
0x2b4: {  	(erf) = vpow2.f32 v6;
	_ =	sdelay $0x2  }
0x2b5: {  	v6 =	vld [tilespmem:$0x5090]  }
0x2b6: {  	v7 =	vld [tilespmem:$0x5130];
	_ =	sdelay $0x4  }
0x2b7: {  	[tilespmem:$0x51C0] =	vst v8;
	v9 =	vpop (erf)  }
0x2b8: {  	[tilespmem:$0x5260] =	vst v9  }
0x2b9: {  	v6 =	vld.idx.msk [tilespmem:v6+s3+$0x0], $0xffff  }
0x2ba: {  	v8 =	vld.idx.msk [tilespmem:v7+s10+$0x0], $0xffff;
	_ =	sdelay $0x4  }
0x2bb: {  	v6 =	vadd.f32 v8, v6;
	_ =	sdelay $0x1  }
0x2bc: {  	v8 =	vmul.f32 $2.000000030e-01, v6  }
0x2bd: {  	vm15 =	vge.f32 v6, $0.0e+00  }
0x2be: {  	v6 =	vsel vm15, v6, v8  }
0x2bf: {  	v6 =	vmul.f32 $1.442695020e+00, v6;
	_ =	sdelay $0x1  }
0x2c0: {  	(erf) = vpow2.f32 v6;
	_ =	sdelay $0x8  }
0x2c1: {  	[tilespmem:$0x51D0] =	vst v7;
	v6 =	vpop (erf)  }
0x2c2: {  	s22 =	simm.s32 $0x1;
	s0 =	simm.s32 $0x5308;
	[tilespmem:$0x5270] =	vst v6  }
0x2c3: {  	v6 =	vmov s22;
	v11 =	vld [tilespmem:s0+$0xFFFFFFE8]  }
0x2c4: {  	v10 =	vld [tilespmem:s0+$0x50]  }
0x2c5: {  	v15 =	vld [tilespmem:s0+$0xFFFFFFC8]  }
0x2c6: {  	s28 =	simm.s32 $0x0;
	v8 =	vld [tilespmem:s0+$0x60]  }
0x2c7: {  	v7 =	vmov s28;
	v9 =	vld [tilespmem:s0+$0x70]  }
0x2c8: {  	v7 =	vand.u32 $0xFFFFFFFE, v7;
	v12 =	vld.idx.msk [tilespmem:v6+s16+$0x0], $0xffff  }
0x2c9: {  	v6 =	vbroadcast v7, $0x0;
	v7 =	vld [tilespmem:s0+$0x0]  }
0x2ca: {  	v13 =	vld [tilespmem:s0+$0x10]  }
0x2cb: {  	v14 =	vld [tilespmem:s0+$0x20]  }
0x2cc: {  	v16 =	vld [tilespmem:s0+$0x30]  }
0x2cd: {  	v17 =	vld [tilespmem:s0+$0x40]  }
0x2ce: {  	v18 =	vld [tilespmem:s0+$0xFFFFFF78];
	v19 =	vmul.f32 v7, v12  }
0x2cf: {  	v13 =	vmul.f32 v13, v12;
	v7 =	vld.idx.msk [tilespmem:v6+s16+$0x0], $0xffff  }
0x2d0: {  	v20 =	vld [tilespmem:s0+$0xFFFFFF98];
	v14 =	vmul.f32 v14, v12;
	[tilespmem:s0+$0x0] =	vst v19  }
0x2d1: {  	v63 =	vmul.f32 v10, v12;
	v10 =	vld [tilespmem:s0+$0xFFFFFF88];
	v6 =	vmul.f32 v8, v12;
	[tilespmem:s0+$0x10] =	vst v13  }
0x2d2: {  	v16 =	vmul.f32 v16, v12;
	v8 =	vld [tilespmem:s0+$0xFFFFFFD8];
	[tilespmem:s0+$0x20] =	vst v14  }
0x2d3: {  	v17 =	vmul.f32 v17, v12;
	[tilespmem:s0+$0x60] =	vst v6;
	v6 =	vld [tilespmem:s0+$0xFFFFFFA8]  }
0x2d4: {  	[tilespmem:s0+$0x30] =	vst v16;
	v14 =	vmul.f32 v11, v7;
	v11 =	vld [tilespmem:s0+$0xFFFFFFB8]  }
0x2d5: {  	v9 =	vmul.f32 v9, v12;
	[tilespmem:s0+$0x40] =	vst v17;
	v13 =	vmul.f32 v18, v7  }
0x2d6: {  	s4 =	simm.s32 $0x3;
	s7 =	simm.s32 $0x5308;
	[tilespmem:s0+$0x50] =	vst v63;
	v12 =	vmul.f32 v20, v7;
	v15 =	vmul.f32 v15, v7  }
.LBB2_13:
0x2d7: {  	p0 =	sne.s32 s4, $0x27  }
0x2d8: {  	v10 =	vmul.f32 v10, v7;
	v8 =	vmul.f32 v8, v7;
	[tilespmem:s0+$0x70] =	vst v9;
	s7 =	sadd.s32 $0x110, s7;
	s9 =	smov.u32 s4;
	s4 =	sadd.s32 $0x2, s4  }
0x2d9: {  	v6 =	vmul.f32 v6, v7;
	v7 =	vmul.f32 v11, v7;
	[tilespmem:s0+$0xFFFFFFE8] =	vst v14  }
0x2da: {  	[tilespmem:s0+$0xFFFFFF78] =	vst v13  }
0x2db: {  	v14 =	vld [tilespmem:s7+$0xFFFFFFE8];
	[tilespmem:s0+$0xFFFFFFC8] =	vst v15  }
0x2dc: {  	v9 =	vmov s9;
	v13 =	vld [tilespmem:s7+$0x50];
	[tilespmem:s0+$0xFFFFFF98] =	vst v12  }
0x2dd: {  	v15 =	vld [tilespmem:s7+$0xFFFFFFC8];
	[tilespmem:s0+$0xFFFFFFA8] =	vst v6  }
0x2de: {  	v6 =	vld [tilespmem:s7+$0xFFFFFFA8];
	[tilespmem:s0+$0xFFFFFFB8] =	vst v7  }
0x2df: {  	s9 =	sadd.s32 $0xFFFFFFFF, s9;
	v11 =	vld [tilespmem:s7+$0x60];
	[tilespmem:s0+$0xFFFFFFD8] =	vst v8  }
0x2e0: {  	v7 =	vmov s9;
	v8 =	vld [tilespmem:s7+$0x70];
	[tilespmem:s0+$0xFFFFFF88] =	vst v10;
	s0 =	smov.u32 s7  }
0x2e1: {  	v7 =	vand.u32 $0xFFFFFFFE, v7;
	v12 =	vld.idx.msk [tilespmem:v9+s16+$0x0], $0xffff  }
0x2e2: {  	v7 =	vbroadcast v7, $0x0;
	v9 =	vld [tilespmem:s7+$0x0]  }
0x2e3: {  	v10 =	vld [tilespmem:s7+$0x10]  }
0x2e4: {  	v16 =	vld [tilespmem:s7+$0x20]  }
0x2e5: {  	v17 =	vld [tilespmem:s7+$0x30]  }
0x2e6: {  	v18 =	vld [tilespmem:s7+$0x40]  }
0x2e7: {  	v19 =	vld [tilespmem:s7+$0xFFFFFF78];
	v20 =	vmul.f32 v9, v12;
	v9 =	vmul.f32 v8, v12  }
0x2e8: {  	v7 =	vld.idx.msk [tilespmem:v7+s16+$0x0], $0xffff;
	v21 =	vmul.f32 v10, v12;
	v10 =	vmul.f32 v11, v12  }
0x2e9: {  	v22 =	vld [tilespmem:s7+$0xFFFFFF98];
	[tilespmem:s7+$0x0] =	vst v20;
	v16 =	vmul.f32 v16, v12  }
0x2ea: {  	v8 =	vld [tilespmem:s7+$0xFFFFFFD8];
	v17 =	vmul.f32 v17, v12;
	[tilespmem:s7+$0x60] =	vst v10  }
.Ltmp5:
0x2eb: {  	v10 =	vld [tilespmem:s7+$0xFFFFFF88];
	[tilespmem:s7+$0x10] =	vst v21;
	v18 =	vmul.f32 v18, v12;
	(pc) =	sbr.rel @p0 .LBB2_13-.Ltmp5, $4  }
0x2ec: {  	v11 =	vld [tilespmem:s7+$0xFFFFFFB8];
	[tilespmem:s7+$0x20] =	vst v16;
	v16 =	vmul.f32 v13, v12  }
0x2ed: {  	[tilespmem:s7+$0x30] =	vst v17  }
0x2ee: {  	v13 =	vmul.f32 v19, v7;
	v14 =	vmul.f32 v14, v7;
	[tilespmem:s7+$0x40] =	vst v18  }
0x2ef: {  	v15 =	vmul.f32 v15, v7;
	v12 =	vmul.f32 v22, v7;
	[tilespmem:s7+$0x50] =	vst v16  }
0x2f0: {  	[tilespmem:s0+$0x70] =	vst v9  }
0x2f1: {  	[tilespmem:s0+$0xFFFFFFE8] =	vst v14  }
0x2f2: {  	[tilespmem:s0+$0xFFFFFF78] =	vst v13  }
0x2f3: {  	v6 =	vmul.f32 v6, v7;
	[tilespmem:s0+$0xFFFFFFC8] =	vst v15  }
0x2f4: {  	v8 =	vmul.f32 v8, v7;
	[tilespmem:s0+$0xFFFFFF98] =	vst v12  }
0x2f5: {  	v9 =	vmul.f32 v11, v7;
	[tilespmem:s0+$0xFFFFFFA8] =	vst v6  }
0x2f6: {  	v6 =	vmul.f32 v10, v7;
	[tilespmem:s0+$0xFFFFFFD8] =	vst v8  }
0x2f7: {  	[tilespmem:s0+$0xFFFFFFB8] =	vst v9  }
0x2f8: {  	[tilespmem:s0+$0xFFFFFF88] =	vst v6  }
0x2f9: {  	s4 =	simm.s32 $0x28;
	_ =	swait.ge [sflag:s17], $0x1540  }
0x2fa: {  	v6 =	vmov s4;
	[sflag:s17] =	ssyncset.done $0x0  }
0x2fb: {  	s0 =	simm.s32 $0x68B8;
	v6 =	vand.u32 $0xFFFFFFFE, v6;
	[sflag:s17] =	ssyncadd.s32 $0xFFFFEAC0  }
0x2fc: {  	v6 =	vbroadcast v6, $0x0;
	v9 =	vld [tilespmem:s0+$0xFFFFFF78]  }
0x2fd: {  	v8 =	vld [tilespmem:s0+$0xFFFFFF58]  }
0x2fe: {  	v10 =	vld [tilespmem:s0+$0xFFFFFF38]  }
0x2ff: {  	v7 =	vld [tilespmem:s0+$0xFFFFFF18]  }
0x300: {  	v13 =	vld [tilespmem:s0+$0xFFFFFF28]  }
0x301: {  	v14 =	vld [tilespmem:s0+$0xFFFFFF48]  }
0x302: {  	s28 =	simm.s32 $0x29;
	v11 =	vld.idx.msk [tilespmem:v6+s16+$0x0], $0xffff  }
0x303: {  	v12 =	vmov s28;
	v6 =	vld [tilespmem:s0+$0xFFFFFF08]  }
0x304: {  	v15 =	vld [tilespmem:s0+$0xFFFFFF68]  }
0x305: {  	v17 =	vld [tilespmem:s0+$0xFFFFFFC0]  }
0x306: {  	v63 =	vld [tilespmem:s0+$0xFFFFFF90]  }
0x307: {  	v18 =	vld [tilespmem:s0+$0xFFFFFFB0];
	v16 =	vmul.f32 v7, v11  }
0x308: {  	v6 =	vmul.f32 v6, v11;
	v7 =	vld.idx.msk [tilespmem:v12+s16+$0x0], $0xffff  }
0x309: {  	v12 =	vmul.f32 v13, v11;
	v13 =	vld [tilespmem:s0+$0xFFFFFFA0];
	[tilespmem:s0+$0xFFFFFF18] =	vst v16  }
0x30a: {  	v10 =	vmul.f32 v10, v11;
	[tilespmem:s0+$0xFFFFFF08] =	vst v6;
	v6 =	vld [tilespmem:s0+$0xFFFFFFF0]  }
0x30b: {  	v14 =	vmul.f32 v14, v11;
	[tilespmem:s0+$0xFFFFFF28] =	vst v12;
	v12 =	vmul.f32 v8, v11;
	v8 =	vld [tilespmem:s0+$0xFFFFFFE0]  }
0x30c: {  	v15 =	vmul.f32 v15, v11;
	[tilespmem:s0+$0xFFFFFF38] =	vst v10;
	v10 =	vld [tilespmem:s0+$0xFFFFFFD0]  }
0x30d: {  	[tilespmem:s0+$0xFFFFFF48] =	vst v14;
	v11 =	vmul.f32 v9, v11;
	v9 =	vld [tilespmem:s0+$0x0]  }
0x30e: {  	[tilespmem:s0+$0xFFFFFF68] =	vst v15  }
0x30f: {  	s22 =	simm.s32 $0x2A;
	[tilespmem:s0+$0xFFFFFF58] =	vst v12;
	v14 =	vmul.f32 v63, v7;
	v12 =	vmul.f32 v13, v7  }
0x310: {  	s7 =	simm.s32 $0x2D;
	s9 =	simm.s32 $0x68B8;
	s4 =	simm.s32 $0x2B;
	[tilespmem:s0+$0xFFFFFF78] =	vst v11;
	v13 =	vmul.f32 v18, v7;
	v11 =	vmul.f32 v17, v7  }
.LBB2_15:
0x311: {  	p0 =	sne.s32 s7, $0x4F;
	v15 =	vmov s22;
	[tilespmem:s0+$0xFFFFFF90] =	vst v14;
	v10 =	vmul.f32 v10, v7;
	v8 =	vmul.f32 v8, v7  }
0x312: {  	v14 =	vand.u32 $0xFFFFFFFE, v15;
	[tilespmem:s0+$0xFFFFFFA0] =	vst v12;
	v12 =	vmul.f32 v6, v7;
	v7 =	vmul.f32 v9, v7  }
0x313: {  	s0 =	sadd.s32 $0x110, s0;
	v9 =	vbroadcast v14, $0x0;
	[tilespmem:s9+$0xFFFFFFB0] =	vst v13  }
0x314: {  	v6 =	vld [tilespmem:s0+$0xFFFFFFF0];
	[tilespmem:s9+$0xFFFFFFC0] =	vst v11  }
0x315: {  	v11 =	vld [tilespmem:s0+$0xFFFFFF78];
	[tilespmem:s9+$0xFFFFFFD0] =	vst v10  }
0x316: {  	v10 =	vld [tilespmem:s0+$0xFFFFFF58];
	[tilespmem:s9+$0xFFFFFFE0] =	vst v8  }
0x317: {  	v13 =	vld [tilespmem:s0+$0xFFFFFF38];
	[tilespmem:s9+$0xFFFFFFF0] =	vst v12  }
0x318: {  	v12 =	vld [tilespmem:s0+$0xFFFFFF18];
	[tilespmem:s9+$0x0] =	vst v7;
	s9 =	smov.u32 s0  }
0x319: {  	v9 =	vld.idx.msk [tilespmem:v9+s16+$0x0], $0xffff  }
0x31a: {  	v7 =	vld [tilespmem:s0+$0xFFFFFF08]  }
0x31b: {  	v14 =	vld [tilespmem:s0+$0xFFFFFF28]  }
0x31c: {  	v15 =	vmov s4;
	s4 =	smov.u32 s7;
	v16 =	vld [tilespmem:s0+$0xFFFFFF48]  }
0x31d: {  	v17 =	vld [tilespmem:s0+$0xFFFFFF68]  }
0x31e: {  	v8 =	vld [tilespmem:s0+$0xFFFFFFE0]  }
0x31f: {  	v12 =	vmul.f32 v12, v9;
	v18 =	vmul.f32 v7, v9;
	v19 =	vld [tilespmem:s0+$0xFFFFFFC0]  }
0x320: {  	v13 =	vmul.f32 v13, v9;
	v14 =	vmul.f32 v14, v9;
	v20 =	vld [tilespmem:s0+$0xFFFFFFA0]  }
0x321: {  	v7 =	vld.idx.msk [tilespmem:v15+s16+$0x0], $0xffff;
	[tilespmem:s0+$0xFFFFFF18] =	vst v12;
	v12 =	vmul.f32 v16, v9;
	v15 =	vmul.f32 v10, v9  }
0x322: {  	v11 =	vmul.f32 v11, v9;
	[tilespmem:s0+$0xFFFFFF08] =	vst v18;
	v16 =	vmul.f32 v17, v9;
	v17 =	vld [tilespmem:s0+$0xFFFFFF90]  }
0x323: {  	[tilespmem:s0+$0xFFFFFF28] =	vst v14;
	v18 =	vld [tilespmem:s0+$0xFFFFFFB0]  }
.Ltmp6:
0x324: {  	[tilespmem:s0+$0xFFFFFF38] =	vst v13;
	v10 =	vld [tilespmem:s0+$0xFFFFFFD0];
	(pc) =	sbr.rel @p0 .LBB2_15-.Ltmp6, $4  }
0x325: {  	[tilespmem:s0+$0xFFFFFF48] =	vst v12;
	v9 =	vld [tilespmem:s0+$0x0]  }
0x326: {  	[tilespmem:s0+$0xFFFFFF58] =	vst v15  }
0x327: {  	v12 =	vmul.f32 v20, v7;
	[tilespmem:s0+$0xFFFFFF68] =	vst v16;
	v14 =	vmul.f32 v17, v7  }
0x328: {  	s7 =	sadd.s32 $0x2, s7;
	s22 =	sadd.s32 $0xFFFFFFFF, s4;
	[tilespmem:s0+$0xFFFFFF78] =	vst v11;
	v13 =	vmul.f32 v18, v7;
	v11 =	vmul.f32 v19, v7  }
0x329: {  	[tilespmem:s0+$0xFFFFFF90] =	vst v14  }
0x32a: {  	[tilespmem:s0+$0xFFFFFFA0] =	vst v12  }
0x32b: {  	v15 =	vmov s22;
	s28 =	sadd.s32 $0x110, s0;
	v10 =	vmul.f32 v10, v7;
	[tilespmem:s9+$0xFFFFFFB0] =	vst v13  }
0x32c: {  	v8 =	vmul.f32 v8, v7;
	v53 =	vmov s4;
	v48 =	vand.u32 $0xFFFFFFFE, v15;
	v50 =	vld [tilespmem:s28+$0xFFFFFFF0];
	[tilespmem:s9+$0xFFFFFFC0] =	vst v11  }
0x32d: {  	v6 =	vmul.f32 v6, v7;
	v51 =	vld [tilespmem:s28+$0xFFFFFF58];
	v49 =	vbroadcast v48, $0x0;
	[tilespmem:s9+$0xFFFFFFD0] =	vst v10  }
0x32e: {  	v7 =	vmul.f32 v9, v7;
	v52 =	vld [tilespmem:s28+$0xFFFFFF08];
	[tilespmem:s9+$0xFFFFFFE0] =	vst v8  }
0x32f: {  	[tilespmem:s9+$0xFFFFFFF0] =	vst v6;
	v6 =	vld [tilespmem:s28+$0xFFFFFF18]  }
0x330: {  	[tilespmem:s9+$0x0] =	vst v7;
	v59 =	vld [tilespmem:s28+$0xFFFFFFA0]  }
0x331: {  	v10 =	vld.idx.msk [tilespmem:v53+s16+$0x0], $0xffff  }
0x332: {  	v61 =	vld [tilespmem:s28+$0xFFFFFFD0]  }
0x333: {  	v7 =	vld.idx.msk [tilespmem:v49+s16+$0x0], $0xffff  }
0x334: {  	v54 =	vld [tilespmem:s28+$0xFFFFFF28]  }
0x335: {  	v55 =	vld [tilespmem:s28+$0xFFFFFF38]  }
0x336: {  	v56 =	vld [tilespmem:s28+$0xFFFFFF48];
	v12 =	vmul.f32 v59, v10  }
0x337: {  	v57 =	vld [tilespmem:s28+$0xFFFFFF68];
	v63 =	vmul.f32 v61, v10  }
0x338: {  	v16 =	vld [tilespmem:s28+$0xFFFFFF78];
	[tilespmem:s28+$0xFFFFFFA0] =	vst v12;
	v6 =	vmul.f32 v6, v7  }
0x339: {  	[tilespmem:s28+$0xFFFFFFD0] =	vst v63;
	v9 =	vmul.f32 v52, v7  }
0x33a: {  	v11 =	vmul.f32 v54, v7;
	[tilespmem:s28+$0xFFFFFF18] =	vst v6  }
0x33b: {  	v58 =	vld [tilespmem:s28+$0xFFFFFF90];
	v14 =	vmul.f32 v56, v7;
	[tilespmem:s28+$0xFFFFFF08] =	vst v9  }
0x33c: {  	v60 =	vld [tilespmem:s28+$0xFFFFFFB0];
	v8 =	vmul.f32 v51, v7;
	v6 =	vmul.f32 v55, v7;
	[tilespmem:s28+$0xFFFFFF28] =	vst v11  }
0x33d: {  	v62 =	vld [tilespmem:s28+$0xFFFFFFE0];
	v15 =	vmul.f32 v57, v7;
	[tilespmem:s28+$0xFFFFFF48] =	vst v14;
	v7 =	vmul.f32 v16, v7  }
0x33e: {  	[tilespmem:s28+$0xFFFFFF38] =	vst v6;
	v6 =	vld [tilespmem:s28+$0xFFFFFFC0]  }
0x33f: {  	[tilespmem:s28+$0xFFFFFF78] =	vst v7;
	v7 =	vld [tilespmem:s28+$0x0]  }
0x340: {  	[tilespmem:s28+$0xFFFFFF58] =	vst v8;
	v9 =	vmul.f32 v58, v10  }
0x341: {  	[tilespmem:s28+$0xFFFFFF68] =	vst v15;
	v11 =	vmul.f32 v60, v10  }
0x342: {  	v8 =	vmul.f32 v62, v10;
	[tilespmem:s28+$0xFFFFFF90] =	vst v9  }
0x343: {  	[tilespmem:s28+$0xFFFFFFB0] =	vst v11;
	v6 =	vmul.f32 v6, v10  }
0x344: {  	[tilespmem:s28+$0xFFFFFFE0] =	vst v8;
	v7 =	vmul.f32 v7, v10  }
0x345: {  	[tilespmem:s28+$0xFFFFFFC0] =	vst v6;
	v6 =	vmul.f32 v50, v10  }
0x346: {  	[tilespmem:s28+$0x0] =	vst v7  }
0x347: {  	[tilespmem:s28+$0xFFFFFFF0] =	vst v6  }
0x348: {  	v6 =	vld [tilespmem:$0x51E0];
	_ =	sdelay $0x4  }
0x349: {  	[tilespmem:v1+s11+$0x0] =	vst.idx.msk $0xffff, v6  }
0x34a: {  	v6 =	vld [tilespmem:$0x51F0];
	_ =	sdelay $0x4  }
0x34b: {  	[tilespmem:v2+s11+$0x0] =	vst.idx.msk $0xffff, v6  }
0x34c: {  	v6 =	vld [tilespmem:$0x5200];
	_ =	sdelay $0x4  }
0x34d: {  	[tilespmem:v3+s11+$0x0] =	vst.idx.msk $0xffff, v6  }
0x34e: {  	v6 =	vld [tilespmem:$0x5210];
	_ =	sdelay $0x4  }
0x34f: {  	[tilespmem:v4+s11+$0x0] =	vst.idx.msk $0xffff, v6  }
0x350: {  	s24 =	sadd.s32 $0x1, s24;
	v6 =	vld [tilespmem:$0x5220]  }
0x351: {  	p0 =	sne.s32 s24, $0x3D  }
.Ltmp7:
0x352: {  	_ = 	snop;
	(pc) =	sbr.rel @p0 .LBB2_8-.Ltmp7, $3  }
0x353: {  	_ =	sdelay $0x1  }
0x354: {  	[tilespmem:v5+s11+$0x0] =	vst.idx.msk $0xffff, v6  }
0x355: {  	[spmem:s2] =	stream.indirect.scatter.add.f32 [tilespmem:s11], [sflag:$0x5], $0x88, s19, s18, $0xb8;
	[tilespmem:$0x1FB80] =	vst v63  }
0x356: {  	_ =	swait.ge [sflag:s14], $0x1540  }
0x357: {  	[sflag:s14] =	ssyncset.done $0x0  }
0x358: {  	s4 =	simm.s32 $0x1;
	[sflag:s14] =	ssyncadd.s32 $0xFFFFEAC0  }
0x359: {  	_ =	swait.ge [sflag:s4], $0x50  }
0x35a: {  	[sflag:s4] =	ssyncset.done $0x0  }
0x35b: {  	[sflag:s4] =	ssyncadd.s32 $0xFFFFFFB0  }
0x35c: {  	_ =	swait.ge [sflag:s4], $0x50  }
0x35d: {  	[sflag:s4] =	ssyncset.done $0x0  }
0x35e: {  	[sflag:s4] =	ssyncadd.s32 $0xFFFFFFB0  }
0x35f: {  	_ =	swait.ge [sflag:s12], $0x2A80  }
0x360: {  	[sflag:s12] =	ssyncset.done $0x0  }
0x361: {  	[sflag:s12] =	ssyncadd.s32 $0xFFFFD580  }
0x362: {  	[tilespmem:s11], [sflag:$0x3] =	stream.indirect.gather [hbm4b:s5+s15], $0x88, s6, s15, $0xb8;
	[tilespmem:$0x1FB80] =	vst v63  }
0x363: {  	s0 =	simm.s32 $0x5028  }
0x364: {  	[tilespmem:s29], [sflag:$0x7] =	stream.indirect.gather [hbm4b:s5+s15], $0x88, s0, s15, $0xb8;
	[tilespmem:$0x1FB80] =	vst v63  }
0x365: {  	v6 =	vld [tilespmem:$0x5000]  }
0x366: {  	v7 =	vld [tilespmem:$0x50A0];
	_ =	sdelay $0x6  }
0x367: {  	v6 =	vld.idx.msk [tilespmem:v6+s3+$0x0], $0xffff  }
0x368: {  	v8 =	vld.idx.msk [tilespmem:v7+s10+$0x0], $0xffff;
	_ =	sdelay $0x4  }
0x369: {  	v6 =	vadd.f32 v8, v6;
	_ =	sdelay $0x1  }
0x36a: {  	v8 =	vmul.f32 $2.000000030e-01, v6  }
0x36b: {  	vm0 =	vge.f32 v6, $0.0e+00  }
0x36c: {  	v6 =	vsel vm0, v6, v8  }
0x36d: {  	v6 =	vmul.f32 $1.442695020e+00, v6;
	_ =	sdelay $0x1  }
0x36e: {  	(erf) = vpow2.f32 v6;
	_ =	sdelay $0x2  }
0x36f: {  	v6 =	vld [tilespmem:$0x5010]  }
0x370: {  	v8 =	vld [tilespmem:$0x50B0];
	_ =	sdelay $0x4  }
0x371: {  	[tilespmem:$0x5140] =	vst v7;
	v9 =	vpop (erf)  }
0x372: {  	[tilespmem:$0x51E0] =	vst v9  }
0x373: {  	v6 =	vld.idx.msk [tilespmem:v6+s3+$0x0], $0xffff  }
0x374: {  	v7 =	vld.idx.msk [tilespmem:v8+s10+$0x0], $0xffff;
	_ =	sdelay $0x4  }
0x375: {  	v6 =	vadd.f32 v7, v6;
	_ =	sdelay $0x1  }
0x376: {  	v7 =	vmul.f32 $2.000000030e-01, v6  }
0x377: {  	vm12 =	vge.f32 v6, $0.0e+00  }
0x378: {  	v6 =	vsel vm12, v6, v7  }
0x379: {  	v6 =	vmul.f32 $1.442695020e+00, v6;
	_ =	sdelay $0x1  }
0x37a: {  	(erf) = vpow2.f32 v6;
	_ =	sdelay $0x2  }
0x37b: {  	v6 =	vld [tilespmem:$0x5020]  }
0x37c: {  	v7 =	vld [tilespmem:$0x50C0];
	_ =	sdelay $0x4  }
0x37d: {  	[tilespmem:$0x5150] =	vst v8;
	v9 =	vpop (erf)  }
0x37e: {  	[tilespmem:$0x51F0] =	vst v9  }
0x37f: {  	v6 =	vld.idx.msk [tilespmem:v6+s3+$0x0], $0xffff  }
0x380: {  	v8 =	vld.idx.msk [tilespmem:v7+s10+$0x0], $0xffff;
	_ =	sdelay $0x4  }
0x381: {  	v6 =	vadd.f32 v8, v6;
	_ =	sdelay $0x1  }
0x382: {  	v8 =	vmul.f32 $2.000000030e-01, v6  }
0x383: {  	vm13 =	vge.f32 v6, $0.0e+00  }
0x384: {  	v6 =	vsel vm13, v6, v8  }
0x385: {  	v6 =	vmul.f32 $1.442695020e+00, v6;
	_ =	sdelay $0x1  }
0x386: {  	(erf) = vpow2.f32 v6;
	_ =	sdelay $0x2  }
0x387: {  	v6 =	vld [tilespmem:$0x5030]  }
0x388: {  	v8 =	vld [tilespmem:$0x50D0];
	_ =	sdelay $0x4  }
0x389: {  	[tilespmem:$0x5160] =	vst v7;
	v9 =	vpop (erf)  }
0x38a: {  	[tilespmem:$0x5200] =	vst v9  }
0x38b: {  	v6 =	vld.idx.msk [tilespmem:v6+s3+$0x0], $0xffff  }
0x38c: {  	v7 =	vld.idx.msk [tilespmem:v8+s10+$0x0], $0xffff;
	_ =	sdelay $0x4  }
0x38d: {  	v6 =	vadd.f32 v7, v6;
	_ =	sdelay $0x1  }
0x38e: {  	v7 =	vmul.f32 $2.000000030e-01, v6  }
0x38f: {  	vm14 =	vge.f32 v6, $0.0e+00  }
0x390: {  	v6 =	vsel vm14, v6, v7  }
0x391: {  	v6 =	vmul.f32 $1.442695020e+00, v6;
	_ =	sdelay $0x1  }
0x392: {  	(erf) = vpow2.f32 v6;
	_ =	sdelay $0x2  }
0x393: {  	v6 =	vld [tilespmem:$0x5040]  }
0x394: {  	v7 =	vld [tilespmem:$0x50E0];
	_ =	sdelay $0x4  }
0x395: {  	[tilespmem:$0x5170] =	vst v8;
	v9 =	vpop (erf)  }
0x396: {  	[tilespmem:$0x5210] =	vst v9  }
0x397: {  	v6 =	vld.idx.msk [tilespmem:v6+s3+$0x0], $0xffff  }
0x398: {  	v8 =	vld.idx.msk [tilespmem:v7+s10+$0x0], $0xffff;
	_ =	sdelay $0x4  }
0x399: {  	v6 =	vadd.f32 v8, v6;
	_ =	sdelay $0x1  }
0x39a: {  	v8 =	vmul.f32 $2.000000030e-01, v6  }
0x39b: {  	vm15 =	vge.f32 v6, $0.0e+00  }
0x39c: {  	v6 =	vsel vm15, v6, v8  }
0x39d: {  	v6 =	vmul.f32 $1.442695020e+00, v6;
	_ =	sdelay $0x1  }
0x39e: {  	(erf) = vpow2.f32 v6;
	_ =	sdelay $0x8  }
0x39f: {  	[tilespmem:$0x5180] =	vst v7;
	v6 =	vpop (erf)  }
0x3a0: {  	s0 =	simm.s32 $0x7D88;
	[tilespmem:$0x5220] =	vst v6  }
0x3a1: {  	v6 =	vmov s4;
	v11 =	vld [tilespmem:s0+$0xFFFFFFE8]  }
0x3a2: {  	v10 =	vld [tilespmem:s0+$0x50]  }
0x3a3: {  	v15 =	vld [tilespmem:s0+$0xFFFFFFC8]  }
0x3a4: {  	s28 =	simm.s32 $0x0;
	v8 =	vld [tilespmem:s0+$0x60]  }
0x3a5: {  	v7 =	vmov s28;
	v9 =	vld [tilespmem:s0+$0x70]  }
0x3a6: {  	v7 =	vand.u32 $0xFFFFFFFE, v7;
	v12 =	vld.idx.msk [tilespmem:v6+s20+$0x0], $0xffff  }
0x3a7: {  	v6 =	vbroadcast v7, $0x0;
	v7 =	vld [tilespmem:s0+$0x0]  }
0x3a8: {  	v13 =	vld [tilespmem:s0+$0x10]  }
0x3a9: {  	v14 =	vld [tilespmem:s0+$0x20]  }
0x3aa: {  	v16 =	vld [tilespmem:s0+$0x30]  }
0x3ab: {  	v17 =	vld [tilespmem:s0+$0x40]  }
0x3ac: {  	v18 =	vld [tilespmem:s0+$0xFFFFFF78];
	v19 =	vmul.f32 v7, v12  }
0x3ad: {  	v13 =	vmul.f32 v13, v12;
	v7 =	vld.idx.msk [tilespmem:v6+s20+$0x0], $0xffff  }
0x3ae: {  	v20 =	vld [tilespmem:s0+$0xFFFFFF98];
	v14 =	vmul.f32 v14, v12;
	[tilespmem:s0+$0x0] =	vst v19  }
0x3af: {  	v63 =	vmul.f32 v10, v12;
	v10 =	vld [tilespmem:s0+$0xFFFFFF88];
	v6 =	vmul.f32 v8, v12;
	[tilespmem:s0+$0x10] =	vst v13  }
0x3b0: {  	v16 =	vmul.f32 v16, v12;
	v8 =	vld [tilespmem:s0+$0xFFFFFFD8];
	[tilespmem:s0+$0x20] =	vst v14  }
0x3b1: {  	v17 =	vmul.f32 v17, v12;
	[tilespmem:s0+$0x60] =	vst v6;
	v6 =	vld [tilespmem:s0+$0xFFFFFFA8]  }
0x3b2: {  	[tilespmem:s0+$0x30] =	vst v16;
	v14 =	vmul.f32 v11, v7;
	v11 =	vld [tilespmem:s0+$0xFFFFFFB8]  }
0x3b3: {  	v9 =	vmul.f32 v9, v12;
	[tilespmem:s0+$0x40] =	vst v17;
	v13 =	vmul.f32 v18, v7  }
0x3b4: {  	s7 =	simm.s32 $0x7D88;
	s4 =	simm.s32 $0x3;
	[tilespmem:s0+$0x50] =	vst v63;
	v12 =	vmul.f32 v20, v7;
	v15 =	vmul.f32 v15, v7  }
.LBB2_18:
0x3b5: {  	p0 =	sne.s32 s4, $0x27  }
0x3b6: {  	v10 =	vmul.f32 v10, v7;
	v8 =	vmul.f32 v8, v7;
	[tilespmem:s0+$0x70] =	vst v9;
	s7 =	sadd.s32 $0x110, s7;
	s9 =	smov.u32 s4;
	s4 =	sadd.s32 $0x2, s4  }
0x3b7: {  	v6 =	vmul.f32 v6, v7;
	v7 =	vmul.f32 v11, v7;
	[tilespmem:s0+$0xFFFFFFE8] =	vst v14  }
0x3b8: {  	[tilespmem:s0+$0xFFFFFF78] =	vst v13  }
0x3b9: {  	v14 =	vld [tilespmem:s7+$0xFFFFFFE8];
	[tilespmem:s0+$0xFFFFFFC8] =	vst v15  }
0x3ba: {  	v9 =	vmov s9;
	v13 =	vld [tilespmem:s7+$0x50];
	[tilespmem:s0+$0xFFFFFF98] =	vst v12  }
0x3bb: {  	v15 =	vld [tilespmem:s7+$0xFFFFFFC8];
	[tilespmem:s0+$0xFFFFFFA8] =	vst v6  }
0x3bc: {  	v6 =	vld [tilespmem:s7+$0xFFFFFFA8];
	[tilespmem:s0+$0xFFFFFFB8] =	vst v7  }
0x3bd: {  	s9 =	sadd.s32 $0xFFFFFFFF, s9;
	v11 =	vld [tilespmem:s7+$0x60];
	[tilespmem:s0+$0xFFFFFFD8] =	vst v8  }
0x3be: {  	v7 =	vmov s9;
	v8 =	vld [tilespmem:s7+$0x70];
	[tilespmem:s0+$0xFFFFFF88] =	vst v10;
	s0 =	smov.u32 s7  }
0x3bf: {  	v7 =	vand.u32 $0xFFFFFFFE, v7;
	v12 =	vld.idx.msk [tilespmem:v9+s20+$0x0], $0xffff  }
0x3c0: {  	v7 =	vbroadcast v7, $0x0;
	v9 =	vld [tilespmem:s7+$0x0]  }
0x3c1: {  	v10 =	vld [tilespmem:s7+$0x10]  }
0x3c2: {  	v16 =	vld [tilespmem:s7+$0x20]  }
0x3c3: {  	v17 =	vld [tilespmem:s7+$0x30]  }
0x3c4: {  	v18 =	vld [tilespmem:s7+$0x40]  }
0x3c5: {  	v19 =	vld [tilespmem:s7+$0xFFFFFF78];
	v20 =	vmul.f32 v9, v12;
	v9 =	vmul.f32 v8, v12  }
0x3c6: {  	v7 =	vld.idx.msk [tilespmem:v7+s20+$0x0], $0xffff;
	v21 =	vmul.f32 v10, v12;
	v10 =	vmul.f32 v11, v12  }
0x3c7: {  	v22 =	vld [tilespmem:s7+$0xFFFFFF98];
	[tilespmem:s7+$0x0] =	vst v20;
	v16 =	vmul.f32 v16, v12  }
0x3c8: {  	v8 =	vld [tilespmem:s7+$0xFFFFFFD8];
	v17 =	vmul.f32 v17, v12;
	[tilespmem:s7+$0x60] =	vst v10  }
.Ltmp8:
0x3c9: {  	v10 =	vld [tilespmem:s7+$0xFFFFFF88];
	[tilespmem:s7+$0x10] =	vst v21;
	v18 =	vmul.f32 v18, v12;
	(pc) =	sbr.rel @p0 .LBB2_18-.Ltmp8, $4  }
0x3ca: {  	v11 =	vld [tilespmem:s7+$0xFFFFFFB8];
	[tilespmem:s7+$0x20] =	vst v16;
	v16 =	vmul.f32 v13, v12  }
0x3cb: {  	[tilespmem:s7+$0x30] =	vst v17  }
0x3cc: {  	v13 =	vmul.f32 v19, v7;
	v14 =	vmul.f32 v14, v7;
	[tilespmem:s7+$0x40] =	vst v18  }
0x3cd: {  	v15 =	vmul.f32 v15, v7;
	v12 =	vmul.f32 v22, v7;
	[tilespmem:s7+$0x50] =	vst v16  }
0x3ce: {  	[tilespmem:s0+$0x70] =	vst v9  }
0x3cf: {  	[tilespmem:s0+$0xFFFFFFE8] =	vst v14  }
0x3d0: {  	[tilespmem:s0+$0xFFFFFF78] =	vst v13  }
0x3d1: {  	v6 =	vmul.f32 v6, v7;
	[tilespmem:s0+$0xFFFFFFC8] =	vst v15  }
0x3d2: {  	v8 =	vmul.f32 v8, v7;
	[tilespmem:s0+$0xFFFFFF98] =	vst v12  }
0x3d3: {  	v9 =	vmul.f32 v11, v7;
	[tilespmem:s0+$0xFFFFFFA8] =	vst v6  }
0x3d4: {  	v6 =	vmul.f32 v10, v7;
	[tilespmem:s0+$0xFFFFFFD8] =	vst v8  }
0x3d5: {  	[tilespmem:s0+$0xFFFFFFB8] =	vst v9  }
0x3d6: {  	[tilespmem:s0+$0xFFFFFF88] =	vst v6  }
0x3d7: {  	s4 =	simm.s32 $0x28;
	_ =	swait.ge [sflag:s21], $0x1540  }
0x3d8: {  	v6 =	vmov s4;
	[sflag:s21] =	ssyncset.done $0x0  }
0x3d9: {  	s0 =	simm.s32 $0x9338;
	v6 =	vand.u32 $0xFFFFFFFE, v6;
	[sflag:s21] =	ssyncadd.s32 $0xFFFFEAC0  }
0x3da: {  	v6 =	vbroadcast v6, $0x0;
	v9 =	vld [tilespmem:s0+$0xFFFFFF78]  }
0x3db: {  	v8 =	vld [tilespmem:s0+$0xFFFFFF58]  }
0x3dc: {  	v10 =	vld [tilespmem:s0+$0xFFFFFF38]  }
0x3dd: {  	v7 =	vld [tilespmem:s0+$0xFFFFFF18]  }
0x3de: {  	v13 =	vld [tilespmem:s0+$0xFFFFFF28]  }
0x3df: {  	v14 =	vld [tilespmem:s0+$0xFFFFFF48]  }
0x3e0: {  	s28 =	simm.s32 $0x29;
	v11 =	vld.idx.msk [tilespmem:v6+s20+$0x0], $0xffff  }
0x3e1: {  	v12 =	vmov s28;
	v6 =	vld [tilespmem:s0+$0xFFFFFF08]  }
0x3e2: {  	v15 =	vld [tilespmem:s0+$0xFFFFFF68]  }
0x3e3: {  	v17 =	vld [tilespmem:s0+$0xFFFFFFC0]  }
0x3e4: {  	v63 =	vld [tilespmem:s0+$0xFFFFFF90]  }
0x3e5: {  	v18 =	vld [tilespmem:s0+$0xFFFFFFB0];
	v16 =	vmul.f32 v7, v11  }
0x3e6: {  	v6 =	vmul.f32 v6, v11;
	v7 =	vld.idx.msk [tilespmem:v12+s20+$0x0], $0xffff  }
0x3e7: {  	v12 =	vmul.f32 v13, v11;
	v13 =	vld [tilespmem:s0+$0xFFFFFFA0];
	[tilespmem:s0+$0xFFFFFF18] =	vst v16  }
0x3e8: {  	v10 =	vmul.f32 v10, v11;
	[tilespmem:s0+$0xFFFFFF08] =	vst v6;
	v6 =	vld [tilespmem:s0+$0xFFFFFFF0]  }
0x3e9: {  	v14 =	vmul.f32 v14, v11;
	[tilespmem:s0+$0xFFFFFF28] =	vst v12;
	v12 =	vmul.f32 v8, v11;
	v8 =	vld [tilespmem:s0+$0xFFFFFFE0]  }
0x3ea: {  	v15 =	vmul.f32 v15, v11;
	[tilespmem:s0+$0xFFFFFF38] =	vst v10;
	v10 =	vld [tilespmem:s0+$0xFFFFFFD0]  }
0x3eb: {  	[tilespmem:s0+$0xFFFFFF48] =	vst v14;
	v11 =	vmul.f32 v9, v11;
	v9 =	vld [tilespmem:s0+$0x0]  }
0x3ec: {  	[tilespmem:s0+$0xFFFFFF68] =	vst v15  }
0x3ed: {  	s22 =	simm.s32 $0x2A;
	s7 =	simm.s32 $0x2D;
	[tilespmem:s0+$0xFFFFFF58] =	vst v12;
	v14 =	vmul.f32 v63, v7;
	v12 =	vmul.f32 v13, v7  }
0x3ee: {  	s9 =	simm.s32 $0x9338;
	s4 =	simm.s32 $0x2B;
	s24 =	rddreg [dreg:$0x11];
	[tilespmem:s0+$0xFFFFFF78] =	vst v11;
	v13 =	vmul.f32 v18, v7;
	v11 =	vmul.f32 v17, v7  }
.LBB2_20:
0x3ef: {  	p0 =	sne.s32 s7, $0x4F;
	v15 =	vmov s22;
	[tilespmem:s0+$0xFFFFFF90] =	vst v14;
	v10 =	vmul.f32 v10, v7;
	v8 =	vmul.f32 v8, v7  }
0x3f0: {  	v14 =	vand.u32 $0xFFFFFFFE, v15;
	[tilespmem:s0+$0xFFFFFFA0] =	vst v12;
	v12 =	vmul.f32 v6, v7;
	v7 =	vmul.f32 v9, v7  }
0x3f1: {  	s0 =	sadd.s32 $0x110, s0;
	v9 =	vbroadcast v14, $0x0;
	[tilespmem:s9+$0xFFFFFFB0] =	vst v13  }
0x3f2: {  	v6 =	vld [tilespmem:s0+$0xFFFFFFF0];
	[tilespmem:s9+$0xFFFFFFC0] =	vst v11  }
0x3f3: {  	v11 =	vld [tilespmem:s0+$0xFFFFFF78];
	[tilespmem:s9+$0xFFFFFFD0] =	vst v10  }
0x3f4: {  	v10 =	vld [tilespmem:s0+$0xFFFFFF58];
	[tilespmem:s9+$0xFFFFFFE0] =	vst v8  }
0x3f5: {  	v13 =	vld [tilespmem:s0+$0xFFFFFF38];
	[tilespmem:s9+$0xFFFFFFF0] =	vst v12  }
0x3f6: {  	v12 =	vld [tilespmem:s0+$0xFFFFFF18];
	[tilespmem:s9+$0x0] =	vst v7;
	s9 =	smov.u32 s0  }
0x3f7: {  	v9 =	vld.idx.msk [tilespmem:v9+s20+$0x0], $0xffff  }
0x3f8: {  	v7 =	vld [tilespmem:s0+$0xFFFFFF08]  }
0x3f9: {  	v14 =	vld [tilespmem:s0+$0xFFFFFF28]  }
0x3fa: {  	v15 =	vmov s4;
	s4 =	smov.u32 s7;
	v16 =	vld [tilespmem:s0+$0xFFFFFF48]  }
0x3fb: {  	v17 =	vld [tilespmem:s0+$0xFFFFFF68]  }
0x3fc: {  	v8 =	vld [tilespmem:s0+$0xFFFFFFE0]  }
0x3fd: {  	v12 =	vmul.f32 v12, v9;
	v18 =	vmul.f32 v7, v9;
	v19 =	vld [tilespmem:s0+$0xFFFFFFC0]  }
0x3fe: {  	v13 =	vmul.f32 v13, v9;
	v14 =	vmul.f32 v14, v9;
	v20 =	vld [tilespmem:s0+$0xFFFFFFA0]  }
0x3ff: {  	v7 =	vld.idx.msk [tilespmem:v15+s20+$0x0], $0xffff;
	[tilespmem:s0+$0xFFFFFF18] =	vst v12;
	v12 =	vmul.f32 v16, v9;
	v15 =	vmul.f32 v10, v9  }
0x400: {  	v11 =	vmul.f32 v11, v9;
	[tilespmem:s0+$0xFFFFFF08] =	vst v18;
	v16 =	vmul.f32 v17, v9;
	v17 =	vld [tilespmem:s0+$0xFFFFFF90]  }
0x401: {  	[tilespmem:s0+$0xFFFFFF28] =	vst v14;
	v18 =	vld [tilespmem:s0+$0xFFFFFFB0]  }
.Ltmp9:
0x402: {  	[tilespmem:s0+$0xFFFFFF38] =	vst v13;
	v10 =	vld [tilespmem:s0+$0xFFFFFFD0];
	(pc) =	sbr.rel @p0 .LBB2_20-.Ltmp9, $4  }
0x403: {  	[tilespmem:s0+$0xFFFFFF48] =	vst v12;
	v9 =	vld [tilespmem:s0+$0x0]  }
0x404: {  	[tilespmem:s0+$0xFFFFFF58] =	vst v15  }
0x405: {  	v12 =	vmul.f32 v20, v7;
	[tilespmem:s0+$0xFFFFFF68] =	vst v16;
	v14 =	vmul.f32 v17, v7  }
0x406: {  	s7 =	sadd.s32 $0x2, s7;
	s22 =	sadd.s32 $0xFFFFFFFF, s4;
	[tilespmem:s0+$0xFFFFFF78] =	vst v11;
	v13 =	vmul.f32 v18, v7;
	v11 =	vmul.f32 v19, v7  }
0x407: {  	v15 =	vmov s22;
	[tilespmem:s0+$0xFFFFFF90] =	vst v14  }
0x408: {  	[tilespmem:s0+$0xFFFFFFA0] =	vst v12;
	v14 =	vand.u32 $0xFFFFFFFE, v15  }
0x409: {  	s7 =	sadd.s32 $0x110, s0;
	v10 =	vmul.f32 v10, v7;
	[tilespmem:s9+$0xFFFFFFB0] =	vst v13;
	v12 =	vbroadcast v14, $0x0  }
0x40a: {  	v8 =	vmul.f32 v8, v7;
	v13 =	vld [tilespmem:s7+$0xFFFFFFF0];
	[tilespmem:s9+$0xFFFFFFC0] =	vst v11  }
0x40b: {  	v6 =	vmul.f32 v6, v7;
	[tilespmem:s9+$0xFFFFFFD0] =	vst v10  }
0x40c: {  	v7 =	vmul.f32 v9, v7;
	[tilespmem:s9+$0xFFFFFFE0] =	vst v8  }
0x40d: {  	v9 =	vld [tilespmem:s7+$0xFFFFFF08];
	[tilespmem:s9+$0xFFFFFFF0] =	vst v6  }
0x40e: {  	v6 =	vld [tilespmem:s7+$0xFFFFFF18];
	[tilespmem:s9+$0x0] =	vst v7  }
0x40f: {  	v7 =	vld.idx.msk [tilespmem:v12+s20+$0x0], $0xffff  }
0x410: {  	v11 =	vld [tilespmem:s7+$0xFFFFFF28]  }
0x411: {  	v8 =	vld [tilespmem:s7+$0xFFFFFF58];
	v10 =	vmov s4  }
0x412: {  	v14 =	vld [tilespmem:s7+$0xFFFFFF48]  }
0x413: {  	v12 =	vld [tilespmem:s7+$0xFFFFFF38]  }
0x414: {  	v15 =	vld [tilespmem:s7+$0xFFFFFF68];
	v6 =	vmul.f32 v6, v7  }
0x415: {  	v16 =	vld [tilespmem:s7+$0xFFFFFF78];
	v9 =	vmul.f32 v9, v7  }
0x416: {  	v10 =	vld.idx.msk [tilespmem:v10+s20+$0x0], $0xffff;
	v11 =	vmul.f32 v11, v7;
	[tilespmem:s7+$0xFFFFFF18] =	vst v6  }
0x417: {  	v14 =	vmul.f32 v14, v7;
	[tilespmem:s7+$0xFFFFFF08] =	vst v9;
	v9 =	vld [tilespmem:s7+$0xFFFFFF90]  }
0x418: {  	v8 =	vmul.f32 v8, v7;
	v6 =	vmul.f32 v12, v7;
	v12 =	vld [tilespmem:s7+$0xFFFFFFA0];
	[tilespmem:s7+$0xFFFFFF28] =	vst v11  }
0x419: {  	v11 =	vld [tilespmem:s7+$0xFFFFFFB0];
	[tilespmem:s7+$0xFFFFFF48] =	vst v14  }
0x41a: {  	v15 =	vmul.f32 v15, v7;
	[tilespmem:s7+$0xFFFFFF58] =	vst v8;
	v8 =	vld [tilespmem:s7+$0xFFFFFFE0]  }
0x41b: {  	v7 =	vmul.f32 v16, v7;
	[tilespmem:s7+$0xFFFFFF38] =	vst v6;
	v6 =	vld [tilespmem:s7+$0xFFFFFFC0]  }
0x41c: {  	v14 =	vld [tilespmem:s7+$0xFFFFFFD0];
	[tilespmem:s7+$0xFFFFFF68] =	vst v15;
	v9 =	vmul.f32 v9, v10  }
0x41d: {  	[tilespmem:s7+$0xFFFFFF78] =	vst v7;
	v7 =	vld [tilespmem:s7+$0x0];
	v12 =	vmul.f32 v12, v10  }
0x41e: {  	v11 =	vmul.f32 v11, v10;
	[tilespmem:s7+$0xFFFFFF90] =	vst v9  }
0x41f: {  	v8 =	vmul.f32 v8, v10;
	[tilespmem:s7+$0xFFFFFFA0] =	vst v12  }
0x420: {  	v6 =	vmul.f32 v6, v10;
	[tilespmem:s7+$0xFFFFFFB0] =	vst v11  }
0x421: {  	v9 =	vmul.f32 v14, v10;
	[tilespmem:s7+$0xFFFFFFE0] =	vst v8  }
0x422: {  	v7 =	vmul.f32 v7, v10;
	[tilespmem:s7+$0xFFFFFFC0] =	vst v6  }
0x423: {  	v6 =	vmul.f32 v13, v10;
	[tilespmem:s7+$0xFFFFFFD0] =	vst v9  }
0x424: {  	[tilespmem:s7+$0x0] =	vst v7  }
0x425: {  	[tilespmem:s7+$0xFFFFFFF0] =	vst v6  }
0x426: {  	v6 =	vld [tilespmem:$0x5230];
	_ =	sdelay $0x4  }
0x427: {  	[tilespmem:v1+s31+$0x0] =	vst.idx.msk $0xffff, v6  }
0x428: {  	v6 =	vld [tilespmem:$0x5240];
	_ =	sdelay $0x4  }
0x429: {  	[tilespmem:v2+s31+$0x0] =	vst.idx.msk $0xffff, v6  }
0x42a: {  	v6 =	vld [tilespmem:$0x5250];
	_ =	sdelay $0x4  }
0x42b: {  	[tilespmem:v3+s31+$0x0] =	vst.idx.msk $0xffff, v6  }
0x42c: {  	v6 =	vld [tilespmem:$0x5260];
	_ =	sdelay $0x4  }
0x42d: {  	[tilespmem:v4+s31+$0x0] =	vst.idx.msk $0xffff, v6  }
0x42e: {  	v6 =	vld [tilespmem:$0x5270];
	_ =	sdelay $0x4  }
0x42f: {  	s9 =	simm.s32 $0x5190;
	[tilespmem:v5+s31+$0x0] =	vst.idx.msk $0xffff, v6  }
0x430: {  	[spmem:s2] =	stream.indirect.scatter.add.f32 [tilespmem:s31], [sflag:$0x6], $0x88, s9, s18, $0xb8;
	[tilespmem:$0x1FB80] =	vst v63  }
0x431: {  	_ =	swait.ge [sflag:s13], $0x1540  }
0x432: {  	[sflag:s13] =	ssyncset.done $0x0  }
0x433: {  	s22 =	simm.s32 $0x1;
	s0 =	simm.s32 $0x5308;
	[sflag:s13] =	ssyncadd.s32 $0xFFFFEAC0  }
0x434: {  	v6 =	vmov s22;
	v11 =	vld [tilespmem:s0+$0xFFFFFFE8]  }
0x435: {  	v10 =	vld [tilespmem:s0+$0x50]  }
0x436: {  	v15 =	vld [tilespmem:s0+$0xFFFFFFC8]  }
0x437: {  	s28 =	simm.s32 $0x0;
	v8 =	vld [tilespmem:s0+$0x60]  }
0x438: {  	v7 =	vmov s28;
	v9 =	vld [tilespmem:s0+$0x70]  }
0x439: {  	v7 =	vand.u32 $0xFFFFFFFE, v7;
	v12 =	vld.idx.msk [tilespmem:v6+s16+$0x0], $0xffff  }
0x43a: {  	v6 =	vbroadcast v7, $0x0;
	v7 =	vld [tilespmem:s0+$0x0]  }
0x43b: {  	v13 =	vld [tilespmem:s0+$0x10]  }
0x43c: {  	v14 =	vld [tilespmem:s0+$0x20]  }
0x43d: {  	v16 =	vld [tilespmem:s0+$0x30]  }
0x43e: {  	v17 =	vld [tilespmem:s0+$0x40]  }
0x43f: {  	v18 =	vld [tilespmem:s0+$0xFFFFFF78];
	v19 =	vmul.f32 v7, v12  }
0x440: {  	v13 =	vmul.f32 v13, v12;
	v7 =	vld.idx.msk [tilespmem:v6+s16+$0x0], $0xffff  }
0x441: {  	v20 =	vld [tilespmem:s0+$0xFFFFFF98];
	v14 =	vmul.f32 v14, v12;
	[tilespmem:s0+$0x0] =	vst v19  }
0x442: {  	v63 =	vmul.f32 v10, v12;
	v10 =	vld [tilespmem:s0+$0xFFFFFF88];
	v6 =	vmul.f32 v8, v12;
	[tilespmem:s0+$0x10] =	vst v13  }
0x443: {  	v16 =	vmul.f32 v16, v12;
	v8 =	vld [tilespmem:s0+$0xFFFFFFD8];
	[tilespmem:s0+$0x20] =	vst v14  }
0x444: {  	v17 =	vmul.f32 v17, v12;
	[tilespmem:s0+$0x60] =	vst v6;
	v6 =	vld [tilespmem:s0+$0xFFFFFFA8]  }
0x445: {  	[tilespmem:s0+$0x30] =	vst v16;
	v14 =	vmul.f32 v11, v7;
	v11 =	vld [tilespmem:s0+$0xFFFFFFB8]  }
0x446: {  	v9 =	vmul.f32 v9, v12;
	[tilespmem:s0+$0x40] =	vst v17;
	v13 =	vmul.f32 v18, v7  }
0x447: {  	s4 =	simm.s32 $0x3;
	s7 =	simm.s32 $0x5308;
	[tilespmem:s0+$0x50] =	vst v63;
	v12 =	vmul.f32 v20, v7;
	v15 =	vmul.f32 v15, v7  }
.LBB2_22:
0x448: {  	p0 =	sne.s32 s4, $0x27  }
0x449: {  	v10 =	vmul.f32 v10, v7;
	v8 =	vmul.f32 v8, v7;
	[tilespmem:s0+$0x70] =	vst v9;
	s7 =	sadd.s32 $0x110, s7;
	s9 =	smov.u32 s4;
	s4 =	sadd.s32 $0x2, s4  }
0x44a: {  	v6 =	vmul.f32 v6, v7;
	v7 =	vmul.f32 v11, v7;
	[tilespmem:s0+$0xFFFFFFE8] =	vst v14  }
0x44b: {  	[tilespmem:s0+$0xFFFFFF78] =	vst v13  }
0x44c: {  	v14 =	vld [tilespmem:s7+$0xFFFFFFE8];
	[tilespmem:s0+$0xFFFFFFC8] =	vst v15  }
0x44d: {  	v9 =	vmov s9;
	v13 =	vld [tilespmem:s7+$0x50];
	[tilespmem:s0+$0xFFFFFF98] =	vst v12  }
0x44e: {  	v15 =	vld [tilespmem:s7+$0xFFFFFFC8];
	[tilespmem:s0+$0xFFFFFFA8] =	vst v6  }
0x44f: {  	v6 =	vld [tilespmem:s7+$0xFFFFFFA8];
	[tilespmem:s0+$0xFFFFFFB8] =	vst v7  }
0x450: {  	s9 =	sadd.s32 $0xFFFFFFFF, s9;
	v11 =	vld [tilespmem:s7+$0x60];
	[tilespmem:s0+$0xFFFFFFD8] =	vst v8  }
0x451: {  	v7 =	vmov s9;
	v8 =	vld [tilespmem:s7+$0x70];
	[tilespmem:s0+$0xFFFFFF88] =	vst v10;
	s0 =	smov.u32 s7  }
0x452: {  	v7 =	vand.u32 $0xFFFFFFFE, v7;
	v12 =	vld.idx.msk [tilespmem:v9+s16+$0x0], $0xffff  }
0x453: {  	v7 =	vbroadcast v7, $0x0;
	v9 =	vld [tilespmem:s7+$0x0]  }
0x454: {  	v10 =	vld [tilespmem:s7+$0x10]  }
0x455: {  	v16 =	vld [tilespmem:s7+$0x20]  }
0x456: {  	v17 =	vld [tilespmem:s7+$0x30]  }
0x457: {  	v18 =	vld [tilespmem:s7+$0x40]  }
0x458: {  	v19 =	vld [tilespmem:s7+$0xFFFFFF78];
	v20 =	vmul.f32 v9, v12;
	v9 =	vmul.f32 v8, v12  }
0x459: {  	v7 =	vld.idx.msk [tilespmem:v7+s16+$0x0], $0xffff;
	v21 =	vmul.f32 v10, v12;
	v10 =	vmul.f32 v11, v12  }
0x45a: {  	v22 =	vld [tilespmem:s7+$0xFFFFFF98];
	[tilespmem:s7+$0x0] =	vst v20;
	v16 =	vmul.f32 v16, v12  }
0x45b: {  	v8 =	vld [tilespmem:s7+$0xFFFFFFD8];
	v17 =	vmul.f32 v17, v12;
	[tilespmem:s7+$0x60] =	vst v10  }
.Ltmp10:
0x45c: {  	v10 =	vld [tilespmem:s7+$0xFFFFFF88];
	[tilespmem:s7+$0x10] =	vst v21;
	v18 =	vmul.f32 v18, v12;
	(pc) =	sbr.rel @p0 .LBB2_22-.Ltmp10, $4  }
0x45d: {  	v11 =	vld [tilespmem:s7+$0xFFFFFFB8];
	[tilespmem:s7+$0x20] =	vst v16;
	v16 =	vmul.f32 v13, v12  }
0x45e: {  	[tilespmem:s7+$0x30] =	vst v17  }
0x45f: {  	v13 =	vmul.f32 v19, v7;
	v14 =	vmul.f32 v14, v7;
	[tilespmem:s7+$0x40] =	vst v18  }
0x460: {  	v15 =	vmul.f32 v15, v7;
	v12 =	vmul.f32 v22, v7;
	[tilespmem:s7+$0x50] =	vst v16  }
0x461: {  	[tilespmem:s0+$0x70] =	vst v9  }
0x462: {  	[tilespmem:s0+$0xFFFFFFE8] =	vst v14  }
0x463: {  	[tilespmem:s0+$0xFFFFFF78] =	vst v13  }
0x464: {  	v6 =	vmul.f32 v6, v7;
	[tilespmem:s0+$0xFFFFFFC8] =	vst v15  }
0x465: {  	v8 =	vmul.f32 v8, v7;
	[tilespmem:s0+$0xFFFFFF98] =	vst v12  }
0x466: {  	v9 =	vmul.f32 v11, v7;
	[tilespmem:s0+$0xFFFFFFA8] =	vst v6  }
0x467: {  	v6 =	vmul.f32 v10, v7;
	[tilespmem:s0+$0xFFFFFFD8] =	vst v8  }
0x468: {  	[tilespmem:s0+$0xFFFFFFB8] =	vst v9  }
0x469: {  	[tilespmem:s0+$0xFFFFFF88] =	vst v6  }
0x46a: {  	s4 =	simm.s32 $0x28;
	_ =	swait.ge [sflag:s17], $0x1540  }
0x46b: {  	v6 =	vmov s4;
	[sflag:s17] =	ssyncset.done $0x0  }
0x46c: {  	s0 =	simm.s32 $0x68B8;
	v6 =	vand.u32 $0xFFFFFFFE, v6;
	[sflag:s17] =	ssyncadd.s32 $0xFFFFEAC0  }
0x46d: {  	v6 =	vbroadcast v6, $0x0;
	v9 =	vld [tilespmem:s0+$0xFFFFFF78]  }
0x46e: {  	v8 =	vld [tilespmem:s0+$0xFFFFFF58]  }
0x46f: {  	v10 =	vld [tilespmem:s0+$0xFFFFFF38]  }
0x470: {  	v7 =	vld [tilespmem:s0+$0xFFFFFF18]  }
0x471: {  	v13 =	vld [tilespmem:s0+$0xFFFFFF28]  }
0x472: {  	v14 =	vld [tilespmem:s0+$0xFFFFFF48]  }
0x473: {  	s28 =	simm.s32 $0x29;
	v11 =	vld.idx.msk [tilespmem:v6+s16+$0x0], $0xffff  }
0x474: {  	v12 =	vmov s28;
	v6 =	vld [tilespmem:s0+$0xFFFFFF08]  }
0x475: {  	v15 =	vld [tilespmem:s0+$0xFFFFFF68]  }
0x476: {  	v17 =	vld [tilespmem:s0+$0xFFFFFFC0]  }
0x477: {  	v63 =	vld [tilespmem:s0+$0xFFFFFF90]  }
0x478: {  	v18 =	vld [tilespmem:s0+$0xFFFFFFB0];
	v16 =	vmul.f32 v7, v11  }
0x479: {  	v6 =	vmul.f32 v6, v11;
	v7 =	vld.idx.msk [tilespmem:v12+s16+$0x0], $0xffff  }
0x47a: {  	v12 =	vmul.f32 v13, v11;
	v13 =	vld [tilespmem:s0+$0xFFFFFFA0];
	[tilespmem:s0+$0xFFFFFF18] =	vst v16  }
0x47b: {  	v10 =	vmul.f32 v10, v11;
	[tilespmem:s0+$0xFFFFFF08] =	vst v6;
	v6 =	vld [tilespmem:s0+$0xFFFFFFF0]  }
0x47c: {  	v14 =	vmul.f32 v14, v11;
	[tilespmem:s0+$0xFFFFFF28] =	vst v12;
	v12 =	vmul.f32 v8, v11;
	v8 =	vld [tilespmem:s0+$0xFFFFFFE0]  }
0x47d: {  	v15 =	vmul.f32 v15, v11;
	[tilespmem:s0+$0xFFFFFF38] =	vst v10;
	v10 =	vld [tilespmem:s0+$0xFFFFFFD0]  }
0x47e: {  	[tilespmem:s0+$0xFFFFFF48] =	vst v14;
	v11 =	vmul.f32 v9, v11;
	v9 =	vld [tilespmem:s0+$0x0]  }
0x47f: {  	[tilespmem:s0+$0xFFFFFF68] =	vst v15  }
0x480: {  	s22 =	simm.s32 $0x2A;
	[tilespmem:s0+$0xFFFFFF58] =	vst v12;
	v14 =	vmul.f32 v63, v7;
	v12 =	vmul.f32 v13, v7  }
0x481: {  	s7 =	simm.s32 $0x2D;
	s9 =	simm.s32 $0x68B8;
	s4 =	simm.s32 $0x2B;
	[tilespmem:s0+$0xFFFFFF78] =	vst v11;
	v13 =	vmul.f32 v18, v7;
	v11 =	vmul.f32 v17, v7  }
.LBB2_24:
0x482: {  	p0 =	sne.s32 s7, $0x4F;
	v15 =	vmov s22;
	[tilespmem:s0+$0xFFFFFF90] =	vst v14;
	v10 =	vmul.f32 v10, v7;
	v8 =	vmul.f32 v8, v7  }
0x483: {  	v14 =	vand.u32 $0xFFFFFFFE, v15;
	[tilespmem:s0+$0xFFFFFFA0] =	vst v12;
	v12 =	vmul.f32 v6, v7;
	v7 =	vmul.f32 v9, v7  }
0x484: {  	s0 =	sadd.s32 $0x110, s0;
	v9 =	vbroadcast v14, $0x0;
	[tilespmem:s9+$0xFFFFFFB0] =	vst v13  }
0x485: {  	v6 =	vld [tilespmem:s0+$0xFFFFFFF0];
	[tilespmem:s9+$0xFFFFFFC0] =	vst v11  }
0x486: {  	v11 =	vld [tilespmem:s0+$0xFFFFFF78];
	[tilespmem:s9+$0xFFFFFFD0] =	vst v10  }
0x487: {  	v10 =	vld [tilespmem:s0+$0xFFFFFF58];
	[tilespmem:s9+$0xFFFFFFE0] =	vst v8  }
0x488: {  	v13 =	vld [tilespmem:s0+$0xFFFFFF38];
	[tilespmem:s9+$0xFFFFFFF0] =	vst v12  }
0x489: {  	v12 =	vld [tilespmem:s0+$0xFFFFFF18];
	[tilespmem:s9+$0x0] =	vst v7;
	s9 =	smov.u32 s0  }
0x48a: {  	v9 =	vld.idx.msk [tilespmem:v9+s16+$0x0], $0xffff  }
0x48b: {  	v7 =	vld [tilespmem:s0+$0xFFFFFF08]  }
0x48c: {  	v14 =	vld [tilespmem:s0+$0xFFFFFF28]  }
0x48d: {  	v15 =	vmov s4;
	s4 =	smov.u32 s7;
	v16 =	vld [tilespmem:s0+$0xFFFFFF48]  }
0x48e: {  	v17 =	vld [tilespmem:s0+$0xFFFFFF68]  }
0x48f: {  	v8 =	vld [tilespmem:s0+$0xFFFFFFE0]  }
0x490: {  	v12 =	vmul.f32 v12, v9;
	v18 =	vmul.f32 v7, v9;
	v19 =	vld [tilespmem:s0+$0xFFFFFFC0]  }
0x491: {  	v13 =	vmul.f32 v13, v9;
	v14 =	vmul.f32 v14, v9;
	v20 =	vld [tilespmem:s0+$0xFFFFFFA0]  }
0x492: {  	v7 =	vld.idx.msk [tilespmem:v15+s16+$0x0], $0xffff;
	[tilespmem:s0+$0xFFFFFF18] =	vst v12;
	v12 =	vmul.f32 v16, v9;
	v15 =	vmul.f32 v10, v9  }
0x493: {  	v11 =	vmul.f32 v11, v9;
	[tilespmem:s0+$0xFFFFFF08] =	vst v18;
	v16 =	vmul.f32 v17, v9;
	v17 =	vld [tilespmem:s0+$0xFFFFFF90]  }
0x494: {  	[tilespmem:s0+$0xFFFFFF28] =	vst v14;
	v18 =	vld [tilespmem:s0+$0xFFFFFFB0]  }
.Ltmp11:
0x495: {  	[tilespmem:s0+$0xFFFFFF38] =	vst v13;
	v10 =	vld [tilespmem:s0+$0xFFFFFFD0];
	(pc) =	sbr.rel @p0 .LBB2_24-.Ltmp11, $4  }
0x496: {  	[tilespmem:s0+$0xFFFFFF48] =	vst v12;
	v9 =	vld [tilespmem:s0+$0x0]  }
0x497: {  	[tilespmem:s0+$0xFFFFFF58] =	vst v15  }
0x498: {  	v12 =	vmul.f32 v20, v7;
	[tilespmem:s0+$0xFFFFFF68] =	vst v16;
	v14 =	vmul.f32 v17, v7  }
0x499: {  	s7 =	sadd.s32 $0x2, s7;
	s22 =	sadd.s32 $0xFFFFFFFF, s4;
	[tilespmem:s0+$0xFFFFFF78] =	vst v11;
	v13 =	vmul.f32 v18, v7;
	v11 =	vmul.f32 v19, v7  }
0x49a: {  	[tilespmem:s0+$0xFFFFFF90] =	vst v14  }
0x49b: {  	[tilespmem:s0+$0xFFFFFFA0] =	vst v12  }
0x49c: {  	v15 =	vmov s22;
	s7 =	sadd.s32 $0x110, s0;
	v10 =	vmul.f32 v10, v7;
	[tilespmem:s9+$0xFFFFFFB0] =	vst v13  }
0x49d: {  	v8 =	vmul.f32 v8, v7;
	v52 =	vmov s4;
	v48 =	vand.u32 $0xFFFFFFFE, v15;
	v50 =	vld [tilespmem:s7+$0xFFFFFFF0];
	[tilespmem:s9+$0xFFFFFFC0] =	vst v11  }
0x49e: {  	v6 =	vmul.f32 v6, v7;
	v51 =	vld [tilespmem:s7+$0xFFFFFF58];
	v49 =	vbroadcast v48, $0x0;
	[tilespmem:s9+$0xFFFFFFD0] =	vst v10  }
0x49f: {  	v7 =	vmul.f32 v9, v7;
	v53 =	vld [tilespmem:s7+$0xFFFFFF08];
	[tilespmem:s9+$0xFFFFFFE0] =	vst v8  }
0x4a0: {  	[tilespmem:s9+$0xFFFFFFF0] =	vst v6;
	v6 =	vld [tilespmem:s7+$0xFFFFFF18]  }
0x4a1: {  	[tilespmem:s9+$0x0] =	vst v7;
	v59 =	vld [tilespmem:s7+$0xFFFFFFA0]  }
0x4a2: {  	v9 =	vld.idx.msk [tilespmem:v52+s16+$0x0], $0xffff  }
0x4a3: {  	v61 =	vld [tilespmem:s7+$0xFFFFFFD0]  }
0x4a4: {  	v7 =	vld.idx.msk [tilespmem:v49+s16+$0x0], $0xffff  }
0x4a5: {  	v54 =	vld [tilespmem:s7+$0xFFFFFF28]  }
0x4a6: {  	v55 =	vld [tilespmem:s7+$0xFFFFFF38]  }
0x4a7: {  	v56 =	vld [tilespmem:s7+$0xFFFFFF48];
	v12 =	vmul.f32 v59, v9  }
0x4a8: {  	v57 =	vld [tilespmem:s7+$0xFFFFFF68];
	v63 =	vmul.f32 v61, v9  }
0x4a9: {  	v16 =	vld [tilespmem:s7+$0xFFFFFF78];
	[tilespmem:s7+$0xFFFFFFA0] =	vst v12;
	v6 =	vmul.f32 v6, v7  }
0x4aa: {  	[tilespmem:s7+$0xFFFFFFD0] =	vst v63;
	v10 =	vmul.f32 v53, v7  }
0x4ab: {  	v11 =	vmul.f32 v54, v7;
	[tilespmem:s7+$0xFFFFFF18] =	vst v6  }
0x4ac: {  	v58 =	vld [tilespmem:s7+$0xFFFFFF90];
	v14 =	vmul.f32 v56, v7;
	[tilespmem:s7+$0xFFFFFF08] =	vst v10  }
0x4ad: {  	v60 =	vld [tilespmem:s7+$0xFFFFFFB0];
	v8 =	vmul.f32 v51, v7;
	v6 =	vmul.f32 v55, v7;
	[tilespmem:s7+$0xFFFFFF28] =	vst v11  }
0x4ae: {  	v62 =	vld [tilespmem:s7+$0xFFFFFFE0];
	v15 =	vmul.f32 v57, v7;
	[tilespmem:s7+$0xFFFFFF48] =	vst v14;
	v7 =	vmul.f32 v16, v7  }
0x4af: {  	[tilespmem:s7+$0xFFFFFF38] =	vst v6;
	v6 =	vld [tilespmem:s7+$0xFFFFFFC0]  }
0x4b0: {  	[tilespmem:s7+$0xFFFFFF78] =	vst v7;
	v7 =	vld [tilespmem:s7+$0x0]  }
0x4b1: {  	[tilespmem:s7+$0xFFFFFF58] =	vst v8;
	v10 =	vmul.f32 v58, v9  }
0x4b2: {  	[tilespmem:s7+$0xFFFFFF68] =	vst v15;
	v11 =	vmul.f32 v60, v9  }
0x4b3: {  	v8 =	vmul.f32 v62, v9;
	[tilespmem:s7+$0xFFFFFF90] =	vst v10  }
0x4b4: {  	[tilespmem:s7+$0xFFFFFFB0] =	vst v11;
	v6 =	vmul.f32 v6, v9  }
0x4b5: {  	[tilespmem:s7+$0xFFFFFFE0] =	vst v8;
	v7 =	vmul.f32 v7, v9  }
0x4b6: {  	[tilespmem:s7+$0xFFFFFFC0] =	vst v6;
	v6 =	vmul.f32 v50, v9  }
0x4b7: {  	[tilespmem:s7+$0x0] =	vst v7  }
0x4b8: {  	[tilespmem:s7+$0xFFFFFFF0] =	vst v6  }
0x4b9: {  	v6 =	vld [tilespmem:$0x51E0];
	_ =	sdelay $0x4  }
0x4ba: {  	[tilespmem:v1+s11+$0x0] =	vst.idx.msk $0xffff, v6  }
0x4bb: {  	v6 =	vld [tilespmem:$0x51F0];
	_ =	sdelay $0x4  }
0x4bc: {  	[tilespmem:v2+s11+$0x0] =	vst.idx.msk $0xffff, v6  }
0x4bd: {  	v6 =	vld [tilespmem:$0x5200];
	_ =	sdelay $0x4  }
0x4be: {  	[tilespmem:v3+s11+$0x0] =	vst.idx.msk $0xffff, v6  }
0x4bf: {  	v6 =	vld [tilespmem:$0x5210];
	_ =	sdelay $0x4  }
0x4c0: {  	[tilespmem:v4+s11+$0x0] =	vst.idx.msk $0xffff, v6  }
0x4c1: {  	v6 =	vld [tilespmem:$0x5220];
	_ =	sdelay $0x4  }
0x4c2: {  	[tilespmem:v5+s11+$0x0] =	vst.idx.msk $0xffff, v6  }
0x4c3: {  	[spmem:s2] =	stream.indirect.scatter.add.f32 [tilespmem:s11], [sflag:$0x5], $0x88, s19, s18, $0xb8;
	[tilespmem:$0x1FB80] =	vst v63  }
0x4c4: {  	_ =	swait.ge [sflag:s23], $0x2A80  }
0x4c5: {  	[sflag:s23] =	ssyncset.done $0x0  }
0x4c6: {  	[sflag:s23] =	ssyncadd.s32 $0xFFFFD580  }
0x4c7: {  	_ =	swait.ge [sflag:s12], $0x2A80  }
0x4c8: {  	[sflag:s12] =	ssyncset.done $0x0  }
0x4c9: {  	[sflag:s12] =	ssyncadd.s32 $0xFFFFD580  }
0x4ca: {  	[bflag:$0x0] =	sbarrier.arrive $0xFFFF  }
0x4cb: {  	s4 =	simm.s32 $0x9;
	s9 =	rddreg [dreg:$0xf]  }
0x4cc: {  	[tilespmem:s11], [sflag:$0x9] =	stream.linear.gather [spmem:s9], $0x2A80, $0x38;
	[tilespmem:$0x1FB80] =	vst v63  }
0x4cd: {  	_ =	swait.ge [sflag:s4], $0x2A80  }
0x4ce: {  	[sflag:s4] =	ssyncset.done $0x0  }
0x4cf: {  	s22 =	rddreg [dreg:$0x4];
	[sflag:s4] =	ssyncadd.s32 $0xFFFFD580  }
0x4d0: {  	[hbm4b:s22+s3] =	stream.linear.scatter [tilespmem:s11], [sflag:$0x3], $0x2A80, $0x38;
	[tilespmem:$0x1FB80] =	vst v63  }
0x4d1: {  	s22 =	rddreg [dreg:$0x10]  }
0x4d2: {  	[tilespmem:s31], [sflag:$0x9] =	stream.linear.gather [spmem:s22], $0x2A80, $0x38;
	[tilespmem:$0x1FB80] =	vst v63  }
0x4d3: {  	_ =	swait.ge [sflag:s4], $0x2A80  }
0x4d4: {  	[sflag:s4] =	ssyncset.done $0x0  }
0x4d5: {  	s28 =	rddreg [dreg:$0x5];
	[sflag:s4] =	ssyncadd.s32 $0xFFFFD580  }
0x4d6: {  	[hbm4b:s28+s3] =	stream.linear.scatter [tilespmem:s31], [sflag:$0x4], $0x2A80, $0x38;
	[tilespmem:$0x1FB80] =	vst v63  }
0x4d7: {  	_ =	swait.ge [sflag:s13], $0x2A80  }
0x4d8: {  	[sflag:s13] =	ssyncset.done $0x0  }
0x4d9: {  	[sflag:s13] =	ssyncadd.s32 $0xFFFFD580  }
0x4da: {  	[tilespmem:s11], [sflag:$0x9] =	stream.linear.gather [spmem:s24], $0x2A80, $0x38;
	[tilespmem:$0x1FB80] =	vst v63  }
0x4db: {  	_ =	swait.ge [sflag:s4], $0x2A80  }
0x4dc: {  	[sflag:s4] =	ssyncset.done $0x0  }
0x4dd: {  	s7 =	rddreg [dreg:$0x6];
	[sflag:s4] =	ssyncadd.s32 $0xFFFFD580  }
0x4de: {  	[hbm4b:s7+s3] =	stream.linear.scatter [tilespmem:s11], [sflag:$0x3], $0x2A80, $0x38;
	[tilespmem:$0x1FB80] =	vst v63  }
0x4df: {  	_ =	swait.ge [sflag:s14], $0x2A80  }
0x4e0: {  	[sflag:s14] =	ssyncset.done $0x0  }
0x4e1: {  	s28 =	rddreg [dreg:$0x12];
	[sflag:s14] =	ssyncadd.s32 $0xFFFFD580  }
0x4e2: {  	[tilespmem:s31], [sflag:$0x9] =	stream.linear.gather [spmem:s28], $0x2A80, $0x38;
	[tilespmem:$0x1FB80] =	vst v63  }
0x4e3: {  	_ =	swait.ge [sflag:s4], $0x2A80  }
0x4e4: {  	[sflag:s4] =	ssyncset.done $0x0  }
0x4e5: {  	s7 =	rddreg [dreg:$0x7];
	[sflag:s4] =	ssyncadd.s32 $0xFFFFD580  }
0x4e6: {  	[hbm4b:s7+s3] =	stream.linear.scatter [tilespmem:s31], [sflag:$0x4], $0x2A80, $0x38;
	[tilespmem:$0x1FB80] =	vst v63  }
0x4e7: {  	_ =	swait.ge [sflag:s13], $0x2A80  }
0x4e8: {  	[sflag:s13] =	ssyncset.done $0x0  }
0x4e9: {  	s28 =	rddreg [dreg:$0x13];
	[sflag:s13] =	ssyncadd.s32 $0xFFFFD580  }
0x4ea: {  	[tilespmem:s11], [sflag:$0x9] =	stream.linear.gather [spmem:s28], $0x2A80, $0x38;
	[tilespmem:$0x1FB80] =	vst v63  }
0x4eb: {  	_ =	swait.ge [sflag:s4], $0x2A80  }
0x4ec: {  	[sflag:s4] =	ssyncset.done $0x0  }
0x4ed: {  	s7 =	rddreg [dreg:$0x8];
	[sflag:s4] =	ssyncadd.s32 $0xFFFFD580  }
0x4ee: {  	[hbm4b:s7+s3] =	stream.linear.scatter [tilespmem:s11], [sflag:$0x3], $0x2A80, $0x38;
	[tilespmem:$0x1FB80] =	vst v63  }
0x4ef: {  	_ =	swait.ge [sflag:s14], $0x2A80  }
0x4f0: {  	[sflag:s14] =	ssyncset.done $0x0  }
0x4f1: {  	s28 =	rddreg [dreg:$0x14];
	[sflag:s14] =	ssyncadd.s32 $0xFFFFD580  }
0x4f2: {  	[tilespmem:s31], [sflag:$0x9] =	stream.linear.gather [spmem:s28], $0x2A80, $0x38;
	[tilespmem:$0x1FB80] =	vst v63  }
0x4f3: {  	_ =	swait.ge [sflag:s4], $0x2A80  }
0x4f4: {  	[sflag:s4] =	ssyncset.done $0x0  }
0x4f5: {  	s7 =	rddreg [dreg:$0x9];
	[sflag:s4] =	ssyncadd.s32 $0xFFFFD580  }
0x4f6: {  	[hbm4b:s7+s3] =	stream.linear.scatter [tilespmem:s31], [sflag:$0x4], $0x2A80, $0x38;
	[tilespmem:$0x1FB80] =	vst v63  }
0x4f7: {  	_ =	swait.ge [sflag:s13], $0x2A80  }
0x4f8: {  	[sflag:s13] =	ssyncset.done $0x0  }
0x4f9: {  	s28 =	rddreg [dreg:$0x15];
	[sflag:s13] =	ssyncadd.s32 $0xFFFFD580  }
0x4fa: {  	[tilespmem:s11], [sflag:$0x9] =	stream.linear.gather [spmem:s28], $0x2A80, $0x38;
	[tilespmem:$0x1FB80] =	vst v63  }
0x4fb: {  	_ =	swait.ge [sflag:s4], $0x2A80  }
0x4fc: {  	[sflag:s4] =	ssyncset.done $0x0  }
0x4fd: {  	s7 =	rddreg [dreg:$0xa];
	[sflag:s4] =	ssyncadd.s32 $0xFFFFD580  }
0x4fe: {  	[hbm4b:s7+s3] =	stream.linear.scatter [tilespmem:s11], [sflag:$0x3], $0x2A80, $0x38;
	[tilespmem:$0x1FB80] =	vst v63  }
0x4ff: {  	_ =	swait.ge [sflag:s14], $0x2A80  }
0x500: {  	[sflag:s14] =	ssyncset.done $0x0  }
0x501: {  	s28 =	rddreg [dreg:$0x16];
	[sflag:s14] =	ssyncadd.s32 $0xFFFFD580  }
0x502: {  	[tilespmem:s31], [sflag:$0x9] =	stream.linear.gather [spmem:s28], $0x2A80, $0x38;
	[tilespmem:$0x1FB80] =	vst v63  }
0x503: {  	_ =	swait.ge [sflag:s4], $0x2A80  }
0x504: {  	[sflag:s4] =	ssyncset.done $0x0  }
0x505: {  	[sflag:s4] =	ssyncadd.s32 $0xFFFFD580;
	s4 =	rddreg [dreg:$0xb]  }
0x506: {  	[hbm4b:s4+s3] =	stream.linear.scatter [tilespmem:s31], [sflag:$0x4], $0x2A80, $0x38;
	[tilespmem:$0x1FB80] =	vst v63  }
0x507: {  	_ =	swait.ge [sflag:s13], $0x2A80  }
0x508: {  	[sflag:s13] =	ssyncset.done $0x0  }
0x509: {  	[sflag:s13] =	ssyncadd.s32 $0xFFFFD580  }
0x50a: {  	_ =	swait.ge [sflag:s14], $0x2A80  }
0x50b: {  	s7 =	rddreg [dreg:$0x1d]  }
0x50c: {  	s28 =	rddreg [dreg:$0x17];
	s4 =	sadd.s32 $0x1, s7  }
0x50d: {  	p0 =	sne.s32 s4, s28  }
.Ltmp12:
0x50e: {  	_ = 	snop;
	(pc) =	sbr.rel @p0 .LBB2_1-.Ltmp12, $3  }
0x50f: {  	_ =	sdelay $0x1  }
0x510: {  	[sflag:s14] =	ssyncset.done $0x0  }
0x511: {  	[sflag:s14] =	ssyncadd.s32 $0xFFFFD580  }
0x512: {  	_ =	sfence.sel $0x180000  }
0x513: {  	[bflag:$0x0] =	sbarrier.arrive $0xFFFF  }
0x514: {  	_ =	strace $0x90000047  }
0x515: {  	s0 =	stileid.u32;
	[bflag:$0x2] =	sbarrier.arrive $0xFFFF  }
0x516: {  	p0 =	sne.s32 s0, $0x0;
	s0 =	rddreg [dreg:$0x3]  }
0x517: {  	s0 =	sadd.s32 @!p0 $0x100000, s0  }
0x518: {  	[sflag:s0] =	ssyncadd.tile.s32 @!p0 $0x1;
	_ =	shalt  }
.Lfunc_end2:
_tile_overlayer_lowered:
.L_overlay_start_2:
0x519: {  	(tag) =	ssettag $0x2  }
0x51a: {  	s0 =	rddreg [dreg:$0x0];
	s2 =	stileid.u32  }
0x51b: {  	s1 =	rddreg [dreg:$0x1];
	p0 =	sne.s32 s2, $0x0  }
0x51c: {  	s3 =	rddreg [dreg:$0x2];
	[bflag:$0x3] =	sbarrier.arrive $0xFFFF;
	s2 =	simm.s32 @!p0 $0x1C09  }
0x51d: {  	[timem:s3], [sflag:s2] =	dma.local @!p0 [hbm:s0], s1  }
0x51e: {  	s0 =	simm.s32 @!p0 $0x9  }
0x51f: {  	_ =	swait.ge @!p0 [sflag:s0], s1  }
0x520: {  	s1 =	ssub.s32 @!p0 $0x0, s1;
	[sflag:s0] =	ssyncset.done @!p0 $0x0  }
0x521: {  	[sflag:s0] =	ssyncadd.s32 @!p0 s1  }
0x522: {  	[bflag:$0x3] =	sbarrier.arrive $0xFFFF  }
0x523: {  	_ =	shalt  }

</sc_bundles>
